<compile_context>
chip_gen: v7x
topology: tpu7x:2x2x1
jax: 0.10.2.dev20260603
libtpu: 0.0.44.dev20260713+nightly
codegen_flags: <defaults>
</compile_context>

<pallas_src>
import functools

import jax
import jax.numpy as jnp
from jax import lax
from jax.experimental import pallas as pl
from jax.experimental.pallas import tpu as pltpu
from jax.experimental.pallas import tpu_sc as plsc

_NC = 2
_NS = 16
_NW = _NC * _NS
_L = 16

_B = 4096
_T = 200
_N = 64
_R = _B * _T
_RW = _R // _NW
_IDXW = 100
_CB = 2
_CR = _CB * _T
_IDX_ROWS = _CR // _IDXW
_CHUNKS = _RW // _CR
_GRP = _N // _L
_UNROLL = 4


def _emb_body(tok_hbm, idx_hbm, pos_hbm, out_hbm,
              idx0, idx1, rows0, rows1, pos_v,
              sidx0, sidx1, sg0, sg1, so0, so1):
    wid = lax.axis_index("s") * _NC + lax.axis_index("c")
    idx_v = (idx0, idx1)
    rows_v = (rows0, rows1)
    sidx = (sidx0, sidx1)
    sg = (sg0, sg1)
    so = (so0, so1)

    pltpu.sync_copy(pos_hbm.at[pl.ds(0, _T)], pos_v)

    def idx_slice(c):
        irow = wid * (_RW // _IDXW) + c * _IDX_ROWS
        return idx_hbm.at[pl.ds(irow, _IDX_ROWS)]

    def out_slice(c):
        bbase = (wid * _RW + c * _CR) // _T
        return out_hbm.at[pl.ds(bbase, _CB)]

    def start_idx(c, b):
        pltpu.make_async_copy(idx_slice(c), idx_v[b], sidx[b]).start()

    def wait_idx(c, b):
        pltpu.make_async_copy(idx_slice(c), idx_v[b], sidx[b]).wait()

    def start_gathers(b):
        for g in range(_IDX_ROWS):
            rep, off = divmod(g * _IDXW, _T)
            pltpu.make_async_copy(
                tok_hbm.at[idx_v[b].at[g]],
                rows_v[b].at[rep, pl.ds(off, _IDXW)],
                sg[b],
            ).start()

    def wait_gathers(b):
        for rep in range(_CB):
            pltpu.make_async_copy(
                tok_hbm.at[pl.ds(0, _T)], rows_v[b].at[rep], sg[b]
            ).wait()

    def start_out(c, b):
        pltpu.make_async_copy(rows_v[b], out_slice(c), so[b]).start()

    def wait_out(c, b):
        pltpu.make_async_copy(rows_v[b], out_slice(c), so[b]).wait()

    def add_pos(b):
        rv = rows_v[b]

        def add_body(r0, acc):
            for dr in range(_UNROLL):
                r = r0 * _UNROLL + dr
                for g in range(_GRP):
                    sl = pl.ds(g * _L, _L)
                    p = pos_v[r, sl]
                    for rep in range(_CB):
                        rv[rep, r, sl] = rv[rep, r, sl] + p
            return acc

        lax.fori_loop(0, _T // _UNROLL, add_body, 0, unroll=2)

    start_idx(0, 0)

    def pair_body(c2, acc):
        for par in range(2):
            c = c2 * 2 + par
            b = par
            o = 1 - par
            wait_idx(c, b)

            @pl.when(c >= 2)
            def _():
                wait_out(c - 2, b)

            start_gathers(b)

            @pl.when(c >= 1)
            def _():
                wait_gathers(o)

            @pl.when(c + 1 < _CHUNKS)
            def _():
                start_idx(c + 1, o)

            @pl.when(c >= 1)
            def _():
                add_pos(o)
                start_out(c - 1, o)
        return acc

    lax.fori_loop(0, _CHUNKS // 2, pair_body, 0)

    bl = (_CHUNKS - 1) % 2
    wait_gathers(bl)
    add_pos(bl)
    start_out(_CHUNKS - 1, bl)
    wait_out(_CHUNKS - 2, 1 - bl)
    wait_out(_CHUNKS - 1, bl)


@functools.partial(jax.jit, static_argnums=())
def kernel(idx, tok_emb, pos_emb):
    b, t = idx.shape
    n = tok_emb.shape[1]
    idx2d = idx.astype(jnp.int32).reshape(-1, _IDXW)
    mesh = plsc.VectorSubcoreMesh(core_axis_name="c", subcore_axis_name="s")
    emb = pl.kernel(
        _emb_body,
        out_type=jax.ShapeDtypeStruct((_B, _T, _N), jnp.float32),
        mesh=mesh,
        scratch_types=[
            pltpu.VMEM((_IDX_ROWS, _IDXW), jnp.int32),
            pltpu.VMEM((_IDX_ROWS, _IDXW), jnp.int32),
            pltpu.VMEM((_CB, _T, _N), jnp.float32),
            pltpu.VMEM((_CB, _T, _N), jnp.float32),
            pltpu.VMEM((_T, _N), jnp.float32),
            pltpu.SemaphoreType.DMA,
            pltpu.SemaphoreType.DMA,
            pltpu.SemaphoreType.DMA,
            pltpu.SemaphoreType.DMA,
            pltpu.SemaphoreType.DMA,
            pltpu.SemaphoreType.DMA,
        ],
        compiler_params=pltpu.CompilerParams(use_tc_tiling_on_sc=False),
    )
    return emb(tok_emb, idx2d, pos_emb)

# --- scband reference (transcript-rebuilt; emitter-appended) ---
"""Pipeline reference for scband-embedding-31129922961565 (READ-ONLY COPY).

The authoritative reference and input builder live on the scoring server;
editing this copy changes nothing except your own understanding.
"""

import jax, jax.numpy as jnp
import numpy as np

VOCAB_SIZE = 1000000
N_EMBD = 64
N_POSITIONS = 512
B = 4096
T = 200

def setup_inputs(seed: int = 0) -> dict:
    key = jax.random.key(seed)
    k_idx, k_tok, k_pos = jax.random.split(key, 3)
    idx = jax.random.randint(k_idx, (B, T), 0, VOCAB_SIZE, dtype=jnp.int64 if jax.config.jax_enable_x64 else jnp.int32)
    tok_emb = jax.random.normal(k_tok, (VOCAB_SIZE, N_EMBD), dtype=jnp.float32) * 0.02
    pos_emb = jax.random.normal(k_pos, (N_POSITIONS, N_EMBD), dtype=jnp.float32) * 0.02
    return {"idx": idx, "tok_emb": tok_emb, "pos_emb": pos_emb}

def reference(idx, tok_emb, pos_emb):
    b, t = idx.shape
    pos = jnp.arange(t)[None, :]  # [1, t]
    tok = jnp.take(tok_emb, idx, axis=0)          # [b, t, n_embd] gather
    posv = jnp.take(pos_emb, pos, axis=0)         # [1, t, n_embd] gather
    return tok + posv

if __name__ == "__main__":
    import jax
    _d = setup_inputs()
    print(jax.jit(kernel)(*tuple(_d.values())))

</pallas_src>

<mosaic_0001>
#map = affine_map<(d0, d1) -> (0, 0)>
#map1 = affine_map<(d0, d1) -> (0, 0, 0)>
module attributes {stable_mosaic.version = 14 : i64} {
  func.func @_emb_body(%arg0: i32, %arg1: i32, %arg2: memref<1000000x64xf32, #tpu.memory_space<hbm>>, %arg3: memref<8192x100xi32, #tpu.memory_space<hbm>>, %arg4: memref<512x64xf32, #tpu.memory_space<hbm>>, %arg5: memref<4096x200x64xf32, #tpu.memory_space<hbm>>, %arg6: memref<4x100xi32, #tpu.memory_space<vmem>>, %arg7: memref<4x100xi32, #tpu.memory_space<vmem>>, %arg8: memref<2x200x64xf32, #tpu.memory_space<vmem>>, %arg9: memref<2x200x64xf32, #tpu.memory_space<vmem>>, %arg10: memref<200x64xf32, #tpu.memory_space<vmem>>, %arg11: memref<!tpu.dma_semaphore, #tpu.memory_space<semaphore_mem>>, %arg12: memref<!tpu.dma_semaphore, #tpu.memory_space<semaphore_mem>>, %arg13: memref<!tpu.dma_semaphore, #tpu.memory_space<semaphore_mem>>, %arg14: memref<!tpu.dma_semaphore, #tpu.memory_space<semaphore_mem>>, %arg15: memref<!tpu.dma_semaphore, #tpu.memory_space<semaphore_mem>>, %arg16: memref<!tpu.dma_semaphore, #tpu.memory_space<semaphore_mem>>) attributes {dimension_semantics = [#tpu.dimension_semantics<core_parallel>, #tpu.dimension_semantics<subcore_parallel>], iteration_bounds = array<i64: 2, 16>, scalar_prefetch = 0 : i64, scratch_operands = 11 : i64, tpu.core_type = #tpu.core_type<sc_vector_subcore>, window_params = [{transform_indices = #map}, {transform_indices = #map}, {transform_indices = #map}, {transform_indices = #map1}]} {
    %mul3A = arith.constant 2 : i32
    %mul3A_0 = arith.muli %arg1, %mul3A : i32
    %add3A = arith.addi %mul3A_0, %arg0 : i32
    "tpu.region"() ({
      %run_scoped3A = tpu.sem_alloc : memref<!tpu.dma_semaphore, #tpu.memory_space<semaphore_mem>>
      %dma_start3A_142 = arith.constant 0 : i32
      %dma_start3A_143 = arith.constant 0 : i32
      %dma_start3A_144 = tpu.memref_slice %arg4[%dma_start3A_142, %dma_start3A_143] : memref<512x64xf32, #tpu.memory_space<hbm>> -> memref<200x64xf32, #tpu.memory_space<hbm>>
      %dma_start3A_145 = arith.constant 0 : i32
      %dma_start3A_146 = arith.constant 0 : i32
      %dma_start3A_147 = tpu.memref_slice %arg4[%dma_start3A_145, %dma_start3A_146] : memref<512x64xf32, #tpu.memory_space<hbm>> -> memref<200x64xf32, #tpu.memory_space<hbm>>
      tpu.enqueue_dma source(%dma_start3A_147 : memref<200x64xf32, #tpu.memory_space<hbm>>) target(%arg10 : memref<200x64xf32, #tpu.memory_space<vmem>>) target_semaphore(%run_scoped3A : memref<!tpu.dma_semaphore, #tpu.memory_space<semaphore_mem>>)
      %dma_wait3A_148 = arith.constant 0 : i32
      %dma_wait3A_149 = arith.constant 0 : i32
      %dma_wait3A_150 = tpu.memref_slice %arg4[%dma_wait3A_148, %dma_wait3A_149] : memref<512x64xf32, #tpu.memory_space<hbm>> -> memref<200x64xf32, #tpu.memory_space<hbm>>
      %dma_wait3A_151 = arith.constant 0 : i32
      %dma_wait3A_152 = arith.constant 0 : i32
      %dma_wait3A_153 = tpu.memref_slice %arg4[%dma_wait3A_151, %dma_wait3A_152] : memref<512x64xf32, #tpu.memory_space<hbm>> -> memref<200x64xf32, #tpu.memory_space<hbm>>
      tpu.wait_dma2 semaphore(%run_scoped3A : memref<!tpu.dma_semaphore, #tpu.memory_space<semaphore_mem>>) src(%dma_wait3A_153 : memref<200x64xf32, #tpu.memory_space<hbm>>) dst(%arg10 : memref<200x64xf32, #tpu.memory_space<vmem>>)
      tpu.yield
    }) : () -> ()
    %mul3A_1 = arith.constant 256 : i32
    %mul3A_2 = arith.muli %add3A, %mul3A_1 : i32
    %add3A_3 = arith.constant 0 : i32
    %add3A_4 = arith.addi %mul3A_2, %add3A_3 : i32
    %dma_start3A = arith.constant 0 : i32
    %dma_start3A_5 = tpu.memref_slice %arg3[%add3A_4, %dma_start3A] : memref<8192x100xi32, #tpu.memory_space<hbm>> -> memref<4x100xi32, #tpu.memory_space<hbm>>
    %dma_start3A_6 = arith.constant 0 : i32
    %dma_start3A_7 = tpu.memref_slice %arg3[%add3A_4, %dma_start3A_6] : memref<8192x100xi32, #tpu.memory_space<hbm>> -> memref<4x100xi32, #tpu.memory_space<hbm>>
    tpu.enqueue_dma source(%dma_start3A_7 : memref<4x100xi32, #tpu.memory_space<hbm>>) target(%arg6 : memref<4x100xi32, #tpu.memory_space<vmem>>) target_semaphore(%arg11 : memref<!tpu.dma_semaphore, #tpu.memory_space<semaphore_mem>>)
    %scan3A = arith.constant 0 : i32
    %scan3A_8 = arith.constant 0 : i32
    %scan3A_9 = arith.constant 32 : i32
    %scan3A_10 = arith.addi %scan3A_8, %scan3A_9 : i32
    %scan3A_11 = arith.constant 1 : i32
    scf.for %scan3A_142 = %scan3A_8 to %scan3A_10 step %scan3A_11  : i32 {
      %mul3A_143 = arith.constant 2 : i32
      %mul3A_144 = arith.muli %scan3A_142, %mul3A_143 : i32
      %add3A_145 = arith.constant 0 : i32
      %add3A_146 = arith.addi %mul3A_144, %add3A_145 : i32
      %mul3A_147 = arith.constant 256 : i32
      %mul3A_148 = arith.muli %add3A, %mul3A_147 : i32
      %mul3A_149 = arith.constant 4 : i32
      %mul3A_150 = arith.muli %add3A_146, %mul3A_149 : i32
      %add3A_151 = arith.addi %mul3A_148, %mul3A_150 : i32
      %dma_wait3A_152 = arith.constant 0 : i32
      %dma_wait3A_153 = tpu.memref_slice %arg3[%add3A_151, %dma_wait3A_152] : memref<8192x100xi32, #tpu.memory_space<hbm>> -> memref<4x100xi32, #tpu.memory_space<hbm>>
      %dma_wait3A_154 = arith.constant 0 : i32
      %dma_wait3A_155 = tpu.memref_slice %arg3[%add3A_151, %dma_wait3A_154] : memref<8192x100xi32, #tpu.memory_space<hbm>> -> memref<4x100xi32, #tpu.memory_space<hbm>>
      tpu.wait_dma2 semaphore(%arg11 : memref<!tpu.dma_semaphore, #tpu.memory_space<semaphore_mem>>) src(%dma_wait3A_155 : memref<4x100xi32, #tpu.memory_space<hbm>>) dst(%arg6 : memref<4x100xi32, #tpu.memory_space<vmem>>)
      %ge3A = arith.constant 2 : i32
      %ge3A_156 = arith.cmpi sge, %add3A_146, %ge3A : i32
      %convert_element_type3A = arith.extui %ge3A_156 : i1 to i32
      %cond3A = arith.constant 0 : i32
      %cond3A_157 = arith.cmpi ne, %convert_element_type3A, %cond3A : i32
      scf.if %cond3A_157 {
        %sub3A_305 = arith.constant 2 : i32
        %sub3A_306 = arith.subi %add3A_146, %sub3A_305 : i32
        %mul3A_307 = arith.constant 25600 : i32
        %mul3A_308 = arith.muli %add3A, %mul3A_307 : i32
        %mul3A_309 = arith.constant 400 : i32
        %mul3A_310 = arith.muli %sub3A_306, %mul3A_309 : i32
        %add3A_311 = arith.addi %mul3A_308, %mul3A_310 : i32
        %jit3A_312 = arith.constant 200 : i32
        %div3A_313 = arith.divsi %add3A_311, %jit3A_312 : i32
        %sign3A_314 = arith.constant 0 : i32
        %sign3A_315 = arith.cmpi sgt, %add3A_311, %sign3A_314 : i32
        %sign3A_316 = arith.extui %sign3A_315 : i1 to i32
        %sign3A_317 = arith.constant 0 : i32
        %sign3A_318 = arith.cmpi slt, %add3A_311, %sign3A_317 : i32
        %sign3A_319 = arith.extui %sign3A_318 : i1 to i32
        %sign3A_320 = arith.subi %sign3A_316, %sign3A_319 : i32
        %sign3A_321 = arith.constant 0 : i32
        %sign3A_322 = arith.cmpi sgt, %jit3A_312, %sign3A_321 : i32
        %sign3A_323 = arith.extui %sign3A_322 : i1 to i32
        %sign3A_324 = arith.constant 0 : i32
        %sign3A_325 = arith.cmpi slt, %jit3A_312, %sign3A_324 : i32
        %sign3A_326 = arith.extui %sign3A_325 : i1 to i32
        %sign3A_327 = arith.subi %sign3A_323, %sign3A_326 : i32
        %ne3A_328 = arith.cmpi ne, %sign3A_320, %sign3A_327 : i32
        %rem3A_329 = arith.remsi %add3A_311, %jit3A_312 : i32
        %ne3A_330 = arith.constant 0 : i32
        %ne3A_331 = arith.cmpi ne, %rem3A_329, %ne3A_330 : i32
        %and3A_332 = arith.andi %ne3A_328, %ne3A_331 : i1
        %sub3A_333 = arith.constant 1 : i32
        %sub3A_334 = arith.subi %div3A_313, %sub3A_333 : i32
        %select_n3A_335 = arith.select %and3A_332, %sub3A_334, %div3A_313 : i32
        %dma_wait3A_336 = arith.constant 0 : i32
        %dma_wait3A_337 = arith.constant 0 : i32
        %dma_wait3A_338 = tpu.memref_slice %arg5[%select_n3A_335, %dma_wait3A_336, %dma_wait3A_337] : memref<4096x200x64xf32, #tpu.memory_space<hbm>> -> memref<2x200x64xf32, #tpu.memory_space<hbm>>
        %dma_wait3A_339 = arith.constant 0 : i32
        %dma_wait3A_340 = arith.constant 0 : i32
        %dma_wait3A_341 = tpu.memref_slice %arg5[%select_n3A_335, %dma_wait3A_339, %dma_wait3A_340] : memref<4096x200x64xf32, #tpu.memory_space<hbm>> -> memref<2x200x64xf32, #tpu.memory_space<hbm>>
        tpu.wait_dma2 semaphore(%arg15 : memref<!tpu.dma_semaphore, #tpu.memory_space<semaphore_mem>>) src(%arg8 : memref<2x200x64xf32, #tpu.memory_space<vmem>>) dst(%dma_wait3A_341 : memref<2x200x64xf32, #tpu.memory_space<hbm>>)
      } else {
      }
      %dma_start3A_158 = arith.constant 0 : i32
      %dma_start3A_159 = arith.constant 0 : i32
      %dma_start3A_160 = arith.constant 0 : i32
      %dma_start3A_161 = arith.constant 0 : i32
      %dma_start3A_162 = tpu.memref_slice %arg8[%dma_start3A_159, %dma_start3A_160, %dma_start3A_161] : memref<2x200x64xf32, #tpu.memory_space<vmem>> -> memref<1x100x64xf32, #tpu.memory_space<vmem>>
      %dma_start3A_163 = tpu.memref_squeeze %dma_start3A_162 : memref<1x100x64xf32, #tpu.memory_space<vmem>> -> memref<100x64xf32, #tpu.memory_space<vmem>>
      %dma_start3A_164 = arith.constant 0 : i32
      %dma_start3A_165 = tpu.memref_slice %arg6[%dma_start3A_158, %dma_start3A_164] : memref<4x100xi32, #tpu.memory_space<vmem>> -> memref<1x100xi32, #tpu.memory_space<vmem>>
      %dma_start3A_166 = tpu.memref_squeeze %dma_start3A_165 : memref<1x100xi32, #tpu.memory_space<vmem>> -> memref<100xi32, #tpu.memory_space<vmem>>
      %dma_start3A_167 = arith.constant 0 : i32
      %dma_start3A_168 = arith.constant 0 : i32
      %dma_start3A_169 = tpu.memref_slice %arg2[%dma_start3A_167, %dma_start3A_168] : memref<1000000x64xf32, #tpu.memory_space<hbm>> -> memref<1000000x64xf32, #tpu.memory_space<hbm>>
      tpu.enqueue_indirect_dma source(%dma_start3A_169 : memref<1000000x64xf32, #tpu.memory_space<hbm>>) target(%dma_start3A_163 : memref<100x64xf32, #tpu.memory_space<vmem>>) offsets(%dma_start3A_166 : memref<100xi32, #tpu.memory_space<vmem>>) semaphore(%arg13 : memref<!tpu.dma_semaphore, #tpu.memory_space<semaphore_mem>>)
      %dma_start3A_170 = arith.constant 1 : i32
      %dma_start3A_171 = arith.constant 0 : i32
      %dma_start3A_172 = arith.constant 100 : i32
      %dma_start3A_173 = arith.constant 0 : i32
      %dma_start3A_174 = tpu.memref_slice %arg8[%dma_start3A_171, %dma_start3A_172, %dma_start3A_173] : memref<2x200x64xf32, #tpu.memory_space<vmem>> -> memref<1x100x64xf32, #tpu.memory_space<vmem>>
      %dma_start3A_175 = tpu.memref_squeeze %dma_start3A_174 : memref<1x100x64xf32, #tpu.memory_space<vmem>> -> memref<100x64xf32, #tpu.memory_space<vmem>>
      %dma_start3A_176 = arith.constant 0 : i32
      %dma_start3A_177 = tpu.memref_slice %arg6[%dma_start3A_170, %dma_start3A_176] : memref<4x100xi32, #tpu.memory_space<vmem>> -> memref<1x100xi32, #tpu.memory_space<vmem>>
      %dma_start3A_178 = tpu.memref_squeeze %dma_start3A_177 : memref<1x100xi32, #tpu.memory_space<vmem>> -> memref<100xi32, #tpu.memory_space<vmem>>
      %dma_start3A_179 = arith.constant 0 : i32
      %dma_start3A_180 = arith.constant 0 : i32
      %dma_start3A_181 = tpu.memref_slice %arg2[%dma_start3A_179, %dma_start3A_180] : memref<1000000x64xf32, #tpu.memory_space<hbm>> -> memref<1000000x64xf32, #tpu.memory_space<hbm>>
      tpu.enqueue_indirect_dma source(%dma_start3A_181 : memref<1000000x64xf32, #tpu.memory_space<hbm>>) target(%dma_start3A_175 : memref<100x64xf32, #tpu.memory_space<vmem>>) offsets(%dma_start3A_178 : memref<100xi32, #tpu.memory_space<vmem>>) semaphore(%arg13 : memref<!tpu.dma_semaphore, #tpu.memory_space<semaphore_mem>>)
      %dma_start3A_182 = arith.constant 2 : i32
      %dma_start3A_183 = arith.constant 1 : i32
      %dma_start3A_184 = arith.constant 0 : i32
      %dma_start3A_185 = arith.constant 0 : i32
      %dma_start3A_186 = tpu.memref_slice %arg8[%dma_start3A_183, %dma_start3A_184, %dma_start3A_185] : memref<2x200x64xf32, #tpu.memory_space<vmem>> -> memref<1x100x64xf32, #tpu.memory_space<vmem>>
      %dma_start3A_187 = tpu.memref_squeeze %dma_start3A_186 : memref<1x100x64xf32, #tpu.memory_space<vmem>> -> memref<100x64xf32, #tpu.memory_space<vmem>>
      %dma_start3A_188 = arith.constant 0 : i32
      %dma_start3A_189 = tpu.memref_slice %arg6[%dma_start3A_182, %dma_start3A_188] : memref<4x100xi32, #tpu.memory_space<vmem>> -> memref<1x100xi32, #tpu.memory_space<vmem>>
      %dma_start3A_190 = tpu.memref_squeeze %dma_start3A_189 : memref<1x100xi32, #tpu.memory_space<vmem>> -> memref<100xi32, #tpu.memory_space<vmem>>
      %dma_start3A_191 = arith.constant 0 : i32
      %dma_start3A_192 = arith.constant 0 : i32
      %dma_start3A_193 = tpu.memref_slice %arg2[%dma_start3A_191, %dma_start3A_192] : memref<1000000x64xf32, #tpu.memory_space<hbm>> -> memref<1000000x64xf32, #tpu.memory_space<hbm>>
      tpu.enqueue_indirect_dma source(%dma_start3A_193 : memref<1000000x64xf32, #tpu.memory_space<hbm>>) target(%dma_start3A_187 : memref<100x64xf32, #tpu.memory_space<vmem>>) offsets(%dma_start3A_190 : memref<100xi32, #tpu.memory_space<vmem>>) semaphore(%arg13 : memref<!tpu.dma_semaphore, #tpu.memory_space<semaphore_mem>>)
      %dma_start3A_194 = arith.constant 3 : i32
      %dma_start3A_195 = arith.constant 1 : i32
      %dma_start3A_196 = arith.constant 100 : i32
      %dma_start3A_197 = arith.constant 0 : i32
      %dma_start3A_198 = tpu.memref_slice %arg8[%dma_start3A_195, %dma_start3A_196, %dma_start3A_197] : memref<2x200x64xf32, #tpu.memory_space<vmem>> -> memref<1x100x64xf32, #tpu.memory_space<vmem>>
      %dma_start3A_199 = tpu.memref_squeeze %dma_start3A_198 : memref<1x100x64xf32, #tpu.memory_space<vmem>> -> memref<100x64xf32, #tpu.memory_space<vmem>>
      %dma_start3A_200 = arith.constant 0 : i32
      %dma_start3A_201 = tpu.memref_slice %arg6[%dma_start3A_194, %dma_start3A_200] : memref<4x100xi32, #tpu.memory_space<vmem>> -> memref<1x100xi32, #tpu.memory_space<vmem>>
      %dma_start3A_202 = tpu.memref_squeeze %dma_start3A_201 : memref<1x100xi32, #tpu.memory_space<vmem>> -> memref<100xi32, #tpu.memory_space<vmem>>
      %dma_start3A_203 = arith.constant 0 : i32
      %dma_start3A_204 = arith.constant 0 : i32
      %dma_start3A_205 = tpu.memref_slice %arg2[%dma_start3A_203, %dma_start3A_204] : memref<1000000x64xf32, #tpu.memory_space<hbm>> -> memref<1000000x64xf32, #tpu.memory_space<hbm>>
      tpu.enqueue_indirect_dma source(%dma_start3A_205 : memref<1000000x64xf32, #tpu.memory_space<hbm>>) target(%dma_start3A_199 : memref<100x64xf32, #tpu.memory_space<vmem>>) offsets(%dma_start3A_202 : memref<100xi32, #tpu.memory_space<vmem>>) semaphore(%arg13 : memref<!tpu.dma_semaphore, #tpu.memory_space<semaphore_mem>>)
      %ge3A_206 = arith.constant 1 : i32
      %ge3A_207 = arith.cmpi sge, %add3A_146, %ge3A_206 : i32
      %convert_element_type3A_208 = arith.extui %ge3A_207 : i1 to i32
      %cond3A_209 = arith.constant 0 : i32
      %cond3A_210 = arith.cmpi ne, %convert_element_type3A_208, %cond3A_209 : i32
      scf.if %cond3A_210 {
        %dma_wait3A_305 = arith.constant 0 : i32
        %dma_wait3A_306 = arith.constant 0 : i32
        %dma_wait3A_307 = arith.constant 0 : i32
        %dma_wait3A_308 = tpu.memref_slice %arg9[%dma_wait3A_305, %dma_wait3A_306, %dma_wait3A_307] : memref<2x200x64xf32, #tpu.memory_space<vmem>> -> memref<1x200x64xf32, #tpu.memory_space<vmem>>
        %dma_wait3A_309 = tpu.memref_squeeze %dma_wait3A_308 : memref<1x200x64xf32, #tpu.memory_space<vmem>> -> memref<200x64xf32, #tpu.memory_space<vmem>>
        %dma_wait3A_310 = arith.constant 0 : i32
        %dma_wait3A_311 = arith.constant 0 : i32
        %dma_wait3A_312 = tpu.memref_slice %arg2[%dma_wait3A_310, %dma_wait3A_311] : memref<1000000x64xf32, #tpu.memory_space<hbm>> -> memref<200x64xf32, #tpu.memory_space<hbm>>
        %dma_wait3A_313 = arith.constant 0 : i32
        %dma_wait3A_314 = arith.constant 0 : i32
        %dma_wait3A_315 = tpu.memref_slice %arg9[%dma_wait3A_305, %dma_wait3A_313, %dma_wait3A_314] : memref<2x200x64xf32, #tpu.memory_space<vmem>> -> memref<1x200x64xf32, #tpu.memory_space<vmem>>
        %dma_wait3A_316 = tpu.memref_squeeze %dma_wait3A_315 : memref<1x200x64xf32, #tpu.memory_space<vmem>> -> memref<200x64xf32, #tpu.memory_space<vmem>>
        %dma_wait3A_317 = arith.constant 0 : i32
        %dma_wait3A_318 = arith.constant 0 : i32
        %dma_wait3A_319 = tpu.memref_slice %arg2[%dma_wait3A_317, %dma_wait3A_318] : memref<1000000x64xf32, #tpu.memory_space<hbm>> -> memref<200x64xf32, #tpu.memory_space<hbm>>
        tpu.wait_dma2 semaphore(%arg14 : memref<!tpu.dma_semaphore, #tpu.memory_space<semaphore_mem>>) src(%dma_wait3A_319 : memref<200x64xf32, #tpu.memory_space<hbm>>) dst(%dma_wait3A_316 : memref<200x64xf32, #tpu.memory_space<vmem>>)
        %dma_wait3A_320 = arith.constant 1 : i32
        %dma_wait3A_321 = arith.constant 0 : i32
        %dma_wait3A_322 = arith.constant 0 : i32
        %dma_wait3A_323 = tpu.memref_slice %arg9[%dma_wait3A_320, %dma_wait3A_321, %dma_wait3A_322] : memref<2x200x64xf32, #tpu.memory_space<vmem>> -> memref<1x200x64xf32, #tpu.memory_space<vmem>>
        %dma_wait3A_324 = tpu.memref_squeeze %dma_wait3A_323 : memref<1x200x64xf32, #tpu.memory_space<vmem>> -> memref<200x64xf32, #tpu.memory_space<vmem>>
        %dma_wait3A_325 = arith.constant 0 : i32
        %dma_wait3A_326 = arith.constant 0 : i32
        %dma_wait3A_327 = tpu.memref_slice %arg2[%dma_wait3A_325, %dma_wait3A_326] : memref<1000000x64xf32, #tpu.memory_space<hbm>> -> memref<200x64xf32, #tpu.memory_space<hbm>>
        %dma_wait3A_328 = arith.constant 0 : i32
        %dma_wait3A_329 = arith.constant 0 : i32
        %dma_wait3A_330 = tpu.memref_slice %arg9[%dma_wait3A_320, %dma_wait3A_328, %dma_wait3A_329] : memref<2x200x64xf32, #tpu.memory_space<vmem>> -> memref<1x200x64xf32, #tpu.memory_space<vmem>>
        %dma_wait3A_331 = tpu.memref_squeeze %dma_wait3A_330 : memref<1x200x64xf32, #tpu.memory_space<vmem>> -> memref<200x64xf32, #tpu.memory_space<vmem>>
        %dma_wait3A_332 = arith.constant 0 : i32
        %dma_wait3A_333 = arith.constant 0 : i32
        %dma_wait3A_334 = tpu.memref_slice %arg2[%dma_wait3A_332, %dma_wait3A_333] : memref<1000000x64xf32, #tpu.memory_space<hbm>> -> memref<200x64xf32, #tpu.memory_space<hbm>>
        tpu.wait_dma2 semaphore(%arg14 : memref<!tpu.dma_semaphore, #tpu.memory_space<semaphore_mem>>) src(%dma_wait3A_334 : memref<200x64xf32, #tpu.memory_space<hbm>>) dst(%dma_wait3A_331 : memref<200x64xf32, #tpu.memory_space<vmem>>)
      } else {
      }
      %add3A_211 = arith.constant 1 : i32
      %add3A_212 = arith.addi %add3A_146, %add3A_211 : i32
      %lt3A = arith.constant 64 : i32
      %lt3A_213 = arith.cmpi slt, %add3A_212, %lt3A : i32
      %convert_element_type3A_214 = arith.extui %lt3A_213 : i1 to i32
      %cond3A_215 = arith.constant 0 : i32
      %cond3A_216 = arith.cmpi ne, %convert_element_type3A_214, %cond3A_215 : i32
      scf.if %cond3A_216 {
        %add3A_305 = arith.constant 1 : i32
        %add3A_306 = arith.addi %add3A_146, %add3A_305 : i32
        %mul3A_307 = arith.constant 256 : i32
        %mul3A_308 = arith.muli %add3A, %mul3A_307 : i32
        %mul3A_309 = arith.constant 4 : i32
        %mul3A_310 = arith.muli %add3A_306, %mul3A_309 : i32
        %add3A_311 = arith.addi %mul3A_308, %mul3A_310 : i32
        %dma_start3A_312 = arith.constant 0 : i32
        %dma_start3A_313 = tpu.memref_slice %arg3[%add3A_311, %dma_start3A_312] : memref<8192x100xi32, #tpu.memory_space<hbm>> -> memref<4x100xi32, #tpu.memory_space<hbm>>
        %dma_start3A_314 = arith.constant 0 : i32
        %dma_start3A_315 = tpu.memref_slice %arg3[%add3A_311, %dma_start3A_314] : memref<8192x100xi32, #tpu.memory_space<hbm>> -> memref<4x100xi32, #tpu.memory_space<hbm>>
        tpu.enqueue_dma source(%dma_start3A_315 : memref<4x100xi32, #tpu.memory_space<hbm>>) target(%arg7 : memref<4x100xi32, #tpu.memory_space<vmem>>) target_semaphore(%arg12 : memref<!tpu.dma_semaphore, #tpu.memory_space<semaphore_mem>>)
      } else {
      }
      %ge3A_217 = arith.constant 1 : i32
      %ge3A_218 = arith.cmpi sge, %add3A_146, %ge3A_217 : i32
      %convert_element_type3A_219 = arith.extui %ge3A_218 : i1 to i32
      %cond3A_220 = arith.constant 0 : i32
      %cond3A_221 = arith.cmpi ne, %convert_element_type3A_219, %cond3A_220 : i32
      scf.if %cond3A_221 {
        %scan3A_305 = arith.constant 0 : i32
        %scan3A_306 = arith.constant 0 : i32
        %scan3A_307 = arith.constant 50 : i32
        %scan3A_308 = arith.addi %scan3A_306, %scan3A_307 : i32
        %scan3A_309 = arith.constant 2 : i32
        scf.for %scan3A_348 = %scan3A_306 to %scan3A_308 step %scan3A_309  : i32 {
          %mul3A_349 = arith.constant 4 : i32
          %mul3A_350 = arith.muli %scan3A_348, %mul3A_349 : i32
          %add3A_351 = arith.constant 0 : i32
          %add3A_352 = arith.addi %mul3A_350, %add3A_351 : i32
          %get3A = arith.index_cast %add3A_352 : i32 to index
          %get3A_353 = arith.constant 0 : index
          %get3A_354 = tpu.vector_load %arg10[%get3A, %get3A_353] {strides = array<i32>} : memref<200x64xf32, #tpu.memory_space<vmem>>, vector<1x16xf32>,
          %get3A_355 = vector.shape_cast %get3A_354 : vector<1x16xf32> to vector<16xf32>
          %get3A_356 = arith.constant 0 : i32
          %get3A_357 = arith.index_cast %get3A_356 : i32 to index
          %get3A_358 = arith.index_cast %add3A_352 : i32 to index
          %get3A_359 = arith.constant 0 : index
          %get3A_360 = tpu.vector_load %arg9[%get3A_357, %get3A_358, %get3A_359] {strides = array<i32>} : memref<2x200x64xf32, #tpu.memory_space<vmem>>, vector<1x1x16xf32>,
          %get3A_361 = vector.shape_cast %get3A_360 : vector<1x1x16xf32> to vector<16xf32>
          %add3A_362 = arith.addf %get3A_361, %get3A_355 : vector<16xf32>
          %swap3A = arith.constant 0 : i32
          %swap3A_363 = arith.index_cast %swap3A : i32 to index
          %swap3A_364 = arith.index_cast %add3A_352 : i32 to index
          %swap3A_365 = arith.constant 0 : index
          %swap3A_366 = tpu.vector_load %arg9[%swap3A_363, %swap3A_364, %swap3A_365] {strides = array<i32>} : memref<2x200x64xf32, #tpu.memory_space<vmem>>, vector<1x1x16xf32>,
          %swap3A_367 = vector.shape_cast %swap3A_366 : vector<1x1x16xf32> to vector<16xf32>
          %swap3A_368 = vector.shape_cast %add3A_362 : vector<16xf32> to vector<1x1x16xf32>
          tpu.vector_store %arg9[%swap3A_363, %swap3A_364, %swap3A_365], %swap3A_368 {strides = array<i32>} : memref<2x200x64xf32, #tpu.memory_space<vmem>>, vector<1x1x16xf32>,
          %get3A_369 = arith.constant 1 : i32
          %get3A_370 = arith.index_cast %get3A_369 : i32 to index
          %get3A_371 = arith.index_cast %add3A_352 : i32 to index
          %get3A_372 = arith.constant 0 : index
          %get3A_373 = tpu.vector_load %arg9[%get3A_370, %get3A_371, %get3A_372] {strides = array<i32>} : memref<2x200x64xf32, #tpu.memory_space<vmem>>, vector<1x1x16xf32>,
          %get3A_374 = vector.shape_cast %get3A_373 : vector<1x1x16xf32> to vector<16xf32>
          %add3A_375 = arith.addf %get3A_374, %get3A_355 : vector<16xf32>
          %swap3A_376 = arith.constant 1 : i32
          %swap3A_377 = arith.index_cast %swap3A_376 : i32 to index
          %swap3A_378 = arith.index_cast %add3A_352 : i32 to index
          %swap3A_379 = arith.constant 0 : index
          %swap3A_380 = tpu.vector_load %arg9[%swap3A_377, %swap3A_378, %swap3A_379] {strides = array<i32>} : memref<2x200x64xf32, #tpu.memory_space<vmem>>, vector<1x1x16xf32>,
          %swap3A_381 = vector.shape_cast %swap3A_380 : vector<1x1x16xf32> to vector<16xf32>
          %swap3A_382 = vector.shape_cast %add3A_375 : vector<16xf32> to vector<1x1x16xf32>
          tpu.vector_store %arg9[%swap3A_377, %swap3A_378, %swap3A_379], %swap3A_382 {strides = array<i32>} : memref<2x200x64xf32, #tpu.memory_space<vmem>>, vector<1x1x16xf32>,
          %get3A_383 = arith.index_cast %add3A_352 : i32 to index
          %get3A_384 = arith.constant 16 : index
          %get3A_385 = tpu.vector_load %arg10[%get3A_383, %get3A_384] {strides = array<i32>} : memref<200x64xf32, #tpu.memory_space<vmem>>, vector<1x16xf32>,
          %get3A_386 = vector.shape_cast %get3A_385 : vector<1x16xf32> to vector<16xf32>
          %get3A_387 = arith.constant 0 : i32
          %get3A_388 = arith.index_cast %get3A_387 : i32 to index
          %get3A_389 = arith.index_cast %add3A_352 : i32 to index
          %get3A_390 = arith.constant 16 : index
          %get3A_391 = tpu.vector_load %arg9[%get3A_388, %get3A_389, %get3A_390] {strides = array<i32>} : memref<2x200x64xf32, #tpu.memory_space<vmem>>, vector<1x1x16xf32>,
          %get3A_392 = vector.shape_cast %get3A_391 : vector<1x1x16xf32> to vector<16xf32>
          %add3A_393 = arith.addf %get3A_392, %get3A_386 : vector<16xf32>
          %swap3A_394 = arith.constant 0 : i32
          %swap3A_395 = arith.index_cast %swap3A_394 : i32 to index
          %swap3A_396 = arith.index_cast %add3A_352 : i32 to index
          %swap3A_397 = arith.constant 16 : index
          %swap3A_398 = tpu.vector_load %arg9[%swap3A_395, %swap3A_396, %swap3A_397] {strides = array<i32>} : memref<2x200x64xf32, #tpu.memory_space<vmem>>, vector<1x1x16xf32>,
          %swap3A_399 = vector.shape_cast %swap3A_398 : vector<1x1x16xf32> to vector<16xf32>
          %swap3A_400 = vector.shape_cast %add3A_393 : vector<16xf32> to vector<1x1x16xf32>
          tpu.vector_store %arg9[%swap3A_395, %swap3A_396, %swap3A_397], %swap3A_400 {strides = array<i32>} : memref<2x200x64xf32, #tpu.memory_space<vmem>>, vector<1x1x16xf32>,
          %get3A_401 = arith.constant 1 : i32
          %get3A_402 = arith.index_cast %get3A_401 : i32 to index
          %get3A_403 = arith.index_cast %add3A_352 : i32 to index
          %get3A_404 = arith.constant 16 : index
          %get3A_405 = tpu.vector_load %arg9[%get3A_402, %get3A_403, %get3A_404] {strides = array<i32>} : memref<2x200x64xf32, #tpu.memory_space<vmem>>, vector<1x1x16xf32>,
          %get3A_406 = vector.shape_cast %get3A_405 : vector<1x1x16xf32> to vector<16xf32>
          %add3A_407 = arith.addf %get3A_406, %get3A_386 : vector<16xf32>
          %swap3A_408 = arith.constant 1 : i32
          %swap3A_409 = arith.index_cast %swap3A_408 : i32 to index
          %swap3A_410 = arith.index_cast %add3A_352 : i32 to index
          %swap3A_411 = arith.constant 16 : index
          %swap3A_412 = tpu.vector_load %arg9[%swap3A_409, %swap3A_410, %swap3A_411] {strides = array<i32>} : memref<2x200x64xf32, #tpu.memory_space<vmem>>, vector<1x1x16xf32>,
          %swap3A_413 = vector.shape_cast %swap3A_412 : vector<1x1x16xf32> to vector<16xf32>
          %swap3A_414 = vector.shape_cast %add3A_407 : vector<16xf32> to vector<1x1x16xf32>
          tpu.vector_store %arg9[%swap3A_409, %swap3A_410, %swap3A_411], %swap3A_414 {strides = array<i32>} : memref<2x200x64xf32, #tpu.memory_space<vmem>>, vector<1x1x16xf32>,
          %get3A_415 = arith.index_cast %add3A_352 : i32 to index
          %get3A_416 = arith.constant 32 : index
          %get3A_417 = tpu.vector_load %arg10[%get3A_415, %get3A_416] {strides = array<i32>} : memref<200x64xf32, #tpu.memory_space<vmem>>, vector<1x16xf32>,
          %get3A_418 = vector.shape_cast %get3A_417 : vector<1x16xf32> to vector<16xf32>
          %get3A_419 = arith.constant 0 : i32
          %get3A_420 = arith.index_cast %get3A_419 : i32 to index
          %get3A_421 = arith.index_cast %add3A_352 : i32 to index
          %get3A_422 = arith.constant 32 : index
          %get3A_423 = tpu.vector_load %arg9[%get3A_420, %get3A_421, %get3A_422] {strides = array<i32>} : memref<2x200x64xf32, #tpu.memory_space<vmem>>, vector<1x1x16xf32>,
          %get3A_424 = vector.shape_cast %get3A_423 : vector<1x1x16xf32> to vector<16xf32>
          %add3A_425 = arith.addf %get3A_424, %get3A_418 : vector<16xf32>
          %swap3A_426 = arith.constant 0 : i32
          %swap3A_427 = arith.index_cast %swap3A_426 : i32 to index
          %swap3A_428 = arith.index_cast %add3A_352 : i32 to index
          %swap3A_429 = arith.constant 32 : index
          %swap3A_430 = tpu.vector_load %arg9[%swap3A_427, %swap3A_428, %swap3A_429] {strides = array<i32>} : memref<2x200x64xf32, #tpu.memory_space<vmem>>, vector<1x1x16xf32>,
          %swap3A_431 = vector.shape_cast %swap3A_430 : vector<1x1x16xf32> to vector<16xf32>
          %swap3A_432 = vector.shape_cast %add3A_425 : vector<16xf32> to vector<1x1x16xf32>
          tpu.vector_store %arg9[%swap3A_427, %swap3A_428, %swap3A_429], %swap3A_432 {strides = array<i32>} : memref<2x200x64xf32, #tpu.memory_space<vmem>>, vector<1x1x16xf32>,
          %get3A_433 = arith.constant 1 : i32
          %get3A_434 = arith.index_cast %get3A_433 : i32 to index
          %get3A_435 = arith.index_cast %add3A_352 : i32 to index
          %get3A_436 = arith.constant 32 : index
          %get3A_437 = tpu.vector_load %arg9[%get3A_434, %get3A_435, %get3A_436] {strides = array<i32>} : memref<2x200x64xf32, #tpu.memory_space<vmem>>, vector<1x1x16xf32>,
          %get3A_438 = vector.shape_cast %get3A_437 : vector<1x1x16xf32> to vector<16xf32>
          %add3A_439 = arith.addf %get3A_438, %get3A_418 : vector<16xf32>
          %swap3A_440 = arith.constant 1 : i32
          %swap3A_441 = arith.index_cast %swap3A_440 : i32 to index
          %swap3A_442 = arith.index_cast %add3A_352 : i32 to index
          %swap3A_443 = arith.constant 32 : index
          %swap3A_444 = tpu.vector_load %arg9[%swap3A_441, %swap3A_442, %swap3A_443] {strides = array<i32>} : memref<2x200x64xf32, #tpu.memory_space<vmem>>, vector<1x1x16xf32>,
          %swap3A_445 = vector.shape_cast %swap3A_444 : vector<1x1x16xf32> to vector<16xf32>
          %swap3A_446 = vector.shape_cast %add3A_439 : vector<16xf32> to vector<1x1x16xf32>
          tpu.vector_store %arg9[%swap3A_441, %swap3A_442, %swap3A_443], %swap3A_446 {strides = array<i32>} : memref<2x200x64xf32, #tpu.memory_space<vmem>>, vector<1x1x16xf32>,
          %get3A_447 = arith.index_cast %add3A_352 : i32 to index
          %get3A_448 = arith.constant 48 : index
          %get3A_449 = tpu.vector_load %arg10[%get3A_447, %get3A_448] {strides = array<i32>} : memref<200x64xf32, #tpu.memory_space<vmem>>, vector<1x16xf32>,
          %get3A_450 = vector.shape_cast %get3A_449 : vector<1x16xf32> to vector<16xf32>
          %get3A_451 = arith.constant 0 : i32
          %get3A_452 = arith.index_cast %get3A_451 : i32 to index
          %get3A_453 = arith.index_cast %add3A_352 : i32 to index
          %get3A_454 = arith.constant 48 : index
          %get3A_455 = tpu.vector_load %arg9[%get3A_452, %get3A_453, %get3A_454] {strides = array<i32>} : memref<2x200x64xf32, #tpu.memory_space<vmem>>, vector<1x1x16xf32>,
          %get3A_456 = vector.shape_cast %get3A_455 : vector<1x1x16xf32> to vector<16xf32>
          %add3A_457 = arith.addf %get3A_456, %get3A_450 : vector<16xf32>
          %swap3A_458 = arith.constant 0 : i32
          %swap3A_459 = arith.index_cast %swap3A_458 : i32 to index
          %swap3A_460 = arith.index_cast %add3A_352 : i32 to index
          %swap3A_461 = arith.constant 48 : index
          %swap3A_462 = tpu.vector_load %arg9[%swap3A_459, %swap3A_460, %swap3A_461] {strides = array<i32>} : memref<2x200x64xf32, #tpu.memory_space<vmem>>, vector<1x1x16xf32>,
          %swap3A_463 = vector.shape_cast %swap3A_462 : vector<1x1x16xf32> to vector<16xf32>
          %swap3A_464 = vector.shape_cast %add3A_457 : vector<16xf32> to vector<1x1x16xf32>
          tpu.vector_store %arg9[%swap3A_459, %swap3A_460, %swap3A_461], %swap3A_464 {strides = array<i32>} : memref<2x200x64xf32, #tpu.memory_space<vmem>>, vector<1x1x16xf32>,
          %get3A_465 = arith.constant 1 : i32
          %get3A_466 = arith.index_cast %get3A_465 : i32 to index
          %get3A_467 = arith.index_cast %add3A_352 : i32 to index
          %get3A_468 = arith.constant 48 : index
          %get3A_469 = tpu.vector_load %arg9[%get3A_466, %get3A_467, %get3A_468] {strides = array<i32>} : memref<2x200x64xf32, #tpu.memory_space<vmem>>, vector<1x1x16xf32>,
          %get3A_470 = vector.shape_cast %get3A_469 : vector<1x1x16xf32> to vector<16xf32>
          %add3A_471 = arith.addf %get3A_470, %get3A_450 : vector<16xf32>
          %swap3A_472 = arith.constant 1 : i32
          %swap3A_473 = arith.index_cast %swap3A_472 : i32 to index
          %swap3A_474 = arith.index_cast %add3A_352 : i32 to index
          %swap3A_475 = arith.constant 48 : index
          %swap3A_476 = tpu.vector_load %arg9[%swap3A_473, %swap3A_474, %swap3A_475] {strides = array<i32>} : memref<2x200x64xf32, #tpu.memory_space<vmem>>, vector<1x1x16xf32>,
          %swap3A_477 = vector.shape_cast %swap3A_476 : vector<1x1x16xf32> to vector<16xf32>
          %swap3A_478 = vector.shape_cast %add3A_471 : vector<16xf32> to vector<1x1x16xf32>
          tpu.vector_store %arg9[%swap3A_473, %swap3A_474, %swap3A_475], %swap3A_478 {strides = array<i32>} : memref<2x200x64xf32, #tpu.memory_space<vmem>>, vector<1x1x16xf32>,
          %mul3A_479 = arith.constant 4 : i32
          %mul3A_480 = arith.muli %scan3A_348, %mul3A_479 : i32
          %add3A_481 = arith.constant 1 : i32
          %add3A_482 = arith.addi %mul3A_480, %add3A_481 : i32
          %get3A_483 = arith.index_cast %add3A_482 : i32 to index
          %get3A_484 = arith.constant 0 : index
          %get3A_485 = tpu.vector_load %arg10[%get3A_483, %get3A_484] {strides = array<i32>} : memref<200x64xf32, #tpu.memory_space<vmem>>, vector<1x16xf32>,
          %get3A_486 = vector.shape_cast %get3A_485 : vector<1x16xf32> to vector<16xf32>
          %get3A_487 = arith.constant 0 : i32
          %get3A_488 = arith.index_cast %get3A_487 : i32 to index
          %get3A_489 = arith.index_cast %add3A_482 : i32 to index
          %get3A_490 = arith.constant 0 : index
          %get3A_491 = tpu.vector_load %arg9[%get3A_488, %get3A_489, %get3A_490] {strides = array<i32>} : memref<2x200x64xf32, #tpu.memory_space<vmem>>, vector<1x1x16xf32>,
          %get3A_492 = vector.shape_cast %get3A_491 : vector<1x1x16xf32> to vector<16xf32>
          %add3A_493 = arith.addf %get3A_492, %get3A_486 : vector<16xf32>
          %swap3A_494 = arith.constant 0 : i32
          %swap3A_495 = arith.index_cast %swap3A_494 : i32 to index
          %swap3A_496 = arith.index_cast %add3A_482 : i32 to index
          %swap3A_497 = arith.constant 0 : index
          %swap3A_498 = tpu.vector_load %arg9[%swap3A_495, %swap3A_496, %swap3A_497] {strides = array<i32>} : memref<2x200x64xf32, #tpu.memory_space<vmem>>, vector<1x1x16xf32>,
          %swap3A_499 = vector.shape_cast %swap3A_498 : vector<1x1x16xf32> to vector<16xf32>
          %swap3A_500 = vector.shape_cast %add3A_493 : vector<16xf32> to vector<1x1x16xf32>
          tpu.vector_store %arg9[%swap3A_495, %swap3A_496, %swap3A_497], %swap3A_500 {strides = array<i32>} : memref<2x200x64xf32, #tpu.memory_space<vmem>>, vector<1x1x16xf32>,
          %get3A_501 = arith.constant 1 : i32
          %get3A_502 = arith.index_cast %get3A_501 : i32 to index
          %get3A_503 = arith.index_cast %add3A_482 : i32 to index
          %get3A_504 = arith.constant 0 : index
          %get3A_505 = tpu.vector_load %arg9[%get3A_502, %get3A_503, %get3A_504] {strides = array<i32>} : memref<2x200x64xf32, #tpu.memory_space<vmem>>, vector<1x1x16xf32>,
          %get3A_506 = vector.shape_cast %get3A_505 : vector<1x1x16xf32> to vector<16xf32>
          %add3A_507 = arith.addf %get3A_506, %get3A_486 : vector<16xf32>
          %swap3A_508 = arith.constant 1 : i32
          %swap3A_509 = arith.index_cast %swap3A_508 : i32 to index
          %swap3A_510 = arith.index_cast %add3A_482 : i32 to index
          %swap3A_511 = arith.constant 0 : index
          %swap3A_512 = tpu.vector_load %arg9[%swap3A_509, %swap3A_510, %swap3A_511] {strides = array<i32>} : memref<2x200x64xf32, #tpu.memory_space<vmem>>, vector<1x1x16xf32>,
          %swap3A_513 = vector.shape_cast %swap3A_512 : vector<1x1x16xf32> to vector<16xf32>
          %swap3A_514 = vector.shape_cast %add3A_507 : vector<16xf32> to vector<1x1x16xf32>
          tpu.vector_store %arg9[%swap3A_509, %swap3A_510, %swap3A_511], %swap3A_514 {strides = array<i32>} : memref<2x200x64xf32, #tpu.memory_space<vmem>>, vector<1x1x16xf32>,
          %get3A_515 = arith.index_cast %add3A_482 : i32 to index
          %get3A_516 = arith.constant 16 : index
          %get3A_517 = tpu.vector_load %arg10[%get3A_515, %get3A_516] {strides = array<i32>} : memref<200x64xf32, #tpu.memory_space<vmem>>, vector<1x16xf32>,
          %get3A_518 = vector.shape_cast %get3A_517 : vector<1x16xf32> to vector<16xf32>
          %get3A_519 = arith.constant 0 : i32
          %get3A_520 = arith.index_cast %get3A_519 : i32 to index
          %get3A_521 = arith.index_cast %add3A_482 : i32 to index
          %get3A_522 = arith.constant 16 : index
          %get3A_523 = tpu.vector_load %arg9[%get3A_520, %get3A_521, %get3A_522] {strides = array<i32>} : memref<2x200x64xf32, #tpu.memory_space<vmem>>, vector<1x1x16xf32>,
          %get3A_524 = vector.shape_cast %get3A_523 : vector<1x1x16xf32> to vector<16xf32>
          %add3A_525 = arith.addf %get3A_524, %get3A_518 : vector<16xf32>
          %swap3A_526 = arith.constant 0 : i32
          %swap3A_527 = arith.index_cast %swap3A_526 : i32 to index
          %swap3A_528 = arith.index_cast %add3A_482 : i32 to index
          %swap3A_529 = arith.constant 16 : index
          %swap3A_530 = tpu.vector_load %arg9[%swap3A_527, %swap3A_528, %swap3A_529] {strides = array<i32>} : memref<2x200x64xf32, #tpu.memory_space<vmem>>, vector<1x1x16xf32>,
          %swap3A_531 = vector.shape_cast %swap3A_530 : vector<1x1x16xf32> to vector<16xf32>
          %swap3A_532 = vector.shape_cast %add3A_525 : vector<16xf32> to vector<1x1x16xf32>
          tpu.vector_store %arg9[%swap3A_527, %swap3A_528, %swap3A_529], %swap3A_532 {strides = array<i32>} : memref<2x200x64xf32, #tpu.memory_space<vmem>>, vector<1x1x16xf32>,
          %get3A_533 = arith.constant 1 : i32
          %get3A_534 = arith.index_cast %get3A_533 : i32 to index
          %get3A_535 = arith.index_cast %add3A_482 : i32 to index
          %get3A_536 = arith.constant 16 : index
          %get3A_537 = tpu.vector_load %arg9[%get3A_534, %get3A_535, %get3A_536] {strides = array<i32>} : memref<2x200x64xf32, #tpu.memory_space<vmem>>, vector<1x1x16xf32>,
          %get3A_538 = vector.shape_cast %get3A_537 : vector<1x1x16xf32> to vector<16xf32>
          %add3A_539 = arith.addf %get3A_538, %get3A_518 : vector<16xf32>
          %swap3A_540 = arith.constant 1 : i32
          %swap3A_541 = arith.index_cast %swap3A_540 : i32 to index
          %swap3A_542 = arith.index_cast %add3A_482 : i32 to index
          %swap3A_543 = arith.constant 16 : index
          %swap3A_544 = tpu.vector_load %arg9[%swap3A_541, %swap3A_542, %swap3A_543] {strides = array<i32>} : memref<2x200x64xf32, #tpu.memory_space<vmem>>, vector<1x1x16xf32>,
          %swap3A_545 = vector.shape_cast %swap3A_544 : vector<1x1x16xf32> to vector<16xf32>
          %swap3A_546 = vector.shape_cast %add3A_539 : vector<16xf32> to vector<1x1x16xf32>
          tpu.vector_store %arg9[%swap3A_541, %swap3A_542, %swap3A_543], %swap3A_546 {strides = array<i32>} : memref<2x200x64xf32, #tpu.memory_space<vmem>>, vector<1x1x16xf32>,
          %get3A_547 = arith.index_cast %add3A_482 : i32 to index
          %get3A_548 = arith.constant 32 : index
          %get3A_549 = tpu.vector_load %arg10[%get3A_547, %get3A_548] {strides = array<i32>} : memref<200x64xf32, #tpu.memory_space<vmem>>, vector<1x16xf32>,
          %get3A_550 = vector.shape_cast %get3A_549 : vector<1x16xf32> to vector<16xf32>
          %get3A_551 = arith.constant 0 : i32
          %get3A_552 = arith.index_cast %get3A_551 : i32 to index
          %get3A_553 = arith.index_cast %add3A_482 : i32 to index
          %get3A_554 = arith.constant 32 : index
          %get3A_555 = tpu.vector_load %arg9[%get3A_552, %get3A_553, %get3A_554] {strides = array<i32>} : memref<2x200x64xf32, #tpu.memory_space<vmem>>, vector<1x1x16xf32>,
          %get3A_556 = vector.shape_cast %get3A_555 : vector<1x1x16xf32> to vector<16xf32>
          %add3A_557 = arith.addf %get3A_556, %get3A_550 : vector<16xf32>
          %swap3A_558 = arith.constant 0 : i32
          %swap3A_559 = arith.index_cast %swap3A_558 : i32 to index
          %swap3A_560 = arith.index_cast %add3A_482 : i32 to index
          %swap3A_561 = arith.constant 32 : index
          %swap3A_562 = tpu.vector_load %arg9[%swap3A_559, %swap3A_560, %swap3A_561] {strides = array<i32>} : memref<2x200x64xf32, #tpu.memory_space<vmem>>, vector<1x1x16xf32>,
          %swap3A_563 = vector.shape_cast %swap3A_562 : vector<1x1x16xf32> to vector<16xf32>
          %swap3A_564 = vector.shape_cast %add3A_557 : vector<16xf32> to vector<1x1x16xf32>
          tpu.vector_store %arg9[%swap3A_559, %swap3A_560, %swap3A_561], %swap3A_564 {strides = array<i32>} : memref<2x200x64xf32, #tpu.memory_space<vmem>>, vector<1x1x16xf32>,
          %get3A_565 = arith.constant 1 : i32
          %get3A_566 = arith.index_cast %get3A_565 : i32 to index
          %get3A_567 = arith.index_cast %add3A_482 : i32 to index
          %get3A_568 = arith.constant 32 : index
          %get3A_569 = tpu.vector_load %arg9[%get3A_566, %get3A_567, %get3A_568] {strides = array<i32>} : memref<2x200x64xf32, #tpu.memory_space<vmem>>, vector<1x1x16xf32>,
          %get3A_570 = vector.shape_cast %get3A_569 : vector<1x1x16xf32> to vector<16xf32>
          %add3A_571 = arith.addf %get3A_570, %get3A_550 : vector<16xf32>
          %swap3A_572 = arith.constant 1 : i32
          %swap3A_573 = arith.index_cast %swap3A_572 : i32 to index
          %swap3A_574 = arith.index_cast %add3A_482 : i32 to index
          %swap3A_575 = arith.constant 32 : index
          %swap3A_576 = tpu.vector_load %arg9[%swap3A_573, %swap3A_574, %swap3A_575] {strides = array<i32>} : memref<2x200x64xf32, #tpu.memory_space<vmem>>, vector<1x1x16xf32>,
          %swap3A_577 = vector.shape_cast %swap3A_576 : vector<1x1x16xf32> to vector<16xf32>
          %swap3A_578 = vector.shape_cast %add3A_571 : vector<16xf32> to vector<1x1x16xf32>
          tpu.vector_store %arg9[%swap3A_573, %swap3A_574, %swap3A_575], %swap3A_578 {strides = array<i32>} : memref<2x200x64xf32, #tpu.memory_space<vmem>>, vector<1x1x16xf32>,
          %get3A_579 = arith.index_cast %add3A_482 : i32 to index
          %get3A_580 = arith.constant 48 : index
          %get3A_581 = tpu.vector_load %arg10[%get3A_579, %get3A_580] {strides = array<i32>} : memref<200x64xf32, #tpu.memory_space<vmem>>, vector<1x16xf32>,
          %get3A_582 = vector.shape_cast %get3A_581 : vector<1x16xf32> to vector<16xf32>
          %get3A_583 = arith.constant 0 : i32
          %get3A_584 = arith.index_cast %get3A_583 : i32 to index
          %get3A_585 = arith.index_cast %add3A_482 : i32 to index
          %get3A_586 = arith.constant 48 : index
          %get3A_587 = tpu.vector_load %arg9[%get3A_584, %get3A_585, %get3A_586] {strides = array<i32>} : memref<2x200x64xf32, #tpu.memory_space<vmem>>, vector<1x1x16xf32>,
          %get3A_588 = vector.shape_cast %get3A_587 : vector<1x1x16xf32> to vector<16xf32>
          %add3A_589 = arith.addf %get3A_588, %get3A_582 : vector<16xf32>
          %swap3A_590 = arith.constant 0 : i32
          %swap3A_591 = arith.index_cast %swap3A_590 : i32 to index
          %swap3A_592 = arith.index_cast %add3A_482 : i32 to index
          %swap3A_593 = arith.constant 48 : index
          %swap3A_594 = tpu.vector_load %arg9[%swap3A_591, %swap3A_592, %swap3A_593] {strides = array<i32>} : memref<2x200x64xf32, #tpu.memory_space<vmem>>, vector<1x1x16xf32>,
          %swap3A_595 = vector.shape_cast %swap3A_594 : vector<1x1x16xf32> to vector<16xf32>
          %swap3A_596 = vector.shape_cast %add3A_589 : vector<16xf32> to vector<1x1x16xf32>
          tpu.vector_store %arg9[%swap3A_591, %swap3A_592, %swap3A_593], %swap3A_596 {strides = array<i32>} : memref<2x200x64xf32, #tpu.memory_space<vmem>>, vector<1x1x16xf32>,
          %get3A_597 = arith.constant 1 : i32
          %get3A_598 = arith.index_cast %get3A_597 : i32 to index
          %get3A_599 = arith.index_cast %add3A_482 : i32 to index
          %get3A_600 = arith.constant 48 : index
          %get3A_601 = tpu.vector_load %arg9[%get3A_598, %get3A_599, %get3A_600] {strides = array<i32>} : memref<2x200x64xf32, #tpu.memory_space<vmem>>, vector<1x1x16xf32>,
          %get3A_602 = vector.shape_cast %get3A_601 : vector<1x1x16xf32> to vector<16xf32>
          %add3A_603 = arith.addf %get3A_602, %get3A_582 : vector<16xf32>
          %swap3A_604 = arith.constant 1 : i32
          %swap3A_605 = arith.index_cast %swap3A_604 : i32 to index
          %swap3A_606 = arith.index_cast %add3A_482 : i32 to index
          %swap3A_607 = arith.constant 48 : index
          %swap3A_608 = tpu.vector_load %arg9[%swap3A_605, %swap3A_606, %swap3A_607] {strides = array<i32>} : memref<2x200x64xf32, #tpu.memory_space<vmem>>, vector<1x1x16xf32>,
          %swap3A_609 = vector.shape_cast %swap3A_608 : vector<1x1x16xf32> to vector<16xf32>
          %swap3A_610 = vector.shape_cast %add3A_603 : vector<16xf32> to vector<1x1x16xf32>
          tpu.vector_store %arg9[%swap3A_605, %swap3A_606, %swap3A_607], %swap3A_610 {strides = array<i32>} : memref<2x200x64xf32, #tpu.memory_space<vmem>>, vector<1x1x16xf32>,
          %mul3A_611 = arith.constant 4 : i32
          %mul3A_612 = arith.muli %scan3A_348, %mul3A_611 : i32
          %add3A_613 = arith.constant 2 : i32
          %add3A_614 = arith.addi %mul3A_612, %add3A_613 : i32
          %get3A_615 = arith.index_cast %add3A_614 : i32 to index
          %get3A_616 = arith.constant 0 : index
          %get3A_617 = tpu.vector_load %arg10[%get3A_615, %get3A_616] {strides = array<i32>} : memref<200x64xf32, #tpu.memory_space<vmem>>, vector<1x16xf32>,
          %get3A_618 = vector.shape_cast %get3A_617 : vector<1x16xf32> to vector<16xf32>
          %get3A_619 = arith.constant 0 : i32
          %get3A_620 = arith.index_cast %get3A_619 : i32 to index
          %get3A_621 = arith.index_cast %add3A_614 : i32 to index
          %get3A_622 = arith.constant 0 : index
          %get3A_623 = tpu.vector_load %arg9[%get3A_620, %get3A_621, %get3A_622] {strides = array<i32>} : memref<2x200x64xf32, #tpu.memory_space<vmem>>, vector<1x1x16xf32>,
          %get3A_624 = vector.shape_cast %get3A_623 : vector<1x1x16xf32> to vector<16xf32>
          %add3A_625 = arith.addf %get3A_624, %get3A_618 : vector<16xf32>
          %swap3A_626 = arith.constant 0 : i32
          %swap3A_627 = arith.index_cast %swap3A_626 : i32 to index
          %swap3A_628 = arith.index_cast %add3A_614 : i32 to index
          %swap3A_629 = arith.constant 0 : index
          %swap3A_630 = tpu.vector_load %arg9[%swap3A_627, %swap3A_628, %swap3A_629] {strides = array<i32>} : memref<2x200x64xf32, #tpu.memory_space<vmem>>, vector<1x1x16xf32>,
          %swap3A_631 = vector.shape_cast %swap3A_630 : vector<1x1x16xf32> to vector<16xf32>
          %swap3A_632 = vector.shape_cast %add3A_625 : vector<16xf32> to vector<1x1x16xf32>
          tpu.vector_store %arg9[%swap3A_627, %swap3A_628, %swap3A_629], %swap3A_632 {strides = array<i32>} : memref<2x200x64xf32, #tpu.memory_space<vmem>>, vector<1x1x16xf32>,
          %get3A_633 = arith.constant 1 : i32
          %get3A_634 = arith.index_cast %get3A_633 : i32 to index
          %get3A_635 = arith.index_cast %add3A_614 : i32 to index
          %get3A_636 = arith.constant 0 : index
          %get3A_637 = tpu.vector_load %arg9[%get3A_634, %get3A_635, %get3A_636] {strides = array<i32>} : memref<2x200x64xf32, #tpu.memory_space<vmem>>, vector<1x1x16xf32>,
          %get3A_638 = vector.shape_cast %get3A_637 : vector<1x1x16xf32> to vector<16xf32>
          %add3A_639 = arith.addf %get3A_638, %get3A_618 : vector<16xf32>
          %swap3A_640 = arith.constant 1 : i32
          %swap3A_641 = arith.index_cast %swap3A_640 : i32 to index
          %swap3A_642 = arith.index_cast %add3A_614 : i32 to index
          %swap3A_643 = arith.constant 0 : index
          %swap3A_644 = tpu.vector_load %arg9[%swap3A_641, %swap3A_642, %swap3A_643] {strides = array<i32>} : memref<2x200x64xf32, #tpu.memory_space<vmem>>, vector<1x1x16xf32>,
          %swap3A_645 = vector.shape_cast %swap3A_644 : vector<1x1x16xf32> to vector<16xf32>
          %swap3A_646 = vector.shape_cast %add3A_639 : vector<16xf32> to vector<1x1x16xf32>
          tpu.vector_store %arg9[%swap3A_641, %swap3A_642, %swap3A_643], %swap3A_646 {strides = array<i32>} : memref<2x200x64xf32, #tpu.memory_space<vmem>>, vector<1x1x16xf32>,
          %get3A_647 = arith.index_cast %add3A_614 : i32 to index
          %get3A_648 = arith.constant 16 : index
          %get3A_649 = tpu.vector_load %arg10[%get3A_647, %get3A_648] {strides = array<i32>} : memref<200x64xf32, #tpu.memory_space<vmem>>, vector<1x16xf32>,
          %get3A_650 = vector.shape_cast %get3A_649 : vector<1x16xf32> to vector<16xf32>
          %get3A_651 = arith.constant 0 : i32
          %get3A_652 = arith.index_cast %get3A_651 : i32 to index
          %get3A_653 = arith.index_cast %add3A_614 : i32 to index
          %get3A_654 = arith.constant 16 : index
          %get3A_655 = tpu.vector_load %arg9[%get3A_652, %get3A_653, %get3A_654] {strides = array<i32>} : memref<2x200x64xf32, #tpu.memory_space<vmem>>, vector<1x1x16xf32>,
          %get3A_656 = vector.shape_cast %get3A_655 : vector<1x1x16xf32> to vector<16xf32>
          %add3A_657 = arith.addf %get3A_656, %get3A_650 : vector<16xf32>
          %swap3A_658 = arith.constant 0 : i32
          %swap3A_659 = arith.index_cast %swap3A_658 : i32 to index
          %swap3A_660 = arith.index_cast %add3A_614 : i32 to index
          %swap3A_661 = arith.constant 16 : index
          %swap3A_662 = tpu.vector_load %arg9[%swap3A_659, %swap3A_660, %swap3A_661] {strides = array<i32>} : memref<2x200x64xf32, #tpu.memory_space<vmem>>, vector<1x1x16xf32>,
          %swap3A_663 = vector.shape_cast %swap3A_662 : vector<1x1x16xf32> to vector<16xf32>
          %swap3A_664 = vector.shape_cast %add3A_657 : vector<16xf32> to vector<1x1x16xf32>
          tpu.vector_store %arg9[%swap3A_659, %swap3A_660, %swap3A_661], %swap3A_664 {strides = array<i32>} : memref<2x200x64xf32, #tpu.memory_space<vmem>>, vector<1x1x16xf32>,
          %get3A_665 = arith.constant 1 : i32
          %get3A_666 = arith.index_cast %get3A_665 : i32 to index
          %get3A_667 = arith.index_cast %add3A_614 : i32 to index
          %get3A_668 = arith.constant 16 : index
          %get3A_669 = tpu.vector_load %arg9[%get3A_666, %get3A_667, %get3A_668] {strides = array<i32>} : memref<2x200x64xf32, #tpu.memory_space<vmem>>, vector<1x1x16xf32>,
          %get3A_670 = vector.shape_cast %get3A_669 : vector<1x1x16xf32> to vector<16xf32>
          %add3A_671 = arith.addf %get3A_670, %get3A_650 : vector<16xf32>
          %swap3A_672 = arith.constant 1 : i32
          %swap3A_673 = arith.index_cast %swap3A_672 : i32 to index
          %swap3A_674 = arith.index_cast %add3A_614 : i32 to index
          %swap3A_675 = arith.constant 16 : index
          %swap3A_676 = tpu.vector_load %arg9[%swap3A_673, %swap3A_674, %swap3A_675] {strides = array<i32>} : memref<2x200x64xf32, #tpu.memory_space<vmem>>, vector<1x1x16xf32>,
          %swap3A_677 = vector.shape_cast %swap3A_676 : vector<1x1x16xf32> to vector<16xf32>
          %swap3A_678 = vector.shape_cast %add3A_671 : vector<16xf32> to vector<1x1x16xf32>
          tpu.vector_store %arg9[%swap3A_673, %swap3A_674, %swap3A_675], %swap3A_678 {strides = array<i32>} : memref<2x200x64xf32, #tpu.memory_space<vmem>>, vector<1x1x16xf32>,
          %get3A_679 = arith.index_cast %add3A_614 : i32 to index
          %get3A_680 = arith.constant 32 : index
          %get3A_681 = tpu.vector_load %arg10[%get3A_679, %get3A_680] {strides = array<i32>} : memref<200x64xf32, #tpu.memory_space<vmem>>, vector<1x16xf32>,
          %get3A_682 = vector.shape_cast %get3A_681 : vector<1x16xf32> to vector<16xf32>
          %get3A_683 = arith.constant 0 : i32
          %get3A_684 = arith.index_cast %get3A_683 : i32 to index
          %get3A_685 = arith.index_cast %add3A_614 : i32 to index
          %get3A_686 = arith.constant 32 : index
          %get3A_687 = tpu.vector_load %arg9[%get3A_684, %get3A_685, %get3A_686] {strides = array<i32>} : memref<2x200x64xf32, #tpu.memory_space<vmem>>, vector<1x1x16xf32>,
          %get3A_688 = vector.shape_cast %get3A_687 : vector<1x1x16xf32> to vector<16xf32>
          %add3A_689 = arith.addf %get3A_688, %get3A_682 : vector<16xf32>
          %swap3A_690 = arith.constant 0 : i32
          %swap3A_691 = arith.index_cast %swap3A_690 : i32 to index
          %swap3A_692 = arith.index_cast %add3A_614 : i32 to index
          %swap3A_693 = arith.constant 32 : index
          %swap3A_694 = tpu.vector_load %arg9[%swap3A_691, %swap3A_692, %swap3A_693] {strides = array<i32>} : memref<2x200x64xf32, #tpu.memory_space<vmem>>, vector<1x1x16xf32>,
          %swap3A_695 = vector.shape_cast %swap3A_694 : vector<1x1x16xf32> to vector<16xf32>
          %swap3A_696 = vector.shape_cast %add3A_689 : vector<16xf32> to vector<1x1x16xf32>
          tpu.vector_store %arg9[%swap3A_691, %swap3A_692, %swap3A_693], %swap3A_696 {strides = array<i32>} : memref<2x200x64xf32, #tpu.memory_space<vmem>>, vector<1x1x16xf32>,
          %get3A_697 = arith.constant 1 : i32
          %get3A_698 = arith.index_cast %get3A_697 : i32 to index
          %get3A_699 = arith.index_cast %add3A_614 : i32 to index
          %get3A_700 = arith.constant 32 : index
          %get3A_701 = tpu.vector_load %arg9[%get3A_698, %get3A_699, %get3A_700] {strides = array<i32>} : memref<2x200x64xf32, #tpu.memory_space<vmem>>, vector<1x1x16xf32>,
          %get3A_702 = vector.shape_cast %get3A_701 : vector<1x1x16xf32> to vector<16xf32>
          %add3A_703 = arith.addf %get3A_702, %get3A_682 : vector<16xf32>
          %swap3A_704 = arith.constant 1 : i32
          %swap3A_705 = arith.index_cast %swap3A_704 : i32 to index
          %swap3A_706 = arith.index_cast %add3A_614 : i32 to index
          %swap3A_707 = arith.constant 32 : index
          %swap3A_708 = tpu.vector_load %arg9[%swap3A_705, %swap3A_706, %swap3A_707] {strides = array<i32>} : memref<2x200x64xf32, #tpu.memory_space<vmem>>, vector<1x1x16xf32>,
          %swap3A_709 = vector.shape_cast %swap3A_708 : vector<1x1x16xf32> to vector<16xf32>
          %swap3A_710 = vector.shape_cast %add3A_703 : vector<16xf32> to vector<1x1x16xf32>
          tpu.vector_store %arg9[%swap3A_705, %swap3A_706, %swap3A_707], %swap3A_710 {strides = array<i32>} : memref<2x200x64xf32, #tpu.memory_space<vmem>>, vector<1x1x16xf32>,
          %get3A_711 = arith.index_cast %add3A_614 : i32 to index
          %get3A_712 = arith.constant 48 : index
          %get3A_713 = tpu.vector_load %arg10[%get3A_711, %get3A_712] {strides = array<i32>} : memref<200x64xf32, #tpu.memory_space<vmem>>, vector<1x16xf32>,
          %get3A_714 = vector.shape_cast %get3A_713 : vector<1x16xf32> to vector<16xf32>
          %get3A_715 = arith.constant 0 : i32
          %get3A_716 = arith.index_cast %get3A_715 : i32 to index
          %get3A_717 = arith.index_cast %add3A_614 : i32 to index
          %get3A_718 = arith.constant 48 : index
          %get3A_719 = tpu.vector_load %arg9[%get3A_716, %get3A_717, %get3A_718] {strides = array<i32>} : memref<2x200x64xf32, #tpu.memory_space<vmem>>, vector<1x1x16xf32>,
          %get3A_720 = vector.shape_cast %get3A_719 : vector<1x1x16xf32> to vector<16xf32>
          %add3A_721 = arith.addf %get3A_720, %get3A_714 : vector<16xf32>
          %swap3A_722 = arith.constant 0 : i32
          %swap3A_723 = arith.index_cast %swap3A_722 : i32 to index
          %swap3A_724 = arith.index_cast %add3A_614 : i32 to index
          %swap3A_725 = arith.constant 48 : index
          %swap3A_726 = tpu.vector_load %arg9[%swap3A_723, %swap3A_724, %swap3A_725] {strides = array<i32>} : memref<2x200x64xf32, #tpu.memory_space<vmem>>, vector<1x1x16xf32>,
          %swap3A_727 = vector.shape_cast %swap3A_726 : vector<1x1x16xf32> to vector<16xf32>
          %swap3A_728 = vector.shape_cast %add3A_721 : vector<16xf32> to vector<1x1x16xf32>
          tpu.vector_store %arg9[%swap3A_723, %swap3A_724, %swap3A_725], %swap3A_728 {strides = array<i32>} : memref<2x200x64xf32, #tpu.memory_space<vmem>>, vector<1x1x16xf32>,
          %get3A_729 = arith.constant 1 : i32
          %get3A_730 = arith.index_cast %get3A_729 : i32 to index
          %get3A_731 = arith.index_cast %add3A_614 : i32 to index
          %get3A_732 = arith.constant 48 : index
          %get3A_733 = tpu.vector_load %arg9[%get3A_730, %get3A_731, %get3A_732] {strides = array<i32>} : memref<2x200x64xf32, #tpu.memory_space<vmem>>, vector<1x1x16xf32>,
          %get3A_734 = vector.shape_cast %get3A_733 : vector<1x1x16xf32> to vector<16xf32>
          %add3A_735 = arith.addf %get3A_734, %get3A_714 : vector<16xf32>
          %swap3A_736 = arith.constant 1 : i32
          %swap3A_737 = arith.index_cast %swap3A_736 : i32 to index
          %swap3A_738 = arith.index_cast %add3A_614 : i32 to index
          %swap3A_739 = arith.constant 48 : index
          %swap3A_740 = tpu.vector_load %arg9[%swap3A_737, %swap3A_738, %swap3A_739] {strides = array<i32>} : memref<2x200x64xf32, #tpu.memory_space<vmem>>, vector<1x1x16xf32>,
          %swap3A_741 = vector.shape_cast %swap3A_740 : vector<1x1x16xf32> to vector<16xf32>
          %swap3A_742 = vector.shape_cast %add3A_735 : vector<16xf32> to vector<1x1x16xf32>
          tpu.vector_store %arg9[%swap3A_737, %swap3A_738, %swap3A_739], %swap3A_742 {strides = array<i32>} : memref<2x200x64xf32, #tpu.memory_space<vmem>>, vector<1x1x16xf32>,
          %mul3A_743 = arith.constant 4 : i32
          %mul3A_744 = arith.muli %scan3A_348, %mul3A_743 : i32
          %add3A_745 = arith.constant 3 : i32
          %add3A_746 = arith.addi %mul3A_744, %add3A_745 : i32
          %get3A_747 = arith.index_cast %add3A_746 : i32 to index
          %get3A_748 = arith.constant 0 : index
          %get3A_749 = tpu.vector_load %arg10[%get3A_747, %get3A_748] {strides = array<i32>} : memref<200x64xf32, #tpu.memory_space<vmem>>, vector<1x16xf32>,
          %get3A_750 = vector.shape_cast %get3A_749 : vector<1x16xf32> to vector<16xf32>
          %get3A_751 = arith.constant 0 : i32
          %get3A_752 = arith.index_cast %get3A_751 : i32 to index
          %get3A_753 = arith.index_cast %add3A_746 : i32 to index
          %get3A_754 = arith.constant 0 : index
          %get3A_755 = tpu.vector_load %arg9[%get3A_752, %get3A_753, %get3A_754] {strides = array<i32>} : memref<2x200x64xf32, #tpu.memory_space<vmem>>, vector<1x1x16xf32>,
          %get3A_756 = vector.shape_cast %get3A_755 : vector<1x1x16xf32> to vector<16xf32>
          %add3A_757 = arith.addf %get3A_756, %get3A_750 : vector<16xf32>
          %swap3A_758 = arith.constant 0 : i32
          %swap3A_759 = arith.index_cast %swap3A_758 : i32 to index
          %swap3A_760 = arith.index_cast %add3A_746 : i32 to index
          %swap3A_761 = arith.constant 0 : index
          %swap3A_762 = tpu.vector_load %arg9[%swap3A_759, %swap3A_760, %swap3A_761] {strides = array<i32>} : memref<2x200x64xf32, #tpu.memory_space<vmem>>, vector<1x1x16xf32>,
          %swap3A_763 = vector.shape_cast %swap3A_762 : vector<1x1x16xf32> to vector<16xf32>
          %swap3A_764 = vector.shape_cast %add3A_757 : vector<16xf32> to vector<1x1x16xf32>
          tpu.vector_store %arg9[%swap3A_759, %swap3A_760, %swap3A_761], %swap3A_764 {strides = array<i32>} : memref<2x200x64xf32, #tpu.memory_space<vmem>>, vector<1x1x16xf32>,
          %get3A_765 = arith.constant 1 : i32
          %get3A_766 = arith.index_cast %get3A_765 : i32 to index
          %get3A_767 = arith.index_cast %add3A_746 : i32 to index
          %get3A_768 = arith.constant 0 : index
          %get3A_769 = tpu.vector_load %arg9[%get3A_766, %get3A_767, %get3A_768] {strides = array<i32>} : memref<2x200x64xf32, #tpu.memory_space<vmem>>, vector<1x1x16xf32>,
          %get3A_770 = vector.shape_cast %get3A_769 : vector<1x1x16xf32> to vector<16xf32>
          %add3A_771 = arith.addf %get3A_770, %get3A_750 : vector<16xf32>
          %swap3A_772 = arith.constant 1 : i32
          %swap3A_773 = arith.index_cast %swap3A_772 : i32 to index
          %swap3A_774 = arith.index_cast %add3A_746 : i32 to index
          %swap3A_775 = arith.constant 0 : index
          %swap3A_776 = tpu.vector_load %arg9[%swap3A_773, %swap3A_774, %swap3A_775] {strides = array<i32>} : memref<2x200x64xf32, #tpu.memory_space<vmem>>, vector<1x1x16xf32>,
          %swap3A_777 = vector.shape_cast %swap3A_776 : vector<1x1x16xf32> to vector<16xf32>
          %swap3A_778 = vector.shape_cast %add3A_771 : vector<16xf32> to vector<1x1x16xf32>
          tpu.vector_store %arg9[%swap3A_773, %swap3A_774, %swap3A_775], %swap3A_778 {strides = array<i32>} : memref<2x200x64xf32, #tpu.memory_space<vmem>>, vector<1x1x16xf32>,
          %get3A_779 = arith.index_cast %add3A_746 : i32 to index
          %get3A_780 = arith.constant 16 : index
          %get3A_781 = tpu.vector_load %arg10[%get3A_779, %get3A_780] {strides = array<i32>} : memref<200x64xf32, #tpu.memory_space<vmem>>, vector<1x16xf32>,
          %get3A_782 = vector.shape_cast %get3A_781 : vector<1x16xf32> to vector<16xf32>
          %get3A_783 = arith.constant 0 : i32
          %get3A_784 = arith.index_cast %get3A_783 : i32 to index
          %get3A_785 = arith.index_cast %add3A_746 : i32 to index
          %get3A_786 = arith.constant 16 : index
          %get3A_787 = tpu.vector_load %arg9[%get3A_784, %get3A_785, %get3A_786] {strides = array<i32>} : memref<2x200x64xf32, #tpu.memory_space<vmem>>, vector<1x1x16xf32>,
          %get3A_788 = vector.shape_cast %get3A_787 : vector<1x1x16xf32> to vector<16xf32>
          %add3A_789 = arith.addf %get3A_788, %get3A_782 : vector<16xf32>
          %swap3A_790 = arith.constant 0 : i32
          %swap3A_791 = arith.index_cast %swap3A_790 : i32 to index
          %swap3A_792 = arith.index_cast %add3A_746 : i32 to index
          %swap3A_793 = arith.constant 16 : index
          %swap3A_794 = tpu.vector_load %arg9[%swap3A_791, %swap3A_792, %swap3A_793] {strides = array<i32>} : memref<2x200x64xf32, #tpu.memory_space<vmem>>, vector<1x1x16xf32>,
          %swap3A_795 = vector.shape_cast %swap3A_794 : vector<1x1x16xf32> to vector<16xf32>
          %swap3A_796 = vector.shape_cast %add3A_789 : vector<16xf32> to vector<1x1x16xf32>
          tpu.vector_store %arg9[%swap3A_791, %swap3A_792, %swap3A_793], %swap3A_796 {strides = array<i32>} : memref<2x200x64xf32, #tpu.memory_space<vmem>>, vector<1x1x16xf32>,
          %get3A_797 = arith.constant 1 : i32
          %get3A_798 = arith.index_cast %get3A_797 : i32 to index
          %get3A_799 = arith.index_cast %add3A_746 : i32 to index
          %get3A_800 = arith.constant 16 : index
          %get3A_801 = tpu.vector_load %arg9[%get3A_798, %get3A_799, %get3A_800] {strides = array<i32>} : memref<2x200x64xf32, #tpu.memory_space<vmem>>, vector<1x1x16xf32>,
          %get3A_802 = vector.shape_cast %get3A_801 : vector<1x1x16xf32> to vector<16xf32>
          %add3A_803 = arith.addf %get3A_802, %get3A_782 : vector<16xf32>
          %swap3A_804 = arith.constant 1 : i32
          %swap3A_805 = arith.index_cast %swap3A_804 : i32 to index
          %swap3A_806 = arith.index_cast %add3A_746 : i32 to index
          %swap3A_807 = arith.constant 16 : index
          %swap3A_808 = tpu.vector_load %arg9[%swap3A_805, %swap3A_806, %swap3A_807] {strides = array<i32>} : memref<2x200x64xf32, #tpu.memory_space<vmem>>, vector<1x1x16xf32>,
          %swap3A_809 = vector.shape_cast %swap3A_808 : vector<1x1x16xf32> to vector<16xf32>
          %swap3A_810 = vector.shape_cast %add3A_803 : vector<16xf32> to vector<1x1x16xf32>
          tpu.vector_store %arg9[%swap3A_805, %swap3A_806, %swap3A_807], %swap3A_810 {strides = array<i32>} : memref<2x200x64xf32, #tpu.memory_space<vmem>>, vector<1x1x16xf32>,
          %get3A_811 = arith.index_cast %add3A_746 : i32 to index
          %get3A_812 = arith.constant 32 : index
          %get3A_813 = tpu.vector_load %arg10[%get3A_811, %get3A_812] {strides = array<i32>} : memref<200x64xf32, #tpu.memory_space<vmem>>, vector<1x16xf32>,
          %get3A_814 = vector.shape_cast %get3A_813 : vector<1x16xf32> to vector<16xf32>
          %get3A_815 = arith.constant 0 : i32
          %get3A_816 = arith.index_cast %get3A_815 : i32 to index
          %get3A_817 = arith.index_cast %add3A_746 : i32 to index
          %get3A_818 = arith.constant 32 : index
          %get3A_819 = tpu.vector_load %arg9[%get3A_816, %get3A_817, %get3A_818] {strides = array<i32>} : memref<2x200x64xf32, #tpu.memory_space<vmem>>, vector<1x1x16xf32>,
          %get3A_820 = vector.shape_cast %get3A_819 : vector<1x1x16xf32> to vector<16xf32>
          %add3A_821 = arith.addf %get3A_820, %get3A_814 : vector<16xf32>
          %swap3A_822 = arith.constant 0 : i32
          %swap3A_823 = arith.index_cast %swap3A_822 : i32 to index
          %swap3A_824 = arith.index_cast %add3A_746 : i32 to index
          %swap3A_825 = arith.constant 32 : index
          %swap3A_826 = tpu.vector_load %arg9[%swap3A_823, %swap3A_824, %swap3A_825] {strides = array<i32>} : memref<2x200x64xf32, #tpu.memory_space<vmem>>, vector<1x1x16xf32>,
          %swap3A_827 = vector.shape_cast %swap3A_826 : vector<1x1x16xf32> to vector<16xf32>
          %swap3A_828 = vector.shape_cast %add3A_821 : vector<16xf32> to vector<1x1x16xf32>
          tpu.vector_store %arg9[%swap3A_823, %swap3A_824, %swap3A_825], %swap3A_828 {strides = array<i32>} : memref<2x200x64xf32, #tpu.memory_space<vmem>>, vector<1x1x16xf32>,
          %get3A_829 = arith.constant 1 : i32
          %get3A_830 = arith.index_cast %get3A_829 : i32 to index
          %get3A_831 = arith.index_cast %add3A_746 : i32 to index
          %get3A_832 = arith.constant 32 : index
          %get3A_833 = tpu.vector_load %arg9[%get3A_830, %get3A_831, %get3A_832] {strides = array<i32>} : memref<2x200x64xf32, #tpu.memory_space<vmem>>, vector<1x1x16xf32>,
          %get3A_834 = vector.shape_cast %get3A_833 : vector<1x1x16xf32> to vector<16xf32>
          %add3A_835 = arith.addf %get3A_834, %get3A_814 : vector<16xf32>
          %swap3A_836 = arith.constant 1 : i32
          %swap3A_837 = arith.index_cast %swap3A_836 : i32 to index
          %swap3A_838 = arith.index_cast %add3A_746 : i32 to index
          %swap3A_839 = arith.constant 32 : index
          %swap3A_840 = tpu.vector_load %arg9[%swap3A_837, %swap3A_838, %swap3A_839] {strides = array<i32>} : memref<2x200x64xf32, #tpu.memory_space<vmem>>, vector<1x1x16xf32>,
          %swap3A_841 = vector.shape_cast %swap3A_840 : vector<1x1x16xf32> to vector<16xf32>
          %swap3A_842 = vector.shape_cast %add3A_835 : vector<16xf32> to vector<1x1x16xf32>
          tpu.vector_store %arg9[%swap3A_837, %swap3A_838, %swap3A_839], %swap3A_842 {strides = array<i32>} : memref<2x200x64xf32, #tpu.memory_space<vmem>>, vector<1x1x16xf32>,
          %get3A_843 = arith.index_cast %add3A_746 : i32 to index
          %get3A_844 = arith.constant 48 : index
          %get3A_845 = tpu.vector_load %arg10[%get3A_843, %get3A_844] {strides = array<i32>} : memref<200x64xf32, #tpu.memory_space<vmem>>, vector<1x16xf32>,
          %get3A_846 = vector.shape_cast %get3A_845 : vector<1x16xf32> to vector<16xf32>
          %get3A_847 = arith.constant 0 : i32
          %get3A_848 = arith.index_cast %get3A_847 : i32 to index
          %get3A_849 = arith.index_cast %add3A_746 : i32 to index
          %get3A_850 = arith.constant 48 : index
          %get3A_851 = tpu.vector_load %arg9[%get3A_848, %get3A_849, %get3A_850] {strides = array<i32>} : memref<2x200x64xf32, #tpu.memory_space<vmem>>, vector<1x1x16xf32>,
          %get3A_852 = vector.shape_cast %get3A_851 : vector<1x1x16xf32> to vector<16xf32>
          %add3A_853 = arith.addf %get3A_852, %get3A_846 : vector<16xf32>
          %swap3A_854 = arith.constant 0 : i32
          %swap3A_855 = arith.index_cast %swap3A_854 : i32 to index
          %swap3A_856 = arith.index_cast %add3A_746 : i32 to index
          %swap3A_857 = arith.constant 48 : index
          %swap3A_858 = tpu.vector_load %arg9[%swap3A_855, %swap3A_856, %swap3A_857] {strides = array<i32>} : memref<2x200x64xf32, #tpu.memory_space<vmem>>, vector<1x1x16xf32>,
          %swap3A_859 = vector.shape_cast %swap3A_858 : vector<1x1x16xf32> to vector<16xf32>
          %swap3A_860 = vector.shape_cast %add3A_853 : vector<16xf32> to vector<1x1x16xf32>
          tpu.vector_store %arg9[%swap3A_855, %swap3A_856, %swap3A_857], %swap3A_860 {strides = array<i32>} : memref<2x200x64xf32, #tpu.memory_space<vmem>>, vector<1x1x16xf32>,
          %get3A_861 = arith.constant 1 : i32
          %get3A_862 = arith.index_cast %get3A_861 : i32 to index
          %get3A_863 = arith.index_cast %add3A_746 : i32 to index
          %get3A_864 = arith.constant 48 : index
          %get3A_865 = tpu.vector_load %arg9[%get3A_862, %get3A_863, %get3A_864] {strides = array<i32>} : memref<2x200x64xf32, #tpu.memory_space<vmem>>, vector<1x1x16xf32>,
          %get3A_866 = vector.shape_cast %get3A_865 : vector<1x1x16xf32> to vector<16xf32>
          %add3A_867 = arith.addf %get3A_866, %get3A_846 : vector<16xf32>
          %swap3A_868 = arith.constant 1 : i32
          %swap3A_869 = arith.index_cast %swap3A_868 : i32 to index
          %swap3A_870 = arith.index_cast %add3A_746 : i32 to index
          %swap3A_871 = arith.constant 48 : index
          %swap3A_872 = tpu.vector_load %arg9[%swap3A_869, %swap3A_870, %swap3A_871] {strides = array<i32>} : memref<2x200x64xf32, #tpu.memory_space<vmem>>, vector<1x1x16xf32>,
          %swap3A_873 = vector.shape_cast %swap3A_872 : vector<1x1x16xf32> to vector<16xf32>
          %swap3A_874 = vector.shape_cast %add3A_867 : vector<16xf32> to vector<1x1x16xf32>
          tpu.vector_store %arg9[%swap3A_869, %swap3A_870, %swap3A_871], %swap3A_874 {strides = array<i32>} : memref<2x200x64xf32, #tpu.memory_space<vmem>>, vector<1x1x16xf32>,
          %scan3A_875 = arith.constant 1 : i32
          %scan3A_876 = arith.addi %scan3A_348, %scan3A_875 : i32
          %mul3A_877 = arith.constant 4 : i32
          %mul3A_878 = arith.muli %scan3A_876, %mul3A_877 : i32
          %add3A_879 = arith.constant 0 : i32
          %add3A_880 = arith.addi %mul3A_878, %add3A_879 : i32
          %get3A_881 = arith.index_cast %add3A_880 : i32 to index
          %get3A_882 = arith.constant 0 : index
          %get3A_883 = tpu.vector_load %arg10[%get3A_881, %get3A_882] {strides = array<i32>} : memref<200x64xf32, #tpu.memory_space<vmem>>, vector<1x16xf32>,
          %get3A_884 = vector.shape_cast %get3A_883 : vector<1x16xf32> to vector<16xf32>
          %get3A_885 = arith.constant 0 : i32
          %get3A_886 = arith.index_cast %get3A_885 : i32 to index
          %get3A_887 = arith.index_cast %add3A_880 : i32 to index
          %get3A_888 = arith.constant 0 : index
          %get3A_889 = tpu.vector_load %arg9[%get3A_886, %get3A_887, %get3A_888] {strides = array<i32>} : memref<2x200x64xf32, #tpu.memory_space<vmem>>, vector<1x1x16xf32>,
          %get3A_890 = vector.shape_cast %get3A_889 : vector<1x1x16xf32> to vector<16xf32>
          %add3A_891 = arith.addf %get3A_890, %get3A_884 : vector<16xf32>
          %swap3A_892 = arith.constant 0 : i32
          %swap3A_893 = arith.index_cast %swap3A_892 : i32 to index
          %swap3A_894 = arith.index_cast %add3A_880 : i32 to index
          %swap3A_895 = arith.constant 0 : index
          %swap3A_896 = tpu.vector_load %arg9[%swap3A_893, %swap3A_894, %swap3A_895] {strides = array<i32>} : memref<2x200x64xf32, #tpu.memory_space<vmem>>, vector<1x1x16xf32>,
          %swap3A_897 = vector.shape_cast %swap3A_896 : vector<1x1x16xf32> to vector<16xf32>
          %swap3A_898 = vector.shape_cast %add3A_891 : vector<16xf32> to vector<1x1x16xf32>
          tpu.vector_store %arg9[%swap3A_893, %swap3A_894, %swap3A_895], %swap3A_898 {strides = array<i32>} : memref<2x200x64xf32, #tpu.memory_space<vmem>>, vector<1x1x16xf32>,
          %get3A_899 = arith.constant 1 : i32
          %get3A_900 = arith.index_cast %get3A_899 : i32 to index
          %get3A_901 = arith.index_cast %add3A_880 : i32 to index
          %get3A_902 = arith.constant 0 : index
          %get3A_903 = tpu.vector_load %arg9[%get3A_900, %get3A_901, %get3A_902] {strides = array<i32>} : memref<2x200x64xf32, #tpu.memory_space<vmem>>, vector<1x1x16xf32>,
          %get3A_904 = vector.shape_cast %get3A_903 : vector<1x1x16xf32> to vector<16xf32>
          %add3A_905 = arith.addf %get3A_904, %get3A_884 : vector<16xf32>
          %swap3A_906 = arith.constant 1 : i32
          %swap3A_907 = arith.index_cast %swap3A_906 : i32 to index
          %swap3A_908 = arith.index_cast %add3A_880 : i32 to index
          %swap3A_909 = arith.constant 0 : index
          %swap3A_910 = tpu.vector_load %arg9[%swap3A_907, %swap3A_908, %swap3A_909] {strides = array<i32>} : memref<2x200x64xf32, #tpu.memory_space<vmem>>, vector<1x1x16xf32>,
          %swap3A_911 = vector.shape_cast %swap3A_910 : vector<1x1x16xf32> to vector<16xf32>
          %swap3A_912 = vector.shape_cast %add3A_905 : vector<16xf32> to vector<1x1x16xf32>
          tpu.vector_store %arg9[%swap3A_907, %swap3A_908, %swap3A_909], %swap3A_912 {strides = array<i32>} : memref<2x200x64xf32, #tpu.memory_space<vmem>>, vector<1x1x16xf32>,
          %get3A_913 = arith.index_cast %add3A_880 : i32 to index
          %get3A_914 = arith.constant 16 : index
          %get3A_915 = tpu.vector_load %arg10[%get3A_913, %get3A_914] {strides = array<i32>} : memref<200x64xf32, #tpu.memory_space<vmem>>, vector<1x16xf32>,
          %get3A_916 = vector.shape_cast %get3A_915 : vector<1x16xf32> to vector<16xf32>
          %get3A_917 = arith.constant 0 : i32
          %get3A_918 = arith.index_cast %get3A_917 : i32 to index
          %get3A_919 = arith.index_cast %add3A_880 : i32 to index
          %get3A_920 = arith.constant 16 : index
          %get3A_921 = tpu.vector_load %arg9[%get3A_918, %get3A_919, %get3A_920] {strides = array<i32>} : memref<2x200x64xf32, #tpu.memory_space<vmem>>, vector<1x1x16xf32>,
          %get3A_922 = vector.shape_cast %get3A_921 : vector<1x1x16xf32> to vector<16xf32>
          %add3A_923 = arith.addf %get3A_922, %get3A_916 : vector<16xf32>
          %swap3A_924 = arith.constant 0 : i32
          %swap3A_925 = arith.index_cast %swap3A_924 : i32 to index
          %swap3A_926 = arith.index_cast %add3A_880 : i32 to index
          %swap3A_927 = arith.constant 16 : index
          %swap3A_928 = tpu.vector_load %arg9[%swap3A_925, %swap3A_926, %swap3A_927] {strides = array<i32>} : memref<2x200x64xf32, #tpu.memory_space<vmem>>, vector<1x1x16xf32>,
          %swap3A_929 = vector.shape_cast %swap3A_928 : vector<1x1x16xf32> to vector<16xf32>
          %swap3A_930 = vector.shape_cast %add3A_923 : vector<16xf32> to vector<1x1x16xf32>
          tpu.vector_store %arg9[%swap3A_925, %swap3A_926, %swap3A_927], %swap3A_930 {strides = array<i32>} : memref<2x200x64xf32, #tpu.memory_space<vmem>>, vector<1x1x16xf32>,
          %get3A_931 = arith.constant 1 : i32
          %get3A_932 = arith.index_cast %get3A_931 : i32 to index
          %get3A_933 = arith.index_cast %add3A_880 : i32 to index
          %get3A_934 = arith.constant 16 : index
          %get3A_935 = tpu.vector_load %arg9[%get3A_932, %get3A_933, %get3A_934] {strides = array<i32>} : memref<2x200x64xf32, #tpu.memory_space<vmem>>, vector<1x1x16xf32>,
          %get3A_936 = vector.shape_cast %get3A_935 : vector<1x1x16xf32> to vector<16xf32>
          %add3A_937 = arith.addf %get3A_936, %get3A_916 : vector<16xf32>
          %swap3A_938 = arith.constant 1 : i32
          %swap3A_939 = arith.index_cast %swap3A_938 : i32 to index
          %swap3A_940 = arith.index_cast %add3A_880 : i32 to index
          %swap3A_941 = arith.constant 16 : index
          %swap3A_942 = tpu.vector_load %arg9[%swap3A_939, %swap3A_940, %swap3A_941] {strides = array<i32>} : memref<2x200x64xf32, #tpu.memory_space<vmem>>, vector<1x1x16xf32>,
          %swap3A_943 = vector.shape_cast %swap3A_942 : vector<1x1x16xf32> to vector<16xf32>
          %swap3A_944 = vector.shape_cast %add3A_937 : vector<16xf32> to vector<1x1x16xf32>
          tpu.vector_store %arg9[%swap3A_939, %swap3A_940, %swap3A_941], %swap3A_944 {strides = array<i32>} : memref<2x200x64xf32, #tpu.memory_space<vmem>>, vector<1x1x16xf32>,
          %get3A_945 = arith.index_cast %add3A_880 : i32 to index
          %get3A_946 = arith.constant 32 : index
          %get3A_947 = tpu.vector_load %arg10[%get3A_945, %get3A_946] {strides = array<i32>} : memref<200x64xf32, #tpu.memory_space<vmem>>, vector<1x16xf32>,
          %get3A_948 = vector.shape_cast %get3A_947 : vector<1x16xf32> to vector<16xf32>
          %get3A_949 = arith.constant 0 : i32
          %get3A_950 = arith.index_cast %get3A_949 : i32 to index
          %get3A_951 = arith.index_cast %add3A_880 : i32 to index
          %get3A_952 = arith.constant 32 : index
          %get3A_953 = tpu.vector_load %arg9[%get3A_950, %get3A_951, %get3A_952] {strides = array<i32>} : memref<2x200x64xf32, #tpu.memory_space<vmem>>, vector<1x1x16xf32>,
          %get3A_954 = vector.shape_cast %get3A_953 : vector<1x1x16xf32> to vector<16xf32>
          %add3A_955 = arith.addf %get3A_954, %get3A_948 : vector<16xf32>
          %swap3A_956 = arith.constant 0 : i32
          %swap3A_957 = arith.index_cast %swap3A_956 : i32 to index
          %swap3A_958 = arith.index_cast %add3A_880 : i32 to index
          %swap3A_959 = arith.constant 32 : index
          %swap3A_960 = tpu.vector_load %arg9[%swap3A_957, %swap3A_958, %swap3A_959] {strides = array<i32>} : memref<2x200x64xf32, #tpu.memory_space<vmem>>, vector<1x1x16xf32>,
          %swap3A_961 = vector.shape_cast %swap3A_960 : vector<1x1x16xf32> to vector<16xf32>
          %swap3A_962 = vector.shape_cast %add3A_955 : vector<16xf32> to vector<1x1x16xf32>
          tpu.vector_store %arg9[%swap3A_957, %swap3A_958, %swap3A_959], %swap3A_962 {strides = array<i32>} : memref<2x200x64xf32, #tpu.memory_space<vmem>>, vector<1x1x16xf32>,
          %get3A_963 = arith.constant 1 : i32
          %get3A_964 = arith.index_cast %get3A_963 : i32 to index
          %get3A_965 = arith.index_cast %add3A_880 : i32 to index
          %get3A_966 = arith.constant 32 : index
          %get3A_967 = tpu.vector_load %arg9[%get3A_964, %get3A_965, %get3A_966] {strides = array<i32>} : memref<2x200x64xf32, #tpu.memory_space<vmem>>, vector<1x1x16xf32>,
          %get3A_968 = vector.shape_cast %get3A_967 : vector<1x1x16xf32> to vector<16xf32>
          %add3A_969 = arith.addf %get3A_968, %get3A_948 : vector<16xf32>
          %swap3A_970 = arith.constant 1 : i32
          %swap3A_971 = arith.index_cast %swap3A_970 : i32 to index
          %swap3A_972 = arith.index_cast %add3A_880 : i32 to index
          %swap3A_973 = arith.constant 32 : index
          %swap3A_974 = tpu.vector_load %arg9[%swap3A_971, %swap3A_972, %swap3A_973] {strides = array<i32>} : memref<2x200x64xf32, #tpu.memory_space<vmem>>, vector<1x1x16xf32>,
          %swap3A_975 = vector.shape_cast %swap3A_974 : vector<1x1x16xf32> to vector<16xf32>
          %swap3A_976 = vector.shape_cast %add3A_969 : vector<16xf32> to vector<1x1x16xf32>
          tpu.vector_store %arg9[%swap3A_971, %swap3A_972, %swap3A_973], %swap3A_976 {strides = array<i32>} : memref<2x200x64xf32, #tpu.memory_space<vmem>>, vector<1x1x16xf32>,
          %get3A_977 = arith.index_cast %add3A_880 : i32 to index
          %get3A_978 = arith.constant 48 : index
          %get3A_979 = tpu.vector_load %arg10[%get3A_977, %get3A_978] {strides = array<i32>} : memref<200x64xf32, #tpu.memory_space<vmem>>, vector<1x16xf32>,
          %get3A_980 = vector.shape_cast %get3A_979 : vector<1x16xf32> to vector<16xf32>
          %get3A_981 = arith.constant 0 : i32
          %get3A_982 = arith.index_cast %get3A_981 : i32 to index
          %get3A_983 = arith.index_cast %add3A_880 : i32 to index
          %get3A_984 = arith.constant 48 : index
          %get3A_985 = tpu.vector_load %arg9[%get3A_982, %get3A_983, %get3A_984] {strides = array<i32>} : memref<2x200x64xf32, #tpu.memory_space<vmem>>, vector<1x1x16xf32>,
          %get3A_986 = vector.shape_cast %get3A_985 : vector<1x1x16xf32> to vector<16xf32>
          %add3A_987 = arith.addf %get3A_986, %get3A_980 : vector<16xf32>
          %swap3A_988 = arith.constant 0 : i32
          %swap3A_989 = arith.index_cast %swap3A_988 : i32 to index
          %swap3A_990 = arith.index_cast %add3A_880 : i32 to index
          %swap3A_991 = arith.constant 48 : index
          %swap3A_992 = tpu.vector_load %arg9[%swap3A_989, %swap3A_990, %swap3A_991] {strides = array<i32>} : memref<2x200x64xf32, #tpu.memory_space<vmem>>, vector<1x1x16xf32>,
          %swap3A_993 = vector.shape_cast %swap3A_992 : vector<1x1x16xf32> to vector<16xf32>
          %swap3A_994 = vector.shape_cast %add3A_987 : vector<16xf32> to vector<1x1x16xf32>
          tpu.vector_store %arg9[%swap3A_989, %swap3A_990, %swap3A_991], %swap3A_994 {strides = array<i32>} : memref<2x200x64xf32, #tpu.memory_space<vmem>>, vector<1x1x16xf32>,
          %get3A_995 = arith.constant 1 : i32
          %get3A_996 = arith.index_cast %get3A_995 : i32 to index
          %get3A_997 = arith.index_cast %add3A_880 : i32 to index
          %get3A_998 = arith.constant 48 : index
          %get3A_999 = tpu.vector_load %arg9[%get3A_996, %get3A_997, %get3A_998] {strides = array<i32>} : memref<2x200x64xf32, #tpu.memory_space<vmem>>, vector<1x1x16xf32>,
          %get3A_1000 = vector.shape_cast %get3A_999 : vector<1x1x16xf32> to vector<16xf32>
          %add3A_1001 = arith.addf %get3A_1000, %get3A_980 : vector<16xf32>
          %swap3A_1002 = arith.constant 1 : i32
          %swap3A_1003 = arith.index_cast %swap3A_1002 : i32 to index
          %swap3A_1004 = arith.index_cast %add3A_880 : i32 to index
          %swap3A_1005 = arith.constant 48 : index
          %swap3A_1006 = tpu.vector_load %arg9[%swap3A_1003, %swap3A_1004, %swap3A_1005] {strides = array<i32>} : memref<2x200x64xf32, #tpu.memory_space<vmem>>, vector<1x1x16xf32>,
          %swap3A_1007 = vector.shape_cast %swap3A_1006 : vector<1x1x16xf32> to vector<16xf32>
          %swap3A_1008 = vector.shape_cast %add3A_1001 : vector<16xf32> to vector<1x1x16xf32>
          tpu.vector_store %arg9[%swap3A_1003, %swap3A_1004, %swap3A_1005], %swap3A_1008 {strides = array<i32>} : memref<2x200x64xf32, #tpu.memory_space<vmem>>, vector<1x1x16xf32>,
          %mul3A_1009 = arith.constant 4 : i32
          %mul3A_1010 = arith.muli %scan3A_876, %mul3A_1009 : i32
          %add3A_1011 = arith.constant 1 : i32
          %add3A_1012 = arith.addi %mul3A_1010, %add3A_1011 : i32
          %get3A_1013 = arith.index_cast %add3A_1012 : i32 to index
          %get3A_1014 = arith.constant 0 : index
          %get3A_1015 = tpu.vector_load %arg10[%get3A_1013, %get3A_1014] {strides = array<i32>} : memref<200x64xf32, #tpu.memory_space<vmem>>, vector<1x16xf32>,
          %get3A_1016 = vector.shape_cast %get3A_1015 : vector<1x16xf32> to vector<16xf32>
          %get3A_1017 = arith.constant 0 : i32
          %get3A_1018 = arith.index_cast %get3A_1017 : i32 to index
          %get3A_1019 = arith.index_cast %add3A_1012 : i32 to index
          %get3A_1020 = arith.constant 0 : index
          %get3A_1021 = tpu.vector_load %arg9[%get3A_1018, %get3A_1019, %get3A_1020] {strides = array<i32>} : memref<2x200x64xf32, #tpu.memory_space<vmem>>, vector<1x1x16xf32>,
          %get3A_1022 = vector.shape_cast %get3A_1021 : vector<1x1x16xf32> to vector<16xf32>
          %add3A_1023 = arith.addf %get3A_1022, %get3A_1016 : vector<16xf32>
          %swap3A_1024 = arith.constant 0 : i32
          %swap3A_1025 = arith.index_cast %swap3A_1024 : i32 to index
          %swap3A_1026 = arith.index_cast %add3A_1012 : i32 to index
          %swap3A_1027 = arith.constant 0 : index
          %swap3A_1028 = tpu.vector_load %arg9[%swap3A_1025, %swap3A_1026, %swap3A_1027] {strides = array<i32>} : memref<2x200x64xf32, #tpu.memory_space<vmem>>, vector<1x1x16xf32>,
          %swap3A_1029 = vector.shape_cast %swap3A_1028 : vector<1x1x16xf32> to vector<16xf32>
          %swap3A_1030 = vector.shape_cast %add3A_1023 : vector<16xf32> to vector<1x1x16xf32>
          tpu.vector_store %arg9[%swap3A_1025, %swap3A_1026, %swap3A_1027], %swap3A_1030 {strides = array<i32>} : memref<2x200x64xf32, #tpu.memory_space<vmem>>, vector<1x1x16xf32>,
          %get3A_1031 = arith.constant 1 : i32
          %get3A_1032 = arith.index_cast %get3A_1031 : i32 to index
          %get3A_1033 = arith.index_cast %add3A_1012 : i32 to index
          %get3A_1034 = arith.constant 0 : index
          %get3A_1035 = tpu.vector_load %arg9[%get3A_1032, %get3A_1033, %get3A_1034] {strides = array<i32>} : memref<2x200x64xf32, #tpu.memory_space<vmem>>, vector<1x1x16xf32>,
          %get3A_1036 = vector.shape_cast %get3A_1035 : vector<1x1x16xf32> to vector<16xf32>
          %add3A_1037 = arith.addf %get3A_1036, %get3A_1016 : vector<16xf32>
          %swap3A_1038 = arith.constant 1 : i32
          %swap3A_1039 = arith.index_cast %swap3A_1038 : i32 to index
          %swap3A_1040 = arith.index_cast %add3A_1012 : i32 to index
          %swap3A_1041 = arith.constant 0 : index
          %swap3A_1042 = tpu.vector_load %arg9[%swap3A_1039, %swap3A_1040, %swap3A_1041] {strides = array<i32>} : memref<2x200x64xf32, #tpu.memory_space<vmem>>, vector<1x1x16xf32>,
          %swap3A_1043 = vector.shape_cast %swap3A_1042 : vector<1x1x16xf32> to vector<16xf32>
          %swap3A_1044 = vector.shape_cast %add3A_1037 : vector<16xf32> to vector<1x1x16xf32>
          tpu.vector_store %arg9[%swap3A_1039, %swap3A_1040, %swap3A_1041], %swap3A_1044 {strides = array<i32>} : memref<2x200x64xf32, #tpu.memory_space<vmem>>, vector<1x1x16xf32>,
          %get3A_1045 = arith.index_cast %add3A_1012 : i32 to index
          %get3A_1046 = arith.constant 16 : index
          %get3A_1047 = tpu.vector_load %arg10[%get3A_1045, %get3A_1046] {strides = array<i32>} : memref<200x64xf32, #tpu.memory_space<vmem>>, vector<1x16xf32>,
          %get3A_1048 = vector.shape_cast %get3A_1047 : vector<1x16xf32> to vector<16xf32>
          %get3A_1049 = arith.constant 0 : i32
          %get3A_1050 = arith.index_cast %get3A_1049 : i32 to index
          %get3A_1051 = arith.index_cast %add3A_1012 : i32 to index
          %get3A_1052 = arith.constant 16 : index
          %get3A_1053 = tpu.vector_load %arg9[%get3A_1050, %get3A_1051, %get3A_1052] {strides = array<i32>} : memref<2x200x64xf32, #tpu.memory_space<vmem>>, vector<1x1x16xf32>,
          %get3A_1054 = vector.shape_cast %get3A_1053 : vector<1x1x16xf32> to vector<16xf32>
          %add3A_1055 = arith.addf %get3A_1054, %get3A_1048 : vector<16xf32>
          %swap3A_1056 = arith.constant 0 : i32
          %swap3A_1057 = arith.index_cast %swap3A_1056 : i32 to index
          %swap3A_1058 = arith.index_cast %add3A_1012 : i32 to index
          %swap3A_1059 = arith.constant 16 : index
          %swap3A_1060 = tpu.vector_load %arg9[%swap3A_1057, %swap3A_1058, %swap3A_1059] {strides = array<i32>} : memref<2x200x64xf32, #tpu.memory_space<vmem>>, vector<1x1x16xf32>,
          %swap3A_1061 = vector.shape_cast %swap3A_1060 : vector<1x1x16xf32> to vector<16xf32>
          %swap3A_1062 = vector.shape_cast %add3A_1055 : vector<16xf32> to vector<1x1x16xf32>
          tpu.vector_store %arg9[%swap3A_1057, %swap3A_1058, %swap3A_1059], %swap3A_1062 {strides = array<i32>} : memref<2x200x64xf32, #tpu.memory_space<vmem>>, vector<1x1x16xf32>,
          %get3A_1063 = arith.constant 1 : i32
          %get3A_1064 = arith.index_cast %get3A_1063 : i32 to index
          %get3A_1065 = arith.index_cast %add3A_1012 : i32 to index
          %get3A_1066 = arith.constant 16 : index
          %get3A_1067 = tpu.vector_load %arg9[%get3A_1064, %get3A_1065, %get3A_1066] {strides = array<i32>} : memref<2x200x64xf32, #tpu.memory_space<vmem>>, vector<1x1x16xf32>,
          %get3A_1068 = vector.shape_cast %get3A_1067 : vector<1x1x16xf32> to vector<16xf32>
          %add3A_1069 = arith.addf %get3A_1068, %get3A_1048 : vector<16xf32>
          %swap3A_1070 = arith.constant 1 : i32
          %swap3A_1071 = arith.index_cast %swap3A_1070 : i32 to index
          %swap3A_1072 = arith.index_cast %add3A_1012 : i32 to index
          %swap3A_1073 = arith.constant 16 : index
          %swap3A_1074 = tpu.vector_load %arg9[%swap3A_1071, %swap3A_1072, %swap3A_1073] {strides = array<i32>} : memref<2x200x64xf32, #tpu.memory_space<vmem>>, vector<1x1x16xf32>,
          %swap3A_1075 = vector.shape_cast %swap3A_1074 : vector<1x1x16xf32> to vector<16xf32>
          %swap3A_1076 = vector.shape_cast %add3A_1069 : vector<16xf32> to vector<1x1x16xf32>
          tpu.vector_store %arg9[%swap3A_1071, %swap3A_1072, %swap3A_1073], %swap3A_1076 {strides = array<i32>} : memref<2x200x64xf32, #tpu.memory_space<vmem>>, vector<1x1x16xf32>,
          %get3A_1077 = arith.index_cast %add3A_1012 : i32 to index
          %get3A_1078 = arith.constant 32 : index
          %get3A_1079 = tpu.vector_load %arg10[%get3A_1077, %get3A_1078] {strides = array<i32>} : memref<200x64xf32, #tpu.memory_space<vmem>>, vector<1x16xf32>,
          %get3A_1080 = vector.shape_cast %get3A_1079 : vector<1x16xf32> to vector<16xf32>
          %get3A_1081 = arith.constant 0 : i32
          %get3A_1082 = arith.index_cast %get3A_1081 : i32 to index
          %get3A_1083 = arith.index_cast %add3A_1012 : i32 to index
          %get3A_1084 = arith.constant 32 : index
          %get3A_1085 = tpu.vector_load %arg9[%get3A_1082, %get3A_1083, %get3A_1084] {strides = array<i32>} : memref<2x200x64xf32, #tpu.memory_space<vmem>>, vector<1x1x16xf32>,
          %get3A_1086 = vector.shape_cast %get3A_1085 : vector<1x1x16xf32> to vector<16xf32>
          %add3A_1087 = arith.addf %get3A_1086, %get3A_1080 : vector<16xf32>
          %swap3A_1088 = arith.constant 0 : i32
          %swap3A_1089 = arith.index_cast %swap3A_1088 : i32 to index
          %swap3A_1090 = arith.index_cast %add3A_1012 : i32 to index
          %swap3A_1091 = arith.constant 32 : index
          %swap3A_1092 = tpu.vector_load %arg9[%swap3A_1089, %swap3A_1090, %swap3A_1091] {strides = array<i32>} : memref<2x200x64xf32, #tpu.memory_space<vmem>>, vector<1x1x16xf32>,
          %swap3A_1093 = vector.shape_cast %swap3A_1092 : vector<1x1x16xf32> to vector<16xf32>
          %swap3A_1094 = vector.shape_cast %add3A_1087 : vector<16xf32> to vector<1x1x16xf32>
          tpu.vector_store %arg9[%swap3A_1089, %swap3A_1090, %swap3A_1091], %swap3A_1094 {strides = array<i32>} : memref<2x200x64xf32, #tpu.memory_space<vmem>>, vector<1x1x16xf32>,
          %get3A_1095 = arith.constant 1 : i32
          %get3A_1096 = arith.index_cast %get3A_1095 : i32 to index
          %get3A_1097 = arith.index_cast %add3A_1012 : i32 to index
          %get3A_1098 = arith.constant 32 : index
          %get3A_1099 = tpu.vector_load %arg9[%get3A_1096, %get3A_1097, %get3A_1098] {strides = array<i32>} : memref<2x200x64xf32, #tpu.memory_space<vmem>>, vector<1x1x16xf32>,
          %get3A_1100 = vector.shape_cast %get3A_1099 : vector<1x1x16xf32> to vector<16xf32>
          %add3A_1101 = arith.addf %get3A_1100, %get3A_1080 : vector<16xf32>
          %swap3A_1102 = arith.constant 1 : i32
          %swap3A_1103 = arith.index_cast %swap3A_1102 : i32 to index
          %swap3A_1104 = arith.index_cast %add3A_1012 : i32 to index
          %swap3A_1105 = arith.constant 32 : index
          %swap3A_1106 = tpu.vector_load %arg9[%swap3A_1103, %swap3A_1104, %swap3A_1105] {strides = array<i32>} : memref<2x200x64xf32, #tpu.memory_space<vmem>>, vector<1x1x16xf32>,
          %swap3A_1107 = vector.shape_cast %swap3A_1106 : vector<1x1x16xf32> to vector<16xf32>
          %swap3A_1108 = vector.shape_cast %add3A_1101 : vector<16xf32> to vector<1x1x16xf32>
          tpu.vector_store %arg9[%swap3A_1103, %swap3A_1104, %swap3A_1105], %swap3A_1108 {strides = array<i32>} : memref<2x200x64xf32, #tpu.memory_space<vmem>>, vector<1x1x16xf32>,
          %get3A_1109 = arith.index_cast %add3A_1012 : i32 to index
          %get3A_1110 = arith.constant 48 : index
          %get3A_1111 = tpu.vector_load %arg10[%get3A_1109, %get3A_1110] {strides = array<i32>} : memref<200x64xf32, #tpu.memory_space<vmem>>, vector<1x16xf32>,
          %get3A_1112 = vector.shape_cast %get3A_1111 : vector<1x16xf32> to vector<16xf32>
          %get3A_1113 = arith.constant 0 : i32
          %get3A_1114 = arith.index_cast %get3A_1113 : i32 to index
          %get3A_1115 = arith.index_cast %add3A_1012 : i32 to index
          %get3A_1116 = arith.constant 48 : index
          %get3A_1117 = tpu.vector_load %arg9[%get3A_1114, %get3A_1115, %get3A_1116] {strides = array<i32>} : memref<2x200x64xf32, #tpu.memory_space<vmem>>, vector<1x1x16xf32>,
          %get3A_1118 = vector.shape_cast %get3A_1117 : vector<1x1x16xf32> to vector<16xf32>
          %add3A_1119 = arith.addf %get3A_1118, %get3A_1112 : vector<16xf32>
          %swap3A_1120 = arith.constant 0 : i32
          %swap3A_1121 = arith.index_cast %swap3A_1120 : i32 to index
          %swap3A_1122 = arith.index_cast %add3A_1012 : i32 to index
          %swap3A_1123 = arith.constant 48 : index
          %swap3A_1124 = tpu.vector_load %arg9[%swap3A_1121, %swap3A_1122, %swap3A_1123] {strides = array<i32>} : memref<2x200x64xf32, #tpu.memory_space<vmem>>, vector<1x1x16xf32>,
          %swap3A_1125 = vector.shape_cast %swap3A_1124 : vector<1x1x16xf32> to vector<16xf32>
          %swap3A_1126 = vector.shape_cast %add3A_1119 : vector<16xf32> to vector<1x1x16xf32>
          tpu.vector_store %arg9[%swap3A_1121, %swap3A_1122, %swap3A_1123], %swap3A_1126 {strides = array<i32>} : memref<2x200x64xf32, #tpu.memory_space<vmem>>, vector<1x1x16xf32>,
          %get3A_1127 = arith.constant 1 : i32
          %get3A_1128 = arith.index_cast %get3A_1127 : i32 to index
          %get3A_1129 = arith.index_cast %add3A_1012 : i32 to index
          %get3A_1130 = arith.constant 48 : index
          %get3A_1131 = tpu.vector_load %arg9[%get3A_1128, %get3A_1129, %get3A_1130] {strides = array<i32>} : memref<2x200x64xf32, #tpu.memory_space<vmem>>, vector<1x1x16xf32>,
          %get3A_1132 = vector.shape_cast %get3A_1131 : vector<1x1x16xf32> to vector<16xf32>
          %add3A_1133 = arith.addf %get3A_1132, %get3A_1112 : vector<16xf32>
          %swap3A_1134 = arith.constant 1 : i32
          %swap3A_1135 = arith.index_cast %swap3A_1134 : i32 to index
          %swap3A_1136 = arith.index_cast %add3A_1012 : i32 to index
          %swap3A_1137 = arith.constant 48 : index
          %swap3A_1138 = tpu.vector_load %arg9[%swap3A_1135, %swap3A_1136, %swap3A_1137] {strides = array<i32>} : memref<2x200x64xf32, #tpu.memory_space<vmem>>, vector<1x1x16xf32>,
          %swap3A_1139 = vector.shape_cast %swap3A_1138 : vector<1x1x16xf32> to vector<16xf32>
          %swap3A_1140 = vector.shape_cast %add3A_1133 : vector<16xf32> to vector<1x1x16xf32>
          tpu.vector_store %arg9[%swap3A_1135, %swap3A_1136, %swap3A_1137], %swap3A_1140 {strides = array<i32>} : memref<2x200x64xf32, #tpu.memory_space<vmem>>, vector<1x1x16xf32>,
          %mul3A_1141 = arith.constant 4 : i32
          %mul3A_1142 = arith.muli %scan3A_876, %mul3A_1141 : i32
          %add3A_1143 = arith.constant 2 : i32
          %add3A_1144 = arith.addi %mul3A_1142, %add3A_1143 : i32
          %get3A_1145 = arith.index_cast %add3A_1144 : i32 to index
          %get3A_1146 = arith.constant 0 : index
          %get3A_1147 = tpu.vector_load %arg10[%get3A_1145, %get3A_1146] {strides = array<i32>} : memref<200x64xf32, #tpu.memory_space<vmem>>, vector<1x16xf32>,
          %get3A_1148 = vector.shape_cast %get3A_1147 : vector<1x16xf32> to vector<16xf32>
          %get3A_1149 = arith.constant 0 : i32
          %get3A_1150 = arith.index_cast %get3A_1149 : i32 to index
          %get3A_1151 = arith.index_cast %add3A_1144 : i32 to index
          %get3A_1152 = arith.constant 0 : index
          %get3A_1153 = tpu.vector_load %arg9[%get3A_1150, %get3A_1151, %get3A_1152] {strides = array<i32>} : memref<2x200x64xf32, #tpu.memory_space<vmem>>, vector<1x1x16xf32>,
          %get3A_1154 = vector.shape_cast %get3A_1153 : vector<1x1x16xf32> to vector<16xf32>
          %add3A_1155 = arith.addf %get3A_1154, %get3A_1148 : vector<16xf32>
          %swap3A_1156 = arith.constant 0 : i32
          %swap3A_1157 = arith.index_cast %swap3A_1156 : i32 to index
          %swap3A_1158 = arith.index_cast %add3A_1144 : i32 to index
          %swap3A_1159 = arith.constant 0 : index
          %swap3A_1160 = tpu.vector_load %arg9[%swap3A_1157, %swap3A_1158, %swap3A_1159] {strides = array<i32>} : memref<2x200x64xf32, #tpu.memory_space<vmem>>, vector<1x1x16xf32>,
          %swap3A_1161 = vector.shape_cast %swap3A_1160 : vector<1x1x16xf32> to vector<16xf32>
          %swap3A_1162 = vector.shape_cast %add3A_1155 : vector<16xf32> to vector<1x1x16xf32>
          tpu.vector_store %arg9[%swap3A_1157, %swap3A_1158, %swap3A_1159], %swap3A_1162 {strides = array<i32>} : memref<2x200x64xf32, #tpu.memory_space<vmem>>, vector<1x1x16xf32>,
          %get3A_1163 = arith.constant 1 : i32
          %get3A_1164 = arith.index_cast %get3A_1163 : i32 to index
          %get3A_1165 = arith.index_cast %add3A_1144 : i32 to index
          %get3A_1166 = arith.constant 0 : index
          %get3A_1167 = tpu.vector_load %arg9[%get3A_1164, %get3A_1165, %get3A_1166] {strides = array<i32>} : memref<2x200x64xf32, #tpu.memory_space<vmem>>, vector<1x1x16xf32>,
          %get3A_1168 = vector.shape_cast %get3A_1167 : vector<1x1x16xf32> to vector<16xf32>
          %add3A_1169 = arith.addf %get3A_1168, %get3A_1148 : vector<16xf32>
          %swap3A_1170 = arith.constant 1 : i32
          %swap3A_1171 = arith.index_cast %swap3A_1170 : i32 to index
          %swap3A_1172 = arith.index_cast %add3A_1144 : i32 to index
          %swap3A_1173 = arith.constant 0 : index
          %swap3A_1174 = tpu.vector_load %arg9[%swap3A_1171, %swap3A_1172, %swap3A_1173] {strides = array<i32>} : memref<2x200x64xf32, #tpu.memory_space<vmem>>, vector<1x1x16xf32>,
          %swap3A_1175 = vector.shape_cast %swap3A_1174 : vector<1x1x16xf32> to vector<16xf32>
          %swap3A_1176 = vector.shape_cast %add3A_1169 : vector<16xf32> to vector<1x1x16xf32>
          tpu.vector_store %arg9[%swap3A_1171, %swap3A_1172, %swap3A_1173], %swap3A_1176 {strides = array<i32>} : memref<2x200x64xf32, #tpu.memory_space<vmem>>, vector<1x1x16xf32>,
          %get3A_1177 = arith.index_cast %add3A_1144 : i32 to index
          %get3A_1178 = arith.constant 16 : index
          %get3A_1179 = tpu.vector_load %arg10[%get3A_1177, %get3A_1178] {strides = array<i32>} : memref<200x64xf32, #tpu.memory_space<vmem>>, vector<1x16xf32>,
          %get3A_1180 = vector.shape_cast %get3A_1179 : vector<1x16xf32> to vector<16xf32>
          %get3A_1181 = arith.constant 0 : i32
          %get3A_1182 = arith.index_cast %get3A_1181 : i32 to index
          %get3A_1183 = arith.index_cast %add3A_1144 : i32 to index
          %get3A_1184 = arith.constant 16 : index
          %get3A_1185 = tpu.vector_load %arg9[%get3A_1182, %get3A_1183, %get3A_1184] {strides = array<i32>} : memref<2x200x64xf32, #tpu.memory_space<vmem>>, vector<1x1x16xf32>,
          %get3A_1186 = vector.shape_cast %get3A_1185 : vector<1x1x16xf32> to vector<16xf32>
          %add3A_1187 = arith.addf %get3A_1186, %get3A_1180 : vector<16xf32>
          %swap3A_1188 = arith.constant 0 : i32
          %swap3A_1189 = arith.index_cast %swap3A_1188 : i32 to index
          %swap3A_1190 = arith.index_cast %add3A_1144 : i32 to index
          %swap3A_1191 = arith.constant 16 : index
          %swap3A_1192 = tpu.vector_load %arg9[%swap3A_1189, %swap3A_1190, %swap3A_1191] {strides = array<i32>} : memref<2x200x64xf32, #tpu.memory_space<vmem>>, vector<1x1x16xf32>,
          %swap3A_1193 = vector.shape_cast %swap3A_1192 : vector<1x1x16xf32> to vector<16xf32>
          %swap3A_1194 = vector.shape_cast %add3A_1187 : vector<16xf32> to vector<1x1x16xf32>
          tpu.vector_store %arg9[%swap3A_1189, %swap3A_1190, %swap3A_1191], %swap3A_1194 {strides = array<i32>} : memref<2x200x64xf32, #tpu.memory_space<vmem>>, vector<1x1x16xf32>,
          %get3A_1195 = arith.constant 1 : i32
          %get3A_1196 = arith.index_cast %get3A_1195 : i32 to index
          %get3A_1197 = arith.index_cast %add3A_1144 : i32 to index
          %get3A_1198 = arith.constant 16 : index
          %get3A_1199 = tpu.vector_load %arg9[%get3A_1196, %get3A_1197, %get3A_1198] {strides = array<i32>} : memref<2x200x64xf32, #tpu.memory_space<vmem>>, vector<1x1x16xf32>,
          %get3A_1200 = vector.shape_cast %get3A_1199 : vector<1x1x16xf32> to vector<16xf32>
          %add3A_1201 = arith.addf %get3A_1200, %get3A_1180 : vector<16xf32>
          %swap3A_1202 = arith.constant 1 : i32
          %swap3A_1203 = arith.index_cast %swap3A_1202 : i32 to index
          %swap3A_1204 = arith.index_cast %add3A_1144 : i32 to index
          %swap3A_1205 = arith.constant 16 : index
          %swap3A_1206 = tpu.vector_load %arg9[%swap3A_1203, %swap3A_1204, %swap3A_1205] {strides = array<i32>} : memref<2x200x64xf32, #tpu.memory_space<vmem>>, vector<1x1x16xf32>,
          %swap3A_1207 = vector.shape_cast %swap3A_1206 : vector<1x1x16xf32> to vector<16xf32>
          %swap3A_1208 = vector.shape_cast %add3A_1201 : vector<16xf32> to vector<1x1x16xf32>
          tpu.vector_store %arg9[%swap3A_1203, %swap3A_1204, %swap3A_1205], %swap3A_1208 {strides = array<i32>} : memref<2x200x64xf32, #tpu.memory_space<vmem>>, vector<1x1x16xf32>,
          %get3A_1209 = arith.index_cast %add3A_1144 : i32 to index
          %get3A_1210 = arith.constant 32 : index
          %get3A_1211 = tpu.vector_load %arg10[%get3A_1209, %get3A_1210] {strides = array<i32>} : memref<200x64xf32, #tpu.memory_space<vmem>>, vector<1x16xf32>,
          %get3A_1212 = vector.shape_cast %get3A_1211 : vector<1x16xf32> to vector<16xf32>
          %get3A_1213 = arith.constant 0 : i32
          %get3A_1214 = arith.index_cast %get3A_1213 : i32 to index
          %get3A_1215 = arith.index_cast %add3A_1144 : i32 to index
          %get3A_1216 = arith.constant 32 : index
          %get3A_1217 = tpu.vector_load %arg9[%get3A_1214, %get3A_1215, %get3A_1216] {strides = array<i32>} : memref<2x200x64xf32, #tpu.memory_space<vmem>>, vector<1x1x16xf32>,
          %get3A_1218 = vector.shape_cast %get3A_1217 : vector<1x1x16xf32> to vector<16xf32>
          %add3A_1219 = arith.addf %get3A_1218, %get3A_1212 : vector<16xf32>
          %swap3A_1220 = arith.constant 0 : i32
          %swap3A_1221 = arith.index_cast %swap3A_1220 : i32 to index
          %swap3A_1222 = arith.index_cast %add3A_1144 : i32 to index
          %swap3A_1223 = arith.constant 32 : index
          %swap3A_1224 = tpu.vector_load %arg9[%swap3A_1221, %swap3A_1222, %swap3A_1223] {strides = array<i32>} : memref<2x200x64xf32, #tpu.memory_space<vmem>>, vector<1x1x16xf32>,
          %swap3A_1225 = vector.shape_cast %swap3A_1224 : vector<1x1x16xf32> to vector<16xf32>
          %swap3A_1226 = vector.shape_cast %add3A_1219 : vector<16xf32> to vector<1x1x16xf32>
          tpu.vector_store %arg9[%swap3A_1221, %swap3A_1222, %swap3A_1223], %swap3A_1226 {strides = array<i32>} : memref<2x200x64xf32, #tpu.memory_space<vmem>>, vector<1x1x16xf32>,
          %get3A_1227 = arith.constant 1 : i32
          %get3A_1228 = arith.index_cast %get3A_1227 : i32 to index
          %get3A_1229 = arith.index_cast %add3A_1144 : i32 to index
          %get3A_1230 = arith.constant 32 : index
          %get3A_1231 = tpu.vector_load %arg9[%get3A_1228, %get3A_1229, %get3A_1230] {strides = array<i32>} : memref<2x200x64xf32, #tpu.memory_space<vmem>>, vector<1x1x16xf32>,
          %get3A_1232 = vector.shape_cast %get3A_1231 : vector<1x1x16xf32> to vector<16xf32>
          %add3A_1233 = arith.addf %get3A_1232, %get3A_1212 : vector<16xf32>
          %swap3A_1234 = arith.constant 1 : i32
          %swap3A_1235 = arith.index_cast %swap3A_1234 : i32 to index
          %swap3A_1236 = arith.index_cast %add3A_1144 : i32 to index
          %swap3A_1237 = arith.constant 32 : index
          %swap3A_1238 = tpu.vector_load %arg9[%swap3A_1235, %swap3A_1236, %swap3A_1237] {strides = array<i32>} : memref<2x200x64xf32, #tpu.memory_space<vmem>>, vector<1x1x16xf32>,
          %swap3A_1239 = vector.shape_cast %swap3A_1238 : vector<1x1x16xf32> to vector<16xf32>
          %swap3A_1240 = vector.shape_cast %add3A_1233 : vector<16xf32> to vector<1x1x16xf32>
          tpu.vector_store %arg9[%swap3A_1235, %swap3A_1236, %swap3A_1237], %swap3A_1240 {strides = array<i32>} : memref<2x200x64xf32, #tpu.memory_space<vmem>>, vector<1x1x16xf32>,
          %get3A_1241 = arith.index_cast %add3A_1144 : i32 to index
          %get3A_1242 = arith.constant 48 : index
          %get3A_1243 = tpu.vector_load %arg10[%get3A_1241, %get3A_1242] {strides = array<i32>} : memref<200x64xf32, #tpu.memory_space<vmem>>, vector<1x16xf32>,
          %get3A_1244 = vector.shape_cast %get3A_1243 : vector<1x16xf32> to vector<16xf32>
          %get3A_1245 = arith.constant 0 : i32
          %get3A_1246 = arith.index_cast %get3A_1245 : i32 to index
          %get3A_1247 = arith.index_cast %add3A_1144 : i32 to index
          %get3A_1248 = arith.constant 48 : index
          %get3A_1249 = tpu.vector_load %arg9[%get3A_1246, %get3A_1247, %get3A_1248] {strides = array<i32>} : memref<2x200x64xf32, #tpu.memory_space<vmem>>, vector<1x1x16xf32>,
          %get3A_1250 = vector.shape_cast %get3A_1249 : vector<1x1x16xf32> to vector<16xf32>
          %add3A_1251 = arith.addf %get3A_1250, %get3A_1244 : vector<16xf32>
          %swap3A_1252 = arith.constant 0 : i32
          %swap3A_1253 = arith.index_cast %swap3A_1252 : i32 to index
          %swap3A_1254 = arith.index_cast %add3A_1144 : i32 to index
          %swap3A_1255 = arith.constant 48 : index
          %swap3A_1256 = tpu.vector_load %arg9[%swap3A_1253, %swap3A_1254, %swap3A_1255] {strides = array<i32>} : memref<2x200x64xf32, #tpu.memory_space<vmem>>, vector<1x1x16xf32>,
          %swap3A_1257 = vector.shape_cast %swap3A_1256 : vector<1x1x16xf32> to vector<16xf32>
          %swap3A_1258 = vector.shape_cast %add3A_1251 : vector<16xf32> to vector<1x1x16xf32>
          tpu.vector_store %arg9[%swap3A_1253, %swap3A_1254, %swap3A_1255], %swap3A_1258 {strides = array<i32>} : memref<2x200x64xf32, #tpu.memory_space<vmem>>, vector<1x1x16xf32>,
          %get3A_1259 = arith.constant 1 : i32
          %get3A_1260 = arith.index_cast %get3A_1259 : i32 to index
          %get3A_1261 = arith.index_cast %add3A_1144 : i32 to index
          %get3A_1262 = arith.constant 48 : index
          %get3A_1263 = tpu.vector_load %arg9[%get3A_1260, %get3A_1261, %get3A_1262] {strides = array<i32>} : memref<2x200x64xf32, #tpu.memory_space<vmem>>, vector<1x1x16xf32>,
          %get3A_1264 = vector.shape_cast %get3A_1263 : vector<1x1x16xf32> to vector<16xf32>
          %add3A_1265 = arith.addf %get3A_1264, %get3A_1244 : vector<16xf32>
          %swap3A_1266 = arith.constant 1 : i32
          %swap3A_1267 = arith.index_cast %swap3A_1266 : i32 to index
          %swap3A_1268 = arith.index_cast %add3A_1144 : i32 to index
          %swap3A_1269 = arith.constant 48 : index
          %swap3A_1270 = tpu.vector_load %arg9[%swap3A_1267, %swap3A_1268, %swap3A_1269] {strides = array<i32>} : memref<2x200x64xf32, #tpu.memory_space<vmem>>, vector<1x1x16xf32>,
          %swap3A_1271 = vector.shape_cast %swap3A_1270 : vector<1x1x16xf32> to vector<16xf32>
          %swap3A_1272 = vector.shape_cast %add3A_1265 : vector<16xf32> to vector<1x1x16xf32>
          tpu.vector_store %arg9[%swap3A_1267, %swap3A_1268, %swap3A_1269], %swap3A_1272 {strides = array<i32>} : memref<2x200x64xf32, #tpu.memory_space<vmem>>, vector<1x1x16xf32>,
          %mul3A_1273 = arith.constant 4 : i32
          %mul3A_1274 = arith.muli %scan3A_876, %mul3A_1273 : i32
          %add3A_1275 = arith.constant 3 : i32
          %add3A_1276 = arith.addi %mul3A_1274, %add3A_1275 : i32
          %get3A_1277 = arith.index_cast %add3A_1276 : i32 to index
          %get3A_1278 = arith.constant 0 : index
          %get3A_1279 = tpu.vector_load %arg10[%get3A_1277, %get3A_1278] {strides = array<i32>} : memref<200x64xf32, #tpu.memory_space<vmem>>, vector<1x16xf32>,
          %get3A_1280 = vector.shape_cast %get3A_1279 : vector<1x16xf32> to vector<16xf32>
          %get3A_1281 = arith.constant 0 : i32
          %get3A_1282 = arith.index_cast %get3A_1281 : i32 to index
          %get3A_1283 = arith.index_cast %add3A_1276 : i32 to index
          %get3A_1284 = arith.constant 0 : index
          %get3A_1285 = tpu.vector_load %arg9[%get3A_1282, %get3A_1283, %get3A_1284] {strides = array<i32>} : memref<2x200x64xf32, #tpu.memory_space<vmem>>, vector<1x1x16xf32>,
          %get3A_1286 = vector.shape_cast %get3A_1285 : vector<1x1x16xf32> to vector<16xf32>
          %add3A_1287 = arith.addf %get3A_1286, %get3A_1280 : vector<16xf32>
          %swap3A_1288 = arith.constant 0 : i32
          %swap3A_1289 = arith.index_cast %swap3A_1288 : i32 to index
          %swap3A_1290 = arith.index_cast %add3A_1276 : i32 to index
          %swap3A_1291 = arith.constant 0 : index
          %swap3A_1292 = tpu.vector_load %arg9[%swap3A_1289, %swap3A_1290, %swap3A_1291] {strides = array<i32>} : memref<2x200x64xf32, #tpu.memory_space<vmem>>, vector<1x1x16xf32>,
          %swap3A_1293 = vector.shape_cast %swap3A_1292 : vector<1x1x16xf32> to vector<16xf32>
          %swap3A_1294 = vector.shape_cast %add3A_1287 : vector<16xf32> to vector<1x1x16xf32>
          tpu.vector_store %arg9[%swap3A_1289, %swap3A_1290, %swap3A_1291], %swap3A_1294 {strides = array<i32>} : memref<2x200x64xf32, #tpu.memory_space<vmem>>, vector<1x1x16xf32>,
          %get3A_1295 = arith.constant 1 : i32
          %get3A_1296 = arith.index_cast %get3A_1295 : i32 to index
          %get3A_1297 = arith.index_cast %add3A_1276 : i32 to index
          %get3A_1298 = arith.constant 0 : index
          %get3A_1299 = tpu.vector_load %arg9[%get3A_1296, %get3A_1297, %get3A_1298] {strides = array<i32>} : memref<2x200x64xf32, #tpu.memory_space<vmem>>, vector<1x1x16xf32>,
          %get3A_1300 = vector.shape_cast %get3A_1299 : vector<1x1x16xf32> to vector<16xf32>
          %add3A_1301 = arith.addf %get3A_1300, %get3A_1280 : vector<16xf32>
          %swap3A_1302 = arith.constant 1 : i32
          %swap3A_1303 = arith.index_cast %swap3A_1302 : i32 to index
          %swap3A_1304 = arith.index_cast %add3A_1276 : i32 to index
          %swap3A_1305 = arith.constant 0 : index
          %swap3A_1306 = tpu.vector_load %arg9[%swap3A_1303, %swap3A_1304, %swap3A_1305] {strides = array<i32>} : memref<2x200x64xf32, #tpu.memory_space<vmem>>, vector<1x1x16xf32>,
          %swap3A_1307 = vector.shape_cast %swap3A_1306 : vector<1x1x16xf32> to vector<16xf32>
          %swap3A_1308 = vector.shape_cast %add3A_1301 : vector<16xf32> to vector<1x1x16xf32>
          tpu.vector_store %arg9[%swap3A_1303, %swap3A_1304, %swap3A_1305], %swap3A_1308 {strides = array<i32>} : memref<2x200x64xf32, #tpu.memory_space<vmem>>, vector<1x1x16xf32>,
          %get3A_1309 = arith.index_cast %add3A_1276 : i32 to index
          %get3A_1310 = arith.constant 16 : index
          %get3A_1311 = tpu.vector_load %arg10[%get3A_1309, %get3A_1310] {strides = array<i32>} : memref<200x64xf32, #tpu.memory_space<vmem>>, vector<1x16xf32>,
          %get3A_1312 = vector.shape_cast %get3A_1311 : vector<1x16xf32> to vector<16xf32>
          %get3A_1313 = arith.constant 0 : i32
          %get3A_1314 = arith.index_cast %get3A_1313 : i32 to index
          %get3A_1315 = arith.index_cast %add3A_1276 : i32 to index
          %get3A_1316 = arith.constant 16 : index
          %get3A_1317 = tpu.vector_load %arg9[%get3A_1314, %get3A_1315, %get3A_1316] {strides = array<i32>} : memref<2x200x64xf32, #tpu.memory_space<vmem>>, vector<1x1x16xf32>,
          %get3A_1318 = vector.shape_cast %get3A_1317 : vector<1x1x16xf32> to vector<16xf32>
          %add3A_1319 = arith.addf %get3A_1318, %get3A_1312 : vector<16xf32>
          %swap3A_1320 = arith.constant 0 : i32
          %swap3A_1321 = arith.index_cast %swap3A_1320 : i32 to index
          %swap3A_1322 = arith.index_cast %add3A_1276 : i32 to index
          %swap3A_1323 = arith.constant 16 : index
          %swap3A_1324 = tpu.vector_load %arg9[%swap3A_1321, %swap3A_1322, %swap3A_1323] {strides = array<i32>} : memref<2x200x64xf32, #tpu.memory_space<vmem>>, vector<1x1x16xf32>,
          %swap3A_1325 = vector.shape_cast %swap3A_1324 : vector<1x1x16xf32> to vector<16xf32>
          %swap3A_1326 = vector.shape_cast %add3A_1319 : vector<16xf32> to vector<1x1x16xf32>
          tpu.vector_store %arg9[%swap3A_1321, %swap3A_1322, %swap3A_1323], %swap3A_1326 {strides = array<i32>} : memref<2x200x64xf32, #tpu.memory_space<vmem>>, vector<1x1x16xf32>,
          %get3A_1327 = arith.constant 1 : i32
          %get3A_1328 = arith.index_cast %get3A_1327 : i32 to index
          %get3A_1329 = arith.index_cast %add3A_1276 : i32 to index
          %get3A_1330 = arith.constant 16 : index
          %get3A_1331 = tpu.vector_load %arg9[%get3A_1328, %get3A_1329, %get3A_1330] {strides = array<i32>} : memref<2x200x64xf32, #tpu.memory_space<vmem>>, vector<1x1x16xf32>,
          %get3A_1332 = vector.shape_cast %get3A_1331 : vector<1x1x16xf32> to vector<16xf32>
          %add3A_1333 = arith.addf %get3A_1332, %get3A_1312 : vector<16xf32>
          %swap3A_1334 = arith.constant 1 : i32
          %swap3A_1335 = arith.index_cast %swap3A_1334 : i32 to index
          %swap3A_1336 = arith.index_cast %add3A_1276 : i32 to index
          %swap3A_1337 = arith.constant 16 : index
          %swap3A_1338 = tpu.vector_load %arg9[%swap3A_1335, %swap3A_1336, %swap3A_1337] {strides = array<i32>} : memref<2x200x64xf32, #tpu.memory_space<vmem>>, vector<1x1x16xf32>,
          %swap3A_1339 = vector.shape_cast %swap3A_1338 : vector<1x1x16xf32> to vector<16xf32>
          %swap3A_1340 = vector.shape_cast %add3A_1333 : vector<16xf32> to vector<1x1x16xf32>
          tpu.vector_store %arg9[%swap3A_1335, %swap3A_1336, %swap3A_1337], %swap3A_1340 {strides = array<i32>} : memref<2x200x64xf32, #tpu.memory_space<vmem>>, vector<1x1x16xf32>,
          %get3A_1341 = arith.index_cast %add3A_1276 : i32 to index
          %get3A_1342 = arith.constant 32 : index
          %get3A_1343 = tpu.vector_load %arg10[%get3A_1341, %get3A_1342] {strides = array<i32>} : memref<200x64xf32, #tpu.memory_space<vmem>>, vector<1x16xf32>,
          %get3A_1344 = vector.shape_cast %get3A_1343 : vector<1x16xf32> to vector<16xf32>
          %get3A_1345 = arith.constant 0 : i32
          %get3A_1346 = arith.index_cast %get3A_1345 : i32 to index
          %get3A_1347 = arith.index_cast %add3A_1276 : i32 to index
          %get3A_1348 = arith.constant 32 : index
          %get3A_1349 = tpu.vector_load %arg9[%get3A_1346, %get3A_1347, %get3A_1348] {strides = array<i32>} : memref<2x200x64xf32, #tpu.memory_space<vmem>>, vector<1x1x16xf32>,
          %get3A_1350 = vector.shape_cast %get3A_1349 : vector<1x1x16xf32> to vector<16xf32>
          %add3A_1351 = arith.addf %get3A_1350, %get3A_1344 : vector<16xf32>
          %swap3A_1352 = arith.constant 0 : i32
          %swap3A_1353 = arith.index_cast %swap3A_1352 : i32 to index
          %swap3A_1354 = arith.index_cast %add3A_1276 : i32 to index
          %swap3A_1355 = arith.constant 32 : index
          %swap3A_1356 = tpu.vector_load %arg9[%swap3A_1353, %swap3A_1354, %swap3A_1355] {strides = array<i32>} : memref<2x200x64xf32, #tpu.memory_space<vmem>>, vector<1x1x16xf32>,
          %swap3A_1357 = vector.shape_cast %swap3A_1356 : vector<1x1x16xf32> to vector<16xf32>
          %swap3A_1358 = vector.shape_cast %add3A_1351 : vector<16xf32> to vector<1x1x16xf32>
          tpu.vector_store %arg9[%swap3A_1353, %swap3A_1354, %swap3A_1355], %swap3A_1358 {strides = array<i32>} : memref<2x200x64xf32, #tpu.memory_space<vmem>>, vector<1x1x16xf32>,
          %get3A_1359 = arith.constant 1 : i32
          %get3A_1360 = arith.index_cast %get3A_1359 : i32 to index
          %get3A_1361 = arith.index_cast %add3A_1276 : i32 to index
          %get3A_1362 = arith.constant 32 : index
          %get3A_1363 = tpu.vector_load %arg9[%get3A_1360, %get3A_1361, %get3A_1362] {strides = array<i32>} : memref<2x200x64xf32, #tpu.memory_space<vmem>>, vector<1x1x16xf32>,
          %get3A_1364 = vector.shape_cast %get3A_1363 : vector<1x1x16xf32> to vector<16xf32>
          %add3A_1365 = arith.addf %get3A_1364, %get3A_1344 : vector<16xf32>
          %swap3A_1366 = arith.constant 1 : i32
          %swap3A_1367 = arith.index_cast %swap3A_1366 : i32 to index
          %swap3A_1368 = arith.index_cast %add3A_1276 : i32 to index
          %swap3A_1369 = arith.constant 32 : index
          %swap3A_1370 = tpu.vector_load %arg9[%swap3A_1367, %swap3A_1368, %swap3A_1369] {strides = array<i32>} : memref<2x200x64xf32, #tpu.memory_space<vmem>>, vector<1x1x16xf32>,
          %swap3A_1371 = vector.shape_cast %swap3A_1370 : vector<1x1x16xf32> to vector<16xf32>
          %swap3A_1372 = vector.shape_cast %add3A_1365 : vector<16xf32> to vector<1x1x16xf32>
          tpu.vector_store %arg9[%swap3A_1367, %swap3A_1368, %swap3A_1369], %swap3A_1372 {strides = array<i32>} : memref<2x200x64xf32, #tpu.memory_space<vmem>>, vector<1x1x16xf32>,
          %get3A_1373 = arith.index_cast %add3A_1276 : i32 to index
          %get3A_1374 = arith.constant 48 : index
          %get3A_1375 = tpu.vector_load %arg10[%get3A_1373, %get3A_1374] {strides = array<i32>} : memref<200x64xf32, #tpu.memory_space<vmem>>, vector<1x16xf32>,
          %get3A_1376 = vector.shape_cast %get3A_1375 : vector<1x16xf32> to vector<16xf32>
          %get3A_1377 = arith.constant 0 : i32
          %get3A_1378 = arith.index_cast %get3A_1377 : i32 to index
          %get3A_1379 = arith.index_cast %add3A_1276 : i32 to index
          %get3A_1380 = arith.constant 48 : index
          %get3A_1381 = tpu.vector_load %arg9[%get3A_1378, %get3A_1379, %get3A_1380] {strides = array<i32>} : memref<2x200x64xf32, #tpu.memory_space<vmem>>, vector<1x1x16xf32>,
          %get3A_1382 = vector.shape_cast %get3A_1381 : vector<1x1x16xf32> to vector<16xf32>
          %add3A_1383 = arith.addf %get3A_1382, %get3A_1376 : vector<16xf32>
          %swap3A_1384 = arith.constant 0 : i32
          %swap3A_1385 = arith.index_cast %swap3A_1384 : i32 to index
          %swap3A_1386 = arith.index_cast %add3A_1276 : i32 to index
          %swap3A_1387 = arith.constant 48 : index
          %swap3A_1388 = tpu.vector_load %arg9[%swap3A_1385, %swap3A_1386, %swap3A_1387] {strides = array<i32>} : memref<2x200x64xf32, #tpu.memory_space<vmem>>, vector<1x1x16xf32>,
          %swap3A_1389 = vector.shape_cast %swap3A_1388 : vector<1x1x16xf32> to vector<16xf32>
          %swap3A_1390 = vector.shape_cast %add3A_1383 : vector<16xf32> to vector<1x1x16xf32>
          tpu.vector_store %arg9[%swap3A_1385, %swap3A_1386, %swap3A_1387], %swap3A_1390 {strides = array<i32>} : memref<2x200x64xf32, #tpu.memory_space<vmem>>, vector<1x1x16xf32>,
          %get3A_1391 = arith.constant 1 : i32
          %get3A_1392 = arith.index_cast %get3A_1391 : i32 to index
          %get3A_1393 = arith.index_cast %add3A_1276 : i32 to index
          %get3A_1394 = arith.constant 48 : index
          %get3A_1395 = tpu.vector_load %arg9[%get3A_1392, %get3A_1393, %get3A_1394] {strides = array<i32>} : memref<2x200x64xf32, #tpu.memory_space<vmem>>, vector<1x1x16xf32>,
          %get3A_1396 = vector.shape_cast %get3A_1395 : vector<1x1x16xf32> to vector<16xf32>
          %add3A_1397 = arith.addf %get3A_1396, %get3A_1376 : vector<16xf32>
          %swap3A_1398 = arith.constant 1 : i32
          %swap3A_1399 = arith.index_cast %swap3A_1398 : i32 to index
          %swap3A_1400 = arith.index_cast %add3A_1276 : i32 to index
          %swap3A_1401 = arith.constant 48 : index
          %swap3A_1402 = tpu.vector_load %arg9[%swap3A_1399, %swap3A_1400, %swap3A_1401] {strides = array<i32>} : memref<2x200x64xf32, #tpu.memory_space<vmem>>, vector<1x1x16xf32>,
          %swap3A_1403 = vector.shape_cast %swap3A_1402 : vector<1x1x16xf32> to vector<16xf32>
          %swap3A_1404 = vector.shape_cast %add3A_1397 : vector<16xf32> to vector<1x1x16xf32>
          tpu.vector_store %arg9[%swap3A_1399, %swap3A_1400, %swap3A_1401], %swap3A_1404 {strides = array<i32>} : memref<2x200x64xf32, #tpu.memory_space<vmem>>, vector<1x1x16xf32>,
        }
        %scan3A_310 = arith.constant 50 : i32
        %sub3A_311 = arith.constant 1 : i32
        %sub3A_312 = arith.subi %add3A_146, %sub3A_311 : i32
        %mul3A_313 = arith.constant 25600 : i32
        %mul3A_314 = arith.muli %add3A, %mul3A_313 : i32
        %mul3A_315 = arith.constant 400 : i32
        %mul3A_316 = arith.muli %sub3A_312, %mul3A_315 : i32
        %add3A_317 = arith.addi %mul3A_314, %mul3A_316 : i32
        %jit3A_318 = arith.constant 200 : i32
        %div3A_319 = arith.divsi %add3A_317, %jit3A_318 : i32
        %sign3A_320 = arith.constant 0 : i32
        %sign3A_321 = arith.cmpi sgt, %add3A_317, %sign3A_320 : i32
        %sign3A_322 = arith.extui %sign3A_321 : i1 to i32
        %sign3A_323 = arith.constant 0 : i32
        %sign3A_324 = arith.cmpi slt, %add3A_317, %sign3A_323 : i32
        %sign3A_325 = arith.extui %sign3A_324 : i1 to i32
        %sign3A_326 = arith.subi %sign3A_322, %sign3A_325 : i32
        %sign3A_327 = arith.constant 0 : i32
        %sign3A_328 = arith.cmpi sgt, %jit3A_318, %sign3A_327 : i32
        %sign3A_329 = arith.extui %sign3A_328 : i1 to i32
        %sign3A_330 = arith.constant 0 : i32
        %sign3A_331 = arith.cmpi slt, %jit3A_318, %sign3A_330 : i32
        %sign3A_332 = arith.extui %sign3A_331 : i1 to i32
        %sign3A_333 = arith.subi %sign3A_329, %sign3A_332 : i32
        %ne3A_334 = arith.cmpi ne, %sign3A_326, %sign3A_333 : i32
        %rem3A_335 = arith.remsi %add3A_317, %jit3A_318 : i32
        %ne3A_336 = arith.constant 0 : i32
        %ne3A_337 = arith.cmpi ne, %rem3A_335, %ne3A_336 : i32
        %and3A_338 = arith.andi %ne3A_334, %ne3A_337 : i1
        %sub3A_339 = arith.constant 1 : i32
        %sub3A_340 = arith.subi %div3A_319, %sub3A_339 : i32
        %select_n3A_341 = arith.select %and3A_338, %sub3A_340, %div3A_319 : i32
        %dma_start3A_342 = arith.constant 0 : i32
        %dma_start3A_343 = arith.constant 0 : i32
        %dma_start3A_344 = tpu.memref_slice %arg5[%select_n3A_341, %dma_start3A_342, %dma_start3A_343] : memref<4096x200x64xf32, #tpu.memory_space<hbm>> -> memref<2x200x64xf32, #tpu.memory_space<hbm>>
        %dma_start3A_345 = arith.constant 0 : i32
        %dma_start3A_346 = arith.constant 0 : i32
        %dma_start3A_347 = tpu.memref_slice %arg5[%select_n3A_341, %dma_start3A_345, %dma_start3A_346] : memref<4096x200x64xf32, #tpu.memory_space<hbm>> -> memref<2x200x64xf32, #tpu.memory_space<hbm>>
        tpu.enqueue_dma source(%arg9 : memref<2x200x64xf32, #tpu.memory_space<vmem>>) target(%dma_start3A_347 : memref<2x200x64xf32, #tpu.memory_space<hbm>>) target_semaphore(%arg16 : memref<!tpu.dma_semaphore, #tpu.memory_space<semaphore_mem>>)
      } else {
      }
      %mul3A_222 = arith.constant 2 : i32
      %mul3A_223 = arith.muli %scan3A_142, %mul3A_222 : i32
      %add3A_224 = arith.constant 1 : i32
      %add3A_225 = arith.addi %mul3A_223, %add3A_224 : i32
      %mul3A_226 = arith.constant 256 : i32
      %mul3A_227 = arith.muli %add3A, %mul3A_226 : i32
      %mul3A_228 = arith.constant 4 : i32
      %mul3A_229 = arith.muli %add3A_225, %mul3A_228 : i32
      %add3A_230 = arith.addi %mul3A_227, %mul3A_229 : i32
      %dma_wait3A_231 = arith.constant 0 : i32
      %dma_wait3A_232 = tpu.memref_slice %arg3[%add3A_230, %dma_wait3A_231] : memref<8192x100xi32, #tpu.memory_space<hbm>> -> memref<4x100xi32, #tpu.memory_space<hbm>>
      %dma_wait3A_233 = arith.constant 0 : i32
      %dma_wait3A_234 = tpu.memref_slice %arg3[%add3A_230, %dma_wait3A_233] : memref<8192x100xi32, #tpu.memory_space<hbm>> -> memref<4x100xi32, #tpu.memory_space<hbm>>
      tpu.wait_dma2 semaphore(%arg12 : memref<!tpu.dma_semaphore, #tpu.memory_space<semaphore_mem>>) src(%dma_wait3A_234 : memref<4x100xi32, #tpu.memory_space<hbm>>) dst(%arg7 : memref<4x100xi32, #tpu.memory_space<vmem>>)
      %ge3A_235 = arith.constant 2 : i32
      %ge3A_236 = arith.cmpi sge, %add3A_225, %ge3A_235 : i32
      %convert_element_type3A_237 = arith.extui %ge3A_236 : i1 to i32
      %cond3A_238 = arith.constant 0 : i32
      %cond3A_239 = arith.cmpi ne, %convert_element_type3A_237, %cond3A_238 : i32
      scf.if %cond3A_239 {
        %sub3A_305 = arith.constant 2 : i32
        %sub3A_306 = arith.subi %add3A_225, %sub3A_305 : i32
        %mul3A_307 = arith.constant 25600 : i32
        %mul3A_308 = arith.muli %add3A, %mul3A_307 : i32
        %mul3A_309 = arith.constant 400 : i32
        %mul3A_310 = arith.muli %sub3A_306, %mul3A_309 : i32
        %add3A_311 = arith.addi %mul3A_308, %mul3A_310 : i32
        %jit3A_312 = arith.constant 200 : i32
        %div3A_313 = arith.divsi %add3A_311, %jit3A_312 : i32
        %sign3A_314 = arith.constant 0 : i32
        %sign3A_315 = arith.cmpi sgt, %add3A_311, %sign3A_314 : i32
        %sign3A_316 = arith.extui %sign3A_315 : i1 to i32
        %sign3A_317 = arith.constant 0 : i32
        %sign3A_318 = arith.cmpi slt, %add3A_311, %sign3A_317 : i32
        %sign3A_319 = arith.extui %sign3A_318 : i1 to i32
        %sign3A_320 = arith.subi %sign3A_316, %sign3A_319 : i32
        %sign3A_321 = arith.constant 0 : i32
        %sign3A_322 = arith.cmpi sgt, %jit3A_312, %sign3A_321 : i32
        %sign3A_323 = arith.extui %sign3A_322 : i1 to i32
        %sign3A_324 = arith.constant 0 : i32
        %sign3A_325 = arith.cmpi slt, %jit3A_312, %sign3A_324 : i32
        %sign3A_326 = arith.extui %sign3A_325 : i1 to i32
        %sign3A_327 = arith.subi %sign3A_323, %sign3A_326 : i32
        %ne3A_328 = arith.cmpi ne, %sign3A_320, %sign3A_327 : i32
        %rem3A_329 = arith.remsi %add3A_311, %jit3A_312 : i32
        %ne3A_330 = arith.constant 0 : i32
        %ne3A_331 = arith.cmpi ne, %rem3A_329, %ne3A_330 : i32
        %and3A_332 = arith.andi %ne3A_328, %ne3A_331 : i1
        %sub3A_333 = arith.constant 1 : i32
        %sub3A_334 = arith.subi %div3A_313, %sub3A_333 : i32
        %select_n3A_335 = arith.select %and3A_332, %sub3A_334, %div3A_313 : i32
        %dma_wait3A_336 = arith.constant 0 : i32
        %dma_wait3A_337 = arith.constant 0 : i32
        %dma_wait3A_338 = tpu.memref_slice %arg5[%select_n3A_335, %dma_wait3A_336, %dma_wait3A_337] : memref<4096x200x64xf32, #tpu.memory_space<hbm>> -> memref<2x200x64xf32, #tpu.memory_space<hbm>>
        %dma_wait3A_339 = arith.constant 0 : i32
        %dma_wait3A_340 = arith.constant 0 : i32
        %dma_wait3A_341 = tpu.memref_slice %arg5[%select_n3A_335, %dma_wait3A_339, %dma_wait3A_340] : memref<4096x200x64xf32, #tpu.memory_space<hbm>> -> memref<2x200x64xf32, #tpu.memory_space<hbm>>
        tpu.wait_dma2 semaphore(%arg16 : memref<!tpu.dma_semaphore, #tpu.memory_space<semaphore_mem>>) src(%arg9 : memref<2x200x64xf32, #tpu.memory_space<vmem>>) dst(%dma_wait3A_341 : memref<2x200x64xf32, #tpu.memory_space<hbm>>)
      } else {
      }
      %dma_start3A_240 = arith.constant 0 : i32
      %dma_start3A_241 = arith.constant 0 : i32
      %dma_start3A_242 = arith.constant 0 : i32
      %dma_start3A_243 = arith.constant 0 : i32
      %dma_start3A_244 = tpu.memref_slice %arg9[%dma_start3A_241, %dma_start3A_242, %dma_start3A_243] : memref<2x200x64xf32, #tpu.memory_space<vmem>> -> memref<1x100x64xf32, #tpu.memory_space<vmem>>
      %dma_start3A_245 = tpu.memref_squeeze %dma_start3A_244 : memref<1x100x64xf32, #tpu.memory_space<vmem>> -> memref<100x64xf32, #tpu.memory_space<vmem>>
      %dma_start3A_246 = arith.constant 0 : i32
      %dma_start3A_247 = tpu.memref_slice %arg7[%dma_start3A_240, %dma_start3A_246] : memref<4x100xi32, #tpu.memory_space<vmem>> -> memref<1x100xi32, #tpu.memory_space<vmem>>
      %dma_start3A_248 = tpu.memref_squeeze %dma_start3A_247 : memref<1x100xi32, #tpu.memory_space<vmem>> -> memref<100xi32, #tpu.memory_space<vmem>>
      %dma_start3A_249 = arith.constant 0 : i32
      %dma_start3A_250 = arith.constant 0 : i32
      %dma_start3A_251 = tpu.memref_slice %arg2[%dma_start3A_249, %dma_start3A_250] : memref<1000000x64xf32, #tpu.memory_space<hbm>> -> memref<1000000x64xf32, #tpu.memory_space<hbm>>
      tpu.enqueue_indirect_dma source(%dma_start3A_251 : memref<1000000x64xf32, #tpu.memory_space<hbm>>) target(%dma_start3A_245 : memref<100x64xf32, #tpu.memory_space<vmem>>) offsets(%dma_start3A_248 : memref<100xi32, #tpu.memory_space<vmem>>) semaphore(%arg14 : memref<!tpu.dma_semaphore, #tpu.memory_space<semaphore_mem>>)
      %dma_start3A_252 = arith.constant 1 : i32
      %dma_start3A_253 = arith.constant 0 : i32
      %dma_start3A_254 = arith.constant 100 : i32
      %dma_start3A_255 = arith.constant 0 : i32
      %dma_start3A_256 = tpu.memref_slice %arg9[%dma_start3A_253, %dma_start3A_254, %dma_start3A_255] : memref<2x200x64xf32, #tpu.memory_space<vmem>> -> memref<1x100x64xf32, #tpu.memory_space<vmem>>
      %dma_start3A_257 = tpu.memref_squeeze %dma_start3A_256 : memref<1x100x64xf32, #tpu.memory_space<vmem>> -> memref<100x64xf32, #tpu.memory_space<vmem>>
      %dma_start3A_258 = arith.constant 0 : i32
      %dma_start3A_259 = tpu.memref_slice %arg7[%dma_start3A_252, %dma_start3A_258] : memref<4x100xi32, #tpu.memory_space<vmem>> -> memref<1x100xi32, #tpu.memory_space<vmem>>
      %dma_start3A_260 = tpu.memref_squeeze %dma_start3A_259 : memref<1x100xi32, #tpu.memory_space<vmem>> -> memref<100xi32, #tpu.memory_space<vmem>>
      %dma_start3A_261 = arith.constant 0 : i32
      %dma_start3A_262 = arith.constant 0 : i32
      %dma_start3A_263 = tpu.memref_slice %arg2[%dma_start3A_261, %dma_start3A_262] : memref<1000000x64xf32, #tpu.memory_space<hbm>> -> memref<1000000x64xf32, #tpu.memory_space<hbm>>
      tpu.enqueue_indirect_dma source(%dma_start3A_263 : memref<1000000x64xf32, #tpu.memory_space<hbm>>) target(%dma_start3A_257 : memref<100x64xf32, #tpu.memory_space<vmem>>) offsets(%dma_start3A_260 : memref<100xi32, #tpu.memory_space<vmem>>) semaphore(%arg14 : memref<!tpu.dma_semaphore, #tpu.memory_space<semaphore_mem>>)
      %dma_start3A_264 = arith.constant 2 : i32
      %dma_start3A_265 = arith.constant 1 : i32
      %dma_start3A_266 = arith.constant 0 : i32
      %dma_start3A_267 = arith.constant 0 : i32
      %dma_start3A_268 = tpu.memref_slice %arg9[%dma_start3A_265, %dma_start3A_266, %dma_start3A_267] : memref<2x200x64xf32, #tpu.memory_space<vmem>> -> memref<1x100x64xf32, #tpu.memory_space<vmem>>
      %dma_start3A_269 = tpu.memref_squeeze %dma_start3A_268 : memref<1x100x64xf32, #tpu.memory_space<vmem>> -> memref<100x64xf32, #tpu.memory_space<vmem>>
      %dma_start3A_270 = arith.constant 0 : i32
      %dma_start3A_271 = tpu.memref_slice %arg7[%dma_start3A_264, %dma_start3A_270] : memref<4x100xi32, #tpu.memory_space<vmem>> -> memref<1x100xi32, #tpu.memory_space<vmem>>
      %dma_start3A_272 = tpu.memref_squeeze %dma_start3A_271 : memref<1x100xi32, #tpu.memory_space<vmem>> -> memref<100xi32, #tpu.memory_space<vmem>>
      %dma_start3A_273 = arith.constant 0 : i32
      %dma_start3A_274 = arith.constant 0 : i32
      %dma_start3A_275 = tpu.memref_slice %arg2[%dma_start3A_273, %dma_start3A_274] : memref<1000000x64xf32, #tpu.memory_space<hbm>> -> memref<1000000x64xf32, #tpu.memory_space<hbm>>
      tpu.enqueue_indirect_dma source(%dma_start3A_275 : memref<1000000x64xf32, #tpu.memory_space<hbm>>) target(%dma_start3A_269 : memref<100x64xf32, #tpu.memory_space<vmem>>) offsets(%dma_start3A_272 : memref<100xi32, #tpu.memory_space<vmem>>) semaphore(%arg14 : memref<!tpu.dma_semaphore, #tpu.memory_space<semaphore_mem>>)
      %dma_start3A_276 = arith.constant 3 : i32
      %dma_start3A_277 = arith.constant 1 : i32
      %dma_start3A_278 = arith.constant 100 : i32
      %dma_start3A_279 = arith.constant 0 : i32
      %dma_start3A_280 = tpu.memref_slice %arg9[%dma_start3A_277, %dma_start3A_278, %dma_start3A_279] : memref<2x200x64xf32, #tpu.memory_space<vmem>> -> memref<1x100x64xf32, #tpu.memory_space<vmem>>
      %dma_start3A_281 = tpu.memref_squeeze %dma_start3A_280 : memref<1x100x64xf32, #tpu.memory_space<vmem>> -> memref<100x64xf32, #tpu.memory_space<vmem>>
      %dma_start3A_282 = arith.constant 0 : i32
      %dma_start3A_283 = tpu.memref_slice %arg7[%dma_start3A_276, %dma_start3A_282] : memref<4x100xi32, #tpu.memory_space<vmem>> -> memref<1x100xi32, #tpu.memory_space<vmem>>
      %dma_start3A_284 = tpu.memref_squeeze %dma_start3A_283 : memref<1x100xi32, #tpu.memory_space<vmem>> -> memref<100xi32, #tpu.memory_space<vmem>>
      %dma_start3A_285 = arith.constant 0 : i32
      %dma_start3A_286 = arith.constant 0 : i32
      %dma_start3A_287 = tpu.memref_slice %arg2[%dma_start3A_285, %dma_start3A_286] : memref<1000000x64xf32, #tpu.memory_space<hbm>> -> memref<1000000x64xf32, #tpu.memory_space<hbm>>
      tpu.enqueue_indirect_dma source(%dma_start3A_287 : memref<1000000x64xf32, #tpu.memory_space<hbm>>) target(%dma_start3A_281 : memref<100x64xf32, #tpu.memory_space<vmem>>) offsets(%dma_start3A_284 : memref<100xi32, #tpu.memory_space<vmem>>) semaphore(%arg14 : memref<!tpu.dma_semaphore, #tpu.memory_space<semaphore_mem>>)
      %ge3A_288 = arith.constant 1 : i32
      %ge3A_289 = arith.cmpi sge, %add3A_225, %ge3A_288 : i32
      %convert_element_type3A_290 = arith.extui %ge3A_289 : i1 to i32
      %cond3A_291 = arith.constant 0 : i32
      %cond3A_292 = arith.cmpi ne, %convert_element_type3A_290, %cond3A_291 : i32
      scf.if %cond3A_292 {
        %dma_wait3A_305 = arith.constant 0 : i32
        %dma_wait3A_306 = arith.constant 0 : i32
        %dma_wait3A_307 = arith.constant 0 : i32
        %dma_wait3A_308 = tpu.memref_slice %arg8[%dma_wait3A_305, %dma_wait3A_306, %dma_wait3A_307] : memref<2x200x64xf32, #tpu.memory_space<vmem>> -> memref<1x200x64xf32, #tpu.memory_space<vmem>>
        %dma_wait3A_309 = tpu.memref_squeeze %dma_wait3A_308 : memref<1x200x64xf32, #tpu.memory_space<vmem>> -> memref<200x64xf32, #tpu.memory_space<vmem>>
        %dma_wait3A_310 = arith.constant 0 : i32
        %dma_wait3A_311 = arith.constant 0 : i32
        %dma_wait3A_312 = tpu.memref_slice %arg2[%dma_wait3A_310, %dma_wait3A_311] : memref<1000000x64xf32, #tpu.memory_space<hbm>> -> memref<200x64xf32, #tpu.memory_space<hbm>>
        %dma_wait3A_313 = arith.constant 0 : i32
        %dma_wait3A_314 = arith.constant 0 : i32
        %dma_wait3A_315 = tpu.memref_slice %arg8[%dma_wait3A_305, %dma_wait3A_313, %dma_wait3A_314] : memref<2x200x64xf32, #tpu.memory_space<vmem>> -> memref<1x200x64xf32, #tpu.memory_space<vmem>>
        %dma_wait3A_316 = tpu.memref_squeeze %dma_wait3A_315 : memref<1x200x64xf32, #tpu.memory_space<vmem>> -> memref<200x64xf32, #tpu.memory_space<vmem>>
        %dma_wait3A_317 = arith.constant 0 : i32
        %dma_wait3A_318 = arith.constant 0 : i32
        %dma_wait3A_319 = tpu.memref_slice %arg2[%dma_wait3A_317, %dma_wait3A_318] : memref<1000000x64xf32, #tpu.memory_space<hbm>> -> memref<200x64xf32, #tpu.memory_space<hbm>>
        tpu.wait_dma2 semaphore(%arg13 : memref<!tpu.dma_semaphore, #tpu.memory_space<semaphore_mem>>) src(%dma_wait3A_319 : memref<200x64xf32, #tpu.memory_space<hbm>>) dst(%dma_wait3A_316 : memref<200x64xf32, #tpu.memory_space<vmem>>)
        %dma_wait3A_320 = arith.constant 1 : i32
        %dma_wait3A_321 = arith.constant 0 : i32
        %dma_wait3A_322 = arith.constant 0 : i32
        %dma_wait3A_323 = tpu.memref_slice %arg8[%dma_wait3A_320, %dma_wait3A_321, %dma_wait3A_322] : memref<2x200x64xf32, #tpu.memory_space<vmem>> -> memref<1x200x64xf32, #tpu.memory_space<vmem>>
        %dma_wait3A_324 = tpu.memref_squeeze %dma_wait3A_323 : memref<1x200x64xf32, #tpu.memory_space<vmem>> -> memref<200x64xf32, #tpu.memory_space<vmem>>
        %dma_wait3A_325 = arith.constant 0 : i32
        %dma_wait3A_326 = arith.constant 0 : i32
        %dma_wait3A_327 = tpu.memref_slice %arg2[%dma_wait3A_325, %dma_wait3A_326] : memref<1000000x64xf32, #tpu.memory_space<hbm>> -> memref<200x64xf32, #tpu.memory_space<hbm>>
        %dma_wait3A_328 = arith.constant 0 : i32
        %dma_wait3A_329 = arith.constant 0 : i32
        %dma_wait3A_330 = tpu.memref_slice %arg8[%dma_wait3A_320, %dma_wait3A_328, %dma_wait3A_329] : memref<2x200x64xf32, #tpu.memory_space<vmem>> -> memref<1x200x64xf32, #tpu.memory_space<vmem>>
        %dma_wait3A_331 = tpu.memref_squeeze %dma_wait3A_330 : memref<1x200x64xf32, #tpu.memory_space<vmem>> -> memref<200x64xf32, #tpu.memory_space<vmem>>
        %dma_wait3A_332 = arith.constant 0 : i32
        %dma_wait3A_333 = arith.constant 0 : i32
        %dma_wait3A_334 = tpu.memref_slice %arg2[%dma_wait3A_332, %dma_wait3A_333] : memref<1000000x64xf32, #tpu.memory_space<hbm>> -> memref<200x64xf32, #tpu.memory_space<hbm>>
        tpu.wait_dma2 semaphore(%arg13 : memref<!tpu.dma_semaphore, #tpu.memory_space<semaphore_mem>>) src(%dma_wait3A_334 : memref<200x64xf32, #tpu.memory_space<hbm>>) dst(%dma_wait3A_331 : memref<200x64xf32, #tpu.memory_space<vmem>>)
      } else {
      }
      %add3A_293 = arith.constant 1 : i32
      %add3A_294 = arith.addi %add3A_225, %add3A_293 : i32
      %lt3A_295 = arith.constant 64 : i32
      %lt3A_296 = arith.cmpi slt, %add3A_294, %lt3A_295 : i32
      %convert_element_type3A_297 = arith.extui %lt3A_296 : i1 to i32
      %cond3A_298 = arith.constant 0 : i32
      %cond3A_299 = arith.cmpi ne, %convert_element_type3A_297, %cond3A_298 : i32
      scf.if %cond3A_299 {
        %add3A_305 = arith.constant 1 : i32
        %add3A_306 = arith.addi %add3A_225, %add3A_305 : i32
        %mul3A_307 = arith.constant 256 : i32
        %mul3A_308 = arith.muli %add3A, %mul3A_307 : i32
        %mul3A_309 = arith.constant 4 : i32
        %mul3A_310 = arith.muli %add3A_306, %mul3A_309 : i32
        %add3A_311 = arith.addi %mul3A_308, %mul3A_310 : i32
        %dma_start3A_312 = arith.constant 0 : i32
        %dma_start3A_313 = tpu.memref_slice %arg3[%add3A_311, %dma_start3A_312] : memref<8192x100xi32, #tpu.memory_space<hbm>> -> memref<4x100xi32, #tpu.memory_space<hbm>>
        %dma_start3A_314 = arith.constant 0 : i32
        %dma_start3A_315 = tpu.memref_slice %arg3[%add3A_311, %dma_start3A_314] : memref<8192x100xi32, #tpu.memory_space<hbm>> -> memref<4x100xi32, #tpu.memory_space<hbm>>
        tpu.enqueue_dma source(%dma_start3A_315 : memref<4x100xi32, #tpu.memory_space<hbm>>) target(%arg6 : memref<4x100xi32, #tpu.memory_space<vmem>>) target_semaphore(%arg11 : memref<!tpu.dma_semaphore, #tpu.memory_space<semaphore_mem>>)
      } else {
      }
      %ge3A_300 = arith.constant 1 : i32
      %ge3A_301 = arith.cmpi sge, %add3A_225, %ge3A_300 : i32
      %convert_element_type3A_302 = arith.extui %ge3A_301 : i1 to i32
      %cond3A_303 = arith.constant 0 : i32
      %cond3A_304 = arith.cmpi ne, %convert_element_type3A_302, %cond3A_303 : i32
      scf.if %cond3A_304 {
        %scan3A_305 = arith.constant 0 : i32
        %scan3A_306 = arith.constant 0 : i32
        %scan3A_307 = arith.constant 50 : i32
        %scan3A_308 = arith.addi %scan3A_306, %scan3A_307 : i32
        %scan3A_309 = arith.constant 2 : i32
        scf.for %scan3A_348 = %scan3A_306 to %scan3A_308 step %scan3A_309  : i32 {
          %mul3A_349 = arith.constant 4 : i32
          %mul3A_350 = arith.muli %scan3A_348, %mul3A_349 : i32
          %add3A_351 = arith.constant 0 : i32
          %add3A_352 = arith.addi %mul3A_350, %add3A_351 : i32
          %get3A = arith.index_cast %add3A_352 : i32 to index
          %get3A_353 = arith.constant 0 : index
          %get3A_354 = tpu.vector_load %arg10[%get3A, %get3A_353] {strides = array<i32>} : memref<200x64xf32, #tpu.memory_space<vmem>>, vector<1x16xf32>,
          %get3A_355 = vector.shape_cast %get3A_354 : vector<1x16xf32> to vector<16xf32>
          %get3A_356 = arith.constant 0 : i32
          %get3A_357 = arith.index_cast %get3A_356 : i32 to index
          %get3A_358 = arith.index_cast %add3A_352 : i32 to index
          %get3A_359 = arith.constant 0 : index
          %get3A_360 = tpu.vector_load %arg8[%get3A_357, %get3A_358, %get3A_359] {strides = array<i32>} : memref<2x200x64xf32, #tpu.memory_space<vmem>>, vector<1x1x16xf32>,
          %get3A_361 = vector.shape_cast %get3A_360 : vector<1x1x16xf32> to vector<16xf32>
          %add3A_362 = arith.addf %get3A_361, %get3A_355 : vector<16xf32>
          %swap3A = arith.constant 0 : i32
          %swap3A_363 = arith.index_cast %swap3A : i32 to index
          %swap3A_364 = arith.index_cast %add3A_352 : i32 to index
          %swap3A_365 = arith.constant 0 : index
          %swap3A_366 = tpu.vector_load %arg8[%swap3A_363, %swap3A_364, %swap3A_365] {strides = array<i32>} : memref<2x200x64xf32, #tpu.memory_space<vmem>>, vector<1x1x16xf32>,
          %swap3A_367 = vector.shape_cast %swap3A_366 : vector<1x1x16xf32> to vector<16xf32>
          %swap3A_368 = vector.shape_cast %add3A_362 : vector<16xf32> to vector<1x1x16xf32>
          tpu.vector_store %arg8[%swap3A_363, %swap3A_364, %swap3A_365], %swap3A_368 {strides = array<i32>} : memref<2x200x64xf32, #tpu.memory_space<vmem>>, vector<1x1x16xf32>,
          %get3A_369 = arith.constant 1 : i32
          %get3A_370 = arith.index_cast %get3A_369 : i32 to index
          %get3A_371 = arith.index_cast %add3A_352 : i32 to index
          %get3A_372 = arith.constant 0 : index
          %get3A_373 = tpu.vector_load %arg8[%get3A_370, %get3A_371, %get3A_372] {strides = array<i32>} : memref<2x200x64xf32, #tpu.memory_space<vmem>>, vector<1x1x16xf32>,
          %get3A_374 = vector.shape_cast %get3A_373 : vector<1x1x16xf32> to vector<16xf32>
          %add3A_375 = arith.addf %get3A_374, %get3A_355 : vector<16xf32>
          %swap3A_376 = arith.constant 1 : i32
          %swap3A_377 = arith.index_cast %swap3A_376 : i32 to index
          %swap3A_378 = arith.index_cast %add3A_352 : i32 to index
          %swap3A_379 = arith.constant 0 : index
          %swap3A_380 = tpu.vector_load %arg8[%swap3A_377, %swap3A_378, %swap3A_379] {strides = array<i32>} : memref<2x200x64xf32, #tpu.memory_space<vmem>>, vector<1x1x16xf32>,
          %swap3A_381 = vector.shape_cast %swap3A_380 : vector<1x1x16xf32> to vector<16xf32>
          %swap3A_382 = vector.shape_cast %add3A_375 : vector<16xf32> to vector<1x1x16xf32>
          tpu.vector_store %arg8[%swap3A_377, %swap3A_378, %swap3A_379], %swap3A_382 {strides = array<i32>} : memref<2x200x64xf32, #tpu.memory_space<vmem>>, vector<1x1x16xf32>,
          %get3A_383 = arith.index_cast %add3A_352 : i32 to index
          %get3A_384 = arith.constant 16 : index
          %get3A_385 = tpu.vector_load %arg10[%get3A_383, %get3A_384] {strides = array<i32>} : memref<200x64xf32, #tpu.memory_space<vmem>>, vector<1x16xf32>,
          %get3A_386 = vector.shape_cast %get3A_385 : vector<1x16xf32> to vector<16xf32>
          %get3A_387 = arith.constant 0 : i32
          %get3A_388 = arith.index_cast %get3A_387 : i32 to index
          %get3A_389 = arith.index_cast %add3A_352 : i32 to index
          %get3A_390 = arith.constant 16 : index
          %get3A_391 = tpu.vector_load %arg8[%get3A_388, %get3A_389, %get3A_390] {strides = array<i32>} : memref<2x200x64xf32, #tpu.memory_space<vmem>>, vector<1x1x16xf32>,
          %get3A_392 = vector.shape_cast %get3A_391 : vector<1x1x16xf32> to vector<16xf32>
          %add3A_393 = arith.addf %get3A_392, %get3A_386 : vector<16xf32>
          %swap3A_394 = arith.constant 0 : i32
          %swap3A_395 = arith.index_cast %swap3A_394 : i32 to index
          %swap3A_396 = arith.index_cast %add3A_352 : i32 to index
          %swap3A_397 = arith.constant 16 : index
          %swap3A_398 = tpu.vector_load %arg8[%swap3A_395, %swap3A_396, %swap3A_397] {strides = array<i32>} : memref<2x200x64xf32, #tpu.memory_space<vmem>>, vector<1x1x16xf32>,
          %swap3A_399 = vector.shape_cast %swap3A_398 : vector<1x1x16xf32> to vector<16xf32>
          %swap3A_400 = vector.shape_cast %add3A_393 : vector<16xf32> to vector<1x1x16xf32>
          tpu.vector_store %arg8[%swap3A_395, %swap3A_396, %swap3A_397], %swap3A_400 {strides = array<i32>} : memref<2x200x64xf32, #tpu.memory_space<vmem>>, vector<1x1x16xf32>,
          %get3A_401 = arith.constant 1 : i32
          %get3A_402 = arith.index_cast %get3A_401 : i32 to index
          %get3A_403 = arith.index_cast %add3A_352 : i32 to index
          %get3A_404 = arith.constant 16 : index
          %get3A_405 = tpu.vector_load %arg8[%get3A_402, %get3A_403, %get3A_404] {strides = array<i32>} : memref<2x200x64xf32, #tpu.memory_space<vmem>>, vector<1x1x16xf32>,
          %get3A_406 = vector.shape_cast %get3A_405 : vector<1x1x16xf32> to vector<16xf32>
          %add3A_407 = arith.addf %get3A_406, %get3A_386 : vector<16xf32>
          %swap3A_408 = arith.constant 1 : i32
          %swap3A_409 = arith.index_cast %swap3A_408 : i32 to index
          %swap3A_410 = arith.index_cast %add3A_352 : i32 to index
          %swap3A_411 = arith.constant 16 : index
          %swap3A_412 = tpu.vector_load %arg8[%swap3A_409, %swap3A_410, %swap3A_411] {strides = array<i32>} : memref<2x200x64xf32, #tpu.memory_space<vmem>>, vector<1x1x16xf32>,
          %swap3A_413 = vector.shape_cast %swap3A_412 : vector<1x1x16xf32> to vector<16xf32>
          %swap3A_414 = vector.shape_cast %add3A_407 : vector<16xf32> to vector<1x1x16xf32>
          tpu.vector_store %arg8[%swap3A_409, %swap3A_410, %swap3A_411], %swap3A_414 {strides = array<i32>} : memref<2x200x64xf32, #tpu.memory_space<vmem>>, vector<1x1x16xf32>,
          %get3A_415 = arith.index_cast %add3A_352 : i32 to index
          %get3A_416 = arith.constant 32 : index
          %get3A_417 = tpu.vector_load %arg10[%get3A_415, %get3A_416] {strides = array<i32>} : memref<200x64xf32, #tpu.memory_space<vmem>>, vector<1x16xf32>,
          %get3A_418 = vector.shape_cast %get3A_417 : vector<1x16xf32> to vector<16xf32>
          %get3A_419 = arith.constant 0 : i32
          %get3A_420 = arith.index_cast %get3A_419 : i32 to index
          %get3A_421 = arith.index_cast %add3A_352 : i32 to index
          %get3A_422 = arith.constant 32 : index
          %get3A_423 = tpu.vector_load %arg8[%get3A_420, %get3A_421, %get3A_422] {strides = array<i32>} : memref<2x200x64xf32, #tpu.memory_space<vmem>>, vector<1x1x16xf32>,
          %get3A_424 = vector.shape_cast %get3A_423 : vector<1x1x16xf32> to vector<16xf32>
          %add3A_425 = arith.addf %get3A_424, %get3A_418 : vector<16xf32>
          %swap3A_426 = arith.constant 0 : i32
          %swap3A_427 = arith.index_cast %swap3A_426 : i32 to index
          %swap3A_428 = arith.index_cast %add3A_352 : i32 to index
          %swap3A_429 = arith.constant 32 : index
          %swap3A_430 = tpu.vector_load %arg8[%swap3A_427, %swap3A_428, %swap3A_429] {strides = array<i32>} : memref<2x200x64xf32, #tpu.memory_space<vmem>>, vector<1x1x16xf32>,
          %swap3A_431 = vector.shape_cast %swap3A_430 : vector<1x1x16xf32> to vector<16xf32>
          %swap3A_432 = vector.shape_cast %add3A_425 : vector<16xf32> to vector<1x1x16xf32>
          tpu.vector_store %arg8[%swap3A_427, %swap3A_428, %swap3A_429], %swap3A_432 {strides = array<i32>} : memref<2x200x64xf32, #tpu.memory_space<vmem>>, vector<1x1x16xf32>,
          %get3A_433 = arith.constant 1 : i32
          %get3A_434 = arith.index_cast %get3A_433 : i32 to index
          %get3A_435 = arith.index_cast %add3A_352 : i32 to index
          %get3A_436 = arith.constant 32 : index
          %get3A_437 = tpu.vector_load %arg8[%get3A_434, %get3A_435, %get3A_436] {strides = array<i32>} : memref<2x200x64xf32, #tpu.memory_space<vmem>>, vector<1x1x16xf32>,
          %get3A_438 = vector.shape_cast %get3A_437 : vector<1x1x16xf32> to vector<16xf32>
          %add3A_439 = arith.addf %get3A_438, %get3A_418 : vector<16xf32>
          %swap3A_440 = arith.constant 1 : i32
          %swap3A_441 = arith.index_cast %swap3A_440 : i32 to index
          %swap3A_442 = arith.index_cast %add3A_352 : i32 to index
          %swap3A_443 = arith.constant 32 : index
          %swap3A_444 = tpu.vector_load %arg8[%swap3A_441, %swap3A_442, %swap3A_443] {strides = array<i32>} : memref<2x200x64xf32, #tpu.memory_space<vmem>>, vector<1x1x16xf32>,
          %swap3A_445 = vector.shape_cast %swap3A_444 : vector<1x1x16xf32> to vector<16xf32>
          %swap3A_446 = vector.shape_cast %add3A_439 : vector<16xf32> to vector<1x1x16xf32>
          tpu.vector_store %arg8[%swap3A_441, %swap3A_442, %swap3A_443], %swap3A_446 {strides = array<i32>} : memref<2x200x64xf32, #tpu.memory_space<vmem>>, vector<1x1x16xf32>,
          %get3A_447 = arith.index_cast %add3A_352 : i32 to index
          %get3A_448 = arith.constant 48 : index
          %get3A_449 = tpu.vector_load %arg10[%get3A_447, %get3A_448] {strides = array<i32>} : memref<200x64xf32, #tpu.memory_space<vmem>>, vector<1x16xf32>,
          %get3A_450 = vector.shape_cast %get3A_449 : vector<1x16xf32> to vector<16xf32>
          %get3A_451 = arith.constant 0 : i32
          %get3A_452 = arith.index_cast %get3A_451 : i32 to index
          %get3A_453 = arith.index_cast %add3A_352 : i32 to index
          %get3A_454 = arith.constant 48 : index
          %get3A_455 = tpu.vector_load %arg8[%get3A_452, %get3A_453, %get3A_454] {strides = array<i32>} : memref<2x200x64xf32, #tpu.memory_space<vmem>>, vector<1x1x16xf32>,
          %get3A_456 = vector.shape_cast %get3A_455 : vector<1x1x16xf32> to vector<16xf32>
          %add3A_457 = arith.addf %get3A_456, %get3A_450 : vector<16xf32>
          %swap3A_458 = arith.constant 0 : i32
          %swap3A_459 = arith.index_cast %swap3A_458 : i32 to index
          %swap3A_460 = arith.index_cast %add3A_352 : i32 to index
          %swap3A_461 = arith.constant 48 : index
          %swap3A_462 = tpu.vector_load %arg8[%swap3A_459, %swap3A_460, %swap3A_461] {strides = array<i32>} : memref<2x200x64xf32, #tpu.memory_space<vmem>>, vector<1x1x16xf32>,
          %swap3A_463 = vector.shape_cast %swap3A_462 : vector<1x1x16xf32> to vector<16xf32>
          %swap3A_464 = vector.shape_cast %add3A_457 : vector<16xf32> to vector<1x1x16xf32>
          tpu.vector_store %arg8[%swap3A_459, %swap3A_460, %swap3A_461], %swap3A_464 {strides = array<i32>} : memref<2x200x64xf32, #tpu.memory_space<vmem>>, vector<1x1x16xf32>,
          %get3A_465 = arith.constant 1 : i32
          %get3A_466 = arith.index_cast %get3A_465 : i32 to index
          %get3A_467 = arith.index_cast %add3A_352 : i32 to index
          %get3A_468 = arith.constant 48 : index
          %get3A_469 = tpu.vector_load %arg8[%get3A_466, %get3A_467, %get3A_468] {strides = array<i32>} : memref<2x200x64xf32, #tpu.memory_space<vmem>>, vector<1x1x16xf32>,
          %get3A_470 = vector.shape_cast %get3A_469 : vector<1x1x16xf32> to vector<16xf32>
          %add3A_471 = arith.addf %get3A_470, %get3A_450 : vector<16xf32>
          %swap3A_472 = arith.constant 1 : i32
          %swap3A_473 = arith.index_cast %swap3A_472 : i32 to index
          %swap3A_474 = arith.index_cast %add3A_352 : i32 to index
          %swap3A_475 = arith.constant 48 : index
          %swap3A_476 = tpu.vector_load %arg8[%swap3A_473, %swap3A_474, %swap3A_475] {strides = array<i32>} : memref<2x200x64xf32, #tpu.memory_space<vmem>>, vector<1x1x16xf32>,
          %swap3A_477 = vector.shape_cast %swap3A_476 : vector<1x1x16xf32> to vector<16xf32>
          %swap3A_478 = vector.shape_cast %add3A_471 : vector<16xf32> to vector<1x1x16xf32>
          tpu.vector_store %arg8[%swap3A_473, %swap3A_474, %swap3A_475], %swap3A_478 {strides = array<i32>} : memref<2x200x64xf32, #tpu.memory_space<vmem>>, vector<1x1x16xf32>,
          %mul3A_479 = arith.constant 4 : i32
          %mul3A_480 = arith.muli %scan3A_348, %mul3A_479 : i32
          %add3A_481 = arith.constant 1 : i32
          %add3A_482 = arith.addi %mul3A_480, %add3A_481 : i32
          %get3A_483 = arith.index_cast %add3A_482 : i32 to index
          %get3A_484 = arith.constant 0 : index
          %get3A_485 = tpu.vector_load %arg10[%get3A_483, %get3A_484] {strides = array<i32>} : memref<200x64xf32, #tpu.memory_space<vmem>>, vector<1x16xf32>,
          %get3A_486 = vector.shape_cast %get3A_485 : vector<1x16xf32> to vector<16xf32>
          %get3A_487 = arith.constant 0 : i32
          %get3A_488 = arith.index_cast %get3A_487 : i32 to index
          %get3A_489 = arith.index_cast %add3A_482 : i32 to index
          %get3A_490 = arith.constant 0 : index
          %get3A_491 = tpu.vector_load %arg8[%get3A_488, %get3A_489, %get3A_490] {strides = array<i32>} : memref<2x200x64xf32, #tpu.memory_space<vmem>>, vector<1x1x16xf32>,
          %get3A_492 = vector.shape_cast %get3A_491 : vector<1x1x16xf32> to vector<16xf32>
          %add3A_493 = arith.addf %get3A_492, %get3A_486 : vector<16xf32>
          %swap3A_494 = arith.constant 0 : i32
          %swap3A_495 = arith.index_cast %swap3A_494 : i32 to index
          %swap3A_496 = arith.index_cast %add3A_482 : i32 to index
          %swap3A_497 = arith.constant 0 : index
          %swap3A_498 = tpu.vector_load %arg8[%swap3A_495, %swap3A_496, %swap3A_497] {strides = array<i32>} : memref<2x200x64xf32, #tpu.memory_space<vmem>>, vector<1x1x16xf32>,
          %swap3A_499 = vector.shape_cast %swap3A_498 : vector<1x1x16xf32> to vector<16xf32>
          %swap3A_500 = vector.shape_cast %add3A_493 : vector<16xf32> to vector<1x1x16xf32>
          tpu.vector_store %arg8[%swap3A_495, %swap3A_496, %swap3A_497], %swap3A_500 {strides = array<i32>} : memref<2x200x64xf32, #tpu.memory_space<vmem>>, vector<1x1x16xf32>,
          %get3A_501 = arith.constant 1 : i32
          %get3A_502 = arith.index_cast %get3A_501 : i32 to index
          %get3A_503 = arith.index_cast %add3A_482 : i32 to index
          %get3A_504 = arith.constant 0 : index
          %get3A_505 = tpu.vector_load %arg8[%get3A_502, %get3A_503, %get3A_504] {strides = array<i32>} : memref<2x200x64xf32, #tpu.memory_space<vmem>>, vector<1x1x16xf32>,
          %get3A_506 = vector.shape_cast %get3A_505 : vector<1x1x16xf32> to vector<16xf32>
          %add3A_507 = arith.addf %get3A_506, %get3A_486 : vector<16xf32>
          %swap3A_508 = arith.constant 1 : i32
          %swap3A_509 = arith.index_cast %swap3A_508 : i32 to index
          %swap3A_510 = arith.index_cast %add3A_482 : i32 to index
          %swap3A_511 = arith.constant 0 : index
          %swap3A_512 = tpu.vector_load %arg8[%swap3A_509, %swap3A_510, %swap3A_511] {strides = array<i32>} : memref<2x200x64xf32, #tpu.memory_space<vmem>>, vector<1x1x16xf32>,
          %swap3A_513 = vector.shape_cast %swap3A_512 : vector<1x1x16xf32> to vector<16xf32>
          %swap3A_514 = vector.shape_cast %add3A_507 : vector<16xf32> to vector<1x1x16xf32>
          tpu.vector_store %arg8[%swap3A_509, %swap3A_510, %swap3A_511], %swap3A_514 {strides = array<i32>} : memref<2x200x64xf32, #tpu.memory_space<vmem>>, vector<1x1x16xf32>,
          %get3A_515 = arith.index_cast %add3A_482 : i32 to index
          %get3A_516 = arith.constant 16 : index
          %get3A_517 = tpu.vector_load %arg10[%get3A_515, %get3A_516] {strides = array<i32>} : memref<200x64xf32, #tpu.memory_space<vmem>>, vector<1x16xf32>,
          %get3A_518 = vector.shape_cast %get3A_517 : vector<1x16xf32> to vector<16xf32>
          %get3A_519 = arith.constant 0 : i32
          %get3A_520 = arith.index_cast %get3A_519 : i32 to index
          %get3A_521 = arith.index_cast %add3A_482 : i32 to index
          %get3A_522 = arith.constant 16 : index
          %get3A_523 = tpu.vector_load %arg8[%get3A_520, %get3A_521, %get3A_522] {strides = array<i32>} : memref<2x200x64xf32, #tpu.memory_space<vmem>>, vector<1x1x16xf32>,
          %get3A_524 = vector.shape_cast %get3A_523 : vector<1x1x16xf32> to vector<16xf32>
          %add3A_525 = arith.addf %get3A_524, %get3A_518 : vector<16xf32>
          %swap3A_526 = arith.constant 0 : i32
          %swap3A_527 = arith.index_cast %swap3A_526 : i32 to index
          %swap3A_528 = arith.index_cast %add3A_482 : i32 to index
          %swap3A_529 = arith.constant 16 : index
          %swap3A_530 = tpu.vector_load %arg8[%swap3A_527, %swap3A_528, %swap3A_529] {strides = array<i32>} : memref<2x200x64xf32, #tpu.memory_space<vmem>>, vector<1x1x16xf32>,
          %swap3A_531 = vector.shape_cast %swap3A_530 : vector<1x1x16xf32> to vector<16xf32>
          %swap3A_532 = vector.shape_cast %add3A_525 : vector<16xf32> to vector<1x1x16xf32>
          tpu.vector_store %arg8[%swap3A_527, %swap3A_528, %swap3A_529], %swap3A_532 {strides = array<i32>} : memref<2x200x64xf32, #tpu.memory_space<vmem>>, vector<1x1x16xf32>,
          %get3A_533 = arith.constant 1 : i32
          %get3A_534 = arith.index_cast %get3A_533 : i32 to index
          %get3A_535 = arith.index_cast %add3A_482 : i32 to index
          %get3A_536 = arith.constant 16 : index
          %get3A_537 = tpu.vector_load %arg8[%get3A_534, %get3A_535, %get3A_536] {strides = array<i32>} : memref<2x200x64xf32, #tpu.memory_space<vmem>>, vector<1x1x16xf32>,
          %get3A_538 = vector.shape_cast %get3A_537 : vector<1x1x16xf32> to vector<16xf32>
          %add3A_539 = arith.addf %get3A_538, %get3A_518 : vector<16xf32>
          %swap3A_540 = arith.constant 1 : i32
          %swap3A_541 = arith.index_cast %swap3A_540 : i32 to index
          %swap3A_542 = arith.index_cast %add3A_482 : i32 to index
          %swap3A_543 = arith.constant 16 : index
          %swap3A_544 = tpu.vector_load %arg8[%swap3A_541, %swap3A_542, %swap3A_543] {strides = array<i32>} : memref<2x200x64xf32, #tpu.memory_space<vmem>>, vector<1x1x16xf32>,
          %swap3A_545 = vector.shape_cast %swap3A_544 : vector<1x1x16xf32> to vector<16xf32>
          %swap3A_546 = vector.shape_cast %add3A_539 : vector<16xf32> to vector<1x1x16xf32>
          tpu.vector_store %arg8[%swap3A_541, %swap3A_542, %swap3A_543], %swap3A_546 {strides = array<i32>} : memref<2x200x64xf32, #tpu.memory_space<vmem>>, vector<1x1x16xf32>,
          %get3A_547 = arith.index_cast %add3A_482 : i32 to index
          %get3A_548 = arith.constant 32 : index
          %get3A_549 = tpu.vector_load %arg10[%get3A_547, %get3A_548] {strides = array<i32>} : memref<200x64xf32, #tpu.memory_space<vmem>>, vector<1x16xf32>,
          %get3A_550 = vector.shape_cast %get3A_549 : vector<1x16xf32> to vector<16xf32>
          %get3A_551 = arith.constant 0 : i32
          %get3A_552 = arith.index_cast %get3A_551 : i32 to index
          %get3A_553 = arith.index_cast %add3A_482 : i32 to index
          %get3A_554 = arith.constant 32 : index
          %get3A_555 = tpu.vector_load %arg8[%get3A_552, %get3A_553, %get3A_554] {strides = array<i32>} : memref<2x200x64xf32, #tpu.memory_space<vmem>>, vector<1x1x16xf32>,
          %get3A_556 = vector.shape_cast %get3A_555 : vector<1x1x16xf32> to vector<16xf32>
          %add3A_557 = arith.addf %get3A_556, %get3A_550 : vector<16xf32>
          %swap3A_558 = arith.constant 0 : i32
          %swap3A_559 = arith.index_cast %swap3A_558 : i32 to index
          %swap3A_560 = arith.index_cast %add3A_482 : i32 to index
          %swap3A_561 = arith.constant 32 : index
          %swap3A_562 = tpu.vector_load %arg8[%swap3A_559, %swap3A_560, %swap3A_561] {strides = array<i32>} : memref<2x200x64xf32, #tpu.memory_space<vmem>>, vector<1x1x16xf32>,
          %swap3A_563 = vector.shape_cast %swap3A_562 : vector<1x1x16xf32> to vector<16xf32>
          %swap3A_564 = vector.shape_cast %add3A_557 : vector<16xf32> to vector<1x1x16xf32>
          tpu.vector_store %arg8[%swap3A_559, %swap3A_560, %swap3A_561], %swap3A_564 {strides = array<i32>} : memref<2x200x64xf32, #tpu.memory_space<vmem>>, vector<1x1x16xf32>,
          %get3A_565 = arith.constant 1 : i32
          %get3A_566 = arith.index_cast %get3A_565 : i32 to index
          %get3A_567 = arith.index_cast %add3A_482 : i32 to index
          %get3A_568 = arith.constant 32 : index
          %get3A_569 = tpu.vector_load %arg8[%get3A_566, %get3A_567, %get3A_568] {strides = array<i32>} : memref<2x200x64xf32, #tpu.memory_space<vmem>>, vector<1x1x16xf32>,
          %get3A_570 = vector.shape_cast %get3A_569 : vector<1x1x16xf32> to vector<16xf32>
          %add3A_571 = arith.addf %get3A_570, %get3A_550 : vector<16xf32>
          %swap3A_572 = arith.constant 1 : i32
          %swap3A_573 = arith.index_cast %swap3A_572 : i32 to index
          %swap3A_574 = arith.index_cast %add3A_482 : i32 to index
          %swap3A_575 = arith.constant 32 : index
          %swap3A_576 = tpu.vector_load %arg8[%swap3A_573, %swap3A_574, %swap3A_575] {strides = array<i32>} : memref<2x200x64xf32, #tpu.memory_space<vmem>>, vector<1x1x16xf32>,
          %swap3A_577 = vector.shape_cast %swap3A_576 : vector<1x1x16xf32> to vector<16xf32>
          %swap3A_578 = vector.shape_cast %add3A_571 : vector<16xf32> to vector<1x1x16xf32>
          tpu.vector_store %arg8[%swap3A_573, %swap3A_574, %swap3A_575], %swap3A_578 {strides = array<i32>} : memref<2x200x64xf32, #tpu.memory_space<vmem>>, vector<1x1x16xf32>,
          %get3A_579 = arith.index_cast %add3A_482 : i32 to index
          %get3A_580 = arith.constant 48 : index
          %get3A_581 = tpu.vector_load %arg10[%get3A_579, %get3A_580] {strides = array<i32>} : memref<200x64xf32, #tpu.memory_space<vmem>>, vector<1x16xf32>,
          %get3A_582 = vector.shape_cast %get3A_581 : vector<1x16xf32> to vector<16xf32>
          %get3A_583 = arith.constant 0 : i32
          %get3A_584 = arith.index_cast %get3A_583 : i32 to index
          %get3A_585 = arith.index_cast %add3A_482 : i32 to index
          %get3A_586 = arith.constant 48 : index
          %get3A_587 = tpu.vector_load %arg8[%get3A_584, %get3A_585, %get3A_586] {strides = array<i32>} : memref<2x200x64xf32, #tpu.memory_space<vmem>>, vector<1x1x16xf32>,
          %get3A_588 = vector.shape_cast %get3A_587 : vector<1x1x16xf32> to vector<16xf32>
          %add3A_589 = arith.addf %get3A_588, %get3A_582 : vector<16xf32>
          %swap3A_590 = arith.constant 0 : i32
          %swap3A_591 = arith.index_cast %swap3A_590 : i32 to index
          %swap3A_592 = arith.index_cast %add3A_482 : i32 to index
          %swap3A_593 = arith.constant 48 : index
          %swap3A_594 = tpu.vector_load %arg8[%swap3A_591, %swap3A_592, %swap3A_593] {strides = array<i32>} : memref<2x200x64xf32, #tpu.memory_space<vmem>>, vector<1x1x16xf32>,
          %swap3A_595 = vector.shape_cast %swap3A_594 : vector<1x1x16xf32> to vector<16xf32>
          %swap3A_596 = vector.shape_cast %add3A_589 : vector<16xf32> to vector<1x1x16xf32>
          tpu.vector_store %arg8[%swap3A_591, %swap3A_592, %swap3A_593], %swap3A_596 {strides = array<i32>} : memref<2x200x64xf32, #tpu.memory_space<vmem>>, vector<1x1x16xf32>,
          %get3A_597 = arith.constant 1 : i32
          %get3A_598 = arith.index_cast %get3A_597 : i32 to index
          %get3A_599 = arith.index_cast %add3A_482 : i32 to index
          %get3A_600 = arith.constant 48 : index
          %get3A_601 = tpu.vector_load %arg8[%get3A_598, %get3A_599, %get3A_600] {strides = array<i32>} : memref<2x200x64xf32, #tpu.memory_space<vmem>>, vector<1x1x16xf32>,
          %get3A_602 = vector.shape_cast %get3A_601 : vector<1x1x16xf32> to vector<16xf32>
          %add3A_603 = arith.addf %get3A_602, %get3A_582 : vector<16xf32>
          %swap3A_604 = arith.constant 1 : i32
          %swap3A_605 = arith.index_cast %swap3A_604 : i32 to index
          %swap3A_606 = arith.index_cast %add3A_482 : i32 to index
          %swap3A_607 = arith.constant 48 : index
          %swap3A_608 = tpu.vector_load %arg8[%swap3A_605, %swap3A_606, %swap3A_607] {strides = array<i32>} : memref<2x200x64xf32, #tpu.memory_space<vmem>>, vector<1x1x16xf32>,
          %swap3A_609 = vector.shape_cast %swap3A_608 : vector<1x1x16xf32> to vector<16xf32>
          %swap3A_610 = vector.shape_cast %add3A_603 : vector<16xf32> to vector<1x1x16xf32>
          tpu.vector_store %arg8[%swap3A_605, %swap3A_606, %swap3A_607], %swap3A_610 {strides = array<i32>} : memref<2x200x64xf32, #tpu.memory_space<vmem>>, vector<1x1x16xf32>,
          %mul3A_611 = arith.constant 4 : i32
          %mul3A_612 = arith.muli %scan3A_348, %mul3A_611 : i32
          %add3A_613 = arith.constant 2 : i32
          %add3A_614 = arith.addi %mul3A_612, %add3A_613 : i32
          %get3A_615 = arith.index_cast %add3A_614 : i32 to index
          %get3A_616 = arith.constant 0 : index
          %get3A_617 = tpu.vector_load %arg10[%get3A_615, %get3A_616] {strides = array<i32>} : memref<200x64xf32, #tpu.memory_space<vmem>>, vector<1x16xf32>,
          %get3A_618 = vector.shape_cast %get3A_617 : vector<1x16xf32> to vector<16xf32>
          %get3A_619 = arith.constant 0 : i32
          %get3A_620 = arith.index_cast %get3A_619 : i32 to index
          %get3A_621 = arith.index_cast %add3A_614 : i32 to index
          %get3A_622 = arith.constant 0 : index
          %get3A_623 = tpu.vector_load %arg8[%get3A_620, %get3A_621, %get3A_622] {strides = array<i32>} : memref<2x200x64xf32, #tpu.memory_space<vmem>>, vector<1x1x16xf32>,
          %get3A_624 = vector.shape_cast %get3A_623 : vector<1x1x16xf32> to vector<16xf32>
          %add3A_625 = arith.addf %get3A_624, %get3A_618 : vector<16xf32>
          %swap3A_626 = arith.constant 0 : i32
          %swap3A_627 = arith.index_cast %swap3A_626 : i32 to index
          %swap3A_628 = arith.index_cast %add3A_614 : i32 to index
          %swap3A_629 = arith.constant 0 : index
          %swap3A_630 = tpu.vector_load %arg8[%swap3A_627, %swap3A_628, %swap3A_629] {strides = array<i32>} : memref<2x200x64xf32, #tpu.memory_space<vmem>>, vector<1x1x16xf32>,
          %swap3A_631 = vector.shape_cast %swap3A_630 : vector<1x1x16xf32> to vector<16xf32>
          %swap3A_632 = vector.shape_cast %add3A_625 : vector<16xf32> to vector<1x1x16xf32>
          tpu.vector_store %arg8[%swap3A_627, %swap3A_628, %swap3A_629], %swap3A_632 {strides = array<i32>} : memref<2x200x64xf32, #tpu.memory_space<vmem>>, vector<1x1x16xf32>,
          %get3A_633 = arith.constant 1 : i32
          %get3A_634 = arith.index_cast %get3A_633 : i32 to index
          %get3A_635 = arith.index_cast %add3A_614 : i32 to index
          %get3A_636 = arith.constant 0 : index
          %get3A_637 = tpu.vector_load %arg8[%get3A_634, %get3A_635, %get3A_636] {strides = array<i32>} : memref<2x200x64xf32, #tpu.memory_space<vmem>>, vector<1x1x16xf32>,
          %get3A_638 = vector.shape_cast %get3A_637 : vector<1x1x16xf32> to vector<16xf32>
          %add3A_639 = arith.addf %get3A_638, %get3A_618 : vector<16xf32>
          %swap3A_640 = arith.constant 1 : i32
          %swap3A_641 = arith.index_cast %swap3A_640 : i32 to index
          %swap3A_642 = arith.index_cast %add3A_614 : i32 to index
          %swap3A_643 = arith.constant 0 : index
          %swap3A_644 = tpu.vector_load %arg8[%swap3A_641, %swap3A_642, %swap3A_643] {strides = array<i32>} : memref<2x200x64xf32, #tpu.memory_space<vmem>>, vector<1x1x16xf32>,
          %swap3A_645 = vector.shape_cast %swap3A_644 : vector<1x1x16xf32> to vector<16xf32>
          %swap3A_646 = vector.shape_cast %add3A_639 : vector<16xf32> to vector<1x1x16xf32>
          tpu.vector_store %arg8[%swap3A_641, %swap3A_642, %swap3A_643], %swap3A_646 {strides = array<i32>} : memref<2x200x64xf32, #tpu.memory_space<vmem>>, vector<1x1x16xf32>,
          %get3A_647 = arith.index_cast %add3A_614 : i32 to index
          %get3A_648 = arith.constant 16 : index
          %get3A_649 = tpu.vector_load %arg10[%get3A_647, %get3A_648] {strides = array<i32>} : memref<200x64xf32, #tpu.memory_space<vmem>>, vector<1x16xf32>,
          %get3A_650 = vector.shape_cast %get3A_649 : vector<1x16xf32> to vector<16xf32>
          %get3A_651 = arith.constant 0 : i32
          %get3A_652 = arith.index_cast %get3A_651 : i32 to index
          %get3A_653 = arith.index_cast %add3A_614 : i32 to index
          %get3A_654 = arith.constant 16 : index
          %get3A_655 = tpu.vector_load %arg8[%get3A_652, %get3A_653, %get3A_654] {strides = array<i32>} : memref<2x200x64xf32, #tpu.memory_space<vmem>>, vector<1x1x16xf32>,
          %get3A_656 = vector.shape_cast %get3A_655 : vector<1x1x16xf32> to vector<16xf32>
          %add3A_657 = arith.addf %get3A_656, %get3A_650 : vector<16xf32>
          %swap3A_658 = arith.constant 0 : i32
          %swap3A_659 = arith.index_cast %swap3A_658 : i32 to index
          %swap3A_660 = arith.index_cast %add3A_614 : i32 to index
          %swap3A_661 = arith.constant 16 : index
          %swap3A_662 = tpu.vector_load %arg8[%swap3A_659, %swap3A_660, %swap3A_661] {strides = array<i32>} : memref<2x200x64xf32, #tpu.memory_space<vmem>>, vector<1x1x16xf32>,
          %swap3A_663 = vector.shape_cast %swap3A_662 : vector<1x1x16xf32> to vector<16xf32>
          %swap3A_664 = vector.shape_cast %add3A_657 : vector<16xf32> to vector<1x1x16xf32>
          tpu.vector_store %arg8[%swap3A_659, %swap3A_660, %swap3A_661], %swap3A_664 {strides = array<i32>} : memref<2x200x64xf32, #tpu.memory_space<vmem>>, vector<1x1x16xf32>,
          %get3A_665 = arith.constant 1 : i32
          %get3A_666 = arith.index_cast %get3A_665 : i32 to index
          %get3A_667 = arith.index_cast %add3A_614 : i32 to index
          %get3A_668 = arith.constant 16 : index
          %get3A_669 = tpu.vector_load %arg8[%get3A_666, %get3A_667, %get3A_668] {strides = array<i32>} : memref<2x200x64xf32, #tpu.memory_space<vmem>>, vector<1x1x16xf32>,
          %get3A_670 = vector.shape_cast %get3A_669 : vector<1x1x16xf32> to vector<16xf32>
          %add3A_671 = arith.addf %get3A_670, %get3A_650 : vector<16xf32>
          %swap3A_672 = arith.constant 1 : i32
          %swap3A_673 = arith.index_cast %swap3A_672 : i32 to index
          %swap3A_674 = arith.index_cast %add3A_614 : i32 to index
          %swap3A_675 = arith.constant 16 : index
          %swap3A_676 = tpu.vector_load %arg8[%swap3A_673, %swap3A_674, %swap3A_675] {strides = array<i32>} : memref<2x200x64xf32, #tpu.memory_space<vmem>>, vector<1x1x16xf32>,
          %swap3A_677 = vector.shape_cast %swap3A_676 : vector<1x1x16xf32> to vector<16xf32>
          %swap3A_678 = vector.shape_cast %add3A_671 : vector<16xf32> to vector<1x1x16xf32>
          tpu.vector_store %arg8[%swap3A_673, %swap3A_674, %swap3A_675], %swap3A_678 {strides = array<i32>} : memref<2x200x64xf32, #tpu.memory_space<vmem>>, vector<1x1x16xf32>,
          %get3A_679 = arith.index_cast %add3A_614 : i32 to index
          %get3A_680 = arith.constant 32 : index
          %get3A_681 = tpu.vector_load %arg10[%get3A_679, %get3A_680] {strides = array<i32>} : memref<200x64xf32, #tpu.memory_space<vmem>>, vector<1x16xf32>,
          %get3A_682 = vector.shape_cast %get3A_681 : vector<1x16xf32> to vector<16xf32>
          %get3A_683 = arith.constant 0 : i32
          %get3A_684 = arith.index_cast %get3A_683 : i32 to index
          %get3A_685 = arith.index_cast %add3A_614 : i32 to index
          %get3A_686 = arith.constant 32 : index
          %get3A_687 = tpu.vector_load %arg8[%get3A_684, %get3A_685, %get3A_686] {strides = array<i32>} : memref<2x200x64xf32, #tpu.memory_space<vmem>>, vector<1x1x16xf32>,
          %get3A_688 = vector.shape_cast %get3A_687 : vector<1x1x16xf32> to vector<16xf32>
          %add3A_689 = arith.addf %get3A_688, %get3A_682 : vector<16xf32>
          %swap3A_690 = arith.constant 0 : i32
          %swap3A_691 = arith.index_cast %swap3A_690 : i32 to index
          %swap3A_692 = arith.index_cast %add3A_614 : i32 to index
          %swap3A_693 = arith.constant 32 : index
          %swap3A_694 = tpu.vector_load %arg8[%swap3A_691, %swap3A_692, %swap3A_693] {strides = array<i32>} : memref<2x200x64xf32, #tpu.memory_space<vmem>>, vector<1x1x16xf32>,
          %swap3A_695 = vector.shape_cast %swap3A_694 : vector<1x1x16xf32> to vector<16xf32>
          %swap3A_696 = vector.shape_cast %add3A_689 : vector<16xf32> to vector<1x1x16xf32>
          tpu.vector_store %arg8[%swap3A_691, %swap3A_692, %swap3A_693], %swap3A_696 {strides = array<i32>} : memref<2x200x64xf32, #tpu.memory_space<vmem>>, vector<1x1x16xf32>,
          %get3A_697 = arith.constant 1 : i32
          %get3A_698 = arith.index_cast %get3A_697 : i32 to index
          %get3A_699 = arith.index_cast %add3A_614 : i32 to index
          %get3A_700 = arith.constant 32 : index
          %get3A_701 = tpu.vector_load %arg8[%get3A_698, %get3A_699, %get3A_700] {strides = array<i32>} : memref<2x200x64xf32, #tpu.memory_space<vmem>>, vector<1x1x16xf32>,
          %get3A_702 = vector.shape_cast %get3A_701 : vector<1x1x16xf32> to vector<16xf32>
          %add3A_703 = arith.addf %get3A_702, %get3A_682 : vector<16xf32>
          %swap3A_704 = arith.constant 1 : i32
          %swap3A_705 = arith.index_cast %swap3A_704 : i32 to index
          %swap3A_706 = arith.index_cast %add3A_614 : i32 to index
          %swap3A_707 = arith.constant 32 : index
          %swap3A_708 = tpu.vector_load %arg8[%swap3A_705, %swap3A_706, %swap3A_707] {strides = array<i32>} : memref<2x200x64xf32, #tpu.memory_space<vmem>>, vector<1x1x16xf32>,
          %swap3A_709 = vector.shape_cast %swap3A_708 : vector<1x1x16xf32> to vector<16xf32>
          %swap3A_710 = vector.shape_cast %add3A_703 : vector<16xf32> to vector<1x1x16xf32>
          tpu.vector_store %arg8[%swap3A_705, %swap3A_706, %swap3A_707], %swap3A_710 {strides = array<i32>} : memref<2x200x64xf32, #tpu.memory_space<vmem>>, vector<1x1x16xf32>,
          %get3A_711 = arith.index_cast %add3A_614 : i32 to index
          %get3A_712 = arith.constant 48 : index
          %get3A_713 = tpu.vector_load %arg10[%get3A_711, %get3A_712] {strides = array<i32>} : memref<200x64xf32, #tpu.memory_space<vmem>>, vector<1x16xf32>,
          %get3A_714 = vector.shape_cast %get3A_713 : vector<1x16xf32> to vector<16xf32>
          %get3A_715 = arith.constant 0 : i32
          %get3A_716 = arith.index_cast %get3A_715 : i32 to index
          %get3A_717 = arith.index_cast %add3A_614 : i32 to index
          %get3A_718 = arith.constant 48 : index
          %get3A_719 = tpu.vector_load %arg8[%get3A_716, %get3A_717, %get3A_718] {strides = array<i32>} : memref<2x200x64xf32, #tpu.memory_space<vmem>>, vector<1x1x16xf32>,
          %get3A_720 = vector.shape_cast %get3A_719 : vector<1x1x16xf32> to vector<16xf32>
          %add3A_721 = arith.addf %get3A_720, %get3A_714 : vector<16xf32>
          %swap3A_722 = arith.constant 0 : i32
          %swap3A_723 = arith.index_cast %swap3A_722 : i32 to index
          %swap3A_724 = arith.index_cast %add3A_614 : i32 to index
          %swap3A_725 = arith.constant 48 : index
          %swap3A_726 = tpu.vector_load %arg8[%swap3A_723, %swap3A_724, %swap3A_725] {strides = array<i32>} : memref<2x200x64xf32, #tpu.memory_space<vmem>>, vector<1x1x16xf32>,
          %swap3A_727 = vector.shape_cast %swap3A_726 : vector<1x1x16xf32> to vector<16xf32>
          %swap3A_728 = vector.shape_cast %add3A_721 : vector<16xf32> to vector<1x1x16xf32>
          tpu.vector_store %arg8[%swap3A_723, %swap3A_724, %swap3A_725], %swap3A_728 {strides = array<i32>} : memref<2x200x64xf32, #tpu.memory_space<vmem>>, vector<1x1x16xf32>,
          %get3A_729 = arith.constant 1 : i32
          %get3A_730 = arith.index_cast %get3A_729 : i32 to index
          %get3A_731 = arith.index_cast %add3A_614 : i32 to index
          %get3A_732 = arith.constant 48 : index
          %get3A_733 = tpu.vector_load %arg8[%get3A_730, %get3A_731, %get3A_732] {strides = array<i32>} : memref<2x200x64xf32, #tpu.memory_space<vmem>>, vector<1x1x16xf32>,
          %get3A_734 = vector.shape_cast %get3A_733 : vector<1x1x16xf32> to vector<16xf32>
          %add3A_735 = arith.addf %get3A_734, %get3A_714 : vector<16xf32>
          %swap3A_736 = arith.constant 1 : i32
          %swap3A_737 = arith.index_cast %swap3A_736 : i32 to index
          %swap3A_738 = arith.index_cast %add3A_614 : i32 to index
          %swap3A_739 = arith.constant 48 : index
          %swap3A_740 = tpu.vector_load %arg8[%swap3A_737, %swap3A_738, %swap3A_739] {strides = array<i32>} : memref<2x200x64xf32, #tpu.memory_space<vmem>>, vector<1x1x16xf32>,
          %swap3A_741 = vector.shape_cast %swap3A_740 : vector<1x1x16xf32> to vector<16xf32>
          %swap3A_742 = vector.shape_cast %add3A_735 : vector<16xf32> to vector<1x1x16xf32>
          tpu.vector_store %arg8[%swap3A_737, %swap3A_738, %swap3A_739], %swap3A_742 {strides = array<i32>} : memref<2x200x64xf32, #tpu.memory_space<vmem>>, vector<1x1x16xf32>,
          %mul3A_743 = arith.constant 4 : i32
          %mul3A_744 = arith.muli %scan3A_348, %mul3A_743 : i32
          %add3A_745 = arith.constant 3 : i32
          %add3A_746 = arith.addi %mul3A_744, %add3A_745 : i32
          %get3A_747 = arith.index_cast %add3A_746 : i32 to index
          %get3A_748 = arith.constant 0 : index
          %get3A_749 = tpu.vector_load %arg10[%get3A_747, %get3A_748] {strides = array<i32>} : memref<200x64xf32, #tpu.memory_space<vmem>>, vector<1x16xf32>,
          %get3A_750 = vector.shape_cast %get3A_749 : vector<1x16xf32> to vector<16xf32>
          %get3A_751 = arith.constant 0 : i32
          %get3A_752 = arith.index_cast %get3A_751 : i32 to index
          %get3A_753 = arith.index_cast %add3A_746 : i32 to index
          %get3A_754 = arith.constant 0 : index
          %get3A_755 = tpu.vector_load %arg8[%get3A_752, %get3A_753, %get3A_754] {strides = array<i32>} : memref<2x200x64xf32, #tpu.memory_space<vmem>>, vector<1x1x16xf32>,
          %get3A_756 = vector.shape_cast %get3A_755 : vector<1x1x16xf32> to vector<16xf32>
          %add3A_757 = arith.addf %get3A_756, %get3A_750 : vector<16xf32>
          %swap3A_758 = arith.constant 0 : i32
          %swap3A_759 = arith.index_cast %swap3A_758 : i32 to index
          %swap3A_760 = arith.index_cast %add3A_746 : i32 to index
          %swap3A_761 = arith.constant 0 : index
          %swap3A_762 = tpu.vector_load %arg8[%swap3A_759, %swap3A_760, %swap3A_761] {strides = array<i32>} : memref<2x200x64xf32, #tpu.memory_space<vmem>>, vector<1x1x16xf32>,
          %swap3A_763 = vector.shape_cast %swap3A_762 : vector<1x1x16xf32> to vector<16xf32>
          %swap3A_764 = vector.shape_cast %add3A_757 : vector<16xf32> to vector<1x1x16xf32>
          tpu.vector_store %arg8[%swap3A_759, %swap3A_760, %swap3A_761], %swap3A_764 {strides = array<i32>} : memref<2x200x64xf32, #tpu.memory_space<vmem>>, vector<1x1x16xf32>,
          %get3A_765 = arith.constant 1 : i32
          %get3A_766 = arith.index_cast %get3A_765 : i32 to index
          %get3A_767 = arith.index_cast %add3A_746 : i32 to index
          %get3A_768 = arith.constant 0 : index
          %get3A_769 = tpu.vector_load %arg8[%get3A_766, %get3A_767, %get3A_768] {strides = array<i32>} : memref<2x200x64xf32, #tpu.memory_space<vmem>>, vector<1x1x16xf32>,
          %get3A_770 = vector.shape_cast %get3A_769 : vector<1x1x16xf32> to vector<16xf32>
          %add3A_771 = arith.addf %get3A_770, %get3A_750 : vector<16xf32>
          %swap3A_772 = arith.constant 1 : i32
          %swap3A_773 = arith.index_cast %swap3A_772 : i32 to index
          %swap3A_774 = arith.index_cast %add3A_746 : i32 to index
          %swap3A_775 = arith.constant 0 : index
          %swap3A_776 = tpu.vector_load %arg8[%swap3A_773, %swap3A_774, %swap3A_775] {strides = array<i32>} : memref<2x200x64xf32, #tpu.memory_space<vmem>>, vector<1x1x16xf32>,
          %swap3A_777 = vector.shape_cast %swap3A_776 : vector<1x1x16xf32> to vector<16xf32>
          %swap3A_778 = vector.shape_cast %add3A_771 : vector<16xf32> to vector<1x1x16xf32>
          tpu.vector_store %arg8[%swap3A_773, %swap3A_774, %swap3A_775], %swap3A_778 {strides = array<i32>} : memref<2x200x64xf32, #tpu.memory_space<vmem>>, vector<1x1x16xf32>,
          %get3A_779 = arith.index_cast %add3A_746 : i32 to index
          %get3A_780 = arith.constant 16 : index
          %get3A_781 = tpu.vector_load %arg10[%get3A_779, %get3A_780] {strides = array<i32>} : memref<200x64xf32, #tpu.memory_space<vmem>>, vector<1x16xf32>,
          %get3A_782 = vector.shape_cast %get3A_781 : vector<1x16xf32> to vector<16xf32>
          %get3A_783 = arith.constant 0 : i32
          %get3A_784 = arith.index_cast %get3A_783 : i32 to index
          %get3A_785 = arith.index_cast %add3A_746 : i32 to index
          %get3A_786 = arith.constant 16 : index
          %get3A_787 = tpu.vector_load %arg8[%get3A_784, %get3A_785, %get3A_786] {strides = array<i32>} : memref<2x200x64xf32, #tpu.memory_space<vmem>>, vector<1x1x16xf32>,
          %get3A_788 = vector.shape_cast %get3A_787 : vector<1x1x16xf32> to vector<16xf32>
          %add3A_789 = arith.addf %get3A_788, %get3A_782 : vector<16xf32>
          %swap3A_790 = arith.constant 0 : i32
          %swap3A_791 = arith.index_cast %swap3A_790 : i32 to index
          %swap3A_792 = arith.index_cast %add3A_746 : i32 to index
          %swap3A_793 = arith.constant 16 : index
          %swap3A_794 = tpu.vector_load %arg8[%swap3A_791, %swap3A_792, %swap3A_793] {strides = array<i32>} : memref<2x200x64xf32, #tpu.memory_space<vmem>>, vector<1x1x16xf32>,
          %swap3A_795 = vector.shape_cast %swap3A_794 : vector<1x1x16xf32> to vector<16xf32>
          %swap3A_796 = vector.shape_cast %add3A_789 : vector<16xf32> to vector<1x1x16xf32>
          tpu.vector_store %arg8[%swap3A_791, %swap3A_792, %swap3A_793], %swap3A_796 {strides = array<i32>} : memref<2x200x64xf32, #tpu.memory_space<vmem>>, vector<1x1x16xf32>,
          %get3A_797 = arith.constant 1 : i32
          %get3A_798 = arith.index_cast %get3A_797 : i32 to index
          %get3A_799 = arith.index_cast %add3A_746 : i32 to index
          %get3A_800 = arith.constant 16 : index
          %get3A_801 = tpu.vector_load %arg8[%get3A_798, %get3A_799, %get3A_800] {strides = array<i32>} : memref<2x200x64xf32, #tpu.memory_space<vmem>>, vector<1x1x16xf32>,
          %get3A_802 = vector.shape_cast %get3A_801 : vector<1x1x16xf32> to vector<16xf32>
          %add3A_803 = arith.addf %get3A_802, %get3A_782 : vector<16xf32>
          %swap3A_804 = arith.constant 1 : i32
          %swap3A_805 = arith.index_cast %swap3A_804 : i32 to index
          %swap3A_806 = arith.index_cast %add3A_746 : i32 to index
          %swap3A_807 = arith.constant 16 : index
          %swap3A_808 = tpu.vector_load %arg8[%swap3A_805, %swap3A_806, %swap3A_807] {strides = array<i32>} : memref<2x200x64xf32, #tpu.memory_space<vmem>>, vector<1x1x16xf32>,
          %swap3A_809 = vector.shape_cast %swap3A_808 : vector<1x1x16xf32> to vector<16xf32>
          %swap3A_810 = vector.shape_cast %add3A_803 : vector<16xf32> to vector<1x1x16xf32>
          tpu.vector_store %arg8[%swap3A_805, %swap3A_806, %swap3A_807], %swap3A_810 {strides = array<i32>} : memref<2x200x64xf32, #tpu.memory_space<vmem>>, vector<1x1x16xf32>,
          %get3A_811 = arith.index_cast %add3A_746 : i32 to index
          %get3A_812 = arith.constant 32 : index
          %get3A_813 = tpu.vector_load %arg10[%get3A_811, %get3A_812] {strides = array<i32>} : memref<200x64xf32, #tpu.memory_space<vmem>>, vector<1x16xf32>,
          %get3A_814 = vector.shape_cast %get3A_813 : vector<1x16xf32> to vector<16xf32>
          %get3A_815 = arith.constant 0 : i32
          %get3A_816 = arith.index_cast %get3A_815 : i32 to index
          %get3A_817 = arith.index_cast %add3A_746 : i32 to index
          %get3A_818 = arith.constant 32 : index
          %get3A_819 = tpu.vector_load %arg8[%get3A_816, %get3A_817, %get3A_818] {strides = array<i32>} : memref<2x200x64xf32, #tpu.memory_space<vmem>>, vector<1x1x16xf32>,
          %get3A_820 = vector.shape_cast %get3A_819 : vector<1x1x16xf32> to vector<16xf32>
          %add3A_821 = arith.addf %get3A_820, %get3A_814 : vector<16xf32>
          %swap3A_822 = arith.constant 0 : i32
          %swap3A_823 = arith.index_cast %swap3A_822 : i32 to index
          %swap3A_824 = arith.index_cast %add3A_746 : i32 to index
          %swap3A_825 = arith.constant 32 : index
          %swap3A_826 = tpu.vector_load %arg8[%swap3A_823, %swap3A_824, %swap3A_825] {strides = array<i32>} : memref<2x200x64xf32, #tpu.memory_space<vmem>>, vector<1x1x16xf32>,
          %swap3A_827 = vector.shape_cast %swap3A_826 : vector<1x1x16xf32> to vector<16xf32>
          %swap3A_828 = vector.shape_cast %add3A_821 : vector<16xf32> to vector<1x1x16xf32>
          tpu.vector_store %arg8[%swap3A_823, %swap3A_824, %swap3A_825], %swap3A_828 {strides = array<i32>} : memref<2x200x64xf32, #tpu.memory_space<vmem>>, vector<1x1x16xf32>,
          %get3A_829 = arith.constant 1 : i32
          %get3A_830 = arith.index_cast %get3A_829 : i32 to index
          %get3A_831 = arith.index_cast %add3A_746 : i32 to index
          %get3A_832 = arith.constant 32 : index
          %get3A_833 = tpu.vector_load %arg8[%get3A_830, %get3A_831, %get3A_832] {strides = array<i32>} : memref<2x200x64xf32, #tpu.memory_space<vmem>>, vector<1x1x16xf32>,
          %get3A_834 = vector.shape_cast %get3A_833 : vector<1x1x16xf32> to vector<16xf32>
          %add3A_835 = arith.addf %get3A_834, %get3A_814 : vector<16xf32>
          %swap3A_836 = arith.constant 1 : i32
          %swap3A_837 = arith.index_cast %swap3A_836 : i32 to index
          %swap3A_838 = arith.index_cast %add3A_746 : i32 to index
          %swap3A_839 = arith.constant 32 : index
          %swap3A_840 = tpu.vector_load %arg8[%swap3A_837, %swap3A_838, %swap3A_839] {strides = array<i32>} : memref<2x200x64xf32, #tpu.memory_space<vmem>>, vector<1x1x16xf32>,
          %swap3A_841 = vector.shape_cast %swap3A_840 : vector<1x1x16xf32> to vector<16xf32>
          %swap3A_842 = vector.shape_cast %add3A_835 : vector<16xf32> to vector<1x1x16xf32>
          tpu.vector_store %arg8[%swap3A_837, %swap3A_838, %swap3A_839], %swap3A_842 {strides = array<i32>} : memref<2x200x64xf32, #tpu.memory_space<vmem>>, vector<1x1x16xf32>,
          %get3A_843 = arith.index_cast %add3A_746 : i32 to index
          %get3A_844 = arith.constant 48 : index
          %get3A_845 = tpu.vector_load %arg10[%get3A_843, %get3A_844] {strides = array<i32>} : memref<200x64xf32, #tpu.memory_space<vmem>>, vector<1x16xf32>,
          %get3A_846 = vector.shape_cast %get3A_845 : vector<1x16xf32> to vector<16xf32>
          %get3A_847 = arith.constant 0 : i32
          %get3A_848 = arith.index_cast %get3A_847 : i32 to index
          %get3A_849 = arith.index_cast %add3A_746 : i32 to index
          %get3A_850 = arith.constant 48 : index
          %get3A_851 = tpu.vector_load %arg8[%get3A_848, %get3A_849, %get3A_850] {strides = array<i32>} : memref<2x200x64xf32, #tpu.memory_space<vmem>>, vector<1x1x16xf32>,
          %get3A_852 = vector.shape_cast %get3A_851 : vector<1x1x16xf32> to vector<16xf32>
          %add3A_853 = arith.addf %get3A_852, %get3A_846 : vector<16xf32>
          %swap3A_854 = arith.constant 0 : i32
          %swap3A_855 = arith.index_cast %swap3A_854 : i32 to index
          %swap3A_856 = arith.index_cast %add3A_746 : i32 to index
          %swap3A_857 = arith.constant 48 : index
          %swap3A_858 = tpu.vector_load %arg8[%swap3A_855, %swap3A_856, %swap3A_857] {strides = array<i32>} : memref<2x200x64xf32, #tpu.memory_space<vmem>>, vector<1x1x16xf32>,
          %swap3A_859 = vector.shape_cast %swap3A_858 : vector<1x1x16xf32> to vector<16xf32>
          %swap3A_860 = vector.shape_cast %add3A_853 : vector<16xf32> to vector<1x1x16xf32>
          tpu.vector_store %arg8[%swap3A_855, %swap3A_856, %swap3A_857], %swap3A_860 {strides = array<i32>} : memref<2x200x64xf32, #tpu.memory_space<vmem>>, vector<1x1x16xf32>,
          %get3A_861 = arith.constant 1 : i32
          %get3A_862 = arith.index_cast %get3A_861 : i32 to index
          %get3A_863 = arith.index_cast %add3A_746 : i32 to index
          %get3A_864 = arith.constant 48 : index
          %get3A_865 = tpu.vector_load %arg8[%get3A_862, %get3A_863, %get3A_864] {strides = array<i32>} : memref<2x200x64xf32, #tpu.memory_space<vmem>>, vector<1x1x16xf32>,
          %get3A_866 = vector.shape_cast %get3A_865 : vector<1x1x16xf32> to vector<16xf32>
          %add3A_867 = arith.addf %get3A_866, %get3A_846 : vector<16xf32>
          %swap3A_868 = arith.constant 1 : i32
          %swap3A_869 = arith.index_cast %swap3A_868 : i32 to index
          %swap3A_870 = arith.index_cast %add3A_746 : i32 to index
          %swap3A_871 = arith.constant 48 : index
          %swap3A_872 = tpu.vector_load %arg8[%swap3A_869, %swap3A_870, %swap3A_871] {strides = array<i32>} : memref<2x200x64xf32, #tpu.memory_space<vmem>>, vector<1x1x16xf32>,
          %swap3A_873 = vector.shape_cast %swap3A_872 : vector<1x1x16xf32> to vector<16xf32>
          %swap3A_874 = vector.shape_cast %add3A_867 : vector<16xf32> to vector<1x1x16xf32>
          tpu.vector_store %arg8[%swap3A_869, %swap3A_870, %swap3A_871], %swap3A_874 {strides = array<i32>} : memref<2x200x64xf32, #tpu.memory_space<vmem>>, vector<1x1x16xf32>,
          %scan3A_875 = arith.constant 1 : i32
          %scan3A_876 = arith.addi %scan3A_348, %scan3A_875 : i32
          %mul3A_877 = arith.constant 4 : i32
          %mul3A_878 = arith.muli %scan3A_876, %mul3A_877 : i32
          %add3A_879 = arith.constant 0 : i32
          %add3A_880 = arith.addi %mul3A_878, %add3A_879 : i32
          %get3A_881 = arith.index_cast %add3A_880 : i32 to index
          %get3A_882 = arith.constant 0 : index
          %get3A_883 = tpu.vector_load %arg10[%get3A_881, %get3A_882] {strides = array<i32>} : memref<200x64xf32, #tpu.memory_space<vmem>>, vector<1x16xf32>,
          %get3A_884 = vector.shape_cast %get3A_883 : vector<1x16xf32> to vector<16xf32>
          %get3A_885 = arith.constant 0 : i32
          %get3A_886 = arith.index_cast %get3A_885 : i32 to index
          %get3A_887 = arith.index_cast %add3A_880 : i32 to index
          %get3A_888 = arith.constant 0 : index
          %get3A_889 = tpu.vector_load %arg8[%get3A_886, %get3A_887, %get3A_888] {strides = array<i32>} : memref<2x200x64xf32, #tpu.memory_space<vmem>>, vector<1x1x16xf32>,
          %get3A_890 = vector.shape_cast %get3A_889 : vector<1x1x16xf32> to vector<16xf32>
          %add3A_891 = arith.addf %get3A_890, %get3A_884 : vector<16xf32>
          %swap3A_892 = arith.constant 0 : i32
          %swap3A_893 = arith.index_cast %swap3A_892 : i32 to index
          %swap3A_894 = arith.index_cast %add3A_880 : i32 to index
          %swap3A_895 = arith.constant 0 : index
          %swap3A_896 = tpu.vector_load %arg8[%swap3A_893, %swap3A_894, %swap3A_895] {strides = array<i32>} : memref<2x200x64xf32, #tpu.memory_space<vmem>>, vector<1x1x16xf32>,
          %swap3A_897 = vector.shape_cast %swap3A_896 : vector<1x1x16xf32> to vector<16xf32>
          %swap3A_898 = vector.shape_cast %add3A_891 : vector<16xf32> to vector<1x1x16xf32>
          tpu.vector_store %arg8[%swap3A_893, %swap3A_894, %swap3A_895], %swap3A_898 {strides = array<i32>} : memref<2x200x64xf32, #tpu.memory_space<vmem>>, vector<1x1x16xf32>,
          %get3A_899 = arith.constant 1 : i32
          %get3A_900 = arith.index_cast %get3A_899 : i32 to index
          %get3A_901 = arith.index_cast %add3A_880 : i32 to index
          %get3A_902 = arith.constant 0 : index
          %get3A_903 = tpu.vector_load %arg8[%get3A_900, %get3A_901, %get3A_902] {strides = array<i32>} : memref<2x200x64xf32, #tpu.memory_space<vmem>>, vector<1x1x16xf32>,
          %get3A_904 = vector.shape_cast %get3A_903 : vector<1x1x16xf32> to vector<16xf32>
          %add3A_905 = arith.addf %get3A_904, %get3A_884 : vector<16xf32>
          %swap3A_906 = arith.constant 1 : i32
          %swap3A_907 = arith.index_cast %swap3A_906 : i32 to index
          %swap3A_908 = arith.index_cast %add3A_880 : i32 to index
          %swap3A_909 = arith.constant 0 : index
          %swap3A_910 = tpu.vector_load %arg8[%swap3A_907, %swap3A_908, %swap3A_909] {strides = array<i32>} : memref<2x200x64xf32, #tpu.memory_space<vmem>>, vector<1x1x16xf32>,
          %swap3A_911 = vector.shape_cast %swap3A_910 : vector<1x1x16xf32> to vector<16xf32>
          %swap3A_912 = vector.shape_cast %add3A_905 : vector<16xf32> to vector<1x1x16xf32>
          tpu.vector_store %arg8[%swap3A_907, %swap3A_908, %swap3A_909], %swap3A_912 {strides = array<i32>} : memref<2x200x64xf32, #tpu.memory_space<vmem>>, vector<1x1x16xf32>,
          %get3A_913 = arith.index_cast %add3A_880 : i32 to index
          %get3A_914 = arith.constant 16 : index
          %get3A_915 = tpu.vector_load %arg10[%get3A_913, %get3A_914] {strides = array<i32>} : memref<200x64xf32, #tpu.memory_space<vmem>>, vector<1x16xf32>,
          %get3A_916 = vector.shape_cast %get3A_915 : vector<1x16xf32> to vector<16xf32>
          %get3A_917 = arith.constant 0 : i32
          %get3A_918 = arith.index_cast %get3A_917 : i32 to index
          %get3A_919 = arith.index_cast %add3A_880 : i32 to index
          %get3A_920 = arith.constant 16 : index
          %get3A_921 = tpu.vector_load %arg8[%get3A_918, %get3A_919, %get3A_920] {strides = array<i32>} : memref<2x200x64xf32, #tpu.memory_space<vmem>>, vector<1x1x16xf32>,
          %get3A_922 = vector.shape_cast %get3A_921 : vector<1x1x16xf32> to vector<16xf32>
          %add3A_923 = arith.addf %get3A_922, %get3A_916 : vector<16xf32>
          %swap3A_924 = arith.constant 0 : i32
          %swap3A_925 = arith.index_cast %swap3A_924 : i32 to index
          %swap3A_926 = arith.index_cast %add3A_880 : i32 to index
          %swap3A_927 = arith.constant 16 : index
          %swap3A_928 = tpu.vector_load %arg8[%swap3A_925, %swap3A_926, %swap3A_927] {strides = array<i32>} : memref<2x200x64xf32, #tpu.memory_space<vmem>>, vector<1x1x16xf32>,
          %swap3A_929 = vector.shape_cast %swap3A_928 : vector<1x1x16xf32> to vector<16xf32>
          %swap3A_930 = vector.shape_cast %add3A_923 : vector<16xf32> to vector<1x1x16xf32>
          tpu.vector_store %arg8[%swap3A_925, %swap3A_926, %swap3A_927], %swap3A_930 {strides = array<i32>} : memref<2x200x64xf32, #tpu.memory_space<vmem>>, vector<1x1x16xf32>,
          %get3A_931 = arith.constant 1 : i32
          %get3A_932 = arith.index_cast %get3A_931 : i32 to index
          %get3A_933 = arith.index_cast %add3A_880 : i32 to index
          %get3A_934 = arith.constant 16 : index
          %get3A_935 = tpu.vector_load %arg8[%get3A_932, %get3A_933, %get3A_934] {strides = array<i32>} : memref<2x200x64xf32, #tpu.memory_space<vmem>>, vector<1x1x16xf32>,
          %get3A_936 = vector.shape_cast %get3A_935 : vector<1x1x16xf32> to vector<16xf32>
          %add3A_937 = arith.addf %get3A_936, %get3A_916 : vector<16xf32>
          %swap3A_938 = arith.constant 1 : i32
          %swap3A_939 = arith.index_cast %swap3A_938 : i32 to index
          %swap3A_940 = arith.index_cast %add3A_880 : i32 to index
          %swap3A_941 = arith.constant 16 : index
          %swap3A_942 = tpu.vector_load %arg8[%swap3A_939, %swap3A_940, %swap3A_941] {strides = array<i32>} : memref<2x200x64xf32, #tpu.memory_space<vmem>>, vector<1x1x16xf32>,
          %swap3A_943 = vector.shape_cast %swap3A_942 : vector<1x1x16xf32> to vector<16xf32>
          %swap3A_944 = vector.shape_cast %add3A_937 : vector<16xf32> to vector<1x1x16xf32>
          tpu.vector_store %arg8[%swap3A_939, %swap3A_940, %swap3A_941], %swap3A_944 {strides = array<i32>} : memref<2x200x64xf32, #tpu.memory_space<vmem>>, vector<1x1x16xf32>,
          %get3A_945 = arith.index_cast %add3A_880 : i32 to index
          %get3A_946 = arith.constant 32 : index
          %get3A_947 = tpu.vector_load %arg10[%get3A_945, %get3A_946] {strides = array<i32>} : memref<200x64xf32, #tpu.memory_space<vmem>>, vector<1x16xf32>,
          %get3A_948 = vector.shape_cast %get3A_947 : vector<1x16xf32> to vector<16xf32>
          %get3A_949 = arith.constant 0 : i32
          %get3A_950 = arith.index_cast %get3A_949 : i32 to index
          %get3A_951 = arith.index_cast %add3A_880 : i32 to index
          %get3A_952 = arith.constant 32 : index
          %get3A_953 = tpu.vector_load %arg8[%get3A_950, %get3A_951, %get3A_952] {strides = array<i32>} : memref<2x200x64xf32, #tpu.memory_space<vmem>>, vector<1x1x16xf32>,
          %get3A_954 = vector.shape_cast %get3A_953 : vector<1x1x16xf32> to vector<16xf32>
          %add3A_955 = arith.addf %get3A_954, %get3A_948 : vector<16xf32>
          %swap3A_956 = arith.constant 0 : i32
          %swap3A_957 = arith.index_cast %swap3A_956 : i32 to index
          %swap3A_958 = arith.index_cast %add3A_880 : i32 to index
          %swap3A_959 = arith.constant 32 : index
          %swap3A_960 = tpu.vector_load %arg8[%swap3A_957, %swap3A_958, %swap3A_959] {strides = array<i32>} : memref<2x200x64xf32, #tpu.memory_space<vmem>>, vector<1x1x16xf32>,
          %swap3A_961 = vector.shape_cast %swap3A_960 : vector<1x1x16xf32> to vector<16xf32>
          %swap3A_962 = vector.shape_cast %add3A_955 : vector<16xf32> to vector<1x1x16xf32>
          tpu.vector_store %arg8[%swap3A_957, %swap3A_958, %swap3A_959], %swap3A_962 {strides = array<i32>} : memref<2x200x64xf32, #tpu.memory_space<vmem>>, vector<1x1x16xf32>,
          %get3A_963 = arith.constant 1 : i32
          %get3A_964 = arith.index_cast %get3A_963 : i32 to index
          %get3A_965 = arith.index_cast %add3A_880 : i32 to index
          %get3A_966 = arith.constant 32 : index
          %get3A_967 = tpu.vector_load %arg8[%get3A_964, %get3A_965, %get3A_966] {strides = array<i32>} : memref<2x200x64xf32, #tpu.memory_space<vmem>>, vector<1x1x16xf32>,
          %get3A_968 = vector.shape_cast %get3A_967 : vector<1x1x16xf32> to vector<16xf32>
          %add3A_969 = arith.addf %get3A_968, %get3A_948 : vector<16xf32>
          %swap3A_970 = arith.constant 1 : i32
          %swap3A_971 = arith.index_cast %swap3A_970 : i32 to index
          %swap3A_972 = arith.index_cast %add3A_880 : i32 to index
          %swap3A_973 = arith.constant 32 : index
          %swap3A_974 = tpu.vector_load %arg8[%swap3A_971, %swap3A_972, %swap3A_973] {strides = array<i32>} : memref<2x200x64xf32, #tpu.memory_space<vmem>>, vector<1x1x16xf32>,
          %swap3A_975 = vector.shape_cast %swap3A_974 : vector<1x1x16xf32> to vector<16xf32>
          %swap3A_976 = vector.shape_cast %add3A_969 : vector<16xf32> to vector<1x1x16xf32>
          tpu.vector_store %arg8[%swap3A_971, %swap3A_972, %swap3A_973], %swap3A_976 {strides = array<i32>} : memref<2x200x64xf32, #tpu.memory_space<vmem>>, vector<1x1x16xf32>,
          %get3A_977 = arith.index_cast %add3A_880 : i32 to index
          %get3A_978 = arith.constant 48 : index
          %get3A_979 = tpu.vector_load %arg10[%get3A_977, %get3A_978] {strides = array<i32>} : memref<200x64xf32, #tpu.memory_space<vmem>>, vector<1x16xf32>,
          %get3A_980 = vector.shape_cast %get3A_979 : vector<1x16xf32> to vector<16xf32>
          %get3A_981 = arith.constant 0 : i32
          %get3A_982 = arith.index_cast %get3A_981 : i32 to index
          %get3A_983 = arith.index_cast %add3A_880 : i32 to index
          %get3A_984 = arith.constant 48 : index
          %get3A_985 = tpu.vector_load %arg8[%get3A_982, %get3A_983, %get3A_984] {strides = array<i32>} : memref<2x200x64xf32, #tpu.memory_space<vmem>>, vector<1x1x16xf32>,
          %get3A_986 = vector.shape_cast %get3A_985 : vector<1x1x16xf32> to vector<16xf32>
          %add3A_987 = arith.addf %get3A_986, %get3A_980 : vector<16xf32>
          %swap3A_988 = arith.constant 0 : i32
          %swap3A_989 = arith.index_cast %swap3A_988 : i32 to index
          %swap3A_990 = arith.index_cast %add3A_880 : i32 to index
          %swap3A_991 = arith.constant 48 : index
          %swap3A_992 = tpu.vector_load %arg8[%swap3A_989, %swap3A_990, %swap3A_991] {strides = array<i32>} : memref<2x200x64xf32, #tpu.memory_space<vmem>>, vector<1x1x16xf32>,
          %swap3A_993 = vector.shape_cast %swap3A_992 : vector<1x1x16xf32> to vector<16xf32>
          %swap3A_994 = vector.shape_cast %add3A_987 : vector<16xf32> to vector<1x1x16xf32>
          tpu.vector_store %arg8[%swap3A_989, %swap3A_990, %swap3A_991], %swap3A_994 {strides = array<i32>} : memref<2x200x64xf32, #tpu.memory_space<vmem>>, vector<1x1x16xf32>,
          %get3A_995 = arith.constant 1 : i32
          %get3A_996 = arith.index_cast %get3A_995 : i32 to index
          %get3A_997 = arith.index_cast %add3A_880 : i32 to index
          %get3A_998 = arith.constant 48 : index
          %get3A_999 = tpu.vector_load %arg8[%get3A_996, %get3A_997, %get3A_998] {strides = array<i32>} : memref<2x200x64xf32, #tpu.memory_space<vmem>>, vector<1x1x16xf32>,
          %get3A_1000 = vector.shape_cast %get3A_999 : vector<1x1x16xf32> to vector<16xf32>
          %add3A_1001 = arith.addf %get3A_1000, %get3A_980 : vector<16xf32>
          %swap3A_1002 = arith.constant 1 : i32
          %swap3A_1003 = arith.index_cast %swap3A_1002 : i32 to index
          %swap3A_1004 = arith.index_cast %add3A_880 : i32 to index
          %swap3A_1005 = arith.constant 48 : index
          %swap3A_1006 = tpu.vector_load %arg8[%swap3A_1003, %swap3A_1004, %swap3A_1005] {strides = array<i32>} : memref<2x200x64xf32, #tpu.memory_space<vmem>>, vector<1x1x16xf32>,
          %swap3A_1007 = vector.shape_cast %swap3A_1006 : vector<1x1x16xf32> to vector<16xf32>
          %swap3A_1008 = vector.shape_cast %add3A_1001 : vector<16xf32> to vector<1x1x16xf32>
          tpu.vector_store %arg8[%swap3A_1003, %swap3A_1004, %swap3A_1005], %swap3A_1008 {strides = array<i32>} : memref<2x200x64xf32, #tpu.memory_space<vmem>>, vector<1x1x16xf32>,
          %mul3A_1009 = arith.constant 4 : i32
          %mul3A_1010 = arith.muli %scan3A_876, %mul3A_1009 : i32
          %add3A_1011 = arith.constant 1 : i32
          %add3A_1012 = arith.addi %mul3A_1010, %add3A_1011 : i32
          %get3A_1013 = arith.index_cast %add3A_1012 : i32 to index
          %get3A_1014 = arith.constant 0 : index
          %get3A_1015 = tpu.vector_load %arg10[%get3A_1013, %get3A_1014] {strides = array<i32>} : memref<200x64xf32, #tpu.memory_space<vmem>>, vector<1x16xf32>,
          %get3A_1016 = vector.shape_cast %get3A_1015 : vector<1x16xf32> to vector<16xf32>
          %get3A_1017 = arith.constant 0 : i32
          %get3A_1018 = arith.index_cast %get3A_1017 : i32 to index
          %get3A_1019 = arith.index_cast %add3A_1012 : i32 to index
          %get3A_1020 = arith.constant 0 : index
          %get3A_1021 = tpu.vector_load %arg8[%get3A_1018, %get3A_1019, %get3A_1020] {strides = array<i32>} : memref<2x200x64xf32, #tpu.memory_space<vmem>>, vector<1x1x16xf32>,
          %get3A_1022 = vector.shape_cast %get3A_1021 : vector<1x1x16xf32> to vector<16xf32>
          %add3A_1023 = arith.addf %get3A_1022, %get3A_1016 : vector<16xf32>
          %swap3A_1024 = arith.constant 0 : i32
          %swap3A_1025 = arith.index_cast %swap3A_1024 : i32 to index
          %swap3A_1026 = arith.index_cast %add3A_1012 : i32 to index
          %swap3A_1027 = arith.constant 0 : index
          %swap3A_1028 = tpu.vector_load %arg8[%swap3A_1025, %swap3A_1026, %swap3A_1027] {strides = array<i32>} : memref<2x200x64xf32, #tpu.memory_space<vmem>>, vector<1x1x16xf32>,
          %swap3A_1029 = vector.shape_cast %swap3A_1028 : vector<1x1x16xf32> to vector<16xf32>
          %swap3A_1030 = vector.shape_cast %add3A_1023 : vector<16xf32> to vector<1x1x16xf32>
          tpu.vector_store %arg8[%swap3A_1025, %swap3A_1026, %swap3A_1027], %swap3A_1030 {strides = array<i32>} : memref<2x200x64xf32, #tpu.memory_space<vmem>>, vector<1x1x16xf32>,
          %get3A_1031 = arith.constant 1 : i32
          %get3A_1032 = arith.index_cast %get3A_1031 : i32 to index
          %get3A_1033 = arith.index_cast %add3A_1012 : i32 to index
          %get3A_1034 = arith.constant 0 : index
          %get3A_1035 = tpu.vector_load %arg8[%get3A_1032, %get3A_1033, %get3A_1034] {strides = array<i32>} : memref<2x200x64xf32, #tpu.memory_space<vmem>>, vector<1x1x16xf32>,
          %get3A_1036 = vector.shape_cast %get3A_1035 : vector<1x1x16xf32> to vector<16xf32>
          %add3A_1037 = arith.addf %get3A_1036, %get3A_1016 : vector<16xf32>
          %swap3A_1038 = arith.constant 1 : i32
          %swap3A_1039 = arith.index_cast %swap3A_1038 : i32 to index
          %swap3A_1040 = arith.index_cast %add3A_1012 : i32 to index
          %swap3A_1041 = arith.constant 0 : index
          %swap3A_1042 = tpu.vector_load %arg8[%swap3A_1039, %swap3A_1040, %swap3A_1041] {strides = array<i32>} : memref<2x200x64xf32, #tpu.memory_space<vmem>>, vector<1x1x16xf32>,
          %swap3A_1043 = vector.shape_cast %swap3A_1042 : vector<1x1x16xf32> to vector<16xf32>
          %swap3A_1044 = vector.shape_cast %add3A_1037 : vector<16xf32> to vector<1x1x16xf32>
          tpu.vector_store %arg8[%swap3A_1039, %swap3A_1040, %swap3A_1041], %swap3A_1044 {strides = array<i32>} : memref<2x200x64xf32, #tpu.memory_space<vmem>>, vector<1x1x16xf32>,
          %get3A_1045 = arith.index_cast %add3A_1012 : i32 to index
          %get3A_1046 = arith.constant 16 : index
          %get3A_1047 = tpu.vector_load %arg10[%get3A_1045, %get3A_1046] {strides = array<i32>} : memref<200x64xf32, #tpu.memory_space<vmem>>, vector<1x16xf32>,
          %get3A_1048 = vector.shape_cast %get3A_1047 : vector<1x16xf32> to vector<16xf32>
          %get3A_1049 = arith.constant 0 : i32
          %get3A_1050 = arith.index_cast %get3A_1049 : i32 to index
          %get3A_1051 = arith.index_cast %add3A_1012 : i32 to index
          %get3A_1052 = arith.constant 16 : index
          %get3A_1053 = tpu.vector_load %arg8[%get3A_1050, %get3A_1051, %get3A_1052] {strides = array<i32>} : memref<2x200x64xf32, #tpu.memory_space<vmem>>, vector<1x1x16xf32>,
          %get3A_1054 = vector.shape_cast %get3A_1053 : vector<1x1x16xf32> to vector<16xf32>
          %add3A_1055 = arith.addf %get3A_1054, %get3A_1048 : vector<16xf32>
          %swap3A_1056 = arith.constant 0 : i32
          %swap3A_1057 = arith.index_cast %swap3A_1056 : i32 to index
          %swap3A_1058 = arith.index_cast %add3A_1012 : i32 to index
          %swap3A_1059 = arith.constant 16 : index
          %swap3A_1060 = tpu.vector_load %arg8[%swap3A_1057, %swap3A_1058, %swap3A_1059] {strides = array<i32>} : memref<2x200x64xf32, #tpu.memory_space<vmem>>, vector<1x1x16xf32>,
          %swap3A_1061 = vector.shape_cast %swap3A_1060 : vector<1x1x16xf32> to vector<16xf32>
          %swap3A_1062 = vector.shape_cast %add3A_1055 : vector<16xf32> to vector<1x1x16xf32>
          tpu.vector_store %arg8[%swap3A_1057, %swap3A_1058, %swap3A_1059], %swap3A_1062 {strides = array<i32>} : memref<2x200x64xf32, #tpu.memory_space<vmem>>, vector<1x1x16xf32>,
          %get3A_1063 = arith.constant 1 : i32
          %get3A_1064 = arith.index_cast %get3A_1063 : i32 to index
          %get3A_1065 = arith.index_cast %add3A_1012 : i32 to index
          %get3A_1066 = arith.constant 16 : index
          %get3A_1067 = tpu.vector_load %arg8[%get3A_1064, %get3A_1065, %get3A_1066] {strides = array<i32>} : memref<2x200x64xf32, #tpu.memory_space<vmem>>, vector<1x1x16xf32>,
          %get3A_1068 = vector.shape_cast %get3A_1067 : vector<1x1x16xf32> to vector<16xf32>
          %add3A_1069 = arith.addf %get3A_1068, %get3A_1048 : vector<16xf32>
          %swap3A_1070 = arith.constant 1 : i32
          %swap3A_1071 = arith.index_cast %swap3A_1070 : i32 to index
          %swap3A_1072 = arith.index_cast %add3A_1012 : i32 to index
          %swap3A_1073 = arith.constant 16 : index
          %swap3A_1074 = tpu.vector_load %arg8[%swap3A_1071, %swap3A_1072, %swap3A_1073] {strides = array<i32>} : memref<2x200x64xf32, #tpu.memory_space<vmem>>, vector<1x1x16xf32>,
          %swap3A_1075 = vector.shape_cast %swap3A_1074 : vector<1x1x16xf32> to vector<16xf32>
          %swap3A_1076 = vector.shape_cast %add3A_1069 : vector<16xf32> to vector<1x1x16xf32>
          tpu.vector_store %arg8[%swap3A_1071, %swap3A_1072, %swap3A_1073], %swap3A_1076 {strides = array<i32>} : memref<2x200x64xf32, #tpu.memory_space<vmem>>, vector<1x1x16xf32>,
          %get3A_1077 = arith.index_cast %add3A_1012 : i32 to index
          %get3A_1078 = arith.constant 32 : index
          %get3A_1079 = tpu.vector_load %arg10[%get3A_1077, %get3A_1078] {strides = array<i32>} : memref<200x64xf32, #tpu.memory_space<vmem>>, vector<1x16xf32>,
          %get3A_1080 = vector.shape_cast %get3A_1079 : vector<1x16xf32> to vector<16xf32>
          %get3A_1081 = arith.constant 0 : i32
          %get3A_1082 = arith.index_cast %get3A_1081 : i32 to index
          %get3A_1083 = arith.index_cast %add3A_1012 : i32 to index
          %get3A_1084 = arith.constant 32 : index
          %get3A_1085 = tpu.vector_load %arg8[%get3A_1082, %get3A_1083, %get3A_1084] {strides = array<i32>} : memref<2x200x64xf32, #tpu.memory_space<vmem>>, vector<1x1x16xf32>,
          %get3A_1086 = vector.shape_cast %get3A_1085 : vector<1x1x16xf32> to vector<16xf32>
          %add3A_1087 = arith.addf %get3A_1086, %get3A_1080 : vector<16xf32>
          %swap3A_1088 = arith.constant 0 : i32
          %swap3A_1089 = arith.index_cast %swap3A_1088 : i32 to index
          %swap3A_1090 = arith.index_cast %add3A_1012 : i32 to index
          %swap3A_1091 = arith.constant 32 : index
          %swap3A_1092 = tpu.vector_load %arg8[%swap3A_1089, %swap3A_1090, %swap3A_1091] {strides = array<i32>} : memref<2x200x64xf32, #tpu.memory_space<vmem>>, vector<1x1x16xf32>,
          %swap3A_1093 = vector.shape_cast %swap3A_1092 : vector<1x1x16xf32> to vector<16xf32>
          %swap3A_1094 = vector.shape_cast %add3A_1087 : vector<16xf32> to vector<1x1x16xf32>
          tpu.vector_store %arg8[%swap3A_1089, %swap3A_1090, %swap3A_1091], %swap3A_1094 {strides = array<i32>} : memref<2x200x64xf32, #tpu.memory_space<vmem>>, vector<1x1x16xf32>,
          %get3A_1095 = arith.constant 1 : i32
          %get3A_1096 = arith.index_cast %get3A_1095 : i32 to index
          %get3A_1097 = arith.index_cast %add3A_1012 : i32 to index
          %get3A_1098 = arith.constant 32 : index
          %get3A_1099 = tpu.vector_load %arg8[%get3A_1096, %get3A_1097, %get3A_1098] {strides = array<i32>} : memref<2x200x64xf32, #tpu.memory_space<vmem>>, vector<1x1x16xf32>,
          %get3A_1100 = vector.shape_cast %get3A_1099 : vector<1x1x16xf32> to vector<16xf32>
          %add3A_1101 = arith.addf %get3A_1100, %get3A_1080 : vector<16xf32>
          %swap3A_1102 = arith.constant 1 : i32
          %swap3A_1103 = arith.index_cast %swap3A_1102 : i32 to index
          %swap3A_1104 = arith.index_cast %add3A_1012 : i32 to index
          %swap3A_1105 = arith.constant 32 : index
          %swap3A_1106 = tpu.vector_load %arg8[%swap3A_1103, %swap3A_1104, %swap3A_1105] {strides = array<i32>} : memref<2x200x64xf32, #tpu.memory_space<vmem>>, vector<1x1x16xf32>,
          %swap3A_1107 = vector.shape_cast %swap3A_1106 : vector<1x1x16xf32> to vector<16xf32>
          %swap3A_1108 = vector.shape_cast %add3A_1101 : vector<16xf32> to vector<1x1x16xf32>
          tpu.vector_store %arg8[%swap3A_1103, %swap3A_1104, %swap3A_1105], %swap3A_1108 {strides = array<i32>} : memref<2x200x64xf32, #tpu.memory_space<vmem>>, vector<1x1x16xf32>,
          %get3A_1109 = arith.index_cast %add3A_1012 : i32 to index
          %get3A_1110 = arith.constant 48 : index
          %get3A_1111 = tpu.vector_load %arg10[%get3A_1109, %get3A_1110] {strides = array<i32>} : memref<200x64xf32, #tpu.memory_space<vmem>>, vector<1x16xf32>,
          %get3A_1112 = vector.shape_cast %get3A_1111 : vector<1x16xf32> to vector<16xf32>
          %get3A_1113 = arith.constant 0 : i32
          %get3A_1114 = arith.index_cast %get3A_1113 : i32 to index
          %get3A_1115 = arith.index_cast %add3A_1012 : i32 to index
          %get3A_1116 = arith.constant 48 : index
          %get3A_1117 = tpu.vector_load %arg8[%get3A_1114, %get3A_1115, %get3A_1116] {strides = array<i32>} : memref<2x200x64xf32, #tpu.memory_space<vmem>>, vector<1x1x16xf32>,
          %get3A_1118 = vector.shape_cast %get3A_1117 : vector<1x1x16xf32> to vector<16xf32>
          %add3A_1119 = arith.addf %get3A_1118, %get3A_1112 : vector<16xf32>
          %swap3A_1120 = arith.constant 0 : i32
          %swap3A_1121 = arith.index_cast %swap3A_1120 : i32 to index
          %swap3A_1122 = arith.index_cast %add3A_1012 : i32 to index
          %swap3A_1123 = arith.constant 48 : index
          %swap3A_1124 = tpu.vector_load %arg8[%swap3A_1121, %swap3A_1122, %swap3A_1123] {strides = array<i32>} : memref<2x200x64xf32, #tpu.memory_space<vmem>>, vector<1x1x16xf32>,
          %swap3A_1125 = vector.shape_cast %swap3A_1124 : vector<1x1x16xf32> to vector<16xf32>
          %swap3A_1126 = vector.shape_cast %add3A_1119 : vector<16xf32> to vector<1x1x16xf32>
          tpu.vector_store %arg8[%swap3A_1121, %swap3A_1122, %swap3A_1123], %swap3A_1126 {strides = array<i32>} : memref<2x200x64xf32, #tpu.memory_space<vmem>>, vector<1x1x16xf32>,
          %get3A_1127 = arith.constant 1 : i32
          %get3A_1128 = arith.index_cast %get3A_1127 : i32 to index
          %get3A_1129 = arith.index_cast %add3A_1012 : i32 to index
          %get3A_1130 = arith.constant 48 : index
          %get3A_1131 = tpu.vector_load %arg8[%get3A_1128, %get3A_1129, %get3A_1130] {strides = array<i32>} : memref<2x200x64xf32, #tpu.memory_space<vmem>>, vector<1x1x16xf32>,
          %get3A_1132 = vector.shape_cast %get3A_1131 : vector<1x1x16xf32> to vector<16xf32>
          %add3A_1133 = arith.addf %get3A_1132, %get3A_1112 : vector<16xf32>
          %swap3A_1134 = arith.constant 1 : i32
          %swap3A_1135 = arith.index_cast %swap3A_1134 : i32 to index
          %swap3A_1136 = arith.index_cast %add3A_1012 : i32 to index
          %swap3A_1137 = arith.constant 48 : index
          %swap3A_1138 = tpu.vector_load %arg8[%swap3A_1135, %swap3A_1136, %swap3A_1137] {strides = array<i32>} : memref<2x200x64xf32, #tpu.memory_space<vmem>>, vector<1x1x16xf32>,
          %swap3A_1139 = vector.shape_cast %swap3A_1138 : vector<1x1x16xf32> to vector<16xf32>
          %swap3A_1140 = vector.shape_cast %add3A_1133 : vector<16xf32> to vector<1x1x16xf32>
          tpu.vector_store %arg8[%swap3A_1135, %swap3A_1136, %swap3A_1137], %swap3A_1140 {strides = array<i32>} : memref<2x200x64xf32, #tpu.memory_space<vmem>>, vector<1x1x16xf32>,
          %mul3A_1141 = arith.constant 4 : i32
          %mul3A_1142 = arith.muli %scan3A_876, %mul3A_1141 : i32
          %add3A_1143 = arith.constant 2 : i32
          %add3A_1144 = arith.addi %mul3A_1142, %add3A_1143 : i32
          %get3A_1145 = arith.index_cast %add3A_1144 : i32 to index
          %get3A_1146 = arith.constant 0 : index
          %get3A_1147 = tpu.vector_load %arg10[%get3A_1145, %get3A_1146] {strides = array<i32>} : memref<200x64xf32, #tpu.memory_space<vmem>>, vector<1x16xf32>,
          %get3A_1148 = vector.shape_cast %get3A_1147 : vector<1x16xf32> to vector<16xf32>
          %get3A_1149 = arith.constant 0 : i32
          %get3A_1150 = arith.index_cast %get3A_1149 : i32 to index
          %get3A_1151 = arith.index_cast %add3A_1144 : i32 to index
          %get3A_1152 = arith.constant 0 : index
          %get3A_1153 = tpu.vector_load %arg8[%get3A_1150, %get3A_1151, %get3A_1152] {strides = array<i32>} : memref<2x200x64xf32, #tpu.memory_space<vmem>>, vector<1x1x16xf32>,
          %get3A_1154 = vector.shape_cast %get3A_1153 : vector<1x1x16xf32> to vector<16xf32>
          %add3A_1155 = arith.addf %get3A_1154, %get3A_1148 : vector<16xf32>
          %swap3A_1156 = arith.constant 0 : i32
          %swap3A_1157 = arith.index_cast %swap3A_1156 : i32 to index
          %swap3A_1158 = arith.index_cast %add3A_1144 : i32 to index
          %swap3A_1159 = arith.constant 0 : index
          %swap3A_1160 = tpu.vector_load %arg8[%swap3A_1157, %swap3A_1158, %swap3A_1159] {strides = array<i32>} : memref<2x200x64xf32, #tpu.memory_space<vmem>>, vector<1x1x16xf32>,
          %swap3A_1161 = vector.shape_cast %swap3A_1160 : vector<1x1x16xf32> to vector<16xf32>
          %swap3A_1162 = vector.shape_cast %add3A_1155 : vector<16xf32> to vector<1x1x16xf32>
          tpu.vector_store %arg8[%swap3A_1157, %swap3A_1158, %swap3A_1159], %swap3A_1162 {strides = array<i32>} : memref<2x200x64xf32, #tpu.memory_space<vmem>>, vector<1x1x16xf32>,
          %get3A_1163 = arith.constant 1 : i32
          %get3A_1164 = arith.index_cast %get3A_1163 : i32 to index
          %get3A_1165 = arith.index_cast %add3A_1144 : i32 to index
          %get3A_1166 = arith.constant 0 : index
          %get3A_1167 = tpu.vector_load %arg8[%get3A_1164, %get3A_1165, %get3A_1166] {strides = array<i32>} : memref<2x200x64xf32, #tpu.memory_space<vmem>>, vector<1x1x16xf32>,
          %get3A_1168 = vector.shape_cast %get3A_1167 : vector<1x1x16xf32> to vector<16xf32>
          %add3A_1169 = arith.addf %get3A_1168, %get3A_1148 : vector<16xf32>
          %swap3A_1170 = arith.constant 1 : i32
          %swap3A_1171 = arith.index_cast %swap3A_1170 : i32 to index
          %swap3A_1172 = arith.index_cast %add3A_1144 : i32 to index
          %swap3A_1173 = arith.constant 0 : index
          %swap3A_1174 = tpu.vector_load %arg8[%swap3A_1171, %swap3A_1172, %swap3A_1173] {strides = array<i32>} : memref<2x200x64xf32, #tpu.memory_space<vmem>>, vector<1x1x16xf32>,
          %swap3A_1175 = vector.shape_cast %swap3A_1174 : vector<1x1x16xf32> to vector<16xf32>
          %swap3A_1176 = vector.shape_cast %add3A_1169 : vector<16xf32> to vector<1x1x16xf32>
          tpu.vector_store %arg8[%swap3A_1171, %swap3A_1172, %swap3A_1173], %swap3A_1176 {strides = array<i32>} : memref<2x200x64xf32, #tpu.memory_space<vmem>>, vector<1x1x16xf32>,
          %get3A_1177 = arith.index_cast %add3A_1144 : i32 to index
          %get3A_1178 = arith.constant 16 : index
          %get3A_1179 = tpu.vector_load %arg10[%get3A_1177, %get3A_1178] {strides = array<i32>} : memref<200x64xf32, #tpu.memory_space<vmem>>, vector<1x16xf32>,
          %get3A_1180 = vector.shape_cast %get3A_1179 : vector<1x16xf32> to vector<16xf32>
          %get3A_1181 = arith.constant 0 : i32
          %get3A_1182 = arith.index_cast %get3A_1181 : i32 to index
          %get3A_1183 = arith.index_cast %add3A_1144 : i32 to index
          %get3A_1184 = arith.constant 16 : index
          %get3A_1185 = tpu.vector_load %arg8[%get3A_1182, %get3A_1183, %get3A_1184] {strides = array<i32>} : memref<2x200x64xf32, #tpu.memory_space<vmem>>, vector<1x1x16xf32>,
          %get3A_1186 = vector.shape_cast %get3A_1185 : vector<1x1x16xf32> to vector<16xf32>
          %add3A_1187 = arith.addf %get3A_1186, %get3A_1180 : vector<16xf32>
          %swap3A_1188 = arith.constant 0 : i32
          %swap3A_1189 = arith.index_cast %swap3A_1188 : i32 to index
          %swap3A_1190 = arith.index_cast %add3A_1144 : i32 to index
          %swap3A_1191 = arith.constant 16 : index
          %swap3A_1192 = tpu.vector_load %arg8[%swap3A_1189, %swap3A_1190, %swap3A_1191] {strides = array<i32>} : memref<2x200x64xf32, #tpu.memory_space<vmem>>, vector<1x1x16xf32>,
          %swap3A_1193 = vector.shape_cast %swap3A_1192 : vector<1x1x16xf32> to vector<16xf32>
          %swap3A_1194 = vector.shape_cast %add3A_1187 : vector<16xf32> to vector<1x1x16xf32>
          tpu.vector_store %arg8[%swap3A_1189, %swap3A_1190, %swap3A_1191], %swap3A_1194 {strides = array<i32>} : memref<2x200x64xf32, #tpu.memory_space<vmem>>, vector<1x1x16xf32>,
          %get3A_1195 = arith.constant 1 : i32
          %get3A_1196 = arith.index_cast %get3A_1195 : i32 to index
          %get3A_1197 = arith.index_cast %add3A_1144 : i32 to index
          %get3A_1198 = arith.constant 16 : index
          %get3A_1199 = tpu.vector_load %arg8[%get3A_1196, %get3A_1197, %get3A_1198] {strides = array<i32>} : memref<2x200x64xf32, #tpu.memory_space<vmem>>, vector<1x1x16xf32>,
          %get3A_1200 = vector.shape_cast %get3A_1199 : vector<1x1x16xf32> to vector<16xf32>
          %add3A_1201 = arith.addf %get3A_1200, %get3A_1180 : vector<16xf32>
          %swap3A_1202 = arith.constant 1 : i32
          %swap3A_1203 = arith.index_cast %swap3A_1202 : i32 to index
          %swap3A_1204 = arith.index_cast %add3A_1144 : i32 to index
          %swap3A_1205 = arith.constant 16 : index
          %swap3A_1206 = tpu.vector_load %arg8[%swap3A_1203, %swap3A_1204, %swap3A_1205] {strides = array<i32>} : memref<2x200x64xf32, #tpu.memory_space<vmem>>, vector<1x1x16xf32>,
          %swap3A_1207 = vector.shape_cast %swap3A_1206 : vector<1x1x16xf32> to vector<16xf32>
          %swap3A_1208 = vector.shape_cast %add3A_1201 : vector<16xf32> to vector<1x1x16xf32>
          tpu.vector_store %arg8[%swap3A_1203, %swap3A_1204, %swap3A_1205], %swap3A_1208 {strides = array<i32>} : memref<2x200x64xf32, #tpu.memory_space<vmem>>, vector<1x1x16xf32>,
          %get3A_1209 = arith.index_cast %add3A_1144 : i32 to index
          %get3A_1210 = arith.constant 32 : index
          %get3A_1211 = tpu.vector_load %arg10[%get3A_1209, %get3A_1210] {strides = array<i32>} : memref<200x64xf32, #tpu.memory_space<vmem>>, vector<1x16xf32>,
          %get3A_1212 = vector.shape_cast %get3A_1211 : vector<1x16xf32> to vector<16xf32>
          %get3A_1213 = arith.constant 0 : i32
          %get3A_1214 = arith.index_cast %get3A_1213 : i32 to index
          %get3A_1215 = arith.index_cast %add3A_1144 : i32 to index
          %get3A_1216 = arith.constant 32 : index
          %get3A_1217 = tpu.vector_load %arg8[%get3A_1214, %get3A_1215, %get3A_1216] {strides = array<i32>} : memref<2x200x64xf32, #tpu.memory_space<vmem>>, vector<1x1x16xf32>,
          %get3A_1218 = vector.shape_cast %get3A_1217 : vector<1x1x16xf32> to vector<16xf32>
          %add3A_1219 = arith.addf %get3A_1218, %get3A_1212 : vector<16xf32>
          %swap3A_1220 = arith.constant 0 : i32
          %swap3A_1221 = arith.index_cast %swap3A_1220 : i32 to index
          %swap3A_1222 = arith.index_cast %add3A_1144 : i32 to index
          %swap3A_1223 = arith.constant 32 : index
          %swap3A_1224 = tpu.vector_load %arg8[%swap3A_1221, %swap3A_1222, %swap3A_1223] {strides = array<i32>} : memref<2x200x64xf32, #tpu.memory_space<vmem>>, vector<1x1x16xf32>,
          %swap3A_1225 = vector.shape_cast %swap3A_1224 : vector<1x1x16xf32> to vector<16xf32>
          %swap3A_1226 = vector.shape_cast %add3A_1219 : vector<16xf32> to vector<1x1x16xf32>
          tpu.vector_store %arg8[%swap3A_1221, %swap3A_1222, %swap3A_1223], %swap3A_1226 {strides = array<i32>} : memref<2x200x64xf32, #tpu.memory_space<vmem>>, vector<1x1x16xf32>,
          %get3A_1227 = arith.constant 1 : i32
          %get3A_1228 = arith.index_cast %get3A_1227 : i32 to index
          %get3A_1229 = arith.index_cast %add3A_1144 : i32 to index
          %get3A_1230 = arith.constant 32 : index
          %get3A_1231 = tpu.vector_load %arg8[%get3A_1228, %get3A_1229, %get3A_1230] {strides = array<i32>} : memref<2x200x64xf32, #tpu.memory_space<vmem>>, vector<1x1x16xf32>,
          %get3A_1232 = vector.shape_cast %get3A_1231 : vector<1x1x16xf32> to vector<16xf32>
          %add3A_1233 = arith.addf %get3A_1232, %get3A_1212 : vector<16xf32>
          %swap3A_1234 = arith.constant 1 : i32
          %swap3A_1235 = arith.index_cast %swap3A_1234 : i32 to index
          %swap3A_1236 = arith.index_cast %add3A_1144 : i32 to index
          %swap3A_1237 = arith.constant 32 : index
          %swap3A_1238 = tpu.vector_load %arg8[%swap3A_1235, %swap3A_1236, %swap3A_1237] {strides = array<i32>} : memref<2x200x64xf32, #tpu.memory_space<vmem>>, vector<1x1x16xf32>,
          %swap3A_1239 = vector.shape_cast %swap3A_1238 : vector<1x1x16xf32> to vector<16xf32>
          %swap3A_1240 = vector.shape_cast %add3A_1233 : vector<16xf32> to vector<1x1x16xf32>
          tpu.vector_store %arg8[%swap3A_1235, %swap3A_1236, %swap3A_1237], %swap3A_1240 {strides = array<i32>} : memref<2x200x64xf32, #tpu.memory_space<vmem>>, vector<1x1x16xf32>,
          %get3A_1241 = arith.index_cast %add3A_1144 : i32 to index
          %get3A_1242 = arith.constant 48 : index
          %get3A_1243 = tpu.vector_load %arg10[%get3A_1241, %get3A_1242] {strides = array<i32>} : memref<200x64xf32, #tpu.memory_space<vmem>>, vector<1x16xf32>,
          %get3A_1244 = vector.shape_cast %get3A_1243 : vector<1x16xf32> to vector<16xf32>
          %get3A_1245 = arith.constant 0 : i32
          %get3A_1246 = arith.index_cast %get3A_1245 : i32 to index
          %get3A_1247 = arith.index_cast %add3A_1144 : i32 to index
          %get3A_1248 = arith.constant 48 : index
          %get3A_1249 = tpu.vector_load %arg8[%get3A_1246, %get3A_1247, %get3A_1248] {strides = array<i32>} : memref<2x200x64xf32, #tpu.memory_space<vmem>>, vector<1x1x16xf32>,
          %get3A_1250 = vector.shape_cast %get3A_1249 : vector<1x1x16xf32> to vector<16xf32>
          %add3A_1251 = arith.addf %get3A_1250, %get3A_1244 : vector<16xf32>
          %swap3A_1252 = arith.constant 0 : i32
          %swap3A_1253 = arith.index_cast %swap3A_1252 : i32 to index
          %swap3A_1254 = arith.index_cast %add3A_1144 : i32 to index
          %swap3A_1255 = arith.constant 48 : index
          %swap3A_1256 = tpu.vector_load %arg8[%swap3A_1253, %swap3A_1254, %swap3A_1255] {strides = array<i32>} : memref<2x200x64xf32, #tpu.memory_space<vmem>>, vector<1x1x16xf32>,
          %swap3A_1257 = vector.shape_cast %swap3A_1256 : vector<1x1x16xf32> to vector<16xf32>
          %swap3A_1258 = vector.shape_cast %add3A_1251 : vector<16xf32> to vector<1x1x16xf32>
          tpu.vector_store %arg8[%swap3A_1253, %swap3A_1254, %swap3A_1255], %swap3A_1258 {strides = array<i32>} : memref<2x200x64xf32, #tpu.memory_space<vmem>>, vector<1x1x16xf32>,
          %get3A_1259 = arith.constant 1 : i32
          %get3A_1260 = arith.index_cast %get3A_1259 : i32 to index
          %get3A_1261 = arith.index_cast %add3A_1144 : i32 to index
          %get3A_1262 = arith.constant 48 : index
          %get3A_1263 = tpu.vector_load %arg8[%get3A_1260, %get3A_1261, %get3A_1262] {strides = array<i32>} : memref<2x200x64xf32, #tpu.memory_space<vmem>>, vector<1x1x16xf32>,
          %get3A_1264 = vector.shape_cast %get3A_1263 : vector<1x1x16xf32> to vector<16xf32>
          %add3A_1265 = arith.addf %get3A_1264, %get3A_1244 : vector<16xf32>
          %swap3A_1266 = arith.constant 1 : i32
          %swap3A_1267 = arith.index_cast %swap3A_1266 : i32 to index
          %swap3A_1268 = arith.index_cast %add3A_1144 : i32 to index
          %swap3A_1269 = arith.constant 48 : index
          %swap3A_1270 = tpu.vector_load %arg8[%swap3A_1267, %swap3A_1268, %swap3A_1269] {strides = array<i32>} : memref<2x200x64xf32, #tpu.memory_space<vmem>>, vector<1x1x16xf32>,
          %swap3A_1271 = vector.shape_cast %swap3A_1270 : vector<1x1x16xf32> to vector<16xf32>
          %swap3A_1272 = vector.shape_cast %add3A_1265 : vector<16xf32> to vector<1x1x16xf32>
          tpu.vector_store %arg8[%swap3A_1267, %swap3A_1268, %swap3A_1269], %swap3A_1272 {strides = array<i32>} : memref<2x200x64xf32, #tpu.memory_space<vmem>>, vector<1x1x16xf32>,
          %mul3A_1273 = arith.constant 4 : i32
          %mul3A_1274 = arith.muli %scan3A_876, %mul3A_1273 : i32
          %add3A_1275 = arith.constant 3 : i32
          %add3A_1276 = arith.addi %mul3A_1274, %add3A_1275 : i32
          %get3A_1277 = arith.index_cast %add3A_1276 : i32 to index
          %get3A_1278 = arith.constant 0 : index
          %get3A_1279 = tpu.vector_load %arg10[%get3A_1277, %get3A_1278] {strides = array<i32>} : memref<200x64xf32, #tpu.memory_space<vmem>>, vector<1x16xf32>,
          %get3A_1280 = vector.shape_cast %get3A_1279 : vector<1x16xf32> to vector<16xf32>
          %get3A_1281 = arith.constant 0 : i32
          %get3A_1282 = arith.index_cast %get3A_1281 : i32 to index
          %get3A_1283 = arith.index_cast %add3A_1276 : i32 to index
          %get3A_1284 = arith.constant 0 : index
          %get3A_1285 = tpu.vector_load %arg8[%get3A_1282, %get3A_1283, %get3A_1284] {strides = array<i32>} : memref<2x200x64xf32, #tpu.memory_space<vmem>>, vector<1x1x16xf32>,
          %get3A_1286 = vector.shape_cast %get3A_1285 : vector<1x1x16xf32> to vector<16xf32>
          %add3A_1287 = arith.addf %get3A_1286, %get3A_1280 : vector<16xf32>
          %swap3A_1288 = arith.constant 0 : i32
          %swap3A_1289 = arith.index_cast %swap3A_1288 : i32 to index
          %swap3A_1290 = arith.index_cast %add3A_1276 : i32 to index
          %swap3A_1291 = arith.constant 0 : index
          %swap3A_1292 = tpu.vector_load %arg8[%swap3A_1289, %swap3A_1290, %swap3A_1291] {strides = array<i32>} : memref<2x200x64xf32, #tpu.memory_space<vmem>>, vector<1x1x16xf32>,
          %swap3A_1293 = vector.shape_cast %swap3A_1292 : vector<1x1x16xf32> to vector<16xf32>
          %swap3A_1294 = vector.shape_cast %add3A_1287 : vector<16xf32> to vector<1x1x16xf32>
          tpu.vector_store %arg8[%swap3A_1289, %swap3A_1290, %swap3A_1291], %swap3A_1294 {strides = array<i32>} : memref<2x200x64xf32, #tpu.memory_space<vmem>>, vector<1x1x16xf32>,
          %get3A_1295 = arith.constant 1 : i32
          %get3A_1296 = arith.index_cast %get3A_1295 : i32 to index
          %get3A_1297 = arith.index_cast %add3A_1276 : i32 to index
          %get3A_1298 = arith.constant 0 : index
          %get3A_1299 = tpu.vector_load %arg8[%get3A_1296, %get3A_1297, %get3A_1298] {strides = array<i32>} : memref<2x200x64xf32, #tpu.memory_space<vmem>>, vector<1x1x16xf32>,
          %get3A_1300 = vector.shape_cast %get3A_1299 : vector<1x1x16xf32> to vector<16xf32>
          %add3A_1301 = arith.addf %get3A_1300, %get3A_1280 : vector<16xf32>
          %swap3A_1302 = arith.constant 1 : i32
          %swap3A_1303 = arith.index_cast %swap3A_1302 : i32 to index
          %swap3A_1304 = arith.index_cast %add3A_1276 : i32 to index
          %swap3A_1305 = arith.constant 0 : index
          %swap3A_1306 = tpu.vector_load %arg8[%swap3A_1303, %swap3A_1304, %swap3A_1305] {strides = array<i32>} : memref<2x200x64xf32, #tpu.memory_space<vmem>>, vector<1x1x16xf32>,
          %swap3A_1307 = vector.shape_cast %swap3A_1306 : vector<1x1x16xf32> to vector<16xf32>
          %swap3A_1308 = vector.shape_cast %add3A_1301 : vector<16xf32> to vector<1x1x16xf32>
          tpu.vector_store %arg8[%swap3A_1303, %swap3A_1304, %swap3A_1305], %swap3A_1308 {strides = array<i32>} : memref<2x200x64xf32, #tpu.memory_space<vmem>>, vector<1x1x16xf32>,
          %get3A_1309 = arith.index_cast %add3A_1276 : i32 to index
          %get3A_1310 = arith.constant 16 : index
          %get3A_1311 = tpu.vector_load %arg10[%get3A_1309, %get3A_1310] {strides = array<i32>} : memref<200x64xf32, #tpu.memory_space<vmem>>, vector<1x16xf32>,
          %get3A_1312 = vector.shape_cast %get3A_1311 : vector<1x16xf32> to vector<16xf32>
          %get3A_1313 = arith.constant 0 : i32
          %get3A_1314 = arith.index_cast %get3A_1313 : i32 to index
          %get3A_1315 = arith.index_cast %add3A_1276 : i32 to index
          %get3A_1316 = arith.constant 16 : index
          %get3A_1317 = tpu.vector_load %arg8[%get3A_1314, %get3A_1315, %get3A_1316] {strides = array<i32>} : memref<2x200x64xf32, #tpu.memory_space<vmem>>, vector<1x1x16xf32>,
          %get3A_1318 = vector.shape_cast %get3A_1317 : vector<1x1x16xf32> to vector<16xf32>
          %add3A_1319 = arith.addf %get3A_1318, %get3A_1312 : vector<16xf32>
          %swap3A_1320 = arith.constant 0 : i32
          %swap3A_1321 = arith.index_cast %swap3A_1320 : i32 to index
          %swap3A_1322 = arith.index_cast %add3A_1276 : i32 to index
          %swap3A_1323 = arith.constant 16 : index
          %swap3A_1324 = tpu.vector_load %arg8[%swap3A_1321, %swap3A_1322, %swap3A_1323] {strides = array<i32>} : memref<2x200x64xf32, #tpu.memory_space<vmem>>, vector<1x1x16xf32>,
          %swap3A_1325 = vector.shape_cast %swap3A_1324 : vector<1x1x16xf32> to vector<16xf32>
          %swap3A_1326 = vector.shape_cast %add3A_1319 : vector<16xf32> to vector<1x1x16xf32>
          tpu.vector_store %arg8[%swap3A_1321, %swap3A_1322, %swap3A_1323], %swap3A_1326 {strides = array<i32>} : memref<2x200x64xf32, #tpu.memory_space<vmem>>, vector<1x1x16xf32>,
          %get3A_1327 = arith.constant 1 : i32
          %get3A_1328 = arith.index_cast %get3A_1327 : i32 to index
          %get3A_1329 = arith.index_cast %add3A_1276 : i32 to index
          %get3A_1330 = arith.constant 16 : index
          %get3A_1331 = tpu.vector_load %arg8[%get3A_1328, %get3A_1329, %get3A_1330] {strides = array<i32>} : memref<2x200x64xf32, #tpu.memory_space<vmem>>, vector<1x1x16xf32>,
          %get3A_1332 = vector.shape_cast %get3A_1331 : vector<1x1x16xf32> to vector<16xf32>
          %add3A_1333 = arith.addf %get3A_1332, %get3A_1312 : vector<16xf32>
          %swap3A_1334 = arith.constant 1 : i32
          %swap3A_1335 = arith.index_cast %swap3A_1334 : i32 to index
          %swap3A_1336 = arith.index_cast %add3A_1276 : i32 to index
          %swap3A_1337 = arith.constant 16 : index
          %swap3A_1338 = tpu.vector_load %arg8[%swap3A_1335, %swap3A_1336, %swap3A_1337] {strides = array<i32>} : memref<2x200x64xf32, #tpu.memory_space<vmem>>, vector<1x1x16xf32>,
          %swap3A_1339 = vector.shape_cast %swap3A_1338 : vector<1x1x16xf32> to vector<16xf32>
          %swap3A_1340 = vector.shape_cast %add3A_1333 : vector<16xf32> to vector<1x1x16xf32>
          tpu.vector_store %arg8[%swap3A_1335, %swap3A_1336, %swap3A_1337], %swap3A_1340 {strides = array<i32>} : memref<2x200x64xf32, #tpu.memory_space<vmem>>, vector<1x1x16xf32>,
          %get3A_1341 = arith.index_cast %add3A_1276 : i32 to index
          %get3A_1342 = arith.constant 32 : index
          %get3A_1343 = tpu.vector_load %arg10[%get3A_1341, %get3A_1342] {strides = array<i32>} : memref<200x64xf32, #tpu.memory_space<vmem>>, vector<1x16xf32>,
          %get3A_1344 = vector.shape_cast %get3A_1343 : vector<1x16xf32> to vector<16xf32>
          %get3A_1345 = arith.constant 0 : i32
          %get3A_1346 = arith.index_cast %get3A_1345 : i32 to index
          %get3A_1347 = arith.index_cast %add3A_1276 : i32 to index
          %get3A_1348 = arith.constant 32 : index
          %get3A_1349 = tpu.vector_load %arg8[%get3A_1346, %get3A_1347, %get3A_1348] {strides = array<i32>} : memref<2x200x64xf32, #tpu.memory_space<vmem>>, vector<1x1x16xf32>,
          %get3A_1350 = vector.shape_cast %get3A_1349 : vector<1x1x16xf32> to vector<16xf32>
          %add3A_1351 = arith.addf %get3A_1350, %get3A_1344 : vector<16xf32>
          %swap3A_1352 = arith.constant 0 : i32
          %swap3A_1353 = arith.index_cast %swap3A_1352 : i32 to index
          %swap3A_1354 = arith.index_cast %add3A_1276 : i32 to index
          %swap3A_1355 = arith.constant 32 : index
          %swap3A_1356 = tpu.vector_load %arg8[%swap3A_1353, %swap3A_1354, %swap3A_1355] {strides = array<i32>} : memref<2x200x64xf32, #tpu.memory_space<vmem>>, vector<1x1x16xf32>,
          %swap3A_1357 = vector.shape_cast %swap3A_1356 : vector<1x1x16xf32> to vector<16xf32>
          %swap3A_1358 = vector.shape_cast %add3A_1351 : vector<16xf32> to vector<1x1x16xf32>
          tpu.vector_store %arg8[%swap3A_1353, %swap3A_1354, %swap3A_1355], %swap3A_1358 {strides = array<i32>} : memref<2x200x64xf32, #tpu.memory_space<vmem>>, vector<1x1x16xf32>,
          %get3A_1359 = arith.constant 1 : i32
          %get3A_1360 = arith.index_cast %get3A_1359 : i32 to index
          %get3A_1361 = arith.index_cast %add3A_1276 : i32 to index
          %get3A_1362 = arith.constant 32 : index
          %get3A_1363 = tpu.vector_load %arg8[%get3A_1360, %get3A_1361, %get3A_1362] {strides = array<i32>} : memref<2x200x64xf32, #tpu.memory_space<vmem>>, vector<1x1x16xf32>,
          %get3A_1364 = vector.shape_cast %get3A_1363 : vector<1x1x16xf32> to vector<16xf32>
          %add3A_1365 = arith.addf %get3A_1364, %get3A_1344 : vector<16xf32>
          %swap3A_1366 = arith.constant 1 : i32
          %swap3A_1367 = arith.index_cast %swap3A_1366 : i32 to index
          %swap3A_1368 = arith.index_cast %add3A_1276 : i32 to index
          %swap3A_1369 = arith.constant 32 : index
          %swap3A_1370 = tpu.vector_load %arg8[%swap3A_1367, %swap3A_1368, %swap3A_1369] {strides = array<i32>} : memref<2x200x64xf32, #tpu.memory_space<vmem>>, vector<1x1x16xf32>,
          %swap3A_1371 = vector.shape_cast %swap3A_1370 : vector<1x1x16xf32> to vector<16xf32>
          %swap3A_1372 = vector.shape_cast %add3A_1365 : vector<16xf32> to vector<1x1x16xf32>
          tpu.vector_store %arg8[%swap3A_1367, %swap3A_1368, %swap3A_1369], %swap3A_1372 {strides = array<i32>} : memref<2x200x64xf32, #tpu.memory_space<vmem>>, vector<1x1x16xf32>,
          %get3A_1373 = arith.index_cast %add3A_1276 : i32 to index
          %get3A_1374 = arith.constant 48 : index
          %get3A_1375 = tpu.vector_load %arg10[%get3A_1373, %get3A_1374] {strides = array<i32>} : memref<200x64xf32, #tpu.memory_space<vmem>>, vector<1x16xf32>,
          %get3A_1376 = vector.shape_cast %get3A_1375 : vector<1x16xf32> to vector<16xf32>
          %get3A_1377 = arith.constant 0 : i32
          %get3A_1378 = arith.index_cast %get3A_1377 : i32 to index
          %get3A_1379 = arith.index_cast %add3A_1276 : i32 to index
          %get3A_1380 = arith.constant 48 : index
          %get3A_1381 = tpu.vector_load %arg8[%get3A_1378, %get3A_1379, %get3A_1380] {strides = array<i32>} : memref<2x200x64xf32, #tpu.memory_space<vmem>>, vector<1x1x16xf32>,
          %get3A_1382 = vector.shape_cast %get3A_1381 : vector<1x1x16xf32> to vector<16xf32>
          %add3A_1383 = arith.addf %get3A_1382, %get3A_1376 : vector<16xf32>
          %swap3A_1384 = arith.constant 0 : i32
          %swap3A_1385 = arith.index_cast %swap3A_1384 : i32 to index
          %swap3A_1386 = arith.index_cast %add3A_1276 : i32 to index
          %swap3A_1387 = arith.constant 48 : index
          %swap3A_1388 = tpu.vector_load %arg8[%swap3A_1385, %swap3A_1386, %swap3A_1387] {strides = array<i32>} : memref<2x200x64xf32, #tpu.memory_space<vmem>>, vector<1x1x16xf32>,
          %swap3A_1389 = vector.shape_cast %swap3A_1388 : vector<1x1x16xf32> to vector<16xf32>
          %swap3A_1390 = vector.shape_cast %add3A_1383 : vector<16xf32> to vector<1x1x16xf32>
          tpu.vector_store %arg8[%swap3A_1385, %swap3A_1386, %swap3A_1387], %swap3A_1390 {strides = array<i32>} : memref<2x200x64xf32, #tpu.memory_space<vmem>>, vector<1x1x16xf32>,
          %get3A_1391 = arith.constant 1 : i32
          %get3A_1392 = arith.index_cast %get3A_1391 : i32 to index
          %get3A_1393 = arith.index_cast %add3A_1276 : i32 to index
          %get3A_1394 = arith.constant 48 : index
          %get3A_1395 = tpu.vector_load %arg8[%get3A_1392, %get3A_1393, %get3A_1394] {strides = array<i32>} : memref<2x200x64xf32, #tpu.memory_space<vmem>>, vector<1x1x16xf32>,
          %get3A_1396 = vector.shape_cast %get3A_1395 : vector<1x1x16xf32> to vector<16xf32>
          %add3A_1397 = arith.addf %get3A_1396, %get3A_1376 : vector<16xf32>
          %swap3A_1398 = arith.constant 1 : i32
          %swap3A_1399 = arith.index_cast %swap3A_1398 : i32 to index
          %swap3A_1400 = arith.index_cast %add3A_1276 : i32 to index
          %swap3A_1401 = arith.constant 48 : index
          %swap3A_1402 = tpu.vector_load %arg8[%swap3A_1399, %swap3A_1400, %swap3A_1401] {strides = array<i32>} : memref<2x200x64xf32, #tpu.memory_space<vmem>>, vector<1x1x16xf32>,
          %swap3A_1403 = vector.shape_cast %swap3A_1402 : vector<1x1x16xf32> to vector<16xf32>
          %swap3A_1404 = vector.shape_cast %add3A_1397 : vector<16xf32> to vector<1x1x16xf32>
          tpu.vector_store %arg8[%swap3A_1399, %swap3A_1400, %swap3A_1401], %swap3A_1404 {strides = array<i32>} : memref<2x200x64xf32, #tpu.memory_space<vmem>>, vector<1x1x16xf32>,
        }
        %scan3A_310 = arith.constant 50 : i32
        %sub3A_311 = arith.constant 1 : i32
        %sub3A_312 = arith.subi %add3A_225, %sub3A_311 : i32
        %mul3A_313 = arith.constant 25600 : i32
        %mul3A_314 = arith.muli %add3A, %mul3A_313 : i32
        %mul3A_315 = arith.constant 400 : i32
        %mul3A_316 = arith.muli %sub3A_312, %mul3A_315 : i32
        %add3A_317 = arith.addi %mul3A_314, %mul3A_316 : i32
        %jit3A_318 = arith.constant 200 : i32
        %div3A_319 = arith.divsi %add3A_317, %jit3A_318 : i32
        %sign3A_320 = arith.constant 0 : i32
        %sign3A_321 = arith.cmpi sgt, %add3A_317, %sign3A_320 : i32
        %sign3A_322 = arith.extui %sign3A_321 : i1 to i32
        %sign3A_323 = arith.constant 0 : i32
        %sign3A_324 = arith.cmpi slt, %add3A_317, %sign3A_323 : i32
        %sign3A_325 = arith.extui %sign3A_324 : i1 to i32
        %sign3A_326 = arith.subi %sign3A_322, %sign3A_325 : i32
        %sign3A_327 = arith.constant 0 : i32
        %sign3A_328 = arith.cmpi sgt, %jit3A_318, %sign3A_327 : i32
        %sign3A_329 = arith.extui %sign3A_328 : i1 to i32
        %sign3A_330 = arith.constant 0 : i32
        %sign3A_331 = arith.cmpi slt, %jit3A_318, %sign3A_330 : i32
        %sign3A_332 = arith.extui %sign3A_331 : i1 to i32
        %sign3A_333 = arith.subi %sign3A_329, %sign3A_332 : i32
        %ne3A_334 = arith.cmpi ne, %sign3A_326, %sign3A_333 : i32
        %rem3A_335 = arith.remsi %add3A_317, %jit3A_318 : i32
        %ne3A_336 = arith.constant 0 : i32
        %ne3A_337 = arith.cmpi ne, %rem3A_335, %ne3A_336 : i32
        %and3A_338 = arith.andi %ne3A_334, %ne3A_337 : i1
        %sub3A_339 = arith.constant 1 : i32
        %sub3A_340 = arith.subi %div3A_319, %sub3A_339 : i32
        %select_n3A_341 = arith.select %and3A_338, %sub3A_340, %div3A_319 : i32
        %dma_start3A_342 = arith.constant 0 : i32
        %dma_start3A_343 = arith.constant 0 : i32
        %dma_start3A_344 = tpu.memref_slice %arg5[%select_n3A_341, %dma_start3A_342, %dma_start3A_343] : memref<4096x200x64xf32, #tpu.memory_space<hbm>> -> memref<2x200x64xf32, #tpu.memory_space<hbm>>
        %dma_start3A_345 = arith.constant 0 : i32
        %dma_start3A_346 = arith.constant 0 : i32
        %dma_start3A_347 = tpu.memref_slice %arg5[%select_n3A_341, %dma_start3A_345, %dma_start3A_346] : memref<4096x200x64xf32, #tpu.memory_space<hbm>> -> memref<2x200x64xf32, #tpu.memory_space<hbm>>
        tpu.enqueue_dma source(%arg8 : memref<2x200x64xf32, #tpu.memory_space<vmem>>) target(%dma_start3A_347 : memref<2x200x64xf32, #tpu.memory_space<hbm>>) target_semaphore(%arg15 : memref<!tpu.dma_semaphore, #tpu.memory_space<semaphore_mem>>)
      } else {
      }
    }
    %scan3A_12 = arith.constant 32 : i32
    %dma_wait3A = arith.constant 0 : i32
    %dma_wait3A_13 = arith.constant 0 : i32
    %dma_wait3A_14 = arith.constant 0 : i32
    %dma_wait3A_15 = tpu.memref_slice %arg9[%dma_wait3A, %dma_wait3A_13, %dma_wait3A_14] : memref<2x200x64xf32, #tpu.memory_space<vmem>> -> memref<1x200x64xf32, #tpu.memory_space<vmem>>
    %dma_wait3A_16 = tpu.memref_squeeze %dma_wait3A_15 : memref<1x200x64xf32, #tpu.memory_space<vmem>> -> memref<200x64xf32, #tpu.memory_space<vmem>>
    %dma_wait3A_17 = arith.constant 0 : i32
    %dma_wait3A_18 = arith.constant 0 : i32
    %dma_wait3A_19 = tpu.memref_slice %arg2[%dma_wait3A_17, %dma_wait3A_18] : memref<1000000x64xf32, #tpu.memory_space<hbm>> -> memref<200x64xf32, #tpu.memory_space<hbm>>
    %dma_wait3A_20 = arith.constant 0 : i32
    %dma_wait3A_21 = arith.constant 0 : i32
    %dma_wait3A_22 = tpu.memref_slice %arg9[%dma_wait3A, %dma_wait3A_20, %dma_wait3A_21] : memref<2x200x64xf32, #tpu.memory_space<vmem>> -> memref<1x200x64xf32, #tpu.memory_space<vmem>>
    %dma_wait3A_23 = tpu.memref_squeeze %dma_wait3A_22 : memref<1x200x64xf32, #tpu.memory_space<vmem>> -> memref<200x64xf32, #tpu.memory_space<vmem>>
    %dma_wait3A_24 = arith.constant 0 : i32
    %dma_wait3A_25 = arith.constant 0 : i32
    %dma_wait3A_26 = tpu.memref_slice %arg2[%dma_wait3A_24, %dma_wait3A_25] : memref<1000000x64xf32, #tpu.memory_space<hbm>> -> memref<200x64xf32, #tpu.memory_space<hbm>>
    tpu.wait_dma2 semaphore(%arg14 : memref<!tpu.dma_semaphore, #tpu.memory_space<semaphore_mem>>) src(%dma_wait3A_26 : memref<200x64xf32, #tpu.memory_space<hbm>>) dst(%dma_wait3A_23 : memref<200x64xf32, #tpu.memory_space<vmem>>)
    %dma_wait3A_27 = arith.constant 1 : i32
    %dma_wait3A_28 = arith.constant 0 : i32
    %dma_wait3A_29 = arith.constant 0 : i32
    %dma_wait3A_30 = tpu.memref_slice %arg9[%dma_wait3A_27, %dma_wait3A_28, %dma_wait3A_29] : memref<2x200x64xf32, #tpu.memory_space<vmem>> -> memref<1x200x64xf32, #tpu.memory_space<vmem>>
    %dma_wait3A_31 = tpu.memref_squeeze %dma_wait3A_30 : memref<1x200x64xf32, #tpu.memory_space<vmem>> -> memref<200x64xf32, #tpu.memory_space<vmem>>
    %dma_wait3A_32 = arith.constant 0 : i32
    %dma_wait3A_33 = arith.constant 0 : i32
    %dma_wait3A_34 = tpu.memref_slice %arg2[%dma_wait3A_32, %dma_wait3A_33] : memref<1000000x64xf32, #tpu.memory_space<hbm>> -> memref<200x64xf32, #tpu.memory_space<hbm>>
    %dma_wait3A_35 = arith.constant 0 : i32
    %dma_wait3A_36 = arith.constant 0 : i32
    %dma_wait3A_37 = tpu.memref_slice %arg9[%dma_wait3A_27, %dma_wait3A_35, %dma_wait3A_36] : memref<2x200x64xf32, #tpu.memory_space<vmem>> -> memref<1x200x64xf32, #tpu.memory_space<vmem>>
    %dma_wait3A_38 = tpu.memref_squeeze %dma_wait3A_37 : memref<1x200x64xf32, #tpu.memory_space<vmem>> -> memref<200x64xf32, #tpu.memory_space<vmem>>
    %dma_wait3A_39 = arith.constant 0 : i32
    %dma_wait3A_40 = arith.constant 0 : i32
    %dma_wait3A_41 = tpu.memref_slice %arg2[%dma_wait3A_39, %dma_wait3A_40] : memref<1000000x64xf32, #tpu.memory_space<hbm>> -> memref<200x64xf32, #tpu.memory_space<hbm>>
    tpu.wait_dma2 semaphore(%arg14 : memref<!tpu.dma_semaphore, #tpu.memory_space<semaphore_mem>>) src(%dma_wait3A_41 : memref<200x64xf32, #tpu.memory_space<hbm>>) dst(%dma_wait3A_38 : memref<200x64xf32, #tpu.memory_space<vmem>>)
    %scan3A_42 = arith.constant 0 : i32
    %scan3A_43 = arith.constant 0 : i32
    %scan3A_44 = arith.constant 50 : i32
    %scan3A_45 = arith.addi %scan3A_43, %scan3A_44 : i32
    %scan3A_46 = arith.constant 2 : i32
    scf.for %scan3A_142 = %scan3A_43 to %scan3A_45 step %scan3A_46  : i32 {
      %mul3A_143 = arith.constant 4 : i32
      %mul3A_144 = arith.muli %scan3A_142, %mul3A_143 : i32
      %add3A_145 = arith.constant 0 : i32
      %add3A_146 = arith.addi %mul3A_144, %add3A_145 : i32
      %get3A = arith.index_cast %add3A_146 : i32 to index
      %get3A_147 = arith.constant 0 : index
      %get3A_148 = tpu.vector_load %arg10[%get3A, %get3A_147] {strides = array<i32>} : memref<200x64xf32, #tpu.memory_space<vmem>>, vector<1x16xf32>,
      %get3A_149 = vector.shape_cast %get3A_148 : vector<1x16xf32> to vector<16xf32>
      %get3A_150 = arith.constant 0 : i32
      %get3A_151 = arith.index_cast %get3A_150 : i32 to index
      %get3A_152 = arith.index_cast %add3A_146 : i32 to index
      %get3A_153 = arith.constant 0 : index
      %get3A_154 = tpu.vector_load %arg9[%get3A_151, %get3A_152, %get3A_153] {strides = array<i32>} : memref<2x200x64xf32, #tpu.memory_space<vmem>>, vector<1x1x16xf32>,
      %get3A_155 = vector.shape_cast %get3A_154 : vector<1x1x16xf32> to vector<16xf32>
      %add3A_156 = arith.addf %get3A_155, %get3A_149 : vector<16xf32>
      %swap3A = arith.constant 0 : i32
      %swap3A_157 = arith.index_cast %swap3A : i32 to index
      %swap3A_158 = arith.index_cast %add3A_146 : i32 to index
      %swap3A_159 = arith.constant 0 : index
      %swap3A_160 = tpu.vector_load %arg9[%swap3A_157, %swap3A_158, %swap3A_159] {strides = array<i32>} : memref<2x200x64xf32, #tpu.memory_space<vmem>>, vector<1x1x16xf32>,
      %swap3A_161 = vector.shape_cast %swap3A_160 : vector<1x1x16xf32> to vector<16xf32>
      %swap3A_162 = vector.shape_cast %add3A_156 : vector<16xf32> to vector<1x1x16xf32>
      tpu.vector_store %arg9[%swap3A_157, %swap3A_158, %swap3A_159], %swap3A_162 {strides = array<i32>} : memref<2x200x64xf32, #tpu.memory_space<vmem>>, vector<1x1x16xf32>,
      %get3A_163 = arith.constant 1 : i32
      %get3A_164 = arith.index_cast %get3A_163 : i32 to index
      %get3A_165 = arith.index_cast %add3A_146 : i32 to index
      %get3A_166 = arith.constant 0 : index
      %get3A_167 = tpu.vector_load %arg9[%get3A_164, %get3A_165, %get3A_166] {strides = array<i32>} : memref<2x200x64xf32, #tpu.memory_space<vmem>>, vector<1x1x16xf32>,
      %get3A_168 = vector.shape_cast %get3A_167 : vector<1x1x16xf32> to vector<16xf32>
      %add3A_169 = arith.addf %get3A_168, %get3A_149 : vector<16xf32>
      %swap3A_170 = arith.constant 1 : i32
      %swap3A_171 = arith.index_cast %swap3A_170 : i32 to index
      %swap3A_172 = arith.index_cast %add3A_146 : i32 to index
      %swap3A_173 = arith.constant 0 : index
      %swap3A_174 = tpu.vector_load %arg9[%swap3A_171, %swap3A_172, %swap3A_173] {strides = array<i32>} : memref<2x200x64xf32, #tpu.memory_space<vmem>>, vector<1x1x16xf32>,
      %swap3A_175 = vector.shape_cast %swap3A_174 : vector<1x1x16xf32> to vector<16xf32>
      %swap3A_176 = vector.shape_cast %add3A_169 : vector<16xf32> to vector<1x1x16xf32>
      tpu.vector_store %arg9[%swap3A_171, %swap3A_172, %swap3A_173], %swap3A_176 {strides = array<i32>} : memref<2x200x64xf32, #tpu.memory_space<vmem>>, vector<1x1x16xf32>,
      %get3A_177 = arith.index_cast %add3A_146 : i32 to index
      %get3A_178 = arith.constant 16 : index
      %get3A_179 = tpu.vector_load %arg10[%get3A_177, %get3A_178] {strides = array<i32>} : memref<200x64xf32, #tpu.memory_space<vmem>>, vector<1x16xf32>,
      %get3A_180 = vector.shape_cast %get3A_179 : vector<1x16xf32> to vector<16xf32>
      %get3A_181 = arith.constant 0 : i32
      %get3A_182 = arith.index_cast %get3A_181 : i32 to index
      %get3A_183 = arith.index_cast %add3A_146 : i32 to index
      %get3A_184 = arith.constant 16 : index
      %get3A_185 = tpu.vector_load %arg9[%get3A_182, %get3A_183, %get3A_184] {strides = array<i32>} : memref<2x200x64xf32, #tpu.memory_space<vmem>>, vector<1x1x16xf32>,
      %get3A_186 = vector.shape_cast %get3A_185 : vector<1x1x16xf32> to vector<16xf32>
      %add3A_187 = arith.addf %get3A_186, %get3A_180 : vector<16xf32>
      %swap3A_188 = arith.constant 0 : i32
      %swap3A_189 = arith.index_cast %swap3A_188 : i32 to index
      %swap3A_190 = arith.index_cast %add3A_146 : i32 to index
      %swap3A_191 = arith.constant 16 : index
      %swap3A_192 = tpu.vector_load %arg9[%swap3A_189, %swap3A_190, %swap3A_191] {strides = array<i32>} : memref<2x200x64xf32, #tpu.memory_space<vmem>>, vector<1x1x16xf32>,
      %swap3A_193 = vector.shape_cast %swap3A_192 : vector<1x1x16xf32> to vector<16xf32>
      %swap3A_194 = vector.shape_cast %add3A_187 : vector<16xf32> to vector<1x1x16xf32>
      tpu.vector_store %arg9[%swap3A_189, %swap3A_190, %swap3A_191], %swap3A_194 {strides = array<i32>} : memref<2x200x64xf32, #tpu.memory_space<vmem>>, vector<1x1x16xf32>,
      %get3A_195 = arith.constant 1 : i32
      %get3A_196 = arith.index_cast %get3A_195 : i32 to index
      %get3A_197 = arith.index_cast %add3A_146 : i32 to index
      %get3A_198 = arith.constant 16 : index
      %get3A_199 = tpu.vector_load %arg9[%get3A_196, %get3A_197, %get3A_198] {strides = array<i32>} : memref<2x200x64xf32, #tpu.memory_space<vmem>>, vector<1x1x16xf32>,
      %get3A_200 = vector.shape_cast %get3A_199 : vector<1x1x16xf32> to vector<16xf32>
      %add3A_201 = arith.addf %get3A_200, %get3A_180 : vector<16xf32>
      %swap3A_202 = arith.constant 1 : i32
      %swap3A_203 = arith.index_cast %swap3A_202 : i32 to index
      %swap3A_204 = arith.index_cast %add3A_146 : i32 to index
      %swap3A_205 = arith.constant 16 : index
      %swap3A_206 = tpu.vector_load %arg9[%swap3A_203, %swap3A_204, %swap3A_205] {strides = array<i32>} : memref<2x200x64xf32, #tpu.memory_space<vmem>>, vector<1x1x16xf32>,
      %swap3A_207 = vector.shape_cast %swap3A_206 : vector<1x1x16xf32> to vector<16xf32>
      %swap3A_208 = vector.shape_cast %add3A_201 : vector<16xf32> to vector<1x1x16xf32>
      tpu.vector_store %arg9[%swap3A_203, %swap3A_204, %swap3A_205], %swap3A_208 {strides = array<i32>} : memref<2x200x64xf32, #tpu.memory_space<vmem>>, vector<1x1x16xf32>,
      %get3A_209 = arith.index_cast %add3A_146 : i32 to index
      %get3A_210 = arith.constant 32 : index
      %get3A_211 = tpu.vector_load %arg10[%get3A_209, %get3A_210] {strides = array<i32>} : memref<200x64xf32, #tpu.memory_space<vmem>>, vector<1x16xf32>,
      %get3A_212 = vector.shape_cast %get3A_211 : vector<1x16xf32> to vector<16xf32>
      %get3A_213 = arith.constant 0 : i32
      %get3A_214 = arith.index_cast %get3A_213 : i32 to index
      %get3A_215 = arith.index_cast %add3A_146 : i32 to index
      %get3A_216 = arith.constant 32 : index
      %get3A_217 = tpu.vector_load %arg9[%get3A_214, %get3A_215, %get3A_216] {strides = array<i32>} : memref<2x200x64xf32, #tpu.memory_space<vmem>>, vector<1x1x16xf32>,
      %get3A_218 = vector.shape_cast %get3A_217 : vector<1x1x16xf32> to vector<16xf32>
      %add3A_219 = arith.addf %get3A_218, %get3A_212 : vector<16xf32>
      %swap3A_220 = arith.constant 0 : i32
      %swap3A_221 = arith.index_cast %swap3A_220 : i32 to index
      %swap3A_222 = arith.index_cast %add3A_146 : i32 to index
      %swap3A_223 = arith.constant 32 : index
      %swap3A_224 = tpu.vector_load %arg9[%swap3A_221, %swap3A_222, %swap3A_223] {strides = array<i32>} : memref<2x200x64xf32, #tpu.memory_space<vmem>>, vector<1x1x16xf32>,
      %swap3A_225 = vector.shape_cast %swap3A_224 : vector<1x1x16xf32> to vector<16xf32>
      %swap3A_226 = vector.shape_cast %add3A_219 : vector<16xf32> to vector<1x1x16xf32>
      tpu.vector_store %arg9[%swap3A_221, %swap3A_222, %swap3A_223], %swap3A_226 {strides = array<i32>} : memref<2x200x64xf32, #tpu.memory_space<vmem>>, vector<1x1x16xf32>,
      %get3A_227 = arith.constant 1 : i32
      %get3A_228 = arith.index_cast %get3A_227 : i32 to index
      %get3A_229 = arith.index_cast %add3A_146 : i32 to index
      %get3A_230 = arith.constant 32 : index
      %get3A_231 = tpu.vector_load %arg9[%get3A_228, %get3A_229, %get3A_230] {strides = array<i32>} : memref<2x200x64xf32, #tpu.memory_space<vmem>>, vector<1x1x16xf32>,
      %get3A_232 = vector.shape_cast %get3A_231 : vector<1x1x16xf32> to vector<16xf32>
      %add3A_233 = arith.addf %get3A_232, %get3A_212 : vector<16xf32>
      %swap3A_234 = arith.constant 1 : i32
      %swap3A_235 = arith.index_cast %swap3A_234 : i32 to index
      %swap3A_236 = arith.index_cast %add3A_146 : i32 to index
      %swap3A_237 = arith.constant 32 : index
      %swap3A_238 = tpu.vector_load %arg9[%swap3A_235, %swap3A_236, %swap3A_237] {strides = array<i32>} : memref<2x200x64xf32, #tpu.memory_space<vmem>>, vector<1x1x16xf32>,
      %swap3A_239 = vector.shape_cast %swap3A_238 : vector<1x1x16xf32> to vector<16xf32>
      %swap3A_240 = vector.shape_cast %add3A_233 : vector<16xf32> to vector<1x1x16xf32>
      tpu.vector_store %arg9[%swap3A_235, %swap3A_236, %swap3A_237], %swap3A_240 {strides = array<i32>} : memref<2x200x64xf32, #tpu.memory_space<vmem>>, vector<1x1x16xf32>,
      %get3A_241 = arith.index_cast %add3A_146 : i32 to index
      %get3A_242 = arith.constant 48 : index
      %get3A_243 = tpu.vector_load %arg10[%get3A_241, %get3A_242] {strides = array<i32>} : memref<200x64xf32, #tpu.memory_space<vmem>>, vector<1x16xf32>,
      %get3A_244 = vector.shape_cast %get3A_243 : vector<1x16xf32> to vector<16xf32>
      %get3A_245 = arith.constant 0 : i32
      %get3A_246 = arith.index_cast %get3A_245 : i32 to index
      %get3A_247 = arith.index_cast %add3A_146 : i32 to index
      %get3A_248 = arith.constant 48 : index
      %get3A_249 = tpu.vector_load %arg9[%get3A_246, %get3A_247, %get3A_248] {strides = array<i32>} : memref<2x200x64xf32, #tpu.memory_space<vmem>>, vector<1x1x16xf32>,
      %get3A_250 = vector.shape_cast %get3A_249 : vector<1x1x16xf32> to vector<16xf32>
      %add3A_251 = arith.addf %get3A_250, %get3A_244 : vector<16xf32>
      %swap3A_252 = arith.constant 0 : i32
      %swap3A_253 = arith.index_cast %swap3A_252 : i32 to index
      %swap3A_254 = arith.index_cast %add3A_146 : i32 to index
      %swap3A_255 = arith.constant 48 : index
      %swap3A_256 = tpu.vector_load %arg9[%swap3A_253, %swap3A_254, %swap3A_255] {strides = array<i32>} : memref<2x200x64xf32, #tpu.memory_space<vmem>>, vector<1x1x16xf32>,
      %swap3A_257 = vector.shape_cast %swap3A_256 : vector<1x1x16xf32> to vector<16xf32>
      %swap3A_258 = vector.shape_cast %add3A_251 : vector<16xf32> to vector<1x1x16xf32>
      tpu.vector_store %arg9[%swap3A_253, %swap3A_254, %swap3A_255], %swap3A_258 {strides = array<i32>} : memref<2x200x64xf32, #tpu.memory_space<vmem>>, vector<1x1x16xf32>,
      %get3A_259 = arith.constant 1 : i32
      %get3A_260 = arith.index_cast %get3A_259 : i32 to index
      %get3A_261 = arith.index_cast %add3A_146 : i32 to index
      %get3A_262 = arith.constant 48 : index
      %get3A_263 = tpu.vector_load %arg9[%get3A_260, %get3A_261, %get3A_262] {strides = array<i32>} : memref<2x200x64xf32, #tpu.memory_space<vmem>>, vector<1x1x16xf32>,
      %get3A_264 = vector.shape_cast %get3A_263 : vector<1x1x16xf32> to vector<16xf32>
      %add3A_265 = arith.addf %get3A_264, %get3A_244 : vector<16xf32>
      %swap3A_266 = arith.constant 1 : i32
      %swap3A_267 = arith.index_cast %swap3A_266 : i32 to index
      %swap3A_268 = arith.index_cast %add3A_146 : i32 to index
      %swap3A_269 = arith.constant 48 : index
      %swap3A_270 = tpu.vector_load %arg9[%swap3A_267, %swap3A_268, %swap3A_269] {strides = array<i32>} : memref<2x200x64xf32, #tpu.memory_space<vmem>>, vector<1x1x16xf32>,
      %swap3A_271 = vector.shape_cast %swap3A_270 : vector<1x1x16xf32> to vector<16xf32>
      %swap3A_272 = vector.shape_cast %add3A_265 : vector<16xf32> to vector<1x1x16xf32>
      tpu.vector_store %arg9[%swap3A_267, %swap3A_268, %swap3A_269], %swap3A_272 {strides = array<i32>} : memref<2x200x64xf32, #tpu.memory_space<vmem>>, vector<1x1x16xf32>,
      %mul3A_273 = arith.constant 4 : i32
      %mul3A_274 = arith.muli %scan3A_142, %mul3A_273 : i32
      %add3A_275 = arith.constant 1 : i32
      %add3A_276 = arith.addi %mul3A_274, %add3A_275 : i32
      %get3A_277 = arith.index_cast %add3A_276 : i32 to index
      %get3A_278 = arith.constant 0 : index
      %get3A_279 = tpu.vector_load %arg10[%get3A_277, %get3A_278] {strides = array<i32>} : memref<200x64xf32, #tpu.memory_space<vmem>>, vector<1x16xf32>,
      %get3A_280 = vector.shape_cast %get3A_279 : vector<1x16xf32> to vector<16xf32>
      %get3A_281 = arith.constant 0 : i32
      %get3A_282 = arith.index_cast %get3A_281 : i32 to index
      %get3A_283 = arith.index_cast %add3A_276 : i32 to index
      %get3A_284 = arith.constant 0 : index
      %get3A_285 = tpu.vector_load %arg9[%get3A_282, %get3A_283, %get3A_284] {strides = array<i32>} : memref<2x200x64xf32, #tpu.memory_space<vmem>>, vector<1x1x16xf32>,
      %get3A_286 = vector.shape_cast %get3A_285 : vector<1x1x16xf32> to vector<16xf32>
      %add3A_287 = arith.addf %get3A_286, %get3A_280 : vector<16xf32>
      %swap3A_288 = arith.constant 0 : i32
      %swap3A_289 = arith.index_cast %swap3A_288 : i32 to index
      %swap3A_290 = arith.index_cast %add3A_276 : i32 to index
      %swap3A_291 = arith.constant 0 : index
      %swap3A_292 = tpu.vector_load %arg9[%swap3A_289, %swap3A_290, %swap3A_291] {strides = array<i32>} : memref<2x200x64xf32, #tpu.memory_space<vmem>>, vector<1x1x16xf32>,
      %swap3A_293 = vector.shape_cast %swap3A_292 : vector<1x1x16xf32> to vector<16xf32>
      %swap3A_294 = vector.shape_cast %add3A_287 : vector<16xf32> to vector<1x1x16xf32>
      tpu.vector_store %arg9[%swap3A_289, %swap3A_290, %swap3A_291], %swap3A_294 {strides = array<i32>} : memref<2x200x64xf32, #tpu.memory_space<vmem>>, vector<1x1x16xf32>,
      %get3A_295 = arith.constant 1 : i32
      %get3A_296 = arith.index_cast %get3A_295 : i32 to index
      %get3A_297 = arith.index_cast %add3A_276 : i32 to index
      %get3A_298 = arith.constant 0 : index
      %get3A_299 = tpu.vector_load %arg9[%get3A_296, %get3A_297, %get3A_298] {strides = array<i32>} : memref<2x200x64xf32, #tpu.memory_space<vmem>>, vector<1x1x16xf32>,
      %get3A_300 = vector.shape_cast %get3A_299 : vector<1x1x16xf32> to vector<16xf32>
      %add3A_301 = arith.addf %get3A_300, %get3A_280 : vector<16xf32>
      %swap3A_302 = arith.constant 1 : i32
      %swap3A_303 = arith.index_cast %swap3A_302 : i32 to index
      %swap3A_304 = arith.index_cast %add3A_276 : i32 to index
      %swap3A_305 = arith.constant 0 : index
      %swap3A_306 = tpu.vector_load %arg9[%swap3A_303, %swap3A_304, %swap3A_305] {strides = array<i32>} : memref<2x200x64xf32, #tpu.memory_space<vmem>>, vector<1x1x16xf32>,
      %swap3A_307 = vector.shape_cast %swap3A_306 : vector<1x1x16xf32> to vector<16xf32>
      %swap3A_308 = vector.shape_cast %add3A_301 : vector<16xf32> to vector<1x1x16xf32>
      tpu.vector_store %arg9[%swap3A_303, %swap3A_304, %swap3A_305], %swap3A_308 {strides = array<i32>} : memref<2x200x64xf32, #tpu.memory_space<vmem>>, vector<1x1x16xf32>,
      %get3A_309 = arith.index_cast %add3A_276 : i32 to index
      %get3A_310 = arith.constant 16 : index
      %get3A_311 = tpu.vector_load %arg10[%get3A_309, %get3A_310] {strides = array<i32>} : memref<200x64xf32, #tpu.memory_space<vmem>>, vector<1x16xf32>,
      %get3A_312 = vector.shape_cast %get3A_311 : vector<1x16xf32> to vector<16xf32>
      %get3A_313 = arith.constant 0 : i32
      %get3A_314 = arith.index_cast %get3A_313 : i32 to index
      %get3A_315 = arith.index_cast %add3A_276 : i32 to index
      %get3A_316 = arith.constant 16 : index
      %get3A_317 = tpu.vector_load %arg9[%get3A_314, %get3A_315, %get3A_316] {strides = array<i32>} : memref<2x200x64xf32, #tpu.memory_space<vmem>>, vector<1x1x16xf32>,
      %get3A_318 = vector.shape_cast %get3A_317 : vector<1x1x16xf32> to vector<16xf32>
      %add3A_319 = arith.addf %get3A_318, %get3A_312 : vector<16xf32>
      %swap3A_320 = arith.constant 0 : i32
      %swap3A_321 = arith.index_cast %swap3A_320 : i32 to index
      %swap3A_322 = arith.index_cast %add3A_276 : i32 to index
      %swap3A_323 = arith.constant 16 : index
      %swap3A_324 = tpu.vector_load %arg9[%swap3A_321, %swap3A_322, %swap3A_323] {strides = array<i32>} : memref<2x200x64xf32, #tpu.memory_space<vmem>>, vector<1x1x16xf32>,
      %swap3A_325 = vector.shape_cast %swap3A_324 : vector<1x1x16xf32> to vector<16xf32>
      %swap3A_326 = vector.shape_cast %add3A_319 : vector<16xf32> to vector<1x1x16xf32>
      tpu.vector_store %arg9[%swap3A_321, %swap3A_322, %swap3A_323], %swap3A_326 {strides = array<i32>} : memref<2x200x64xf32, #tpu.memory_space<vmem>>, vector<1x1x16xf32>,
      %get3A_327 = arith.constant 1 : i32
      %get3A_328 = arith.index_cast %get3A_327 : i32 to index
      %get3A_329 = arith.index_cast %add3A_276 : i32 to index
      %get3A_330 = arith.constant 16 : index
      %get3A_331 = tpu.vector_load %arg9[%get3A_328, %get3A_329, %get3A_330] {strides = array<i32>} : memref<2x200x64xf32, #tpu.memory_space<vmem>>, vector<1x1x16xf32>,
      %get3A_332 = vector.shape_cast %get3A_331 : vector<1x1x16xf32> to vector<16xf32>
      %add3A_333 = arith.addf %get3A_332, %get3A_312 : vector<16xf32>
      %swap3A_334 = arith.constant 1 : i32
      %swap3A_335 = arith.index_cast %swap3A_334 : i32 to index
      %swap3A_336 = arith.index_cast %add3A_276 : i32 to index
      %swap3A_337 = arith.constant 16 : index
      %swap3A_338 = tpu.vector_load %arg9[%swap3A_335, %swap3A_336, %swap3A_337] {strides = array<i32>} : memref<2x200x64xf32, #tpu.memory_space<vmem>>, vector<1x1x16xf32>,
      %swap3A_339 = vector.shape_cast %swap3A_338 : vector<1x1x16xf32> to vector<16xf32>
      %swap3A_340 = vector.shape_cast %add3A_333 : vector<16xf32> to vector<1x1x16xf32>
      tpu.vector_store %arg9[%swap3A_335, %swap3A_336, %swap3A_337], %swap3A_340 {strides = array<i32>} : memref<2x200x64xf32, #tpu.memory_space<vmem>>, vector<1x1x16xf32>,
      %get3A_341 = arith.index_cast %add3A_276 : i32 to index
      %get3A_342 = arith.constant 32 : index
      %get3A_343 = tpu.vector_load %arg10[%get3A_341, %get3A_342] {strides = array<i32>} : memref<200x64xf32, #tpu.memory_space<vmem>>, vector<1x16xf32>,
      %get3A_344 = vector.shape_cast %get3A_343 : vector<1x16xf32> to vector<16xf32>
      %get3A_345 = arith.constant 0 : i32
      %get3A_346 = arith.index_cast %get3A_345 : i32 to index
      %get3A_347 = arith.index_cast %add3A_276 : i32 to index
      %get3A_348 = arith.constant 32 : index
      %get3A_349 = tpu.vector_load %arg9[%get3A_346, %get3A_347, %get3A_348] {strides = array<i32>} : memref<2x200x64xf32, #tpu.memory_space<vmem>>, vector<1x1x16xf32>,
      %get3A_350 = vector.shape_cast %get3A_349 : vector<1x1x16xf32> to vector<16xf32>
      %add3A_351 = arith.addf %get3A_350, %get3A_344 : vector<16xf32>
      %swap3A_352 = arith.constant 0 : i32
      %swap3A_353 = arith.index_cast %swap3A_352 : i32 to index
      %swap3A_354 = arith.index_cast %add3A_276 : i32 to index
      %swap3A_355 = arith.constant 32 : index
      %swap3A_356 = tpu.vector_load %arg9[%swap3A_353, %swap3A_354, %swap3A_355] {strides = array<i32>} : memref<2x200x64xf32, #tpu.memory_space<vmem>>, vector<1x1x16xf32>,
      %swap3A_357 = vector.shape_cast %swap3A_356 : vector<1x1x16xf32> to vector<16xf32>
      %swap3A_358 = vector.shape_cast %add3A_351 : vector<16xf32> to vector<1x1x16xf32>
      tpu.vector_store %arg9[%swap3A_353, %swap3A_354, %swap3A_355], %swap3A_358 {strides = array<i32>} : memref<2x200x64xf32, #tpu.memory_space<vmem>>, vector<1x1x16xf32>,
      %get3A_359 = arith.constant 1 : i32
      %get3A_360 = arith.index_cast %get3A_359 : i32 to index
      %get3A_361 = arith.index_cast %add3A_276 : i32 to index
      %get3A_362 = arith.constant 32 : index
      %get3A_363 = tpu.vector_load %arg9[%get3A_360, %get3A_361, %get3A_362] {strides = array<i32>} : memref<2x200x64xf32, #tpu.memory_space<vmem>>, vector<1x1x16xf32>,
      %get3A_364 = vector.shape_cast %get3A_363 : vector<1x1x16xf32> to vector<16xf32>
      %add3A_365 = arith.addf %get3A_364, %get3A_344 : vector<16xf32>
      %swap3A_366 = arith.constant 1 : i32
      %swap3A_367 = arith.index_cast %swap3A_366 : i32 to index
      %swap3A_368 = arith.index_cast %add3A_276 : i32 to index
      %swap3A_369 = arith.constant 32 : index
      %swap3A_370 = tpu.vector_load %arg9[%swap3A_367, %swap3A_368, %swap3A_369] {strides = array<i32>} : memref<2x200x64xf32, #tpu.memory_space<vmem>>, vector<1x1x16xf32>,
      %swap3A_371 = vector.shape_cast %swap3A_370 : vector<1x1x16xf32> to vector<16xf32>
      %swap3A_372 = vector.shape_cast %add3A_365 : vector<16xf32> to vector<1x1x16xf32>
      tpu.vector_store %arg9[%swap3A_367, %swap3A_368, %swap3A_369], %swap3A_372 {strides = array<i32>} : memref<2x200x64xf32, #tpu.memory_space<vmem>>, vector<1x1x16xf32>,
      %get3A_373 = arith.index_cast %add3A_276 : i32 to index
      %get3A_374 = arith.constant 48 : index
      %get3A_375 = tpu.vector_load %arg10[%get3A_373, %get3A_374] {strides = array<i32>} : memref<200x64xf32, #tpu.memory_space<vmem>>, vector<1x16xf32>,
      %get3A_376 = vector.shape_cast %get3A_375 : vector<1x16xf32> to vector<16xf32>
      %get3A_377 = arith.constant 0 : i32
      %get3A_378 = arith.index_cast %get3A_377 : i32 to index
      %get3A_379 = arith.index_cast %add3A_276 : i32 to index
      %get3A_380 = arith.constant 48 : index
      %get3A_381 = tpu.vector_load %arg9[%get3A_378, %get3A_379, %get3A_380] {strides = array<i32>} : memref<2x200x64xf32, #tpu.memory_space<vmem>>, vector<1x1x16xf32>,
      %get3A_382 = vector.shape_cast %get3A_381 : vector<1x1x16xf32> to vector<16xf32>
      %add3A_383 = arith.addf %get3A_382, %get3A_376 : vector<16xf32>
      %swap3A_384 = arith.constant 0 : i32
      %swap3A_385 = arith.index_cast %swap3A_384 : i32 to index
      %swap3A_386 = arith.index_cast %add3A_276 : i32 to index
      %swap3A_387 = arith.constant 48 : index
      %swap3A_388 = tpu.vector_load %arg9[%swap3A_385, %swap3A_386, %swap3A_387] {strides = array<i32>} : memref<2x200x64xf32, #tpu.memory_space<vmem>>, vector<1x1x16xf32>,
      %swap3A_389 = vector.shape_cast %swap3A_388 : vector<1x1x16xf32> to vector<16xf32>
      %swap3A_390 = vector.shape_cast %add3A_383 : vector<16xf32> to vector<1x1x16xf32>
      tpu.vector_store %arg9[%swap3A_385, %swap3A_386, %swap3A_387], %swap3A_390 {strides = array<i32>} : memref<2x200x64xf32, #tpu.memory_space<vmem>>, vector<1x1x16xf32>,
      %get3A_391 = arith.constant 1 : i32
      %get3A_392 = arith.index_cast %get3A_391 : i32 to index
      %get3A_393 = arith.index_cast %add3A_276 : i32 to index
      %get3A_394 = arith.constant 48 : index
      %get3A_395 = tpu.vector_load %arg9[%get3A_392, %get3A_393, %get3A_394] {strides = array<i32>} : memref<2x200x64xf32, #tpu.memory_space<vmem>>, vector<1x1x16xf32>,
      %get3A_396 = vector.shape_cast %get3A_395 : vector<1x1x16xf32> to vector<16xf32>
      %add3A_397 = arith.addf %get3A_396, %get3A_376 : vector<16xf32>
      %swap3A_398 = arith.constant 1 : i32
      %swap3A_399 = arith.index_cast %swap3A_398 : i32 to index
      %swap3A_400 = arith.index_cast %add3A_276 : i32 to index
      %swap3A_401 = arith.constant 48 : index
      %swap3A_402 = tpu.vector_load %arg9[%swap3A_399, %swap3A_400, %swap3A_401] {strides = array<i32>} : memref<2x200x64xf32, #tpu.memory_space<vmem>>, vector<1x1x16xf32>,
      %swap3A_403 = vector.shape_cast %swap3A_402 : vector<1x1x16xf32> to vector<16xf32>
      %swap3A_404 = vector.shape_cast %add3A_397 : vector<16xf32> to vector<1x1x16xf32>
      tpu.vector_store %arg9[%swap3A_399, %swap3A_400, %swap3A_401], %swap3A_404 {strides = array<i32>} : memref<2x200x64xf32, #tpu.memory_space<vmem>>, vector<1x1x16xf32>,
      %mul3A_405 = arith.constant 4 : i32
      %mul3A_406 = arith.muli %scan3A_142, %mul3A_405 : i32
      %add3A_407 = arith.constant 2 : i32
      %add3A_408 = arith.addi %mul3A_406, %add3A_407 : i32
      %get3A_409 = arith.index_cast %add3A_408 : i32 to index
      %get3A_410 = arith.constant 0 : index
      %get3A_411 = tpu.vector_load %arg10[%get3A_409, %get3A_410] {strides = array<i32>} : memref<200x64xf32, #tpu.memory_space<vmem>>, vector<1x16xf32>,
      %get3A_412 = vector.shape_cast %get3A_411 : vector<1x16xf32> to vector<16xf32>
      %get3A_413 = arith.constant 0 : i32
      %get3A_414 = arith.index_cast %get3A_413 : i32 to index
      %get3A_415 = arith.index_cast %add3A_408 : i32 to index
      %get3A_416 = arith.constant 0 : index
      %get3A_417 = tpu.vector_load %arg9[%get3A_414, %get3A_415, %get3A_416] {strides = array<i32>} : memref<2x200x64xf32, #tpu.memory_space<vmem>>, vector<1x1x16xf32>,
      %get3A_418 = vector.shape_cast %get3A_417 : vector<1x1x16xf32> to vector<16xf32>
      %add3A_419 = arith.addf %get3A_418, %get3A_412 : vector<16xf32>
      %swap3A_420 = arith.constant 0 : i32
      %swap3A_421 = arith.index_cast %swap3A_420 : i32 to index
      %swap3A_422 = arith.index_cast %add3A_408 : i32 to index
      %swap3A_423 = arith.constant 0 : index
      %swap3A_424 = tpu.vector_load %arg9[%swap3A_421, %swap3A_422, %swap3A_423] {strides = array<i32>} : memref<2x200x64xf32, #tpu.memory_space<vmem>>, vector<1x1x16xf32>,
      %swap3A_425 = vector.shape_cast %swap3A_424 : vector<1x1x16xf32> to vector<16xf32>
      %swap3A_426 = vector.shape_cast %add3A_419 : vector<16xf32> to vector<1x1x16xf32>
      tpu.vector_store %arg9[%swap3A_421, %swap3A_422, %swap3A_423], %swap3A_426 {strides = array<i32>} : memref<2x200x64xf32, #tpu.memory_space<vmem>>, vector<1x1x16xf32>,
      %get3A_427 = arith.constant 1 : i32
      %get3A_428 = arith.index_cast %get3A_427 : i32 to index
      %get3A_429 = arith.index_cast %add3A_408 : i32 to index
      %get3A_430 = arith.constant 0 : index
      %get3A_431 = tpu.vector_load %arg9[%get3A_428, %get3A_429, %get3A_430] {strides = array<i32>} : memref<2x200x64xf32, #tpu.memory_space<vmem>>, vector<1x1x16xf32>,
      %get3A_432 = vector.shape_cast %get3A_431 : vector<1x1x16xf32> to vector<16xf32>
      %add3A_433 = arith.addf %get3A_432, %get3A_412 : vector<16xf32>
      %swap3A_434 = arith.constant 1 : i32
      %swap3A_435 = arith.index_cast %swap3A_434 : i32 to index
      %swap3A_436 = arith.index_cast %add3A_408 : i32 to index
      %swap3A_437 = arith.constant 0 : index
      %swap3A_438 = tpu.vector_load %arg9[%swap3A_435, %swap3A_436, %swap3A_437] {strides = array<i32>} : memref<2x200x64xf32, #tpu.memory_space<vmem>>, vector<1x1x16xf32>,
      %swap3A_439 = vector.shape_cast %swap3A_438 : vector<1x1x16xf32> to vector<16xf32>
      %swap3A_440 = vector.shape_cast %add3A_433 : vector<16xf32> to vector<1x1x16xf32>
      tpu.vector_store %arg9[%swap3A_435, %swap3A_436, %swap3A_437], %swap3A_440 {strides = array<i32>} : memref<2x200x64xf32, #tpu.memory_space<vmem>>, vector<1x1x16xf32>,
      %get3A_441 = arith.index_cast %add3A_408 : i32 to index
      %get3A_442 = arith.constant 16 : index
      %get3A_443 = tpu.vector_load %arg10[%get3A_441, %get3A_442] {strides = array<i32>} : memref<200x64xf32, #tpu.memory_space<vmem>>, vector<1x16xf32>,
      %get3A_444 = vector.shape_cast %get3A_443 : vector<1x16xf32> to vector<16xf32>
      %get3A_445 = arith.constant 0 : i32
      %get3A_446 = arith.index_cast %get3A_445 : i32 to index
      %get3A_447 = arith.index_cast %add3A_408 : i32 to index
      %get3A_448 = arith.constant 16 : index
      %get3A_449 = tpu.vector_load %arg9[%get3A_446, %get3A_447, %get3A_448] {strides = array<i32>} : memref<2x200x64xf32, #tpu.memory_space<vmem>>, vector<1x1x16xf32>,
      %get3A_450 = vector.shape_cast %get3A_449 : vector<1x1x16xf32> to vector<16xf32>
      %add3A_451 = arith.addf %get3A_450, %get3A_444 : vector<16xf32>
      %swap3A_452 = arith.constant 0 : i32
      %swap3A_453 = arith.index_cast %swap3A_452 : i32 to index
      %swap3A_454 = arith.index_cast %add3A_408 : i32 to index
      %swap3A_455 = arith.constant 16 : index
      %swap3A_456 = tpu.vector_load %arg9[%swap3A_453, %swap3A_454, %swap3A_455] {strides = array<i32>} : memref<2x200x64xf32, #tpu.memory_space<vmem>>, vector<1x1x16xf32>,
      %swap3A_457 = vector.shape_cast %swap3A_456 : vector<1x1x16xf32> to vector<16xf32>
      %swap3A_458 = vector.shape_cast %add3A_451 : vector<16xf32> to vector<1x1x16xf32>
      tpu.vector_store %arg9[%swap3A_453, %swap3A_454, %swap3A_455], %swap3A_458 {strides = array<i32>} : memref<2x200x64xf32, #tpu.memory_space<vmem>>, vector<1x1x16xf32>,
      %get3A_459 = arith.constant 1 : i32
      %get3A_460 = arith.index_cast %get3A_459 : i32 to index
      %get3A_461 = arith.index_cast %add3A_408 : i32 to index
      %get3A_462 = arith.constant 16 : index
      %get3A_463 = tpu.vector_load %arg9[%get3A_460, %get3A_461, %get3A_462] {strides = array<i32>} : memref<2x200x64xf32, #tpu.memory_space<vmem>>, vector<1x1x16xf32>,
      %get3A_464 = vector.shape_cast %get3A_463 : vector<1x1x16xf32> to vector<16xf32>
      %add3A_465 = arith.addf %get3A_464, %get3A_444 : vector<16xf32>
      %swap3A_466 = arith.constant 1 : i32
      %swap3A_467 = arith.index_cast %swap3A_466 : i32 to index
      %swap3A_468 = arith.index_cast %add3A_408 : i32 to index
      %swap3A_469 = arith.constant 16 : index
      %swap3A_470 = tpu.vector_load %arg9[%swap3A_467, %swap3A_468, %swap3A_469] {strides = array<i32>} : memref<2x200x64xf32, #tpu.memory_space<vmem>>, vector<1x1x16xf32>,
      %swap3A_471 = vector.shape_cast %swap3A_470 : vector<1x1x16xf32> to vector<16xf32>
      %swap3A_472 = vector.shape_cast %add3A_465 : vector<16xf32> to vector<1x1x16xf32>
      tpu.vector_store %arg9[%swap3A_467, %swap3A_468, %swap3A_469], %swap3A_472 {strides = array<i32>} : memref<2x200x64xf32, #tpu.memory_space<vmem>>, vector<1x1x16xf32>,
      %get3A_473 = arith.index_cast %add3A_408 : i32 to index
      %get3A_474 = arith.constant 32 : index
      %get3A_475 = tpu.vector_load %arg10[%get3A_473, %get3A_474] {strides = array<i32>} : memref<200x64xf32, #tpu.memory_space<vmem>>, vector<1x16xf32>,
      %get3A_476 = vector.shape_cast %get3A_475 : vector<1x16xf32> to vector<16xf32>
      %get3A_477 = arith.constant 0 : i32
      %get3A_478 = arith.index_cast %get3A_477 : i32 to index
      %get3A_479 = arith.index_cast %add3A_408 : i32 to index
      %get3A_480 = arith.constant 32 : index
      %get3A_481 = tpu.vector_load %arg9[%get3A_478, %get3A_479, %get3A_480] {strides = array<i32>} : memref<2x200x64xf32, #tpu.memory_space<vmem>>, vector<1x1x16xf32>,
      %get3A_482 = vector.shape_cast %get3A_481 : vector<1x1x16xf32> to vector<16xf32>
      %add3A_483 = arith.addf %get3A_482, %get3A_476 : vector<16xf32>
      %swap3A_484 = arith.constant 0 : i32
      %swap3A_485 = arith.index_cast %swap3A_484 : i32 to index
      %swap3A_486 = arith.index_cast %add3A_408 : i32 to index
      %swap3A_487 = arith.constant 32 : index
      %swap3A_488 = tpu.vector_load %arg9[%swap3A_485, %swap3A_486, %swap3A_487] {strides = array<i32>} : memref<2x200x64xf32, #tpu.memory_space<vmem>>, vector<1x1x16xf32>,
      %swap3A_489 = vector.shape_cast %swap3A_488 : vector<1x1x16xf32> to vector<16xf32>
      %swap3A_490 = vector.shape_cast %add3A_483 : vector<16xf32> to vector<1x1x16xf32>
      tpu.vector_store %arg9[%swap3A_485, %swap3A_486, %swap3A_487], %swap3A_490 {strides = array<i32>} : memref<2x200x64xf32, #tpu.memory_space<vmem>>, vector<1x1x16xf32>,
      %get3A_491 = arith.constant 1 : i32
      %get3A_492 = arith.index_cast %get3A_491 : i32 to index
      %get3A_493 = arith.index_cast %add3A_408 : i32 to index
      %get3A_494 = arith.constant 32 : index
      %get3A_495 = tpu.vector_load %arg9[%get3A_492, %get3A_493, %get3A_494] {strides = array<i32>} : memref<2x200x64xf32, #tpu.memory_space<vmem>>, vector<1x1x16xf32>,
      %get3A_496 = vector.shape_cast %get3A_495 : vector<1x1x16xf32> to vector<16xf32>
      %add3A_497 = arith.addf %get3A_496, %get3A_476 : vector<16xf32>
      %swap3A_498 = arith.constant 1 : i32
      %swap3A_499 = arith.index_cast %swap3A_498 : i32 to index
      %swap3A_500 = arith.index_cast %add3A_408 : i32 to index
      %swap3A_501 = arith.constant 32 : index
      %swap3A_502 = tpu.vector_load %arg9[%swap3A_499, %swap3A_500, %swap3A_501] {strides = array<i32>} : memref<2x200x64xf32, #tpu.memory_space<vmem>>, vector<1x1x16xf32>,
      %swap3A_503 = vector.shape_cast %swap3A_502 : vector<1x1x16xf32> to vector<16xf32>
      %swap3A_504 = vector.shape_cast %add3A_497 : vector<16xf32> to vector<1x1x16xf32>
      tpu.vector_store %arg9[%swap3A_499, %swap3A_500, %swap3A_501], %swap3A_504 {strides = array<i32>} : memref<2x200x64xf32, #tpu.memory_space<vmem>>, vector<1x1x16xf32>,
      %get3A_505 = arith.index_cast %add3A_408 : i32 to index
      %get3A_506 = arith.constant 48 : index
      %get3A_507 = tpu.vector_load %arg10[%get3A_505, %get3A_506] {strides = array<i32>} : memref<200x64xf32, #tpu.memory_space<vmem>>, vector<1x16xf32>,
      %get3A_508 = vector.shape_cast %get3A_507 : vector<1x16xf32> to vector<16xf32>
      %get3A_509 = arith.constant 0 : i32
      %get3A_510 = arith.index_cast %get3A_509 : i32 to index
      %get3A_511 = arith.index_cast %add3A_408 : i32 to index
      %get3A_512 = arith.constant 48 : index
      %get3A_513 = tpu.vector_load %arg9[%get3A_510, %get3A_511, %get3A_512] {strides = array<i32>} : memref<2x200x64xf32, #tpu.memory_space<vmem>>, vector<1x1x16xf32>,
      %get3A_514 = vector.shape_cast %get3A_513 : vector<1x1x16xf32> to vector<16xf32>
      %add3A_515 = arith.addf %get3A_514, %get3A_508 : vector<16xf32>
      %swap3A_516 = arith.constant 0 : i32
      %swap3A_517 = arith.index_cast %swap3A_516 : i32 to index
      %swap3A_518 = arith.index_cast %add3A_408 : i32 to index
      %swap3A_519 = arith.constant 48 : index
      %swap3A_520 = tpu.vector_load %arg9[%swap3A_517, %swap3A_518, %swap3A_519] {strides = array<i32>} : memref<2x200x64xf32, #tpu.memory_space<vmem>>, vector<1x1x16xf32>,
      %swap3A_521 = vector.shape_cast %swap3A_520 : vector<1x1x16xf32> to vector<16xf32>
      %swap3A_522 = vector.shape_cast %add3A_515 : vector<16xf32> to vector<1x1x16xf32>
      tpu.vector_store %arg9[%swap3A_517, %swap3A_518, %swap3A_519], %swap3A_522 {strides = array<i32>} : memref<2x200x64xf32, #tpu.memory_space<vmem>>, vector<1x1x16xf32>,
      %get3A_523 = arith.constant 1 : i32
      %get3A_524 = arith.index_cast %get3A_523 : i32 to index
      %get3A_525 = arith.index_cast %add3A_408 : i32 to index
      %get3A_526 = arith.constant 48 : index
      %get3A_527 = tpu.vector_load %arg9[%get3A_524, %get3A_525, %get3A_526] {strides = array<i32>} : memref<2x200x64xf32, #tpu.memory_space<vmem>>, vector<1x1x16xf32>,
      %get3A_528 = vector.shape_cast %get3A_527 : vector<1x1x16xf32> to vector<16xf32>
      %add3A_529 = arith.addf %get3A_528, %get3A_508 : vector<16xf32>
      %swap3A_530 = arith.constant 1 : i32
      %swap3A_531 = arith.index_cast %swap3A_530 : i32 to index
      %swap3A_532 = arith.index_cast %add3A_408 : i32 to index
      %swap3A_533 = arith.constant 48 : index
      %swap3A_534 = tpu.vector_load %arg9[%swap3A_531, %swap3A_532, %swap3A_533] {strides = array<i32>} : memref<2x200x64xf32, #tpu.memory_space<vmem>>, vector<1x1x16xf32>,
      %swap3A_535 = vector.shape_cast %swap3A_534 : vector<1x1x16xf32> to vector<16xf32>
      %swap3A_536 = vector.shape_cast %add3A_529 : vector<16xf32> to vector<1x1x16xf32>
      tpu.vector_store %arg9[%swap3A_531, %swap3A_532, %swap3A_533], %swap3A_536 {strides = array<i32>} : memref<2x200x64xf32, #tpu.memory_space<vmem>>, vector<1x1x16xf32>,
      %mul3A_537 = arith.constant 4 : i32
      %mul3A_538 = arith.muli %scan3A_142, %mul3A_537 : i32
      %add3A_539 = arith.constant 3 : i32
      %add3A_540 = arith.addi %mul3A_538, %add3A_539 : i32
      %get3A_541 = arith.index_cast %add3A_540 : i32 to index
      %get3A_542 = arith.constant 0 : index
      %get3A_543 = tpu.vector_load %arg10[%get3A_541, %get3A_542] {strides = array<i32>} : memref<200x64xf32, #tpu.memory_space<vmem>>, vector<1x16xf32>,
      %get3A_544 = vector.shape_cast %get3A_543 : vector<1x16xf32> to vector<16xf32>
      %get3A_545 = arith.constant 0 : i32
      %get3A_546 = arith.index_cast %get3A_545 : i32 to index
      %get3A_547 = arith.index_cast %add3A_540 : i32 to index
      %get3A_548 = arith.constant 0 : index
      %get3A_549 = tpu.vector_load %arg9[%get3A_546, %get3A_547, %get3A_548] {strides = array<i32>} : memref<2x200x64xf32, #tpu.memory_space<vmem>>, vector<1x1x16xf32>,
      %get3A_550 = vector.shape_cast %get3A_549 : vector<1x1x16xf32> to vector<16xf32>
      %add3A_551 = arith.addf %get3A_550, %get3A_544 : vector<16xf32>
      %swap3A_552 = arith.constant 0 : i32
      %swap3A_553 = arith.index_cast %swap3A_552 : i32 to index
      %swap3A_554 = arith.index_cast %add3A_540 : i32 to index
      %swap3A_555 = arith.constant 0 : index
      %swap3A_556 = tpu.vector_load %arg9[%swap3A_553, %swap3A_554, %swap3A_555] {strides = array<i32>} : memref<2x200x64xf32, #tpu.memory_space<vmem>>, vector<1x1x16xf32>,
      %swap3A_557 = vector.shape_cast %swap3A_556 : vector<1x1x16xf32> to vector<16xf32>
      %swap3A_558 = vector.shape_cast %add3A_551 : vector<16xf32> to vector<1x1x16xf32>
      tpu.vector_store %arg9[%swap3A_553, %swap3A_554, %swap3A_555], %swap3A_558 {strides = array<i32>} : memref<2x200x64xf32, #tpu.memory_space<vmem>>, vector<1x1x16xf32>,
      %get3A_559 = arith.constant 1 : i32
      %get3A_560 = arith.index_cast %get3A_559 : i32 to index
      %get3A_561 = arith.index_cast %add3A_540 : i32 to index
      %get3A_562 = arith.constant 0 : index
      %get3A_563 = tpu.vector_load %arg9[%get3A_560, %get3A_561, %get3A_562] {strides = array<i32>} : memref<2x200x64xf32, #tpu.memory_space<vmem>>, vector<1x1x16xf32>,
      %get3A_564 = vector.shape_cast %get3A_563 : vector<1x1x16xf32> to vector<16xf32>
      %add3A_565 = arith.addf %get3A_564, %get3A_544 : vector<16xf32>
      %swap3A_566 = arith.constant 1 : i32
      %swap3A_567 = arith.index_cast %swap3A_566 : i32 to index
      %swap3A_568 = arith.index_cast %add3A_540 : i32 to index
      %swap3A_569 = arith.constant 0 : index
      %swap3A_570 = tpu.vector_load %arg9[%swap3A_567, %swap3A_568, %swap3A_569] {strides = array<i32>} : memref<2x200x64xf32, #tpu.memory_space<vmem>>, vector<1x1x16xf32>,
      %swap3A_571 = vector.shape_cast %swap3A_570 : vector<1x1x16xf32> to vector<16xf32>
      %swap3A_572 = vector.shape_cast %add3A_565 : vector<16xf32> to vector<1x1x16xf32>
      tpu.vector_store %arg9[%swap3A_567, %swap3A_568, %swap3A_569], %swap3A_572 {strides = array<i32>} : memref<2x200x64xf32, #tpu.memory_space<vmem>>, vector<1x1x16xf32>,
      %get3A_573 = arith.index_cast %add3A_540 : i32 to index
      %get3A_574 = arith.constant 16 : index
      %get3A_575 = tpu.vector_load %arg10[%get3A_573, %get3A_574] {strides = array<i32>} : memref<200x64xf32, #tpu.memory_space<vmem>>, vector<1x16xf32>,
      %get3A_576 = vector.shape_cast %get3A_575 : vector<1x16xf32> to vector<16xf32>
      %get3A_577 = arith.constant 0 : i32
      %get3A_578 = arith.index_cast %get3A_577 : i32 to index
      %get3A_579 = arith.index_cast %add3A_540 : i32 to index
      %get3A_580 = arith.constant 16 : index
      %get3A_581 = tpu.vector_load %arg9[%get3A_578, %get3A_579, %get3A_580] {strides = array<i32>} : memref<2x200x64xf32, #tpu.memory_space<vmem>>, vector<1x1x16xf32>,
      %get3A_582 = vector.shape_cast %get3A_581 : vector<1x1x16xf32> to vector<16xf32>
      %add3A_583 = arith.addf %get3A_582, %get3A_576 : vector<16xf32>
      %swap3A_584 = arith.constant 0 : i32
      %swap3A_585 = arith.index_cast %swap3A_584 : i32 to index
      %swap3A_586 = arith.index_cast %add3A_540 : i32 to index
      %swap3A_587 = arith.constant 16 : index
      %swap3A_588 = tpu.vector_load %arg9[%swap3A_585, %swap3A_586, %swap3A_587] {strides = array<i32>} : memref<2x200x64xf32, #tpu.memory_space<vmem>>, vector<1x1x16xf32>,
      %swap3A_589 = vector.shape_cast %swap3A_588 : vector<1x1x16xf32> to vector<16xf32>
      %swap3A_590 = vector.shape_cast %add3A_583 : vector<16xf32> to vector<1x1x16xf32>
      tpu.vector_store %arg9[%swap3A_585, %swap3A_586, %swap3A_587], %swap3A_590 {strides = array<i32>} : memref<2x200x64xf32, #tpu.memory_space<vmem>>, vector<1x1x16xf32>,
      %get3A_591 = arith.constant 1 : i32
      %get3A_592 = arith.index_cast %get3A_591 : i32 to index
      %get3A_593 = arith.index_cast %add3A_540 : i32 to index
      %get3A_594 = arith.constant 16 : index
      %get3A_595 = tpu.vector_load %arg9[%get3A_592, %get3A_593, %get3A_594] {strides = array<i32>} : memref<2x200x64xf32, #tpu.memory_space<vmem>>, vector<1x1x16xf32>,
      %get3A_596 = vector.shape_cast %get3A_595 : vector<1x1x16xf32> to vector<16xf32>
      %add3A_597 = arith.addf %get3A_596, %get3A_576 : vector<16xf32>
      %swap3A_598 = arith.constant 1 : i32
      %swap3A_599 = arith.index_cast %swap3A_598 : i32 to index
      %swap3A_600 = arith.index_cast %add3A_540 : i32 to index
      %swap3A_601 = arith.constant 16 : index
      %swap3A_602 = tpu.vector_load %arg9[%swap3A_599, %swap3A_600, %swap3A_601] {strides = array<i32>} : memref<2x200x64xf32, #tpu.memory_space<vmem>>, vector<1x1x16xf32>,
      %swap3A_603 = vector.shape_cast %swap3A_602 : vector<1x1x16xf32> to vector<16xf32>
      %swap3A_604 = vector.shape_cast %add3A_597 : vector<16xf32> to vector<1x1x16xf32>
      tpu.vector_store %arg9[%swap3A_599, %swap3A_600, %swap3A_601], %swap3A_604 {strides = array<i32>} : memref<2x200x64xf32, #tpu.memory_space<vmem>>, vector<1x1x16xf32>,
      %get3A_605 = arith.index_cast %add3A_540 : i32 to index
      %get3A_606 = arith.constant 32 : index
      %get3A_607 = tpu.vector_load %arg10[%get3A_605, %get3A_606] {strides = array<i32>} : memref<200x64xf32, #tpu.memory_space<vmem>>, vector<1x16xf32>,
      %get3A_608 = vector.shape_cast %get3A_607 : vector<1x16xf32> to vector<16xf32>
      %get3A_609 = arith.constant 0 : i32
      %get3A_610 = arith.index_cast %get3A_609 : i32 to index
      %get3A_611 = arith.index_cast %add3A_540 : i32 to index
      %get3A_612 = arith.constant 32 : index
      %get3A_613 = tpu.vector_load %arg9[%get3A_610, %get3A_611, %get3A_612] {strides = array<i32>} : memref<2x200x64xf32, #tpu.memory_space<vmem>>, vector<1x1x16xf32>,
      %get3A_614 = vector.shape_cast %get3A_613 : vector<1x1x16xf32> to vector<16xf32>
      %add3A_615 = arith.addf %get3A_614, %get3A_608 : vector<16xf32>
      %swap3A_616 = arith.constant 0 : i32
      %swap3A_617 = arith.index_cast %swap3A_616 : i32 to index
      %swap3A_618 = arith.index_cast %add3A_540 : i32 to index
      %swap3A_619 = arith.constant 32 : index
      %swap3A_620 = tpu.vector_load %arg9[%swap3A_617, %swap3A_618, %swap3A_619] {strides = array<i32>} : memref<2x200x64xf32, #tpu.memory_space<vmem>>, vector<1x1x16xf32>,
      %swap3A_621 = vector.shape_cast %swap3A_620 : vector<1x1x16xf32> to vector<16xf32>
      %swap3A_622 = vector.shape_cast %add3A_615 : vector<16xf32> to vector<1x1x16xf32>
      tpu.vector_store %arg9[%swap3A_617, %swap3A_618, %swap3A_619], %swap3A_622 {strides = array<i32>} : memref<2x200x64xf32, #tpu.memory_space<vmem>>, vector<1x1x16xf32>,
      %get3A_623 = arith.constant 1 : i32
      %get3A_624 = arith.index_cast %get3A_623 : i32 to index
      %get3A_625 = arith.index_cast %add3A_540 : i32 to index
      %get3A_626 = arith.constant 32 : index
      %get3A_627 = tpu.vector_load %arg9[%get3A_624, %get3A_625, %get3A_626] {strides = array<i32>} : memref<2x200x64xf32, #tpu.memory_space<vmem>>, vector<1x1x16xf32>,
      %get3A_628 = vector.shape_cast %get3A_627 : vector<1x1x16xf32> to vector<16xf32>
      %add3A_629 = arith.addf %get3A_628, %get3A_608 : vector<16xf32>
      %swap3A_630 = arith.constant 1 : i32
      %swap3A_631 = arith.index_cast %swap3A_630 : i32 to index
      %swap3A_632 = arith.index_cast %add3A_540 : i32 to index
      %swap3A_633 = arith.constant 32 : index
      %swap3A_634 = tpu.vector_load %arg9[%swap3A_631, %swap3A_632, %swap3A_633] {strides = array<i32>} : memref<2x200x64xf32, #tpu.memory_space<vmem>>, vector<1x1x16xf32>,
      %swap3A_635 = vector.shape_cast %swap3A_634 : vector<1x1x16xf32> to vector<16xf32>
      %swap3A_636 = vector.shape_cast %add3A_629 : vector<16xf32> to vector<1x1x16xf32>
      tpu.vector_store %arg9[%swap3A_631, %swap3A_632, %swap3A_633], %swap3A_636 {strides = array<i32>} : memref<2x200x64xf32, #tpu.memory_space<vmem>>, vector<1x1x16xf32>,
      %get3A_637 = arith.index_cast %add3A_540 : i32 to index
      %get3A_638 = arith.constant 48 : index
      %get3A_639 = tpu.vector_load %arg10[%get3A_637, %get3A_638] {strides = array<i32>} : memref<200x64xf32, #tpu.memory_space<vmem>>, vector<1x16xf32>,
      %get3A_640 = vector.shape_cast %get3A_639 : vector<1x16xf32> to vector<16xf32>
      %get3A_641 = arith.constant 0 : i32
      %get3A_642 = arith.index_cast %get3A_641 : i32 to index
      %get3A_643 = arith.index_cast %add3A_540 : i32 to index
      %get3A_644 = arith.constant 48 : index
      %get3A_645 = tpu.vector_load %arg9[%get3A_642, %get3A_643, %get3A_644] {strides = array<i32>} : memref<2x200x64xf32, #tpu.memory_space<vmem>>, vector<1x1x16xf32>,
      %get3A_646 = vector.shape_cast %get3A_645 : vector<1x1x16xf32> to vector<16xf32>
      %add3A_647 = arith.addf %get3A_646, %get3A_640 : vector<16xf32>
      %swap3A_648 = arith.constant 0 : i32
      %swap3A_649 = arith.index_cast %swap3A_648 : i32 to index
      %swap3A_650 = arith.index_cast %add3A_540 : i32 to index
      %swap3A_651 = arith.constant 48 : index
      %swap3A_652 = tpu.vector_load %arg9[%swap3A_649, %swap3A_650, %swap3A_651] {strides = array<i32>} : memref<2x200x64xf32, #tpu.memory_space<vmem>>, vector<1x1x16xf32>,
      %swap3A_653 = vector.shape_cast %swap3A_652 : vector<1x1x16xf32> to vector<16xf32>
      %swap3A_654 = vector.shape_cast %add3A_647 : vector<16xf32> to vector<1x1x16xf32>
      tpu.vector_store %arg9[%swap3A_649, %swap3A_650, %swap3A_651], %swap3A_654 {strides = array<i32>} : memref<2x200x64xf32, #tpu.memory_space<vmem>>, vector<1x1x16xf32>,
      %get3A_655 = arith.constant 1 : i32
      %get3A_656 = arith.index_cast %get3A_655 : i32 to index
      %get3A_657 = arith.index_cast %add3A_540 : i32 to index
      %get3A_658 = arith.constant 48 : index
      %get3A_659 = tpu.vector_load %arg9[%get3A_656, %get3A_657, %get3A_658] {strides = array<i32>} : memref<2x200x64xf32, #tpu.memory_space<vmem>>, vector<1x1x16xf32>,
      %get3A_660 = vector.shape_cast %get3A_659 : vector<1x1x16xf32> to vector<16xf32>
      %add3A_661 = arith.addf %get3A_660, %get3A_640 : vector<16xf32>
      %swap3A_662 = arith.constant 1 : i32
      %swap3A_663 = arith.index_cast %swap3A_662 : i32 to index
      %swap3A_664 = arith.index_cast %add3A_540 : i32 to index
      %swap3A_665 = arith.constant 48 : index
      %swap3A_666 = tpu.vector_load %arg9[%swap3A_663, %swap3A_664, %swap3A_665] {strides = array<i32>} : memref<2x200x64xf32, #tpu.memory_space<vmem>>, vector<1x1x16xf32>,
      %swap3A_667 = vector.shape_cast %swap3A_666 : vector<1x1x16xf32> to vector<16xf32>
      %swap3A_668 = vector.shape_cast %add3A_661 : vector<16xf32> to vector<1x1x16xf32>
      tpu.vector_store %arg9[%swap3A_663, %swap3A_664, %swap3A_665], %swap3A_668 {strides = array<i32>} : memref<2x200x64xf32, #tpu.memory_space<vmem>>, vector<1x1x16xf32>,
      %scan3A_669 = arith.constant 1 : i32
      %scan3A_670 = arith.addi %scan3A_142, %scan3A_669 : i32
      %mul3A_671 = arith.constant 4 : i32
      %mul3A_672 = arith.muli %scan3A_670, %mul3A_671 : i32
      %add3A_673 = arith.constant 0 : i32
      %add3A_674 = arith.addi %mul3A_672, %add3A_673 : i32
      %get3A_675 = arith.index_cast %add3A_674 : i32 to index
      %get3A_676 = arith.constant 0 : index
      %get3A_677 = tpu.vector_load %arg10[%get3A_675, %get3A_676] {strides = array<i32>} : memref<200x64xf32, #tpu.memory_space<vmem>>, vector<1x16xf32>,
      %get3A_678 = vector.shape_cast %get3A_677 : vector<1x16xf32> to vector<16xf32>
      %get3A_679 = arith.constant 0 : i32
      %get3A_680 = arith.index_cast %get3A_679 : i32 to index
      %get3A_681 = arith.index_cast %add3A_674 : i32 to index
      %get3A_682 = arith.constant 0 : index
      %get3A_683 = tpu.vector_load %arg9[%get3A_680, %get3A_681, %get3A_682] {strides = array<i32>} : memref<2x200x64xf32, #tpu.memory_space<vmem>>, vector<1x1x16xf32>,
      %get3A_684 = vector.shape_cast %get3A_683 : vector<1x1x16xf32> to vector<16xf32>
      %add3A_685 = arith.addf %get3A_684, %get3A_678 : vector<16xf32>
      %swap3A_686 = arith.constant 0 : i32
      %swap3A_687 = arith.index_cast %swap3A_686 : i32 to index
      %swap3A_688 = arith.index_cast %add3A_674 : i32 to index
      %swap3A_689 = arith.constant 0 : index
      %swap3A_690 = tpu.vector_load %arg9[%swap3A_687, %swap3A_688, %swap3A_689] {strides = array<i32>} : memref<2x200x64xf32, #tpu.memory_space<vmem>>, vector<1x1x16xf32>,
      %swap3A_691 = vector.shape_cast %swap3A_690 : vector<1x1x16xf32> to vector<16xf32>
      %swap3A_692 = vector.shape_cast %add3A_685 : vector<16xf32> to vector<1x1x16xf32>
      tpu.vector_store %arg9[%swap3A_687, %swap3A_688, %swap3A_689], %swap3A_692 {strides = array<i32>} : memref<2x200x64xf32, #tpu.memory_space<vmem>>, vector<1x1x16xf32>,
      %get3A_693 = arith.constant 1 : i32
      %get3A_694 = arith.index_cast %get3A_693 : i32 to index
      %get3A_695 = arith.index_cast %add3A_674 : i32 to index
      %get3A_696 = arith.constant 0 : index
      %get3A_697 = tpu.vector_load %arg9[%get3A_694, %get3A_695, %get3A_696] {strides = array<i32>} : memref<2x200x64xf32, #tpu.memory_space<vmem>>, vector<1x1x16xf32>,
      %get3A_698 = vector.shape_cast %get3A_697 : vector<1x1x16xf32> to vector<16xf32>
      %add3A_699 = arith.addf %get3A_698, %get3A_678 : vector<16xf32>
      %swap3A_700 = arith.constant 1 : i32
      %swap3A_701 = arith.index_cast %swap3A_700 : i32 to index
      %swap3A_702 = arith.index_cast %add3A_674 : i32 to index
      %swap3A_703 = arith.constant 0 : index
      %swap3A_704 = tpu.vector_load %arg9[%swap3A_701, %swap3A_702, %swap3A_703] {strides = array<i32>} : memref<2x200x64xf32, #tpu.memory_space<vmem>>, vector<1x1x16xf32>,
      %swap3A_705 = vector.shape_cast %swap3A_704 : vector<1x1x16xf32> to vector<16xf32>
      %swap3A_706 = vector.shape_cast %add3A_699 : vector<16xf32> to vector<1x1x16xf32>
      tpu.vector_store %arg9[%swap3A_701, %swap3A_702, %swap3A_703], %swap3A_706 {strides = array<i32>} : memref<2x200x64xf32, #tpu.memory_space<vmem>>, vector<1x1x16xf32>,
      %get3A_707 = arith.index_cast %add3A_674 : i32 to index
      %get3A_708 = arith.constant 16 : index
      %get3A_709 = tpu.vector_load %arg10[%get3A_707, %get3A_708] {strides = array<i32>} : memref<200x64xf32, #tpu.memory_space<vmem>>, vector<1x16xf32>,
      %get3A_710 = vector.shape_cast %get3A_709 : vector<1x16xf32> to vector<16xf32>
      %get3A_711 = arith.constant 0 : i32
      %get3A_712 = arith.index_cast %get3A_711 : i32 to index
      %get3A_713 = arith.index_cast %add3A_674 : i32 to index
      %get3A_714 = arith.constant 16 : index
      %get3A_715 = tpu.vector_load %arg9[%get3A_712, %get3A_713, %get3A_714] {strides = array<i32>} : memref<2x200x64xf32, #tpu.memory_space<vmem>>, vector<1x1x16xf32>,
      %get3A_716 = vector.shape_cast %get3A_715 : vector<1x1x16xf32> to vector<16xf32>
      %add3A_717 = arith.addf %get3A_716, %get3A_710 : vector<16xf32>
      %swap3A_718 = arith.constant 0 : i32
      %swap3A_719 = arith.index_cast %swap3A_718 : i32 to index
      %swap3A_720 = arith.index_cast %add3A_674 : i32 to index
      %swap3A_721 = arith.constant 16 : index
      %swap3A_722 = tpu.vector_load %arg9[%swap3A_719, %swap3A_720, %swap3A_721] {strides = array<i32>} : memref<2x200x64xf32, #tpu.memory_space<vmem>>, vector<1x1x16xf32>,
      %swap3A_723 = vector.shape_cast %swap3A_722 : vector<1x1x16xf32> to vector<16xf32>
      %swap3A_724 = vector.shape_cast %add3A_717 : vector<16xf32> to vector<1x1x16xf32>
      tpu.vector_store %arg9[%swap3A_719, %swap3A_720, %swap3A_721], %swap3A_724 {strides = array<i32>} : memref<2x200x64xf32, #tpu.memory_space<vmem>>, vector<1x1x16xf32>,
      %get3A_725 = arith.constant 1 : i32
      %get3A_726 = arith.index_cast %get3A_725 : i32 to index
      %get3A_727 = arith.index_cast %add3A_674 : i32 to index
      %get3A_728 = arith.constant 16 : index
      %get3A_729 = tpu.vector_load %arg9[%get3A_726, %get3A_727, %get3A_728] {strides = array<i32>} : memref<2x200x64xf32, #tpu.memory_space<vmem>>, vector<1x1x16xf32>,
      %get3A_730 = vector.shape_cast %get3A_729 : vector<1x1x16xf32> to vector<16xf32>
      %add3A_731 = arith.addf %get3A_730, %get3A_710 : vector<16xf32>
      %swap3A_732 = arith.constant 1 : i32
      %swap3A_733 = arith.index_cast %swap3A_732 : i32 to index
      %swap3A_734 = arith.index_cast %add3A_674 : i32 to index
      %swap3A_735 = arith.constant 16 : index
      %swap3A_736 = tpu.vector_load %arg9[%swap3A_733, %swap3A_734, %swap3A_735] {strides = array<i32>} : memref<2x200x64xf32, #tpu.memory_space<vmem>>, vector<1x1x16xf32>,
      %swap3A_737 = vector.shape_cast %swap3A_736 : vector<1x1x16xf32> to vector<16xf32>
      %swap3A_738 = vector.shape_cast %add3A_731 : vector<16xf32> to vector<1x1x16xf32>
      tpu.vector_store %arg9[%swap3A_733, %swap3A_734, %swap3A_735], %swap3A_738 {strides = array<i32>} : memref<2x200x64xf32, #tpu.memory_space<vmem>>, vector<1x1x16xf32>,
      %get3A_739 = arith.index_cast %add3A_674 : i32 to index
      %get3A_740 = arith.constant 32 : index
      %get3A_741 = tpu.vector_load %arg10[%get3A_739, %get3A_740] {strides = array<i32>} : memref<200x64xf32, #tpu.memory_space<vmem>>, vector<1x16xf32>,
      %get3A_742 = vector.shape_cast %get3A_741 : vector<1x16xf32> to vector<16xf32>
      %get3A_743 = arith.constant 0 : i32
      %get3A_744 = arith.index_cast %get3A_743 : i32 to index
      %get3A_745 = arith.index_cast %add3A_674 : i32 to index
      %get3A_746 = arith.constant 32 : index
      %get3A_747 = tpu.vector_load %arg9[%get3A_744, %get3A_745, %get3A_746] {strides = array<i32>} : memref<2x200x64xf32, #tpu.memory_space<vmem>>, vector<1x1x16xf32>,
      %get3A_748 = vector.shape_cast %get3A_747 : vector<1x1x16xf32> to vector<16xf32>
      %add3A_749 = arith.addf %get3A_748, %get3A_742 : vector<16xf32>
      %swap3A_750 = arith.constant 0 : i32
      %swap3A_751 = arith.index_cast %swap3A_750 : i32 to index
      %swap3A_752 = arith.index_cast %add3A_674 : i32 to index
      %swap3A_753 = arith.constant 32 : index
      %swap3A_754 = tpu.vector_load %arg9[%swap3A_751, %swap3A_752, %swap3A_753] {strides = array<i32>} : memref<2x200x64xf32, #tpu.memory_space<vmem>>, vector<1x1x16xf32>,
      %swap3A_755 = vector.shape_cast %swap3A_754 : vector<1x1x16xf32> to vector<16xf32>
      %swap3A_756 = vector.shape_cast %add3A_749 : vector<16xf32> to vector<1x1x16xf32>
      tpu.vector_store %arg9[%swap3A_751, %swap3A_752, %swap3A_753], %swap3A_756 {strides = array<i32>} : memref<2x200x64xf32, #tpu.memory_space<vmem>>, vector<1x1x16xf32>,
      %get3A_757 = arith.constant 1 : i32
      %get3A_758 = arith.index_cast %get3A_757 : i32 to index
      %get3A_759 = arith.index_cast %add3A_674 : i32 to index
      %get3A_760 = arith.constant 32 : index
      %get3A_761 = tpu.vector_load %arg9[%get3A_758, %get3A_759, %get3A_760] {strides = array<i32>} : memref<2x200x64xf32, #tpu.memory_space<vmem>>, vector<1x1x16xf32>,
      %get3A_762 = vector.shape_cast %get3A_761 : vector<1x1x16xf32> to vector<16xf32>
      %add3A_763 = arith.addf %get3A_762, %get3A_742 : vector<16xf32>
      %swap3A_764 = arith.constant 1 : i32
      %swap3A_765 = arith.index_cast %swap3A_764 : i32 to index
      %swap3A_766 = arith.index_cast %add3A_674 : i32 to index
      %swap3A_767 = arith.constant 32 : index
      %swap3A_768 = tpu.vector_load %arg9[%swap3A_765, %swap3A_766, %swap3A_767] {strides = array<i32>} : memref<2x200x64xf32, #tpu.memory_space<vmem>>, vector<1x1x16xf32>,
      %swap3A_769 = vector.shape_cast %swap3A_768 : vector<1x1x16xf32> to vector<16xf32>
      %swap3A_770 = vector.shape_cast %add3A_763 : vector<16xf32> to vector<1x1x16xf32>
      tpu.vector_store %arg9[%swap3A_765, %swap3A_766, %swap3A_767], %swap3A_770 {strides = array<i32>} : memref<2x200x64xf32, #tpu.memory_space<vmem>>, vector<1x1x16xf32>,
      %get3A_771 = arith.index_cast %add3A_674 : i32 to index
      %get3A_772 = arith.constant 48 : index
      %get3A_773 = tpu.vector_load %arg10[%get3A_771, %get3A_772] {strides = array<i32>} : memref<200x64xf32, #tpu.memory_space<vmem>>, vector<1x16xf32>,
      %get3A_774 = vector.shape_cast %get3A_773 : vector<1x16xf32> to vector<16xf32>
      %get3A_775 = arith.constant 0 : i32
      %get3A_776 = arith.index_cast %get3A_775 : i32 to index
      %get3A_777 = arith.index_cast %add3A_674 : i32 to index
      %get3A_778 = arith.constant 48 : index
      %get3A_779 = tpu.vector_load %arg9[%get3A_776, %get3A_777, %get3A_778] {strides = array<i32>} : memref<2x200x64xf32, #tpu.memory_space<vmem>>, vector<1x1x16xf32>,
      %get3A_780 = vector.shape_cast %get3A_779 : vector<1x1x16xf32> to vector<16xf32>
      %add3A_781 = arith.addf %get3A_780, %get3A_774 : vector<16xf32>
      %swap3A_782 = arith.constant 0 : i32
      %swap3A_783 = arith.index_cast %swap3A_782 : i32 to index
      %swap3A_784 = arith.index_cast %add3A_674 : i32 to index
      %swap3A_785 = arith.constant 48 : index
      %swap3A_786 = tpu.vector_load %arg9[%swap3A_783, %swap3A_784, %swap3A_785] {strides = array<i32>} : memref<2x200x64xf32, #tpu.memory_space<vmem>>, vector<1x1x16xf32>,
      %swap3A_787 = vector.shape_cast %swap3A_786 : vector<1x1x16xf32> to vector<16xf32>
      %swap3A_788 = vector.shape_cast %add3A_781 : vector<16xf32> to vector<1x1x16xf32>
      tpu.vector_store %arg9[%swap3A_783, %swap3A_784, %swap3A_785], %swap3A_788 {strides = array<i32>} : memref<2x200x64xf32, #tpu.memory_space<vmem>>, vector<1x1x16xf32>,
      %get3A_789 = arith.constant 1 : i32
      %get3A_790 = arith.index_cast %get3A_789 : i32 to index
      %get3A_791 = arith.index_cast %add3A_674 : i32 to index
      %get3A_792 = arith.constant 48 : index
      %get3A_793 = tpu.vector_load %arg9[%get3A_790, %get3A_791, %get3A_792] {strides = array<i32>} : memref<2x200x64xf32, #tpu.memory_space<vmem>>, vector<1x1x16xf32>,
      %get3A_794 = vector.shape_cast %get3A_793 : vector<1x1x16xf32> to vector<16xf32>
      %add3A_795 = arith.addf %get3A_794, %get3A_774 : vector<16xf32>
      %swap3A_796 = arith.constant 1 : i32
      %swap3A_797 = arith.index_cast %swap3A_796 : i32 to index
      %swap3A_798 = arith.index_cast %add3A_674 : i32 to index
      %swap3A_799 = arith.constant 48 : index
      %swap3A_800 = tpu.vector_load %arg9[%swap3A_797, %swap3A_798, %swap3A_799] {strides = array<i32>} : memref<2x200x64xf32, #tpu.memory_space<vmem>>, vector<1x1x16xf32>,
      %swap3A_801 = vector.shape_cast %swap3A_800 : vector<1x1x16xf32> to vector<16xf32>
      %swap3A_802 = vector.shape_cast %add3A_795 : vector<16xf32> to vector<1x1x16xf32>
      tpu.vector_store %arg9[%swap3A_797, %swap3A_798, %swap3A_799], %swap3A_802 {strides = array<i32>} : memref<2x200x64xf32, #tpu.memory_space<vmem>>, vector<1x1x16xf32>,
      %mul3A_803 = arith.constant 4 : i32
      %mul3A_804 = arith.muli %scan3A_670, %mul3A_803 : i32
      %add3A_805 = arith.constant 1 : i32
      %add3A_806 = arith.addi %mul3A_804, %add3A_805 : i32
      %get3A_807 = arith.index_cast %add3A_806 : i32 to index
      %get3A_808 = arith.constant 0 : index
      %get3A_809 = tpu.vector_load %arg10[%get3A_807, %get3A_808] {strides = array<i32>} : memref<200x64xf32, #tpu.memory_space<vmem>>, vector<1x16xf32>,
      %get3A_810 = vector.shape_cast %get3A_809 : vector<1x16xf32> to vector<16xf32>
      %get3A_811 = arith.constant 0 : i32
      %get3A_812 = arith.index_cast %get3A_811 : i32 to index
      %get3A_813 = arith.index_cast %add3A_806 : i32 to index
      %get3A_814 = arith.constant 0 : index
      %get3A_815 = tpu.vector_load %arg9[%get3A_812, %get3A_813, %get3A_814] {strides = array<i32>} : memref<2x200x64xf32, #tpu.memory_space<vmem>>, vector<1x1x16xf32>,
      %get3A_816 = vector.shape_cast %get3A_815 : vector<1x1x16xf32> to vector<16xf32>
      %add3A_817 = arith.addf %get3A_816, %get3A_810 : vector<16xf32>
      %swap3A_818 = arith.constant 0 : i32
      %swap3A_819 = arith.index_cast %swap3A_818 : i32 to index
      %swap3A_820 = arith.index_cast %add3A_806 : i32 to index
      %swap3A_821 = arith.constant 0 : index
      %swap3A_822 = tpu.vector_load %arg9[%swap3A_819, %swap3A_820, %swap3A_821] {strides = array<i32>} : memref<2x200x64xf32, #tpu.memory_space<vmem>>, vector<1x1x16xf32>,
      %swap3A_823 = vector.shape_cast %swap3A_822 : vector<1x1x16xf32> to vector<16xf32>
      %swap3A_824 = vector.shape_cast %add3A_817 : vector<16xf32> to vector<1x1x16xf32>
      tpu.vector_store %arg9[%swap3A_819, %swap3A_820, %swap3A_821], %swap3A_824 {strides = array<i32>} : memref<2x200x64xf32, #tpu.memory_space<vmem>>, vector<1x1x16xf32>,
      %get3A_825 = arith.constant 1 : i32
      %get3A_826 = arith.index_cast %get3A_825 : i32 to index
      %get3A_827 = arith.index_cast %add3A_806 : i32 to index
      %get3A_828 = arith.constant 0 : index
      %get3A_829 = tpu.vector_load %arg9[%get3A_826, %get3A_827, %get3A_828] {strides = array<i32>} : memref<2x200x64xf32, #tpu.memory_space<vmem>>, vector<1x1x16xf32>,
      %get3A_830 = vector.shape_cast %get3A_829 : vector<1x1x16xf32> to vector<16xf32>
      %add3A_831 = arith.addf %get3A_830, %get3A_810 : vector<16xf32>
      %swap3A_832 = arith.constant 1 : i32
      %swap3A_833 = arith.index_cast %swap3A_832 : i32 to index
      %swap3A_834 = arith.index_cast %add3A_806 : i32 to index
      %swap3A_835 = arith.constant 0 : index
      %swap3A_836 = tpu.vector_load %arg9[%swap3A_833, %swap3A_834, %swap3A_835] {strides = array<i32>} : memref<2x200x64xf32, #tpu.memory_space<vmem>>, vector<1x1x16xf32>,
      %swap3A_837 = vector.shape_cast %swap3A_836 : vector<1x1x16xf32> to vector<16xf32>
      %swap3A_838 = vector.shape_cast %add3A_831 : vector<16xf32> to vector<1x1x16xf32>
      tpu.vector_store %arg9[%swap3A_833, %swap3A_834, %swap3A_835], %swap3A_838 {strides = array<i32>} : memref<2x200x64xf32, #tpu.memory_space<vmem>>, vector<1x1x16xf32>,
      %get3A_839 = arith.index_cast %add3A_806 : i32 to index
      %get3A_840 = arith.constant 16 : index
      %get3A_841 = tpu.vector_load %arg10[%get3A_839, %get3A_840] {strides = array<i32>} : memref<200x64xf32, #tpu.memory_space<vmem>>, vector<1x16xf32>,
      %get3A_842 = vector.shape_cast %get3A_841 : vector<1x16xf32> to vector<16xf32>
      %get3A_843 = arith.constant 0 : i32
      %get3A_844 = arith.index_cast %get3A_843 : i32 to index
      %get3A_845 = arith.index_cast %add3A_806 : i32 to index
      %get3A_846 = arith.constant 16 : index
      %get3A_847 = tpu.vector_load %arg9[%get3A_844, %get3A_845, %get3A_846] {strides = array<i32>} : memref<2x200x64xf32, #tpu.memory_space<vmem>>, vector<1x1x16xf32>,
      %get3A_848 = vector.shape_cast %get3A_847 : vector<1x1x16xf32> to vector<16xf32>
      %add3A_849 = arith.addf %get3A_848, %get3A_842 : vector<16xf32>
      %swap3A_850 = arith.constant 0 : i32
      %swap3A_851 = arith.index_cast %swap3A_850 : i32 to index
      %swap3A_852 = arith.index_cast %add3A_806 : i32 to index
      %swap3A_853 = arith.constant 16 : index
      %swap3A_854 = tpu.vector_load %arg9[%swap3A_851, %swap3A_852, %swap3A_853] {strides = array<i32>} : memref<2x200x64xf32, #tpu.memory_space<vmem>>, vector<1x1x16xf32>,
      %swap3A_855 = vector.shape_cast %swap3A_854 : vector<1x1x16xf32> to vector<16xf32>
      %swap3A_856 = vector.shape_cast %add3A_849 : vector<16xf32> to vector<1x1x16xf32>
      tpu.vector_store %arg9[%swap3A_851, %swap3A_852, %swap3A_853], %swap3A_856 {strides = array<i32>} : memref<2x200x64xf32, #tpu.memory_space<vmem>>, vector<1x1x16xf32>,
      %get3A_857 = arith.constant 1 : i32
      %get3A_858 = arith.index_cast %get3A_857 : i32 to index
      %get3A_859 = arith.index_cast %add3A_806 : i32 to index
      %get3A_860 = arith.constant 16 : index
      %get3A_861 = tpu.vector_load %arg9[%get3A_858, %get3A_859, %get3A_860] {strides = array<i32>} : memref<2x200x64xf32, #tpu.memory_space<vmem>>, vector<1x1x16xf32>,
      %get3A_862 = vector.shape_cast %get3A_861 : vector<1x1x16xf32> to vector<16xf32>
      %add3A_863 = arith.addf %get3A_862, %get3A_842 : vector<16xf32>
      %swap3A_864 = arith.constant 1 : i32
      %swap3A_865 = arith.index_cast %swap3A_864 : i32 to index
      %swap3A_866 = arith.index_cast %add3A_806 : i32 to index
      %swap3A_867 = arith.constant 16 : index
      %swap3A_868 = tpu.vector_load %arg9[%swap3A_865, %swap3A_866, %swap3A_867] {strides = array<i32>} : memref<2x200x64xf32, #tpu.memory_space<vmem>>, vector<1x1x16xf32>,
      %swap3A_869 = vector.shape_cast %swap3A_868 : vector<1x1x16xf32> to vector<16xf32>
      %swap3A_870 = vector.shape_cast %add3A_863 : vector<16xf32> to vector<1x1x16xf32>
      tpu.vector_store %arg9[%swap3A_865, %swap3A_866, %swap3A_867], %swap3A_870 {strides = array<i32>} : memref<2x200x64xf32, #tpu.memory_space<vmem>>, vector<1x1x16xf32>,
      %get3A_871 = arith.index_cast %add3A_806 : i32 to index
      %get3A_872 = arith.constant 32 : index
      %get3A_873 = tpu.vector_load %arg10[%get3A_871, %get3A_872] {strides = array<i32>} : memref<200x64xf32, #tpu.memory_space<vmem>>, vector<1x16xf32>,
      %get3A_874 = vector.shape_cast %get3A_873 : vector<1x16xf32> to vector<16xf32>
      %get3A_875 = arith.constant 0 : i32
      %get3A_876 = arith.index_cast %get3A_875 : i32 to index
      %get3A_877 = arith.index_cast %add3A_806 : i32 to index
      %get3A_878 = arith.constant 32 : index
      %get3A_879 = tpu.vector_load %arg9[%get3A_876, %get3A_877, %get3A_878] {strides = array<i32>} : memref<2x200x64xf32, #tpu.memory_space<vmem>>, vector<1x1x16xf32>,
      %get3A_880 = vector.shape_cast %get3A_879 : vector<1x1x16xf32> to vector<16xf32>
      %add3A_881 = arith.addf %get3A_880, %get3A_874 : vector<16xf32>
      %swap3A_882 = arith.constant 0 : i32
      %swap3A_883 = arith.index_cast %swap3A_882 : i32 to index
      %swap3A_884 = arith.index_cast %add3A_806 : i32 to index
      %swap3A_885 = arith.constant 32 : index
      %swap3A_886 = tpu.vector_load %arg9[%swap3A_883, %swap3A_884, %swap3A_885] {strides = array<i32>} : memref<2x200x64xf32, #tpu.memory_space<vmem>>, vector<1x1x16xf32>,
      %swap3A_887 = vector.shape_cast %swap3A_886 : vector<1x1x16xf32> to vector<16xf32>
      %swap3A_888 = vector.shape_cast %add3A_881 : vector<16xf32> to vector<1x1x16xf32>
      tpu.vector_store %arg9[%swap3A_883, %swap3A_884, %swap3A_885], %swap3A_888 {strides = array<i32>} : memref<2x200x64xf32, #tpu.memory_space<vmem>>, vector<1x1x16xf32>,
      %get3A_889 = arith.constant 1 : i32
      %get3A_890 = arith.index_cast %get3A_889 : i32 to index
      %get3A_891 = arith.index_cast %add3A_806 : i32 to index
      %get3A_892 = arith.constant 32 : index
      %get3A_893 = tpu.vector_load %arg9[%get3A_890, %get3A_891, %get3A_892] {strides = array<i32>} : memref<2x200x64xf32, #tpu.memory_space<vmem>>, vector<1x1x16xf32>,
      %get3A_894 = vector.shape_cast %get3A_893 : vector<1x1x16xf32> to vector<16xf32>
      %add3A_895 = arith.addf %get3A_894, %get3A_874 : vector<16xf32>
      %swap3A_896 = arith.constant 1 : i32
      %swap3A_897 = arith.index_cast %swap3A_896 : i32 to index
      %swap3A_898 = arith.index_cast %add3A_806 : i32 to index
      %swap3A_899 = arith.constant 32 : index
      %swap3A_900 = tpu.vector_load %arg9[%swap3A_897, %swap3A_898, %swap3A_899] {strides = array<i32>} : memref<2x200x64xf32, #tpu.memory_space<vmem>>, vector<1x1x16xf32>,
      %swap3A_901 = vector.shape_cast %swap3A_900 : vector<1x1x16xf32> to vector<16xf32>
      %swap3A_902 = vector.shape_cast %add3A_895 : vector<16xf32> to vector<1x1x16xf32>
      tpu.vector_store %arg9[%swap3A_897, %swap3A_898, %swap3A_899], %swap3A_902 {strides = array<i32>} : memref<2x200x64xf32, #tpu.memory_space<vmem>>, vector<1x1x16xf32>,
      %get3A_903 = arith.index_cast %add3A_806 : i32 to index
      %get3A_904 = arith.constant 48 : index
      %get3A_905 = tpu.vector_load %arg10[%get3A_903, %get3A_904] {strides = array<i32>} : memref<200x64xf32, #tpu.memory_space<vmem>>, vector<1x16xf32>,
      %get3A_906 = vector.shape_cast %get3A_905 : vector<1x16xf32> to vector<16xf32>
      %get3A_907 = arith.constant 0 : i32
      %get3A_908 = arith.index_cast %get3A_907 : i32 to index
      %get3A_909 = arith.index_cast %add3A_806 : i32 to index
      %get3A_910 = arith.constant 48 : index
      %get3A_911 = tpu.vector_load %arg9[%get3A_908, %get3A_909, %get3A_910] {strides = array<i32>} : memref<2x200x64xf32, #tpu.memory_space<vmem>>, vector<1x1x16xf32>,
      %get3A_912 = vector.shape_cast %get3A_911 : vector<1x1x16xf32> to vector<16xf32>
      %add3A_913 = arith.addf %get3A_912, %get3A_906 : vector<16xf32>
      %swap3A_914 = arith.constant 0 : i32
      %swap3A_915 = arith.index_cast %swap3A_914 : i32 to index
      %swap3A_916 = arith.index_cast %add3A_806 : i32 to index
      %swap3A_917 = arith.constant 48 : index
      %swap3A_918 = tpu.vector_load %arg9[%swap3A_915, %swap3A_916, %swap3A_917] {strides = array<i32>} : memref<2x200x64xf32, #tpu.memory_space<vmem>>, vector<1x1x16xf32>,
      %swap3A_919 = vector.shape_cast %swap3A_918 : vector<1x1x16xf32> to vector<16xf32>
      %swap3A_920 = vector.shape_cast %add3A_913 : vector<16xf32> to vector<1x1x16xf32>
      tpu.vector_store %arg9[%swap3A_915, %swap3A_916, %swap3A_917], %swap3A_920 {strides = array<i32>} : memref<2x200x64xf32, #tpu.memory_space<vmem>>, vector<1x1x16xf32>,
      %get3A_921 = arith.constant 1 : i32
      %get3A_922 = arith.index_cast %get3A_921 : i32 to index
      %get3A_923 = arith.index_cast %add3A_806 : i32 to index
      %get3A_924 = arith.constant 48 : index
      %get3A_925 = tpu.vector_load %arg9[%get3A_922, %get3A_923, %get3A_924] {strides = array<i32>} : memref<2x200x64xf32, #tpu.memory_space<vmem>>, vector<1x1x16xf32>,
      %get3A_926 = vector.shape_cast %get3A_925 : vector<1x1x16xf32> to vector<16xf32>
      %add3A_927 = arith.addf %get3A_926, %get3A_906 : vector<16xf32>
      %swap3A_928 = arith.constant 1 : i32
      %swap3A_929 = arith.index_cast %swap3A_928 : i32 to index
      %swap3A_930 = arith.index_cast %add3A_806 : i32 to index
      %swap3A_931 = arith.constant 48 : index
      %swap3A_932 = tpu.vector_load %arg9[%swap3A_929, %swap3A_930, %swap3A_931] {strides = array<i32>} : memref<2x200x64xf32, #tpu.memory_space<vmem>>, vector<1x1x16xf32>,
      %swap3A_933 = vector.shape_cast %swap3A_932 : vector<1x1x16xf32> to vector<16xf32>
      %swap3A_934 = vector.shape_cast %add3A_927 : vector<16xf32> to vector<1x1x16xf32>
      tpu.vector_store %arg9[%swap3A_929, %swap3A_930, %swap3A_931], %swap3A_934 {strides = array<i32>} : memref<2x200x64xf32, #tpu.memory_space<vmem>>, vector<1x1x16xf32>,
      %mul3A_935 = arith.constant 4 : i32
      %mul3A_936 = arith.muli %scan3A_670, %mul3A_935 : i32
      %add3A_937 = arith.constant 2 : i32
      %add3A_938 = arith.addi %mul3A_936, %add3A_937 : i32
      %get3A_939 = arith.index_cast %add3A_938 : i32 to index
      %get3A_940 = arith.constant 0 : index
      %get3A_941 = tpu.vector_load %arg10[%get3A_939, %get3A_940] {strides = array<i32>} : memref<200x64xf32, #tpu.memory_space<vmem>>, vector<1x16xf32>,
      %get3A_942 = vector.shape_cast %get3A_941 : vector<1x16xf32> to vector<16xf32>
      %get3A_943 = arith.constant 0 : i32
      %get3A_944 = arith.index_cast %get3A_943 : i32 to index
      %get3A_945 = arith.index_cast %add3A_938 : i32 to index
      %get3A_946 = arith.constant 0 : index
      %get3A_947 = tpu.vector_load %arg9[%get3A_944, %get3A_945, %get3A_946] {strides = array<i32>} : memref<2x200x64xf32, #tpu.memory_space<vmem>>, vector<1x1x16xf32>,
      %get3A_948 = vector.shape_cast %get3A_947 : vector<1x1x16xf32> to vector<16xf32>
      %add3A_949 = arith.addf %get3A_948, %get3A_942 : vector<16xf32>
      %swap3A_950 = arith.constant 0 : i32
      %swap3A_951 = arith.index_cast %swap3A_950 : i32 to index
      %swap3A_952 = arith.index_cast %add3A_938 : i32 to index
      %swap3A_953 = arith.constant 0 : index
      %swap3A_954 = tpu.vector_load %arg9[%swap3A_951, %swap3A_952, %swap3A_953] {strides = array<i32>} : memref<2x200x64xf32, #tpu.memory_space<vmem>>, vector<1x1x16xf32>,
      %swap3A_955 = vector.shape_cast %swap3A_954 : vector<1x1x16xf32> to vector<16xf32>
      %swap3A_956 = vector.shape_cast %add3A_949 : vector<16xf32> to vector<1x1x16xf32>
      tpu.vector_store %arg9[%swap3A_951, %swap3A_952, %swap3A_953], %swap3A_956 {strides = array<i32>} : memref<2x200x64xf32, #tpu.memory_space<vmem>>, vector<1x1x16xf32>,
      %get3A_957 = arith.constant 1 : i32
      %get3A_958 = arith.index_cast %get3A_957 : i32 to index
      %get3A_959 = arith.index_cast %add3A_938 : i32 to index
      %get3A_960 = arith.constant 0 : index
      %get3A_961 = tpu.vector_load %arg9[%get3A_958, %get3A_959, %get3A_960] {strides = array<i32>} : memref<2x200x64xf32, #tpu.memory_space<vmem>>, vector<1x1x16xf32>,
      %get3A_962 = vector.shape_cast %get3A_961 : vector<1x1x16xf32> to vector<16xf32>
      %add3A_963 = arith.addf %get3A_962, %get3A_942 : vector<16xf32>
      %swap3A_964 = arith.constant 1 : i32
      %swap3A_965 = arith.index_cast %swap3A_964 : i32 to index
      %swap3A_966 = arith.index_cast %add3A_938 : i32 to index
      %swap3A_967 = arith.constant 0 : index
      %swap3A_968 = tpu.vector_load %arg9[%swap3A_965, %swap3A_966, %swap3A_967] {strides = array<i32>} : memref<2x200x64xf32, #tpu.memory_space<vmem>>, vector<1x1x16xf32>,
      %swap3A_969 = vector.shape_cast %swap3A_968 : vector<1x1x16xf32> to vector<16xf32>
      %swap3A_970 = vector.shape_cast %add3A_963 : vector<16xf32> to vector<1x1x16xf32>
      tpu.vector_store %arg9[%swap3A_965, %swap3A_966, %swap3A_967], %swap3A_970 {strides = array<i32>} : memref<2x200x64xf32, #tpu.memory_space<vmem>>, vector<1x1x16xf32>,
      %get3A_971 = arith.index_cast %add3A_938 : i32 to index
      %get3A_972 = arith.constant 16 : index
      %get3A_973 = tpu.vector_load %arg10[%get3A_971, %get3A_972] {strides = array<i32>} : memref<200x64xf32, #tpu.memory_space<vmem>>, vector<1x16xf32>,
      %get3A_974 = vector.shape_cast %get3A_973 : vector<1x16xf32> to vector<16xf32>
      %get3A_975 = arith.constant 0 : i32
      %get3A_976 = arith.index_cast %get3A_975 : i32 to index
      %get3A_977 = arith.index_cast %add3A_938 : i32 to index
      %get3A_978 = arith.constant 16 : index
      %get3A_979 = tpu.vector_load %arg9[%get3A_976, %get3A_977, %get3A_978] {strides = array<i32>} : memref<2x200x64xf32, #tpu.memory_space<vmem>>, vector<1x1x16xf32>,
      %get3A_980 = vector.shape_cast %get3A_979 : vector<1x1x16xf32> to vector<16xf32>
      %add3A_981 = arith.addf %get3A_980, %get3A_974 : vector<16xf32>
      %swap3A_982 = arith.constant 0 : i32
      %swap3A_983 = arith.index_cast %swap3A_982 : i32 to index
      %swap3A_984 = arith.index_cast %add3A_938 : i32 to index
      %swap3A_985 = arith.constant 16 : index
      %swap3A_986 = tpu.vector_load %arg9[%swap3A_983, %swap3A_984, %swap3A_985] {strides = array<i32>} : memref<2x200x64xf32, #tpu.memory_space<vmem>>, vector<1x1x16xf32>,
      %swap3A_987 = vector.shape_cast %swap3A_986 : vector<1x1x16xf32> to vector<16xf32>
      %swap3A_988 = vector.shape_cast %add3A_981 : vector<16xf32> to vector<1x1x16xf32>
      tpu.vector_store %arg9[%swap3A_983, %swap3A_984, %swap3A_985], %swap3A_988 {strides = array<i32>} : memref<2x200x64xf32, #tpu.memory_space<vmem>>, vector<1x1x16xf32>,
      %get3A_989 = arith.constant 1 : i32
      %get3A_990 = arith.index_cast %get3A_989 : i32 to index
      %get3A_991 = arith.index_cast %add3A_938 : i32 to index
      %get3A_992 = arith.constant 16 : index
      %get3A_993 = tpu.vector_load %arg9[%get3A_990, %get3A_991, %get3A_992] {strides = array<i32>} : memref<2x200x64xf32, #tpu.memory_space<vmem>>, vector<1x1x16xf32>,
      %get3A_994 = vector.shape_cast %get3A_993 : vector<1x1x16xf32> to vector<16xf32>
      %add3A_995 = arith.addf %get3A_994, %get3A_974 : vector<16xf32>
      %swap3A_996 = arith.constant 1 : i32
      %swap3A_997 = arith.index_cast %swap3A_996 : i32 to index
      %swap3A_998 = arith.index_cast %add3A_938 : i32 to index
      %swap3A_999 = arith.constant 16 : index
      %swap3A_1000 = tpu.vector_load %arg9[%swap3A_997, %swap3A_998, %swap3A_999] {strides = array<i32>} : memref<2x200x64xf32, #tpu.memory_space<vmem>>, vector<1x1x16xf32>,
      %swap3A_1001 = vector.shape_cast %swap3A_1000 : vector<1x1x16xf32> to vector<16xf32>
      %swap3A_1002 = vector.shape_cast %add3A_995 : vector<16xf32> to vector<1x1x16xf32>
      tpu.vector_store %arg9[%swap3A_997, %swap3A_998, %swap3A_999], %swap3A_1002 {strides = array<i32>} : memref<2x200x64xf32, #tpu.memory_space<vmem>>, vector<1x1x16xf32>,
      %get3A_1003 = arith.index_cast %add3A_938 : i32 to index
      %get3A_1004 = arith.constant 32 : index
      %get3A_1005 = tpu.vector_load %arg10[%get3A_1003, %get3A_1004] {strides = array<i32>} : memref<200x64xf32, #tpu.memory_space<vmem>>, vector<1x16xf32>,
      %get3A_1006 = vector.shape_cast %get3A_1005 : vector<1x16xf32> to vector<16xf32>
      %get3A_1007 = arith.constant 0 : i32
      %get3A_1008 = arith.index_cast %get3A_1007 : i32 to index
      %get3A_1009 = arith.index_cast %add3A_938 : i32 to index
      %get3A_1010 = arith.constant 32 : index
      %get3A_1011 = tpu.vector_load %arg9[%get3A_1008, %get3A_1009, %get3A_1010] {strides = array<i32>} : memref<2x200x64xf32, #tpu.memory_space<vmem>>, vector<1x1x16xf32>,
      %get3A_1012 = vector.shape_cast %get3A_1011 : vector<1x1x16xf32> to vector<16xf32>
      %add3A_1013 = arith.addf %get3A_1012, %get3A_1006 : vector<16xf32>
      %swap3A_1014 = arith.constant 0 : i32
      %swap3A_1015 = arith.index_cast %swap3A_1014 : i32 to index
      %swap3A_1016 = arith.index_cast %add3A_938 : i32 to index
      %swap3A_1017 = arith.constant 32 : index
      %swap3A_1018 = tpu.vector_load %arg9[%swap3A_1015, %swap3A_1016, %swap3A_1017] {strides = array<i32>} : memref<2x200x64xf32, #tpu.memory_space<vmem>>, vector<1x1x16xf32>,
      %swap3A_1019 = vector.shape_cast %swap3A_1018 : vector<1x1x16xf32> to vector<16xf32>
      %swap3A_1020 = vector.shape_cast %add3A_1013 : vector<16xf32> to vector<1x1x16xf32>
      tpu.vector_store %arg9[%swap3A_1015, %swap3A_1016, %swap3A_1017], %swap3A_1020 {strides = array<i32>} : memref<2x200x64xf32, #tpu.memory_space<vmem>>, vector<1x1x16xf32>,
      %get3A_1021 = arith.constant 1 : i32
      %get3A_1022 = arith.index_cast %get3A_1021 : i32 to index
      %get3A_1023 = arith.index_cast %add3A_938 : i32 to index
      %get3A_1024 = arith.constant 32 : index
      %get3A_1025 = tpu.vector_load %arg9[%get3A_1022, %get3A_1023, %get3A_1024] {strides = array<i32>} : memref<2x200x64xf32, #tpu.memory_space<vmem>>, vector<1x1x16xf32>,
      %get3A_1026 = vector.shape_cast %get3A_1025 : vector<1x1x16xf32> to vector<16xf32>
      %add3A_1027 = arith.addf %get3A_1026, %get3A_1006 : vector<16xf32>
      %swap3A_1028 = arith.constant 1 : i32
      %swap3A_1029 = arith.index_cast %swap3A_1028 : i32 to index
      %swap3A_1030 = arith.index_cast %add3A_938 : i32 to index
      %swap3A_1031 = arith.constant 32 : index
      %swap3A_1032 = tpu.vector_load %arg9[%swap3A_1029, %swap3A_1030, %swap3A_1031] {strides = array<i32>} : memref<2x200x64xf32, #tpu.memory_space<vmem>>, vector<1x1x16xf32>,
      %swap3A_1033 = vector.shape_cast %swap3A_1032 : vector<1x1x16xf32> to vector<16xf32>
      %swap3A_1034 = vector.shape_cast %add3A_1027 : vector<16xf32> to vector<1x1x16xf32>
      tpu.vector_store %arg9[%swap3A_1029, %swap3A_1030, %swap3A_1031], %swap3A_1034 {strides = array<i32>} : memref<2x200x64xf32, #tpu.memory_space<vmem>>, vector<1x1x16xf32>,
      %get3A_1035 = arith.index_cast %add3A_938 : i32 to index
      %get3A_1036 = arith.constant 48 : index
      %get3A_1037 = tpu.vector_load %arg10[%get3A_1035, %get3A_1036] {strides = array<i32>} : memref<200x64xf32, #tpu.memory_space<vmem>>, vector<1x16xf32>,
      %get3A_1038 = vector.shape_cast %get3A_1037 : vector<1x16xf32> to vector<16xf32>
      %get3A_1039 = arith.constant 0 : i32
      %get3A_1040 = arith.index_cast %get3A_1039 : i32 to index
      %get3A_1041 = arith.index_cast %add3A_938 : i32 to index
      %get3A_1042 = arith.constant 48 : index
      %get3A_1043 = tpu.vector_load %arg9[%get3A_1040, %get3A_1041, %get3A_1042] {strides = array<i32>} : memref<2x200x64xf32, #tpu.memory_space<vmem>>, vector<1x1x16xf32>,
      %get3A_1044 = vector.shape_cast %get3A_1043 : vector<1x1x16xf32> to vector<16xf32>
      %add3A_1045 = arith.addf %get3A_1044, %get3A_1038 : vector<16xf32>
      %swap3A_1046 = arith.constant 0 : i32
      %swap3A_1047 = arith.index_cast %swap3A_1046 : i32 to index
      %swap3A_1048 = arith.index_cast %add3A_938 : i32 to index
      %swap3A_1049 = arith.constant 48 : index
      %swap3A_1050 = tpu.vector_load %arg9[%swap3A_1047, %swap3A_1048, %swap3A_1049] {strides = array<i32>} : memref<2x200x64xf32, #tpu.memory_space<vmem>>, vector<1x1x16xf32>,
      %swap3A_1051 = vector.shape_cast %swap3A_1050 : vector<1x1x16xf32> to vector<16xf32>
      %swap3A_1052 = vector.shape_cast %add3A_1045 : vector<16xf32> to vector<1x1x16xf32>
      tpu.vector_store %arg9[%swap3A_1047, %swap3A_1048, %swap3A_1049], %swap3A_1052 {strides = array<i32>} : memref<2x200x64xf32, #tpu.memory_space<vmem>>, vector<1x1x16xf32>,
      %get3A_1053 = arith.constant 1 : i32
      %get3A_1054 = arith.index_cast %get3A_1053 : i32 to index
      %get3A_1055 = arith.index_cast %add3A_938 : i32 to index
      %get3A_1056 = arith.constant 48 : index
      %get3A_1057 = tpu.vector_load %arg9[%get3A_1054, %get3A_1055, %get3A_1056] {strides = array<i32>} : memref<2x200x64xf32, #tpu.memory_space<vmem>>, vector<1x1x16xf32>,
      %get3A_1058 = vector.shape_cast %get3A_1057 : vector<1x1x16xf32> to vector<16xf32>
      %add3A_1059 = arith.addf %get3A_1058, %get3A_1038 : vector<16xf32>
      %swap3A_1060 = arith.constant 1 : i32
      %swap3A_1061 = arith.index_cast %swap3A_1060 : i32 to index
      %swap3A_1062 = arith.index_cast %add3A_938 : i32 to index
      %swap3A_1063 = arith.constant 48 : index
      %swap3A_1064 = tpu.vector_load %arg9[%swap3A_1061, %swap3A_1062, %swap3A_1063] {strides = array<i32>} : memref<2x200x64xf32, #tpu.memory_space<vmem>>, vector<1x1x16xf32>,
      %swap3A_1065 = vector.shape_cast %swap3A_1064 : vector<1x1x16xf32> to vector<16xf32>
      %swap3A_1066 = vector.shape_cast %add3A_1059 : vector<16xf32> to vector<1x1x16xf32>
      tpu.vector_store %arg9[%swap3A_1061, %swap3A_1062, %swap3A_1063], %swap3A_1066 {strides = array<i32>} : memref<2x200x64xf32, #tpu.memory_space<vmem>>, vector<1x1x16xf32>,
      %mul3A_1067 = arith.constant 4 : i32
      %mul3A_1068 = arith.muli %scan3A_670, %mul3A_1067 : i32
      %add3A_1069 = arith.constant 3 : i32
      %add3A_1070 = arith.addi %mul3A_1068, %add3A_1069 : i32
      %get3A_1071 = arith.index_cast %add3A_1070 : i32 to index
      %get3A_1072 = arith.constant 0 : index
      %get3A_1073 = tpu.vector_load %arg10[%get3A_1071, %get3A_1072] {strides = array<i32>} : memref<200x64xf32, #tpu.memory_space<vmem>>, vector<1x16xf32>,
      %get3A_1074 = vector.shape_cast %get3A_1073 : vector<1x16xf32> to vector<16xf32>
      %get3A_1075 = arith.constant 0 : i32
      %get3A_1076 = arith.index_cast %get3A_1075 : i32 to index
      %get3A_1077 = arith.index_cast %add3A_1070 : i32 to index
      %get3A_1078 = arith.constant 0 : index
      %get3A_1079 = tpu.vector_load %arg9[%get3A_1076, %get3A_1077, %get3A_1078] {strides = array<i32>} : memref<2x200x64xf32, #tpu.memory_space<vmem>>, vector<1x1x16xf32>,
      %get3A_1080 = vector.shape_cast %get3A_1079 : vector<1x1x16xf32> to vector<16xf32>
      %add3A_1081 = arith.addf %get3A_1080, %get3A_1074 : vector<16xf32>
      %swap3A_1082 = arith.constant 0 : i32
      %swap3A_1083 = arith.index_cast %swap3A_1082 : i32 to index
      %swap3A_1084 = arith.index_cast %add3A_1070 : i32 to index
      %swap3A_1085 = arith.constant 0 : index
      %swap3A_1086 = tpu.vector_load %arg9[%swap3A_1083, %swap3A_1084, %swap3A_1085] {strides = array<i32>} : memref<2x200x64xf32, #tpu.memory_space<vmem>>, vector<1x1x16xf32>,
      %swap3A_1087 = vector.shape_cast %swap3A_1086 : vector<1x1x16xf32> to vector<16xf32>
      %swap3A_1088 = vector.shape_cast %add3A_1081 : vector<16xf32> to vector<1x1x16xf32>
      tpu.vector_store %arg9[%swap3A_1083, %swap3A_1084, %swap3A_1085], %swap3A_1088 {strides = array<i32>} : memref<2x200x64xf32, #tpu.memory_space<vmem>>, vector<1x1x16xf32>,
      %get3A_1089 = arith.constant 1 : i32
      %get3A_1090 = arith.index_cast %get3A_1089 : i32 to index
      %get3A_1091 = arith.index_cast %add3A_1070 : i32 to index
      %get3A_1092 = arith.constant 0 : index
      %get3A_1093 = tpu.vector_load %arg9[%get3A_1090, %get3A_1091, %get3A_1092] {strides = array<i32>} : memref<2x200x64xf32, #tpu.memory_space<vmem>>, vector<1x1x16xf32>,
      %get3A_1094 = vector.shape_cast %get3A_1093 : vector<1x1x16xf32> to vector<16xf32>
      %add3A_1095 = arith.addf %get3A_1094, %get3A_1074 : vector<16xf32>
      %swap3A_1096 = arith.constant 1 : i32
      %swap3A_1097 = arith.index_cast %swap3A_1096 : i32 to index
      %swap3A_1098 = arith.index_cast %add3A_1070 : i32 to index
      %swap3A_1099 = arith.constant 0 : index
      %swap3A_1100 = tpu.vector_load %arg9[%swap3A_1097, %swap3A_1098, %swap3A_1099] {strides = array<i32>} : memref<2x200x64xf32, #tpu.memory_space<vmem>>, vector<1x1x16xf32>,
      %swap3A_1101 = vector.shape_cast %swap3A_1100 : vector<1x1x16xf32> to vector<16xf32>
      %swap3A_1102 = vector.shape_cast %add3A_1095 : vector<16xf32> to vector<1x1x16xf32>
      tpu.vector_store %arg9[%swap3A_1097, %swap3A_1098, %swap3A_1099], %swap3A_1102 {strides = array<i32>} : memref<2x200x64xf32, #tpu.memory_space<vmem>>, vector<1x1x16xf32>,
      %get3A_1103 = arith.index_cast %add3A_1070 : i32 to index
      %get3A_1104 = arith.constant 16 : index
      %get3A_1105 = tpu.vector_load %arg10[%get3A_1103, %get3A_1104] {strides = array<i32>} : memref<200x64xf32, #tpu.memory_space<vmem>>, vector<1x16xf32>,
      %get3A_1106 = vector.shape_cast %get3A_1105 : vector<1x16xf32> to vector<16xf32>
      %get3A_1107 = arith.constant 0 : i32
      %get3A_1108 = arith.index_cast %get3A_1107 : i32 to index
      %get3A_1109 = arith.index_cast %add3A_1070 : i32 to index
      %get3A_1110 = arith.constant 16 : index
      %get3A_1111 = tpu.vector_load %arg9[%get3A_1108, %get3A_1109, %get3A_1110] {strides = array<i32>} : memref<2x200x64xf32, #tpu.memory_space<vmem>>, vector<1x1x16xf32>,
      %get3A_1112 = vector.shape_cast %get3A_1111 : vector<1x1x16xf32> to vector<16xf32>
      %add3A_1113 = arith.addf %get3A_1112, %get3A_1106 : vector<16xf32>
      %swap3A_1114 = arith.constant 0 : i32
      %swap3A_1115 = arith.index_cast %swap3A_1114 : i32 to index
      %swap3A_1116 = arith.index_cast %add3A_1070 : i32 to index
      %swap3A_1117 = arith.constant 16 : index
      %swap3A_1118 = tpu.vector_load %arg9[%swap3A_1115, %swap3A_1116, %swap3A_1117] {strides = array<i32>} : memref<2x200x64xf32, #tpu.memory_space<vmem>>, vector<1x1x16xf32>,
      %swap3A_1119 = vector.shape_cast %swap3A_1118 : vector<1x1x16xf32> to vector<16xf32>
      %swap3A_1120 = vector.shape_cast %add3A_1113 : vector<16xf32> to vector<1x1x16xf32>
      tpu.vector_store %arg9[%swap3A_1115, %swap3A_1116, %swap3A_1117], %swap3A_1120 {strides = array<i32>} : memref<2x200x64xf32, #tpu.memory_space<vmem>>, vector<1x1x16xf32>,
      %get3A_1121 = arith.constant 1 : i32
      %get3A_1122 = arith.index_cast %get3A_1121 : i32 to index
      %get3A_1123 = arith.index_cast %add3A_1070 : i32 to index
      %get3A_1124 = arith.constant 16 : index
      %get3A_1125 = tpu.vector_load %arg9[%get3A_1122, %get3A_1123, %get3A_1124] {strides = array<i32>} : memref<2x200x64xf32, #tpu.memory_space<vmem>>, vector<1x1x16xf32>,
      %get3A_1126 = vector.shape_cast %get3A_1125 : vector<1x1x16xf32> to vector<16xf32>
      %add3A_1127 = arith.addf %get3A_1126, %get3A_1106 : vector<16xf32>
      %swap3A_1128 = arith.constant 1 : i32
      %swap3A_1129 = arith.index_cast %swap3A_1128 : i32 to index
      %swap3A_1130 = arith.index_cast %add3A_1070 : i32 to index
      %swap3A_1131 = arith.constant 16 : index
      %swap3A_1132 = tpu.vector_load %arg9[%swap3A_1129, %swap3A_1130, %swap3A_1131] {strides = array<i32>} : memref<2x200x64xf32, #tpu.memory_space<vmem>>, vector<1x1x16xf32>,
      %swap3A_1133 = vector.shape_cast %swap3A_1132 : vector<1x1x16xf32> to vector<16xf32>
      %swap3A_1134 = vector.shape_cast %add3A_1127 : vector<16xf32> to vector<1x1x16xf32>
      tpu.vector_store %arg9[%swap3A_1129, %swap3A_1130, %swap3A_1131], %swap3A_1134 {strides = array<i32>} : memref<2x200x64xf32, #tpu.memory_space<vmem>>, vector<1x1x16xf32>,
      %get3A_1135 = arith.index_cast %add3A_1070 : i32 to index
      %get3A_1136 = arith.constant 32 : index
      %get3A_1137 = tpu.vector_load %arg10[%get3A_1135, %get3A_1136] {strides = array<i32>} : memref<200x64xf32, #tpu.memory_space<vmem>>, vector<1x16xf32>,
      %get3A_1138 = vector.shape_cast %get3A_1137 : vector<1x16xf32> to vector<16xf32>
      %get3A_1139 = arith.constant 0 : i32
      %get3A_1140 = arith.index_cast %get3A_1139 : i32 to index
      %get3A_1141 = arith.index_cast %add3A_1070 : i32 to index
      %get3A_1142 = arith.constant 32 : index
      %get3A_1143 = tpu.vector_load %arg9[%get3A_1140, %get3A_1141, %get3A_1142] {strides = array<i32>} : memref<2x200x64xf32, #tpu.memory_space<vmem>>, vector<1x1x16xf32>,
      %get3A_1144 = vector.shape_cast %get3A_1143 : vector<1x1x16xf32> to vector<16xf32>
      %add3A_1145 = arith.addf %get3A_1144, %get3A_1138 : vector<16xf32>
      %swap3A_1146 = arith.constant 0 : i32
      %swap3A_1147 = arith.index_cast %swap3A_1146 : i32 to index
      %swap3A_1148 = arith.index_cast %add3A_1070 : i32 to index
      %swap3A_1149 = arith.constant 32 : index
      %swap3A_1150 = tpu.vector_load %arg9[%swap3A_1147, %swap3A_1148, %swap3A_1149] {strides = array<i32>} : memref<2x200x64xf32, #tpu.memory_space<vmem>>, vector<1x1x16xf32>,
      %swap3A_1151 = vector.shape_cast %swap3A_1150 : vector<1x1x16xf32> to vector<16xf32>
      %swap3A_1152 = vector.shape_cast %add3A_1145 : vector<16xf32> to vector<1x1x16xf32>
      tpu.vector_store %arg9[%swap3A_1147, %swap3A_1148, %swap3A_1149], %swap3A_1152 {strides = array<i32>} : memref<2x200x64xf32, #tpu.memory_space<vmem>>, vector<1x1x16xf32>,
      %get3A_1153 = arith.constant 1 : i32
      %get3A_1154 = arith.index_cast %get3A_1153 : i32 to index
      %get3A_1155 = arith.index_cast %add3A_1070 : i32 to index
      %get3A_1156 = arith.constant 32 : index
      %get3A_1157 = tpu.vector_load %arg9[%get3A_1154, %get3A_1155, %get3A_1156] {strides = array<i32>} : memref<2x200x64xf32, #tpu.memory_space<vmem>>, vector<1x1x16xf32>,
      %get3A_1158 = vector.shape_cast %get3A_1157 : vector<1x1x16xf32> to vector<16xf32>
      %add3A_1159 = arith.addf %get3A_1158, %get3A_1138 : vector<16xf32>
      %swap3A_1160 = arith.constant 1 : i32
      %swap3A_1161 = arith.index_cast %swap3A_1160 : i32 to index
      %swap3A_1162 = arith.index_cast %add3A_1070 : i32 to index
      %swap3A_1163 = arith.constant 32 : index
      %swap3A_1164 = tpu.vector_load %arg9[%swap3A_1161, %swap3A_1162, %swap3A_1163] {strides = array<i32>} : memref<2x200x64xf32, #tpu.memory_space<vmem>>, vector<1x1x16xf32>,
      %swap3A_1165 = vector.shape_cast %swap3A_1164 : vector<1x1x16xf32> to vector<16xf32>
      %swap3A_1166 = vector.shape_cast %add3A_1159 : vector<16xf32> to vector<1x1x16xf32>
      tpu.vector_store %arg9[%swap3A_1161, %swap3A_1162, %swap3A_1163], %swap3A_1166 {strides = array<i32>} : memref<2x200x64xf32, #tpu.memory_space<vmem>>, vector<1x1x16xf32>,
      %get3A_1167 = arith.index_cast %add3A_1070 : i32 to index
      %get3A_1168 = arith.constant 48 : index
      %get3A_1169 = tpu.vector_load %arg10[%get3A_1167, %get3A_1168] {strides = array<i32>} : memref<200x64xf32, #tpu.memory_space<vmem>>, vector<1x16xf32>,
      %get3A_1170 = vector.shape_cast %get3A_1169 : vector<1x16xf32> to vector<16xf32>
      %get3A_1171 = arith.constant 0 : i32
      %get3A_1172 = arith.index_cast %get3A_1171 : i32 to index
      %get3A_1173 = arith.index_cast %add3A_1070 : i32 to index
      %get3A_1174 = arith.constant 48 : index
      %get3A_1175 = tpu.vector_load %arg9[%get3A_1172, %get3A_1173, %get3A_1174] {strides = array<i32>} : memref<2x200x64xf32, #tpu.memory_space<vmem>>, vector<1x1x16xf32>,
      %get3A_1176 = vector.shape_cast %get3A_1175 : vector<1x1x16xf32> to vector<16xf32>
      %add3A_1177 = arith.addf %get3A_1176, %get3A_1170 : vector<16xf32>
      %swap3A_1178 = arith.constant 0 : i32
      %swap3A_1179 = arith.index_cast %swap3A_1178 : i32 to index
      %swap3A_1180 = arith.index_cast %add3A_1070 : i32 to index
      %swap3A_1181 = arith.constant 48 : index
      %swap3A_1182 = tpu.vector_load %arg9[%swap3A_1179, %swap3A_1180, %swap3A_1181] {strides = array<i32>} : memref<2x200x64xf32, #tpu.memory_space<vmem>>, vector<1x1x16xf32>,
      %swap3A_1183 = vector.shape_cast %swap3A_1182 : vector<1x1x16xf32> to vector<16xf32>
      %swap3A_1184 = vector.shape_cast %add3A_1177 : vector<16xf32> to vector<1x1x16xf32>
      tpu.vector_store %arg9[%swap3A_1179, %swap3A_1180, %swap3A_1181], %swap3A_1184 {strides = array<i32>} : memref<2x200x64xf32, #tpu.memory_space<vmem>>, vector<1x1x16xf32>,
      %get3A_1185 = arith.constant 1 : i32
      %get3A_1186 = arith.index_cast %get3A_1185 : i32 to index
      %get3A_1187 = arith.index_cast %add3A_1070 : i32 to index
      %get3A_1188 = arith.constant 48 : index
      %get3A_1189 = tpu.vector_load %arg9[%get3A_1186, %get3A_1187, %get3A_1188] {strides = array<i32>} : memref<2x200x64xf32, #tpu.memory_space<vmem>>, vector<1x1x16xf32>,
      %get3A_1190 = vector.shape_cast %get3A_1189 : vector<1x1x16xf32> to vector<16xf32>
      %add3A_1191 = arith.addf %get3A_1190, %get3A_1170 : vector<16xf32>
      %swap3A_1192 = arith.constant 1 : i32
      %swap3A_1193 = arith.index_cast %swap3A_1192 : i32 to index
      %swap3A_1194 = arith.index_cast %add3A_1070 : i32 to index
      %swap3A_1195 = arith.constant 48 : index
      %swap3A_1196 = tpu.vector_load %arg9[%swap3A_1193, %swap3A_1194, %swap3A_1195] {strides = array<i32>} : memref<2x200x64xf32, #tpu.memory_space<vmem>>, vector<1x1x16xf32>,
      %swap3A_1197 = vector.shape_cast %swap3A_1196 : vector<1x1x16xf32> to vector<16xf32>
      %swap3A_1198 = vector.shape_cast %add3A_1191 : vector<16xf32> to vector<1x1x16xf32>
      tpu.vector_store %arg9[%swap3A_1193, %swap3A_1194, %swap3A_1195], %swap3A_1198 {strides = array<i32>} : memref<2x200x64xf32, #tpu.memory_space<vmem>>, vector<1x1x16xf32>,
    }
    %scan3A_47 = arith.constant 50 : i32
    %mul3A_48 = arith.constant 25600 : i32
    %mul3A_49 = arith.muli %add3A, %mul3A_48 : i32
    %add3A_50 = arith.constant 25200 : i32
    %add3A_51 = arith.addi %mul3A_49, %add3A_50 : i32
    %jit3A = arith.constant 200 : i32
    %div3A = arith.divsi %add3A_51, %jit3A : i32
    %sign3A = arith.constant 0 : i32
    %sign3A_52 = arith.cmpi sgt, %add3A_51, %sign3A : i32
    %sign3A_53 = arith.extui %sign3A_52 : i1 to i32
    %sign3A_54 = arith.constant 0 : i32
    %sign3A_55 = arith.cmpi slt, %add3A_51, %sign3A_54 : i32
    %sign3A_56 = arith.extui %sign3A_55 : i1 to i32
    %sign3A_57 = arith.subi %sign3A_53, %sign3A_56 : i32
    %sign3A_58 = arith.constant 0 : i32
    %sign3A_59 = arith.cmpi sgt, %jit3A, %sign3A_58 : i32
    %sign3A_60 = arith.extui %sign3A_59 : i1 to i32
    %sign3A_61 = arith.constant 0 : i32
    %sign3A_62 = arith.cmpi slt, %jit3A, %sign3A_61 : i32
    %sign3A_63 = arith.extui %sign3A_62 : i1 to i32
    %sign3A_64 = arith.subi %sign3A_60, %sign3A_63 : i32
    %ne3A = arith.cmpi ne, %sign3A_57, %sign3A_64 : i32
    %rem3A = arith.remsi %add3A_51, %jit3A : i32
    %ne3A_65 = arith.constant 0 : i32
    %ne3A_66 = arith.cmpi ne, %rem3A, %ne3A_65 : i32
    %and3A = arith.andi %ne3A, %ne3A_66 : i1
    %sub3A = arith.constant 1 : i32
    %sub3A_67 = arith.subi %div3A, %sub3A : i32
    %select_n3A = arith.select %and3A, %sub3A_67, %div3A : i32
    %dma_start3A_68 = arith.constant 0 : i32
    %dma_start3A_69 = arith.constant 0 : i32
    %dma_start3A_70 = tpu.memref_slice %arg5[%select_n3A, %dma_start3A_68, %dma_start3A_69] : memref<4096x200x64xf32, #tpu.memory_space<hbm>> -> memref<2x200x64xf32, #tpu.memory_space<hbm>>
    %dma_start3A_71 = arith.constant 0 : i32
    %dma_start3A_72 = arith.constant 0 : i32
    %dma_start3A_73 = tpu.memref_slice %arg5[%select_n3A, %dma_start3A_71, %dma_start3A_72] : memref<4096x200x64xf32, #tpu.memory_space<hbm>> -> memref<2x200x64xf32, #tpu.memory_space<hbm>>
    tpu.enqueue_dma source(%arg9 : memref<2x200x64xf32, #tpu.memory_space<vmem>>) target(%dma_start3A_73 : memref<2x200x64xf32, #tpu.memory_space<hbm>>) target_semaphore(%arg16 : memref<!tpu.dma_semaphore, #tpu.memory_space<semaphore_mem>>)
    %mul3A_74 = arith.constant 25600 : i32
    %mul3A_75 = arith.muli %add3A, %mul3A_74 : i32
    %add3A_76 = arith.constant 24800 : i32
    %add3A_77 = arith.addi %mul3A_75, %add3A_76 : i32
    %jit3A_78 = arith.constant 200 : i32
    %div3A_79 = arith.divsi %add3A_77, %jit3A_78 : i32
    %sign3A_80 = arith.constant 0 : i32
    %sign3A_81 = arith.cmpi sgt, %add3A_77, %sign3A_80 : i32
    %sign3A_82 = arith.extui %sign3A_81 : i1 to i32
    %sign3A_83 = arith.constant 0 : i32
    %sign3A_84 = arith.cmpi slt, %add3A_77, %sign3A_83 : i32
    %sign3A_85 = arith.extui %sign3A_84 : i1 to i32
    %sign3A_86 = arith.subi %sign3A_82, %sign3A_85 : i32
    %sign3A_87 = arith.constant 0 : i32
    %sign3A_88 = arith.cmpi sgt, %jit3A_78, %sign3A_87 : i32
    %sign3A_89 = arith.extui %sign3A_88 : i1 to i32
    %sign3A_90 = arith.constant 0 : i32
    %sign3A_91 = arith.cmpi slt, %jit3A_78, %sign3A_90 : i32
    %sign3A_92 = arith.extui %sign3A_91 : i1 to i32
    %sign3A_93 = arith.subi %sign3A_89, %sign3A_92 : i32
    %ne3A_94 = arith.cmpi ne, %sign3A_86, %sign3A_93 : i32
    %rem3A_95 = arith.remsi %add3A_77, %jit3A_78 : i32
    %ne3A_96 = arith.constant 0 : i32
    %ne3A_97 = arith.cmpi ne, %rem3A_95, %ne3A_96 : i32
    %and3A_98 = arith.andi %ne3A_94, %ne3A_97 : i1
    %sub3A_99 = arith.constant 1 : i32
    %sub3A_100 = arith.subi %div3A_79, %sub3A_99 : i32
    %select_n3A_101 = arith.select %and3A_98, %sub3A_100, %div3A_79 : i32
    %dma_wait3A_102 = arith.constant 0 : i32
    %dma_wait3A_103 = arith.constant 0 : i32
    %dma_wait3A_104 = tpu.memref_slice %arg5[%select_n3A_101, %dma_wait3A_102, %dma_wait3A_103] : memref<4096x200x64xf32, #tpu.memory_space<hbm>> -> memref<2x200x64xf32, #tpu.memory_space<hbm>>
    %dma_wait3A_105 = arith.constant 0 : i32
    %dma_wait3A_106 = arith.constant 0 : i32
    %dma_wait3A_107 = tpu.memref_slice %arg5[%select_n3A_101, %dma_wait3A_105, %dma_wait3A_106] : memref<4096x200x64xf32, #tpu.memory_space<hbm>> -> memref<2x200x64xf32, #tpu.memory_space<hbm>>
    tpu.wait_dma2 semaphore(%arg15 : memref<!tpu.dma_semaphore, #tpu.memory_space<semaphore_mem>>) src(%arg8 : memref<2x200x64xf32, #tpu.memory_space<vmem>>) dst(%dma_wait3A_107 : memref<2x200x64xf32, #tpu.memory_space<hbm>>)
    %mul3A_108 = arith.constant 25600 : i32
    %mul3A_109 = arith.muli %add3A, %mul3A_108 : i32
    %add3A_110 = arith.constant 25200 : i32
    %add3A_111 = arith.addi %mul3A_109, %add3A_110 : i32
    %jit3A_112 = arith.constant 200 : i32
    %div3A_113 = arith.divsi %add3A_111, %jit3A_112 : i32
    %sign3A_114 = arith.constant 0 : i32
    %sign3A_115 = arith.cmpi sgt, %add3A_111, %sign3A_114 : i32
    %sign3A_116 = arith.extui %sign3A_115 : i1 to i32
    %sign3A_117 = arith.constant 0 : i32
    %sign3A_118 = arith.cmpi slt, %add3A_111, %sign3A_117 : i32
    %sign3A_119 = arith.extui %sign3A_118 : i1 to i32
    %sign3A_120 = arith.subi %sign3A_116, %sign3A_119 : i32
    %sign3A_121 = arith.constant 0 : i32
    %sign3A_122 = arith.cmpi sgt, %jit3A_112, %sign3A_121 : i32
    %sign3A_123 = arith.extui %sign3A_122 : i1 to i32
    %sign3A_124 = arith.constant 0 : i32
    %sign3A_125 = arith.cmpi slt, %jit3A_112, %sign3A_124 : i32
    %sign3A_126 = arith.extui %sign3A_125 : i1 to i32
    %sign3A_127 = arith.subi %sign3A_123, %sign3A_126 : i32
    %ne3A_128 = arith.cmpi ne, %sign3A_120, %sign3A_127 : i32
    %rem3A_129 = arith.remsi %add3A_111, %jit3A_112 : i32
    %ne3A_130 = arith.constant 0 : i32
    %ne3A_131 = arith.cmpi ne, %rem3A_129, %ne3A_130 : i32
    %and3A_132 = arith.andi %ne3A_128, %ne3A_131 : i1
    %sub3A_133 = arith.constant 1 : i32
    %sub3A_134 = arith.subi %div3A_113, %sub3A_133 : i32
    %select_n3A_135 = arith.select %and3A_132, %sub3A_134, %div3A_113 : i32
    %dma_wait3A_136 = arith.constant 0 : i32
    %dma_wait3A_137 = arith.constant 0 : i32
    %dma_wait3A_138 = tpu.memref_slice %arg5[%select_n3A_135, %dma_wait3A_136, %dma_wait3A_137] : memref<4096x200x64xf32, #tpu.memory_space<hbm>> -> memref<2x200x64xf32, #tpu.memory_space<hbm>>
    %dma_wait3A_139 = arith.constant 0 : i32
    %dma_wait3A_140 = arith.constant 0 : i32
    %dma_wait3A_141 = tpu.memref_slice %arg5[%select_n3A_135, %dma_wait3A_139, %dma_wait3A_140] : memref<4096x200x64xf32, #tpu.memory_space<hbm>> -> memref<2x200x64xf32, #tpu.memory_space<hbm>>
    tpu.wait_dma2 semaphore(%arg16 : memref<!tpu.dma_semaphore, #tpu.memory_space<semaphore_mem>>) src(%arg9 : memref<2x200x64xf32, #tpu.memory_space<vmem>>) dst(%dma_wait3A_141 : memref<2x200x64xf32, #tpu.memory_space<hbm>>)
    return
  }
}

</mosaic_0001>

<sc_bundles>
// kernel: kernel.3.cloned.1.call-start
scs
__scs_entry_jumppad:
0x0: {  	(pc) =	sbr.rel $0x88, $3  }
0x1: {  	(tag) =	ssettag $0x0;
	lr =	simm.s32 $0x1  }
0x2: {  	[smem:$0x3F9E] =	sst lr;
	_ =	strace $0xD0000000  }
0x3: {  	_ = 	snop  }
0x4: {  	_ = 	snop  }
0x5: {  	_ = 	snop  }
0x6: {  	_ = 	snop  }
0x7: {  	_ = 	snop  }
__scs_overlays_trampoline_lowered:
0x8: {  	[smem:$0x3FAD] =	sst s0  }
0x9: {  	[smem:$0x3FAE] =	sst s1  }
0xa: {  	[smem:$0x3FAF] =	sst s2  }
0xb: {  	[smem:$0x3FB0] =	sst s3  }
0xc: {  	[smem:$0x3FB1] =	sst s4  }
0xd: {  	[smem:$0x3FB2] =	sst s5  }
0xe: {  	[smem:$0x3FB3] =	sst s6  }
0xf: {  	[smem:$0x3FB4] =	sst s7  }
0x10: {  	[smem:$0x3FB5] =	sst s8  }
0x11: {  	[smem:$0x3FB6] =	sst s9;
	s0 =	simm.s32 @!p0 $0x0  }
0x12: {  	s1 =	sld [smem:$0x3F9C];
	s0 =	simm.s32 @p0 $0x1  }
0x13: {  	[smem:$0x3FB7] =	sst s0;
	s0 =	simm.s32 @!p1 $0x0  }
0x14: {  	s2 =	sld [smem:$0x3F9B];
	s0 =	simm.s32 @p1 $0x1  }
0x15: {  	[smem:$0x3FB8] =	sst s0;
	s0 =	simm.s32 @!p2 $0x0  }
0x16: {  	s3 =	sld [smem:$0x3FDB];
	s0 =	simm.s32 @p2 $0x1  }
0x17: {  	s4 =	simm.s32 $0x1BF5;
	[smem:$0x3FBA] =	sst s0  }
0x18: {  	s0 =	sld [smem:$0x3F9D];
	_ =	swait.ge [sflag:s4], $0x0  }
0x19: {  	s7 =	sld [smem:$0x3F9E]  }
0x1a: {  	s8 =	sadd.s32 $0xFFFFE003, lr  }
0x1b: {  	s9 =	sadd.s32 $0xFFFFFEF7, lr;
	s5 =	simm.s32 $0xFFFFFFFF;
	p2 =	slt.u32 s8, $0xFFFFF086  }
0x1c: {  	p1 =	slt.u32 s9, $0xF7A;
	s5 =	simm.s32 @!p2 $0x0  }
0x1d: {  	s5 =	simm.s32 @p1 $0x1;
	p0 =	seq.s32 s7, s2  }
0x1e: {  	s7 =	smul.u32 @!p0 $0xF7A, s2;
	p2 =	seq.s32 @!p0 s5, $0x0  }
0x1f: {  	s9 =	smul.u32 $0xF7A, s1;
	s8 =	simm.s32 @!p0 $0x1BF5;
	p2 =	por !p2, p0  }
0x20: {  	[sflag:s8] =	ssyncset.s32 @!p0 $0xFFFFF086;
	s6 =	sadd.s32 @!p0 s3, s7;
	s7 =	simm.s32 @!p0 $0x108  }
0x21: {  	s3 =	sadd.s32 s3, s9;
	s6 =	sadd.s32 @!p0 $0x88, s6;
	s7 =	simm.s32 @p2 $0x1082  }
0x22: {  	[simem:s7], [sflag:s8] =	dma.local @!p0 [hbm:s6], $0xF7A  }
0x23: {  	s9 =	sor.u32 $0xD0000000, s2;
	s6 =	simm.s32 $0x108;
	_ =	swait.ge @!p0 [sflag:s8], $0x0  }
0x24: {  	s3 =	sadd.s32 $0x88, s3;
	s6 =	simm.s32 @!p1 $0x1082;
	[sflag:s4] =	ssyncset.s32 $0xFFFFF086  }
0x25: {  	[simem:s6], [sflag:s4] =	dma.local [hbm:s3], $0xF7A  }
0x26: {  	[smem:$0x3F9E] =	sst s1;
	(tag) =	ssettag s2;
	_ =	strace s9  }
0x27: {  	s1 =	sld [smem:$0x3FAE]  }
0x28: {  	s2 =	sld [smem:$0x3FAF]  }
0x29: {  	s4 =	sld [smem:$0x3FB1]  }
0x2a: {  	p0 =	seq.s32 s5, $0x0;
	s5 =	sld [smem:$0x3FB2]  }
0x2b: {  	s6 =	sld [smem:$0x3FB3]  }
0x2c: {  	s7 =	sld [smem:$0x3FB4]  }
0x2d: {  	s3 =	simm.s32 $0x108;
	s8 =	sld [smem:$0x3FB5]  }
0x2e: {  	s3 =	simm.s32 @!p0 $0x1082;
	s9 =	sld [smem:$0x3FB6]  }
0x2f: {  	lr =	sadd.s32 s0, s3;
	s0 =	sld [smem:$0x3FAD]  }
0x30: {  	s3 =	sld [smem:$0x3FB0]  }
0x31: {  	[smem:$0x3FB9] =	sst s10  }
0x32: {  	s10 =	sld [smem:$0x3FB7];
	_ =	sdelay $0x3  }
0x33: {  	p0 =	seq.s32 s10, $0x1;
	s10 =	sld [smem:$0x3FB9];
	_ =	sdelay $0x3  }
0x34: {  	[smem:$0x3FB9] =	sst s10  }
0x35: {  	s10 =	sld [smem:$0x3FB8];
	_ =	sdelay $0x3  }
0x36: {  	p1 =	seq.s32 s10, $0x1;
	s10 =	sld [smem:$0x3FB9];
	_ =	sdelay $0x3  }
0x37: {  	[smem:$0x3FB9] =	sst s10  }
0x38: {  	s10 =	sld [smem:$0x3FBA]  }
0x39: {  	_ = 	snop;
	(pc) =	sbr.ind lr, $3  }
0x3a: {  	_ = 	snop  }
0x3b: {  	_ = 	snop  }
0x3c: {  	p2 =	seq.s32 s10, $0x1;
	s10 =	sld [smem:$0x3FB9]  }
0x3d: {  	_ =	shalt  }
0x3e: {  	_ =	shalt  }
0x3f: {  	_ =	shalt  }
0x40: {  	_ =	shalt  }
0x41: {  	_ =	shalt  }
0x42: {  	_ =	shalt  }
0x43: {  	_ =	shalt  }
0x44: {  	_ =	shalt  }
0x45: {  	_ =	shalt  }
0x46: {  	_ =	shalt  }
0x47: {  	_ =	shalt  }
0x48: {  	_ =	shalt  }
0x49: {  	_ =	shalt  }
0x4a: {  	_ =	shalt  }
0x4b: {  	_ =	shalt  }
0x4c: {  	_ =	shalt  }
0x4d: {  	_ =	shalt  }
0x4e: {  	_ =	shalt  }
0x4f: {  	_ =	shalt  }
0x50: {  	_ =	shalt  }
0x51: {  	_ =	shalt  }
0x52: {  	_ =	shalt  }
0x53: {  	_ =	shalt  }
0x54: {  	_ =	shalt  }
0x55: {  	_ =	shalt  }
0x56: {  	_ =	shalt  }
0x57: {  	_ =	shalt  }
0x58: {  	_ =	shalt  }
0x59: {  	_ =	shalt  }
0x5a: {  	_ =	shalt  }
0x5b: {  	_ =	shalt  }
0x5c: {  	_ =	shalt  }
0x5d: {  	_ =	shalt  }
0x5e: {  	_ =	shalt  }
0x5f: {  	_ =	shalt  }
0x60: {  	_ =	shalt  }
0x61: {  	_ =	shalt  }
0x62: {  	_ =	shalt  }
0x63: {  	_ =	shalt  }
0x64: {  	_ =	shalt  }
0x65: {  	_ =	shalt  }
0x66: {  	_ =	shalt  }
0x67: {  	_ =	shalt  }
0x68: {  	_ =	shalt  }
0x69: {  	_ =	shalt  }
0x6a: {  	_ =	shalt  }
0x6b: {  	_ =	shalt  }
0x6c: {  	_ =	shalt  }
0x6d: {  	_ =	shalt  }
0x6e: {  	_ =	shalt  }
0x6f: {  	_ =	shalt  }
0x70: {  	_ =	shalt  }
0x71: {  	_ =	shalt  }
0x72: {  	_ =	shalt  }
0x73: {  	_ =	shalt  }
0x74: {  	_ =	shalt  }
0x75: {  	_ =	shalt  }
0x76: {  	_ =	shalt  }
0x77: {  	_ =	shalt  }
0x78: {  	_ =	shalt  }
0x79: {  	_ =	shalt  }
0x7a: {  	_ =	shalt  }
0x7b: {  	_ =	shalt  }
0x7c: {  	_ =	shalt  }
0x7d: {  	_ =	shalt  }
0x7e: {  	_ =	shalt  }
0x7f: {  	_ =	shalt  }
0x80: {  	_ =	shalt  }
0x81: {  	_ =	shalt  }
0x82: {  	_ =	shalt  }
0x83: {  	_ =	shalt  }
0x84: {  	_ =	shalt  }
0x85: {  	_ =	shalt  }
0x86: {  	_ =	shalt  }
0x87: {  	_ =	shalt  }
.Lfunc_end0:
.L_simem_size_0:
called_computation.1_lowered:
.L_overlay_start_0:
0x88: {  	s2 =	sld [smem:$0x3FD9]  }
0x89: {  	s3 =	sld [smem:$0x3FFE];
	_ =	sdelay $0x1  }
0x8a: {  	s1 =	srdreg.scid  }
0x8b: {  	s0 =	sand.u32 $0x1, s1  }
0x8c: {  	s17 =	sshll.u32 s0, $0xA;
	s2 =	sadd.s32 s3, s2  }
0x8d: {  	s2 =	sadd.s32 s2, s17  }
0x8e: {  	[smem:$0x3FC5] =	sst s2  }
0x8f: {  	_ = 	snop  }
0x90: {  	s2 =	sld [smem:$0x3FD0];
	(tm) =	ssettm $0x1  }
0x91: {  	s18 =	sld [smem:$0x3FFB];
	_ =	sdelay $0x3  }
0x92: {  	_ =	strace s18  }
0x93: {  	s3 =	sld [smem:$0x3FFC];
	_ =	sdelay $0x3  }
0x94: {  	_ =	strace s3  }
0x95: {  	s3 =	sld [smem:$0x3FFD];
	_ =	sdelay $0x3  }
0x96: {  	_ =	strace s3  }
0x97: {  	_ =	strace $0x8FFFFFFF  }
0x98: {  	s19 =	sld [smem:$0x3FDB];
	_ =	sdelay $0x1  }
0x99: {  	s4 =	simm.s32 $_scs_section_size  }
0x9a: {  	s5 =	simm.s32 $_size__tile_overlayer_lowered;
	s6 =	simm.s32 $_tile_overlayer_lowered  }
0x9b: {  	s22 =	simm.s32 $0x1BFF;
	s21 =	sshll.u32 s6, $0x1;
	s3 =	sadd.s32 s4, s19  }
0x9c: {  	s7 =	simm.s32 $0x0;
	s20 =	sshll.u32 s5, $0x1;
	s5 =	sadd.s32 s21, s3  }
0x9d: {  	[timem:s7], [sflag:s22] =	dma.local [hbm:s5], s20  }
0x9e: {  	_ =	swait.ge [sflag:s22], s20  }
0x9f: {  	s4 =	ssub.s32 $0x0, s20;
	[sflag:s22] =	ssyncset.done $0x0  }
0xa0: {  	[sflag:s22] =	ssyncadd.s32 s4;
	_ =	sdelay $0x1  }
0xa1: {  	s23 =	simm.s32 $0x1B8B  }
0xa2: {  	_ =	swait.ge [sflag:s23], $0x1  }
0xa3: {  	[sflag:s23] =	ssyncset.done $0x0  }
0xa4: {  	s25 =	simm.s32 $0x1B8E;
	s24 =	sld [smem:$0x3FFE];
	[sflag:s23] =	ssyncadd.s32 $0xFFFFFFFF  }
0xa5: {  	s26 =	simm.s32 $execute0_lowered;
	[smem:$0x3FD2] =	sst s25  }
0xa6: {  	s5 =	sshll.u32 s26, $0x1;
	_ =	strace $0x80000046;
	[dreg:$0x1] =	wrdreg $0xFFFFFFFF  }
0xa7: {  	s28 =	simm.s32 $_size_execute0_lowered;
	s3 =	sadd.s32 s3, s5;
	[dreg:$0x0] =	wrdreg $0x0  }
0xa8: {  	s5 =	sshll.u32 s28, $0x1;
	[dreg:$0x2] =	wrdreg s3  }
0xa9: {  	[dreg:$0x3] =	wrdreg s5  }
0xaa: {  	[dreg:$0x4] =	wrdreg $0xC0  }
0xab: {  	_ =	task [dreg:s7], $0x5FFFF  }
0xac: {  	[dreg:$0x1] =	wrdreg $0xFFFFFFFF  }
0xad: {  	[dreg:$0x0] =	wrdreg $0x60  }
0xae: {  	[dreg:$0x2] =	wrdreg s24  }
0xaf: {  	[dreg:$0x3] =	wrdreg s2  }
0xb0: {  	[dreg:$0x4] =	wrdreg $0x9  }
0xb1: {  	_ =	task.clear_ibuf [dreg:s7], $0x5FFFF;
	_ =	strace $0x90000046  }
0xb2: {  	s29 =	simm.s32 $0x9;
	_ =	strace $0x80000048  }
0xb3: {  	_ =	swait.ge [sflag:s29], $0x1  }
0xb4: {  	[sflag:s29] =	ssyncadd.s32 $0xFFFFFFFF  }
0xb5: {  	_ =	strace $0x90000048  }
0xb6: {  	_ =	sfence  }
0xb7: {  	s30 =	sld [smem:$0x0];
	_ =	sdelay $0x2  }
0xb8: {  	s31 =	sshll.u32 s1, $0xD;
	s1 =	sshrl.u32 s1, $0x2  }
0xb9: {  	s3 =	sand.u32 $0x4000, s31;
	s1 =	sadd.s32 s1, s30  }
0xba: {  	s0 =	sor.u32 s3, s0;
	s1 =	sshll.u32 s1, $0x11  }
0xbb: {  	s0 =	sor.u32 s1, s0  }
0xbc: {  	s0 =	sadd.s32 $0x8F2B, s0  }
0xbd: {  	[sflag:s0] =	ssyncadd.remote.s32 $0x1  }
0xbe: {  	_ =	sfence.sel $0xFFFF  }
0xbf: {  	[dreg:$0x0] =	wrdreg $0xFFFFFFFF;
	(pc) =	sbr.abs _section_cstart, $3  }
0xc0: {  	[dreg:$0x1] =	wrdreg $0xFFFFFFFF  }
0xc1: {  	_ =	task.clear_ibuf [dreg:s7], $0x2FFFF;
	_ =	strace $0x9FFFFFFF  }
0xc2: {  	(tm) =	ssettm $0x7FFFFFFF  }
0xc3: {  	_ =	shalt  }
tec
execute0_lowered:
.L_overlay_start_1:
0x0: {  	(tag) =	ssettag $0x1  }
0x1: {  	s0 =	rddreg [dreg:$0x0];
	s1 =	srdreg.scid  }
0x2: {  	s3 =	stileid.u32;
	s2 =	rddreg [dreg:$0x1];
	s17 =	simm.s32 $0x1  }
0x3: {  	s18 =	simm.s32 $0x64;
	s19 =	simm.s32 $0x340;
	s28 =	simm.s32 $0x2  }
0x4: {  	s29 =	simm.s32 $0x6740;
	s30 =	simm.s32 $0x208;
	s31 =	simm.s32 $0x8040  }
0x5: {  	s15 =	simm.s32 $0x2D8;
	s13 =	simm.s32 $0x3;
	s14 =	simm.s32 $0x4  }
0x6: {  	s16 =	simm.s32 $0x6;
	s1 =	sand.u32 $0x1, s1;
	s4 =	sshll.u32 s3, $0x1  }
0x7: {  	s20 =	simm.s32 $0x0;
	s3 =	simm.s32 $0x0;
	s7 =	sor.u32 s1, s4  }
0x8: {  	s5 =	sadd.s32 $0xF43000, s0;
	s1 =	ssub.s32 $0x2, s1;
	s4 =	smul.u32 $0x6400, s7  }
0x9: {  	[smem:$0x7FF] =	sst s3;
	s9 =	smul.u32 $0xD00, s7;
	s8 =	sshrl.u32 s1, $0x1  }
0xa: {  	s24 =	ssub.s32 s1, s8;
	s8 =	sshll.u32 s7, $0x8;
	s6 =	sadd.s32 $0x6270, s4  }
0xb: {  	s10 =	smulhi.u32 $0x147AE15, s6;
	s6 =	sadd.s32 $0xC00, s0;
	s0 =	sadd.s32 $0x1AC00, s0  }
0xc: {  	_ =	strace $0x80000047;
	s12 =	sor.u32 $0x8, s8;
	[dreg:$0x3] =	wrdreg s0  }
0xd: {  	s25 =	sadd.s32 s6, s9;
	s0 =	smax.u32 s24, $0x1;
	s9 =	simm.s32 $0x5  }
0xe: {  	s26 =	smul.u32 $0x640, s10;
	s10 =	sadd.s32 $0xFFFFFE70, s4;
	[dreg:$0x4] =	wrdreg s25  }
0xf: {  	s7 =	sadd.s32 $0x34, s25;
	[dreg:$0x7] =	wrdreg s0;
	s0 =	simm.s32 $0x9940  }
0x10: {  	[dreg:$0x5] =	wrdreg s7;
	s7 =	simm.s32 $0xB240;
	s1 =	sadd.s32 s2, s26  }
0x11: {  	s26 =	simm.s32 $0x1A0;
	[dreg:$0x6] =	wrdreg s1;
	s1 =	simm.s32 $0x270  }
.LBB2_1:
0x12: {  	[dreg:$0x8] =	wrdreg s20  }
0x13: {  	s11 =	rddreg [dreg:$0x3];
	s23 =	simm.s32 $0xCB40;
	s24 =	simm.s32 $0x7  }
0x14: {  	[tilespmem:s23], [sflag:$0x7] =	stream.linear.gather [hbm4b:s11+s3], $0x3200, $0x38;
	[tilespmem:$0xFD40] =	vst v63  }
0x15: {  	_ =	swait.ge [sflag:s24], $0x3200  }
0x16: {  	[sflag:s24] =	ssyncset.done $0x0  }
0x17: {  	s11 =	simm.s32 $0x0;
	s25 =	rddreg [dreg:$0x4];
	[sflag:s24] =	ssyncadd.s32 $0xFFFFCE00  }
0x18: {  	[tilespmem:s3], [sflag:$0x1] =	stream.linear.gather [hbm4b:s25+s3], $0x1A0, $0x38;
	[tilespmem:$0xFD40] =	vst v63  }
.LBB2_2:
0x19: {  	p0 =	seq.s32 s11, $0x0  }
.Ltmp0:
0x1a: {  	_ = 	snop;
	(pc) =	sbr.rel @p0 .LBB2_13-.Ltmp0, $4  }
0x1b: {  	_ = 	snop  }
0x1c: {  	_ =	swait.ge [sflag:s17], $0x1A0  }
0x1d: {  	[sflag:s17] =	ssyncset.done $0x0  }
0x1e: {  	s20 =	sshll.u32 s11, $0x3;
	[sflag:s17] =	ssyncadd.s32 $0xFFFFFE60  }
0x1f: {  	_ =	swait.ge [sflag:s9], $0x6400  }
0x20: {  	[sflag:s9] =	ssyncset.done $0x0  }
0x21: {  	[sflag:s9] =	ssyncadd.s32 $0xFFFF9C00  }
0x22: {  	[tilespmem:s19], [sflag:$0x3] =	stream.indirect.gather [hbm4b:s5+s18], $0x40, s3, s18, $0xb8;
	[tilespmem:$0xFD40] =	vst v63  }
0x23: {  	s21 =	simm.s32 $0x68;
	s22 =	simm.s32 $0x1C40  }
0x24: {  	[tilespmem:s22], [sflag:$0x3] =	stream.indirect.gather [hbm4b:s5+s18], $0x40, s21, s18, $0xb8;
	[tilespmem:$0xFD40] =	vst v63  }
0x25: {  	s24 =	simm.s32 $0xD0;
	s25 =	simm.s32 $0x3540  }
0x26: {  	[tilespmem:s25], [sflag:$0x3] =	stream.indirect.gather [hbm4b:s5+s18], $0x40, s24, s18, $0xb8;
	[tilespmem:$0xFD40] =	vst v63  }
0x27: {  	s23 =	simm.s32 $0x138;
	s24 =	simm.s32 $0x4E40  }
0x28: {  	[tilespmem:s24], [sflag:$0x3] =	stream.indirect.gather [hbm4b:s5+s18], $0x40, s23, s18, $0xb8;
	[tilespmem:$0xFD40] =	vst v63  }
0x29: {  	_ =	swait.ge [sflag:s14], $0x3200  }
0x2a: {  	s25 =	sadd.s32 s20, s8;
	[sflag:s14] =	ssyncset.done $0x0  }
0x2b: {  	s21 =	smul.u32 $0xD, s25;
	[sflag:s14] =	ssyncadd.s32 $0xFFFFCE00  }
0x2c: {  	_ =	swait.ge [sflag:s14], $0x3200  }
0x2d: {  	s21 =	sadd.s32 s6, s21;
	[sflag:s14] =	ssyncset.done $0x0  }
0x2e: {  	s21 =	sadd.s32 $0x34, s21;
	[sflag:s14] =	ssyncadd.s32 $0xFFFFCE00  }
0x2f: {  	[tilespmem:s26], [sflag:$0x2] =	stream.linear.gather [hbm4b:s21+s3], $0x1A0, $0x38;
	[tilespmem:$0xFD40] =	vst v63  }
0x30: {  	s21 =	simm.s32 $0xCC40  }
0x31: {  	s22 =	simm.s32 $0x9B30;
	v0 =	vld [tilespmem:s21+$0xFFFFFF00]  }
0x32: {  	v1 =	vld [tilespmem:s22+$0xFFFFCC10]  }
0x33: {  	v2 =	vld [tilespmem:s22+$0xFFFFFE10];
	_ =	sdelay $0x3  }
0x34: {  	v1 =	vadd.f32 v1, v0  }
0x35: {  	v0 =	vadd.f32 v2, v0  }
0x36: {  	[tilespmem:s22+$0xFFFFCC10] =	vst v1  }
0x37: {  	[tilespmem:s22+$0xFFFFFE10] =	vst v0;
	v0 =	vld [tilespmem:s22+$0xFFFFCC20]  }
0x38: {  	v1 =	vld [tilespmem:s21+$0xFFFFFF10]  }
0x39: {  	v2 =	vld [tilespmem:s22+$0xFFFFFE20];
	_ =	sdelay $0x3  }
0x3a: {  	v0 =	vadd.f32 v0, v1  }
0x3b: {  	v1 =	vadd.f32 v2, v1  }
0x3c: {  	[tilespmem:s22+$0xFFFFCC20] =	vst v0  }
0x3d: {  	[tilespmem:s22+$0xFFFFFE20] =	vst v1;
	v1 =	vld [tilespmem:s22+$0xFFFFCC30]  }
0x3e: {  	v2 =	vld [tilespmem:s21+$0xFFFFFF20]  }
0x3f: {  	v0 =	vld [tilespmem:s22+$0xFFFFFE30];
	_ =	sdelay $0x3  }
0x40: {  	v1 =	vadd.f32 v1, v2  }
0x41: {  	v0 =	vadd.f32 v0, v2  }
0x42: {  	[tilespmem:s22+$0xFFFFCC30] =	vst v1  }
0x43: {  	[tilespmem:s22+$0xFFFFFE30] =	vst v0;
	v0 =	vld [tilespmem:s22+$0xFFFFCC40]  }
0x44: {  	v2 =	vld [tilespmem:s21+$0xFFFFFF30]  }
0x45: {  	v1 =	vld [tilespmem:s22+$0xFFFFFE40];
	_ =	sdelay $0x3  }
0x46: {  	v0 =	vadd.f32 v0, v2  }
0x47: {  	v1 =	vadd.f32 v1, v2  }
0x48: {  	[tilespmem:s22+$0xFFFFCC40] =	vst v0  }
0x49: {  	[tilespmem:s22+$0xFFFFFE40] =	vst v1;
	v1 =	vld [tilespmem:s22+$0xFFFFCC50]  }
0x4a: {  	v2 =	vld [tilespmem:s21+$0xFFFFFF40]  }
0x4b: {  	v0 =	vld [tilespmem:s22+$0xFFFFFE50];
	_ =	sdelay $0x3  }
0x4c: {  	v1 =	vadd.f32 v1, v2  }
0x4d: {  	v0 =	vadd.f32 v0, v2  }
0x4e: {  	[tilespmem:s22+$0xFFFFCC50] =	vst v1  }
0x4f: {  	[tilespmem:s22+$0xFFFFFE50] =	vst v0;
	v0 =	vld [tilespmem:s22+$0xFFFFCC60]  }
0x50: {  	v2 =	vld [tilespmem:s21+$0xFFFFFF50]  }
0x51: {  	v1 =	vld [tilespmem:s22+$0xFFFFFE60];
	_ =	sdelay $0x3  }
0x52: {  	v0 =	vadd.f32 v0, v2  }
0x53: {  	v1 =	vadd.f32 v1, v2  }
0x54: {  	[tilespmem:s22+$0xFFFFCC60] =	vst v0  }
0x55: {  	[tilespmem:s22+$0xFFFFFE60] =	vst v1;
	v1 =	vld [tilespmem:s22+$0xFFFFCC70]  }
0x56: {  	v2 =	vld [tilespmem:s21+$0xFFFFFF60]  }
0x57: {  	v0 =	vld [tilespmem:s22+$0xFFFFFE70];
	_ =	sdelay $0x3  }
0x58: {  	v1 =	vadd.f32 v1, v2  }
0x59: {  	v0 =	vadd.f32 v0, v2  }
0x5a: {  	[tilespmem:s22+$0xFFFFCC70] =	vst v1  }
0x5b: {  	[tilespmem:s22+$0xFFFFFE70] =	vst v0;
	v0 =	vld [tilespmem:s22+$0xFFFFCC80]  }
0x5c: {  	v2 =	vld [tilespmem:s21+$0xFFFFFF70]  }
0x5d: {  	v1 =	vld [tilespmem:s22+$0xFFFFFE80];
	_ =	sdelay $0x3  }
0x5e: {  	v0 =	vadd.f32 v0, v2  }
0x5f: {  	v1 =	vadd.f32 v1, v2  }
0x60: {  	[tilespmem:s22+$0xFFFFCC80] =	vst v0  }
0x61: {  	[tilespmem:s22+$0xFFFFFE80] =	vst v1;
	v1 =	vld [tilespmem:s22+$0xFFFFCC90]  }
0x62: {  	v2 =	vld [tilespmem:s21+$0xFFFFFF80]  }
0x63: {  	v0 =	vld [tilespmem:s22+$0xFFFFFE90];
	_ =	sdelay $0x3  }
0x64: {  	v1 =	vadd.f32 v1, v2  }
0x65: {  	v0 =	vadd.f32 v0, v2  }
0x66: {  	[tilespmem:s22+$0xFFFFCC90] =	vst v1  }
0x67: {  	[tilespmem:s22+$0xFFFFFE90] =	vst v0;
	v0 =	vld [tilespmem:s22+$0xFFFFCCA0]  }
0x68: {  	v2 =	vld [tilespmem:s21+$0xFFFFFF90]  }
0x69: {  	v1 =	vld [tilespmem:s22+$0xFFFFFEA0];
	_ =	sdelay $0x3  }
0x6a: {  	v0 =	vadd.f32 v0, v2  }
0x6b: {  	v1 =	vadd.f32 v1, v2  }
0x6c: {  	[tilespmem:s22+$0xFFFFCCA0] =	vst v0  }
0x6d: {  	[tilespmem:s22+$0xFFFFFEA0] =	vst v1;
	v1 =	vld [tilespmem:s22+$0xFFFFCCB0]  }
0x6e: {  	v2 =	vld [tilespmem:s21+$0xFFFFFFA0]  }
0x6f: {  	v0 =	vld [tilespmem:s22+$0xFFFFFEB0];
	_ =	sdelay $0x3  }
0x70: {  	v1 =	vadd.f32 v1, v2  }
0x71: {  	v0 =	vadd.f32 v0, v2  }
0x72: {  	[tilespmem:s22+$0xFFFFCCB0] =	vst v1  }
0x73: {  	[tilespmem:s22+$0xFFFFFEB0] =	vst v0;
	v0 =	vld [tilespmem:s22+$0xFFFFCCC0]  }
0x74: {  	v2 =	vld [tilespmem:s21+$0xFFFFFFB0]  }
0x75: {  	v1 =	vld [tilespmem:s22+$0xFFFFFEC0];
	_ =	sdelay $0x3  }
0x76: {  	v0 =	vadd.f32 v0, v2  }
0x77: {  	v1 =	vadd.f32 v1, v2  }
0x78: {  	[tilespmem:s22+$0xFFFFCCC0] =	vst v0  }
0x79: {  	[tilespmem:s22+$0xFFFFFEC0] =	vst v1;
	v1 =	vld [tilespmem:s22+$0xFFFFCCD0]  }
0x7a: {  	v2 =	vld [tilespmem:s21+$0xFFFFFFC0]  }
0x7b: {  	v0 =	vld [tilespmem:s22+$0xFFFFFED0];
	_ =	sdelay $0x3  }
0x7c: {  	v1 =	vadd.f32 v1, v2  }
0x7d: {  	v0 =	vadd.f32 v0, v2  }
0x7e: {  	[tilespmem:s22+$0xFFFFCCD0] =	vst v1  }
0x7f: {  	[tilespmem:s22+$0xFFFFFED0] =	vst v0;
	v0 =	vld [tilespmem:s22+$0xFFFFCCE0]  }
0x80: {  	v2 =	vld [tilespmem:s21+$0xFFFFFFD0]  }
0x81: {  	v1 =	vld [tilespmem:s22+$0xFFFFFEE0];
	_ =	sdelay $0x3  }
0x82: {  	v0 =	vadd.f32 v0, v2  }
0x83: {  	v1 =	vadd.f32 v1, v2  }
0x84: {  	[tilespmem:s22+$0xFFFFCCE0] =	vst v0  }
0x85: {  	[tilespmem:s22+$0xFFFFFEE0] =	vst v1;
	v1 =	vld [tilespmem:s22+$0xFFFFCCF0]  }
0x86: {  	v2 =	vld [tilespmem:s21+$0xFFFFFFE0]  }
0x87: {  	v0 =	vld [tilespmem:s22+$0xFFFFFEF0];
	_ =	sdelay $0x3  }
0x88: {  	v1 =	vadd.f32 v1, v2  }
0x89: {  	v0 =	vadd.f32 v0, v2  }
0x8a: {  	[tilespmem:s22+$0xFFFFCCF0] =	vst v1  }
0x8b: {  	[tilespmem:s22+$0xFFFFFEF0] =	vst v0;
	v0 =	vld [tilespmem:s22+$0xFFFFCD00]  }
0x8c: {  	v2 =	vld [tilespmem:s21+$0xFFFFFFF0]  }
0x8d: {  	v1 =	vld [tilespmem:s22+$0xFFFFFF00];
	_ =	sdelay $0x3  }
0x8e: {  	v0 =	vadd.f32 v0, v2  }
0x8f: {  	v1 =	vadd.f32 v1, v2  }
0x90: {  	[tilespmem:s22+$0xFFFFCD00] =	vst v0  }
0x91: {  	[tilespmem:s22+$0xFFFFFF00] =	vst v1;
	v1 =	vld [tilespmem:s22+$0xFFFFCD10]  }
0x92: {  	v2 =	vld [tilespmem:s21+$0x0]  }
0x93: {  	v0 =	vld [tilespmem:s22+$0xFFFFFF10];
	_ =	sdelay $0x3  }
0x94: {  	v1 =	vadd.f32 v1, v2  }
0x95: {  	v0 =	vadd.f32 v0, v2  }
0x96: {  	[tilespmem:s22+$0xFFFFCD10] =	vst v1  }
0x97: {  	[tilespmem:s22+$0xFFFFFF10] =	vst v0;
	v0 =	vld [tilespmem:s22+$0xFFFFCD20]  }
0x98: {  	v2 =	vld [tilespmem:s21+$0x10]  }
0x99: {  	v1 =	vld [tilespmem:s22+$0xFFFFFF20];
	_ =	sdelay $0x3  }
0x9a: {  	v0 =	vadd.f32 v0, v2  }
0x9b: {  	v1 =	vadd.f32 v1, v2  }
0x9c: {  	[tilespmem:s22+$0xFFFFCD20] =	vst v0  }
0x9d: {  	[tilespmem:s22+$0xFFFFFF20] =	vst v1;
	v1 =	vld [tilespmem:s22+$0xFFFFCD30]  }
0x9e: {  	v2 =	vld [tilespmem:s21+$0x20]  }
0x9f: {  	v0 =	vld [tilespmem:s22+$0xFFFFFF30];
	_ =	sdelay $0x3  }
0xa0: {  	v1 =	vadd.f32 v1, v2  }
0xa1: {  	v0 =	vadd.f32 v0, v2  }
0xa2: {  	[tilespmem:s22+$0xFFFFCD30] =	vst v1  }
0xa3: {  	[tilespmem:s22+$0xFFFFFF30] =	vst v0;
	v0 =	vld [tilespmem:s22+$0xFFFFCD40]  }
0xa4: {  	v2 =	vld [tilespmem:s21+$0x30]  }
0xa5: {  	v1 =	vld [tilespmem:s22+$0xFFFFFF40];
	_ =	sdelay $0x3  }
0xa6: {  	v0 =	vadd.f32 v0, v2  }
0xa7: {  	v1 =	vadd.f32 v1, v2  }
0xa8: {  	[tilespmem:s22+$0xFFFFCD40] =	vst v0  }
0xa9: {  	[tilespmem:s22+$0xFFFFFF40] =	vst v1;
	v1 =	vld [tilespmem:s22+$0xFFFFCD50]  }
0xaa: {  	v2 =	vld [tilespmem:s21+$0x40]  }
0xab: {  	v0 =	vld [tilespmem:s22+$0xFFFFFF50];
	_ =	sdelay $0x3  }
0xac: {  	v1 =	vadd.f32 v1, v2  }
0xad: {  	v0 =	vadd.f32 v0, v2  }
0xae: {  	[tilespmem:s22+$0xFFFFCD50] =	vst v1  }
0xaf: {  	[tilespmem:s22+$0xFFFFFF50] =	vst v0;
	v0 =	vld [tilespmem:s22+$0xFFFFCD60]  }
0xb0: {  	v2 =	vld [tilespmem:s21+$0x50]  }
0xb1: {  	v1 =	vld [tilespmem:s22+$0xFFFFFF60];
	_ =	sdelay $0x3  }
0xb2: {  	v0 =	vadd.f32 v0, v2  }
0xb3: {  	v1 =	vadd.f32 v1, v2  }
0xb4: {  	[tilespmem:s22+$0xFFFFCD60] =	vst v0  }
0xb5: {  	[tilespmem:s22+$0xFFFFFF60] =	vst v1;
	v1 =	vld [tilespmem:s22+$0xFFFFCD70]  }
0xb6: {  	v2 =	vld [tilespmem:s21+$0x60]  }
0xb7: {  	v0 =	vld [tilespmem:s22+$0xFFFFFF70];
	_ =	sdelay $0x3  }
0xb8: {  	v1 =	vadd.f32 v1, v2  }
0xb9: {  	v0 =	vadd.f32 v0, v2  }
0xba: {  	[tilespmem:s22+$0xFFFFCD70] =	vst v1  }
0xbb: {  	[tilespmem:s22+$0xFFFFFF70] =	vst v0;
	v0 =	vld [tilespmem:s22+$0xFFFFCD80]  }
0xbc: {  	v2 =	vld [tilespmem:s21+$0x70]  }
0xbd: {  	v1 =	vld [tilespmem:s22+$0xFFFFFF80];
	_ =	sdelay $0x3  }
0xbe: {  	v0 =	vadd.f32 v0, v2  }
0xbf: {  	v1 =	vadd.f32 v1, v2  }
0xc0: {  	[tilespmem:s22+$0xFFFFCD80] =	vst v0  }
0xc1: {  	[tilespmem:s22+$0xFFFFFF80] =	vst v1;
	v1 =	vld [tilespmem:s22+$0xFFFFCD90]  }
0xc2: {  	v2 =	vld [tilespmem:s21+$0x80]  }
0xc3: {  	v0 =	vld [tilespmem:s22+$0xFFFFFF90];
	_ =	sdelay $0x3  }
0xc4: {  	v1 =	vadd.f32 v1, v2  }
0xc5: {  	v0 =	vadd.f32 v0, v2  }
0xc6: {  	[tilespmem:s22+$0xFFFFCD90] =	vst v1  }
0xc7: {  	[tilespmem:s22+$0xFFFFFF90] =	vst v0;
	v0 =	vld [tilespmem:s22+$0xFFFFCDA0]  }
0xc8: {  	v2 =	vld [tilespmem:s21+$0x90]  }
0xc9: {  	v1 =	vld [tilespmem:s22+$0xFFFFFFA0];
	_ =	sdelay $0x3  }
0xca: {  	v0 =	vadd.f32 v0, v2  }
0xcb: {  	v1 =	vadd.f32 v1, v2  }
0xcc: {  	[tilespmem:s22+$0xFFFFCDA0] =	vst v0  }
0xcd: {  	[tilespmem:s22+$0xFFFFFFA0] =	vst v1;
	v1 =	vld [tilespmem:s22+$0xFFFFCDB0]  }
0xce: {  	v2 =	vld [tilespmem:s21+$0xA0]  }
0xcf: {  	v0 =	vld [tilespmem:s22+$0xFFFFFFB0];
	_ =	sdelay $0x3  }
0xd0: {  	v1 =	vadd.f32 v1, v2  }
0xd1: {  	v0 =	vadd.f32 v0, v2  }
0xd2: {  	[tilespmem:s22+$0xFFFFCDB0] =	vst v1  }
0xd3: {  	[tilespmem:s22+$0xFFFFFFB0] =	vst v0;
	v0 =	vld [tilespmem:s22+$0xFFFFCDC0]  }
0xd4: {  	v1 =	vld [tilespmem:s21+$0xB0]  }
0xd5: {  	v2 =	vld [tilespmem:s22+$0xFFFFFFC0];
	_ =	sdelay $0x3  }
0xd6: {  	v3 =	vadd.f32 v0, v1  }
0xd7: {  	v2 =	vadd.f32 v2, v1;
	v0 =	vld [tilespmem:s22+$0xFFFFFFF0]  }
0xd8: {  	v1 =	vld [tilespmem:s22+$0xFFFFCDD0];
	[tilespmem:s22+$0xFFFFCDC0] =	vst v3  }
0xd9: {  	[tilespmem:s22+$0xFFFFFFC0] =	vst v2;
	v2 =	vld [tilespmem:s22+$0xFFFFFFD0]  }
0xda: {  	s25 =	simm.s32 $0x0;
	s23 =	simm.s32 $0x9B30;
	s24 =	simm.s32 $0xCC40;
	v3 =	vld [tilespmem:s21+$0xC0]  }
.LBB2_4:
0xdb: {  	_ =	sdelay $0x2  }
0xdc: {  	s25 =	sadd.s32 $0x2, s25;
	s22 =	sadd.s32 $0x200, s22;
	s21 =	sadd.s32 $0x200, s21  }
0xdd: {  	p0 =	slt.u32 s25, $0x30;
	v1 =	vadd.f32 v1, v3;
	v2 =	vadd.f32 v2, v3;
	_ =	sdelay $0x1  }
0xde: {  	[tilespmem:s23+$0xFFFFCDD0] =	vst v1;
	v1 =	vld [tilespmem:s23+$0xFFFFCDE0]  }
0xdf: {  	[tilespmem:s23+$0xFFFFFFD0] =	vst v2;
	v2 =	vld [tilespmem:s23+$0xFFFFFFE0]  }
0xe0: {  	v3 =	vld [tilespmem:s24+$0xD0];
	_ =	sdelay $0x4  }
0xe1: {  	v1 =	vadd.f32 v1, v3;
	v2 =	vadd.f32 v2, v3;
	_ =	sdelay $0x1  }
0xe2: {  	[tilespmem:s23+$0xFFFFCDE0] =	vst v1  }
0xe3: {  	[tilespmem:s23+$0xFFFFFFE0] =	vst v2;
	v1 =	vld [tilespmem:s23+$0xFFFFCDF0]  }
0xe4: {  	v2 =	vld [tilespmem:s24+$0xE0];
	_ =	sdelay $0x4  }
0xe5: {  	v1 =	vadd.f32 v1, v2;
	v0 =	vadd.f32 v0, v2;
	_ =	sdelay $0x1  }
0xe6: {  	[tilespmem:s23+$0xFFFFCDF0] =	vst v1;
	v1 =	vld [tilespmem:s23+$0xFFFFCE00]  }
0xe7: {  	[tilespmem:s23+$0xFFFFFFF0] =	vst v0;
	v0 =	vld [tilespmem:s23+$0x0]  }
0xe8: {  	v2 =	vld [tilespmem:s24+$0xF0];
	s24 =	smov.u32 s21;
	_ =	sdelay $0x4  }
0xe9: {  	v1 =	vadd.f32 v1, v2;
	v0 =	vadd.f32 v0, v2;
	_ =	sdelay $0x1  }
0xea: {  	[tilespmem:s23+$0xFFFFCE00] =	vst v1  }
0xeb: {  	v1 =	vld [tilespmem:s22+$0xFFFFFE10];
	[tilespmem:s23+$0x0] =	vst v0;
	s23 =	smov.u32 s22  }
0xec: {  	v0 =	vld [tilespmem:s21+$0xFFFFFF00]  }
0xed: {  	v2 =	vld [tilespmem:s22+$0xFFFFCC10];
	_ =	sdelay $0x3  }
0xee: {  	v1 =	vadd.f32 v1, v0  }
0xef: {  	v0 =	vadd.f32 v2, v0  }
0xf0: {  	[tilespmem:s22+$0xFFFFFE10] =	vst v1;
	v1 =	vld [tilespmem:s22+$0xFFFFFE20]  }
0xf1: {  	[tilespmem:s22+$0xFFFFCC10] =	vst v0;
	v0 =	vld [tilespmem:s22+$0xFFFFCC20]  }
0xf2: {  	v2 =	vld [tilespmem:s21+$0xFFFFFF10];
	_ =	sdelay $0x4  }
0xf3: {  	v0 =	vadd.f32 v0, v2;
	v1 =	vadd.f32 v1, v2;
	_ =	sdelay $0x1  }
0xf4: {  	[tilespmem:s22+$0xFFFFCC20] =	vst v0;
	v0 =	vld [tilespmem:s22+$0xFFFFFE30]  }
0xf5: {  	[tilespmem:s22+$0xFFFFFE20] =	vst v1;
	v1 =	vld [tilespmem:s22+$0xFFFFCC30]  }
0xf6: {  	v2 =	vld [tilespmem:s21+$0xFFFFFF20];
	_ =	sdelay $0x4  }
0xf7: {  	v1 =	vadd.f32 v1, v2;
	v0 =	vadd.f32 v0, v2;
	_ =	sdelay $0x1  }
0xf8: {  	[tilespmem:s22+$0xFFFFCC30] =	vst v1;
	v1 =	vld [tilespmem:s22+$0xFFFFFE40]  }
0xf9: {  	[tilespmem:s22+$0xFFFFFE30] =	vst v0;
	v0 =	vld [tilespmem:s22+$0xFFFFCC40]  }
0xfa: {  	v2 =	vld [tilespmem:s21+$0xFFFFFF30];
	_ =	sdelay $0x4  }
0xfb: {  	v0 =	vadd.f32 v0, v2;
	v1 =	vadd.f32 v1, v2;
	_ =	sdelay $0x1  }
0xfc: {  	[tilespmem:s22+$0xFFFFCC40] =	vst v0;
	v0 =	vld [tilespmem:s22+$0xFFFFFE50]  }
0xfd: {  	[tilespmem:s22+$0xFFFFFE40] =	vst v1;
	v1 =	vld [tilespmem:s22+$0xFFFFCC50]  }
0xfe: {  	v2 =	vld [tilespmem:s21+$0xFFFFFF40];
	_ =	sdelay $0x4  }
0xff: {  	v1 =	vadd.f32 v1, v2;
	v0 =	vadd.f32 v0, v2;
	_ =	sdelay $0x1  }
0x100: {  	[tilespmem:s22+$0xFFFFCC50] =	vst v1;
	v1 =	vld [tilespmem:s22+$0xFFFFFE60]  }
0x101: {  	[tilespmem:s22+$0xFFFFFE50] =	vst v0;
	v0 =	vld [tilespmem:s22+$0xFFFFCC60]  }
0x102: {  	v2 =	vld [tilespmem:s21+$0xFFFFFF50];
	_ =	sdelay $0x4  }
0x103: {  	v0 =	vadd.f32 v0, v2;
	v1 =	vadd.f32 v1, v2;
	_ =	sdelay $0x1  }
0x104: {  	[tilespmem:s22+$0xFFFFCC60] =	vst v0;
	v0 =	vld [tilespmem:s22+$0xFFFFFE70]  }
0x105: {  	[tilespmem:s22+$0xFFFFFE60] =	vst v1;
	v1 =	vld [tilespmem:s22+$0xFFFFCC70]  }
0x106: {  	v2 =	vld [tilespmem:s21+$0xFFFFFF60];
	_ =	sdelay $0x4  }
0x107: {  	v1 =	vadd.f32 v1, v2;
	v0 =	vadd.f32 v0, v2;
	_ =	sdelay $0x1  }
0x108: {  	[tilespmem:s22+$0xFFFFCC70] =	vst v1;
	v1 =	vld [tilespmem:s22+$0xFFFFFE80]  }
0x109: {  	[tilespmem:s22+$0xFFFFFE70] =	vst v0;
	v0 =	vld [tilespmem:s22+$0xFFFFCC80]  }
0x10a: {  	v2 =	vld [tilespmem:s21+$0xFFFFFF70];
	_ =	sdelay $0x4  }
0x10b: {  	v0 =	vadd.f32 v0, v2;
	v1 =	vadd.f32 v1, v2;
	_ =	sdelay $0x1  }
0x10c: {  	[tilespmem:s22+$0xFFFFCC80] =	vst v0;
	v0 =	vld [tilespmem:s22+$0xFFFFFE90]  }
0x10d: {  	[tilespmem:s22+$0xFFFFFE80] =	vst v1;
	v1 =	vld [tilespmem:s22+$0xFFFFCC90]  }
0x10e: {  	v2 =	vld [tilespmem:s21+$0xFFFFFF80];
	_ =	sdelay $0x4  }
0x10f: {  	v1 =	vadd.f32 v1, v2;
	v0 =	vadd.f32 v0, v2;
	_ =	sdelay $0x1  }
0x110: {  	[tilespmem:s22+$0xFFFFCC90] =	vst v1;
	v1 =	vld [tilespmem:s22+$0xFFFFFEA0]  }
0x111: {  	[tilespmem:s22+$0xFFFFFE90] =	vst v0;
	v0 =	vld [tilespmem:s22+$0xFFFFCCA0]  }
0x112: {  	v2 =	vld [tilespmem:s21+$0xFFFFFF90];
	_ =	sdelay $0x4  }
0x113: {  	v0 =	vadd.f32 v0, v2;
	v1 =	vadd.f32 v1, v2;
	_ =	sdelay $0x1  }
0x114: {  	[tilespmem:s22+$0xFFFFCCA0] =	vst v0;
	v0 =	vld [tilespmem:s22+$0xFFFFFEB0]  }
0x115: {  	[tilespmem:s22+$0xFFFFFEA0] =	vst v1;
	v1 =	vld [tilespmem:s22+$0xFFFFCCB0]  }
0x116: {  	v2 =	vld [tilespmem:s21+$0xFFFFFFA0];
	_ =	sdelay $0x4  }
0x117: {  	v1 =	vadd.f32 v1, v2;
	v0 =	vadd.f32 v0, v2;
	_ =	sdelay $0x1  }
0x118: {  	[tilespmem:s22+$0xFFFFCCB0] =	vst v1;
	v1 =	vld [tilespmem:s22+$0xFFFFFEC0]  }
0x119: {  	[tilespmem:s22+$0xFFFFFEB0] =	vst v0;
	v0 =	vld [tilespmem:s22+$0xFFFFCCC0]  }
0x11a: {  	v2 =	vld [tilespmem:s21+$0xFFFFFFB0];
	_ =	sdelay $0x4  }
0x11b: {  	v0 =	vadd.f32 v0, v2;
	v1 =	vadd.f32 v1, v2;
	_ =	sdelay $0x1  }
0x11c: {  	[tilespmem:s22+$0xFFFFCCC0] =	vst v0;
	v0 =	vld [tilespmem:s22+$0xFFFFFED0]  }
0x11d: {  	[tilespmem:s22+$0xFFFFFEC0] =	vst v1;
	v1 =	vld [tilespmem:s22+$0xFFFFCCD0]  }
0x11e: {  	v2 =	vld [tilespmem:s21+$0xFFFFFFC0];
	_ =	sdelay $0x4  }
0x11f: {  	v1 =	vadd.f32 v1, v2;
	v0 =	vadd.f32 v0, v2;
	_ =	sdelay $0x1  }
0x120: {  	[tilespmem:s22+$0xFFFFCCD0] =	vst v1;
	v1 =	vld [tilespmem:s22+$0xFFFFFEE0]  }
0x121: {  	[tilespmem:s22+$0xFFFFFED0] =	vst v0;
	v0 =	vld [tilespmem:s22+$0xFFFFCCE0]  }
0x122: {  	v2 =	vld [tilespmem:s21+$0xFFFFFFD0];
	_ =	sdelay $0x4  }
0x123: {  	v0 =	vadd.f32 v0, v2;
	v1 =	vadd.f32 v1, v2;
	_ =	sdelay $0x1  }
0x124: {  	[tilespmem:s22+$0xFFFFCCE0] =	vst v0;
	v0 =	vld [tilespmem:s22+$0xFFFFFEF0]  }
0x125: {  	[tilespmem:s22+$0xFFFFFEE0] =	vst v1;
	v1 =	vld [tilespmem:s22+$0xFFFFCCF0]  }
0x126: {  	v2 =	vld [tilespmem:s21+$0xFFFFFFE0];
	_ =	sdelay $0x4  }
0x127: {  	v1 =	vadd.f32 v1, v2;
	v0 =	vadd.f32 v0, v2;
	_ =	sdelay $0x1  }
0x128: {  	[tilespmem:s22+$0xFFFFCCF0] =	vst v1;
	v1 =	vld [tilespmem:s22+$0xFFFFFF00]  }
0x129: {  	[tilespmem:s22+$0xFFFFFEF0] =	vst v0;
	v0 =	vld [tilespmem:s22+$0xFFFFCD00]  }
0x12a: {  	v2 =	vld [tilespmem:s21+$0xFFFFFFF0];
	_ =	sdelay $0x4  }
0x12b: {  	v0 =	vadd.f32 v0, v2;
	v1 =	vadd.f32 v1, v2;
	_ =	sdelay $0x1  }
0x12c: {  	[tilespmem:s22+$0xFFFFCD00] =	vst v0;
	v0 =	vld [tilespmem:s22+$0xFFFFFF10]  }
0x12d: {  	[tilespmem:s22+$0xFFFFFF00] =	vst v1;
	v1 =	vld [tilespmem:s22+$0xFFFFCD10]  }
0x12e: {  	v2 =	vld [tilespmem:s21+$0x0];
	_ =	sdelay $0x4  }
0x12f: {  	v1 =	vadd.f32 v1, v2;
	v0 =	vadd.f32 v0, v2;
	_ =	sdelay $0x1  }
0x130: {  	[tilespmem:s22+$0xFFFFCD10] =	vst v1;
	v1 =	vld [tilespmem:s22+$0xFFFFFF20]  }
0x131: {  	[tilespmem:s22+$0xFFFFFF10] =	vst v0;
	v0 =	vld [tilespmem:s22+$0xFFFFCD20]  }
0x132: {  	v2 =	vld [tilespmem:s21+$0x10];
	_ =	sdelay $0x4  }
0x133: {  	v0 =	vadd.f32 v0, v2;
	v1 =	vadd.f32 v1, v2;
	_ =	sdelay $0x1  }
0x134: {  	[tilespmem:s22+$0xFFFFCD20] =	vst v0;
	v0 =	vld [tilespmem:s22+$0xFFFFFF30]  }
0x135: {  	[tilespmem:s22+$0xFFFFFF20] =	vst v1;
	v1 =	vld [tilespmem:s22+$0xFFFFCD30]  }
0x136: {  	v2 =	vld [tilespmem:s21+$0x20];
	_ =	sdelay $0x4  }
0x137: {  	v1 =	vadd.f32 v1, v2;
	v0 =	vadd.f32 v0, v2;
	_ =	sdelay $0x1  }
0x138: {  	[tilespmem:s22+$0xFFFFCD30] =	vst v1;
	v1 =	vld [tilespmem:s22+$0xFFFFFF40]  }
0x139: {  	[tilespmem:s22+$0xFFFFFF30] =	vst v0;
	v0 =	vld [tilespmem:s22+$0xFFFFCD40]  }
0x13a: {  	v2 =	vld [tilespmem:s21+$0x30];
	_ =	sdelay $0x4  }
0x13b: {  	v0 =	vadd.f32 v0, v2;
	v1 =	vadd.f32 v1, v2;
	_ =	sdelay $0x1  }
0x13c: {  	[tilespmem:s22+$0xFFFFCD40] =	vst v0;
	v0 =	vld [tilespmem:s22+$0xFFFFFF50]  }
0x13d: {  	[tilespmem:s22+$0xFFFFFF40] =	vst v1;
	v1 =	vld [tilespmem:s22+$0xFFFFCD50]  }
0x13e: {  	v2 =	vld [tilespmem:s21+$0x40];
	_ =	sdelay $0x4  }
0x13f: {  	v1 =	vadd.f32 v1, v2;
	v0 =	vadd.f32 v0, v2;
	_ =	sdelay $0x1  }
0x140: {  	[tilespmem:s22+$0xFFFFCD50] =	vst v1;
	v1 =	vld [tilespmem:s22+$0xFFFFFF60]  }
0x141: {  	[tilespmem:s22+$0xFFFFFF50] =	vst v0;
	v0 =	vld [tilespmem:s22+$0xFFFFCD60]  }
0x142: {  	v2 =	vld [tilespmem:s21+$0x50];
	_ =	sdelay $0x4  }
0x143: {  	v0 =	vadd.f32 v0, v2;
	v1 =	vadd.f32 v1, v2;
	_ =	sdelay $0x1  }
0x144: {  	[tilespmem:s22+$0xFFFFCD60] =	vst v0;
	v0 =	vld [tilespmem:s22+$0xFFFFFF70]  }
0x145: {  	[tilespmem:s22+$0xFFFFFF60] =	vst v1;
	v1 =	vld [tilespmem:s22+$0xFFFFCD70]  }
0x146: {  	v2 =	vld [tilespmem:s21+$0x60];
	_ =	sdelay $0x4  }
0x147: {  	v1 =	vadd.f32 v1, v2;
	v0 =	vadd.f32 v0, v2;
	_ =	sdelay $0x1  }
0x148: {  	[tilespmem:s22+$0xFFFFCD70] =	vst v1;
	v1 =	vld [tilespmem:s22+$0xFFFFFF80]  }
0x149: {  	[tilespmem:s22+$0xFFFFFF70] =	vst v0;
	v0 =	vld [tilespmem:s22+$0xFFFFCD80]  }
0x14a: {  	v2 =	vld [tilespmem:s21+$0x70];
	_ =	sdelay $0x4  }
0x14b: {  	v0 =	vadd.f32 v0, v2;
	v1 =	vadd.f32 v1, v2;
	_ =	sdelay $0x1  }
0x14c: {  	[tilespmem:s22+$0xFFFFCD80] =	vst v0;
	v0 =	vld [tilespmem:s22+$0xFFFFFF90]  }
0x14d: {  	[tilespmem:s22+$0xFFFFFF80] =	vst v1;
	v1 =	vld [tilespmem:s22+$0xFFFFCD90]  }
0x14e: {  	v2 =	vld [tilespmem:s21+$0x80];
	_ =	sdelay $0x4  }
0x14f: {  	v1 =	vadd.f32 v1, v2;
	v0 =	vadd.f32 v0, v2;
	_ =	sdelay $0x1  }
0x150: {  	[tilespmem:s22+$0xFFFFCD90] =	vst v1;
	v1 =	vld [tilespmem:s22+$0xFFFFFFA0]  }
0x151: {  	[tilespmem:s22+$0xFFFFFF90] =	vst v0;
	v0 =	vld [tilespmem:s22+$0xFFFFCDA0]  }
0x152: {  	v2 =	vld [tilespmem:s21+$0x90];
	_ =	sdelay $0x4  }
0x153: {  	v0 =	vadd.f32 v0, v2;
	v1 =	vadd.f32 v1, v2;
	_ =	sdelay $0x1  }
0x154: {  	[tilespmem:s22+$0xFFFFCDA0] =	vst v0;
	v0 =	vld [tilespmem:s22+$0xFFFFFFB0]  }
0x155: {  	[tilespmem:s22+$0xFFFFFFA0] =	vst v1;
	v1 =	vld [tilespmem:s22+$0xFFFFCDB0]  }
0x156: {  	v2 =	vld [tilespmem:s21+$0xA0];
	_ =	sdelay $0x4  }
0x157: {  	v1 =	vadd.f32 v1, v2;
	v2 =	vadd.f32 v0, v2  }
0x158: {  	v3 =	vld [tilespmem:s22+$0xFFFFFFC0]  }
0x159: {  	[tilespmem:s22+$0xFFFFCDB0] =	vst v1;
	v0 =	vld [tilespmem:s22+$0xFFFFFFF0]  }
0x15a: {  	[tilespmem:s22+$0xFFFFFFB0] =	vst v2;
	v1 =	vld [tilespmem:s22+$0xFFFFCDC0]  }
0x15b: {  	v2 =	vld [tilespmem:s21+$0xB0];
	_ =	sdelay $0x4  }
.Ltmp1:
0x15c: {  	v1 =	vadd.f32 v1, v2;
	v2 =	vadd.f32 v3, v2;
	(pc) =	sbr.rel @p0 .LBB2_4-.Ltmp1, $4  }
0x15d: {  	_ = 	snop  }
0x15e: {  	[tilespmem:s22+$0xFFFFCDC0] =	vst v1;
	v1 =	vld [tilespmem:s22+$0xFFFFCDD0]  }
0x15f: {  	[tilespmem:s22+$0xFFFFFFC0] =	vst v2;
	v2 =	vld [tilespmem:s22+$0xFFFFFFD0]  }
0x160: {  	v3 =	vld [tilespmem:s21+$0xC0]  }
0x161: {  	_ =	sdelay $0x3  }
0x162: {  	v1 =	vadd.f32 v1, v3  }
0x163: {  	v2 =	vadd.f32 v2, v3  }
0x164: {  	[tilespmem:s23+$0xFFFFCDD0] =	vst v1  }
0x165: {  	v59 =	vld [tilespmem:s23+$0xFFFFCDE0];
	[tilespmem:s23+$0xFFFFFFD0] =	vst v2  }
0x166: {  	v2 =	vld [tilespmem:s24+$0xD0]  }
0x167: {  	v60 =	vld [tilespmem:s23+$0xFFFFFFE0];
	_ =	sdelay $0x3  }
0x168: {  	v1 =	vadd.f32 v59, v2  }
0x169: {  	v2 =	vadd.f32 v60, v2  }
0x16a: {  	[tilespmem:s23+$0xFFFFCDE0] =	vst v1  }
0x16b: {  	v61 =	vld [tilespmem:s23+$0xFFFFCDF0];
	[tilespmem:s23+$0xFFFFFFE0] =	vst v2  }
0x16c: {  	v2 =	vld [tilespmem:s24+$0xE0];
	_ =	sdelay $0x4  }
0x16d: {  	v1 =	vadd.f32 v61, v2  }
0x16e: {  	v0 =	vadd.f32 v0, v2  }
0x16f: {  	[tilespmem:s23+$0xFFFFCDF0] =	vst v1  }
0x170: {  	v62 =	vld [tilespmem:s23+$0xFFFFCE00];
	[tilespmem:s23+$0xFFFFFFF0] =	vst v0  }
0x171: {  	s21 =	smul.u32 $0x320, s11;
	v0 =	vld [tilespmem:s24+$0xF0]  }
0x172: {  	v63 =	vld [tilespmem:s23+$0x0]  }
0x173: {  	s21 =	sadd.s32 s21, s10  }
0x174: {  	s21 =	smulhi.u32 $0x51EB851F, s21;
	_ =	sdelay $0x1  }
0x175: {  	s21 =	sshrl.u32 s21, $0x6;
	v1 =	vadd.f32 v62, v0  }
0x176: {  	s21 =	smul.u32 $0x640, s21;
	v0 =	vadd.f32 v63, v0  }
0x177: {  	[tilespmem:s23+$0xFFFFCE00] =	vst v1  }
0x178: {  	s21 =	sadd.s32 s2, s21;
	[tilespmem:s23+$0x0] =	vst v0  }
0x179: {  	[hbm4b:s21+s3] =	stream.linear.scatter [tilespmem:s29], [sflag:$0x6], $0x6400, $0x38;
	[tilespmem:$0xFD40] =	vst v63  }
0x17a: {  	_ =	swait.ge [sflag:s28], $0x1A0  }
.Ltmp2:
0x17b: {  	[sflag:s28] =	ssyncset.done $0x0;
	(pc) =	sbr.rel .LBB2_6-.Ltmp2, $4  }
0x17c: {  	[sflag:s28] =	ssyncadd.s32 $0xFFFFFE60  }
0x17d: {  	_ =	swait.ge [sflag:s16], $0x6400  }
0x17e: {  	[sflag:s16] =	ssyncset.done $0x0  }
0x17f: {  	[sflag:s16] =	ssyncadd.s32 $0xFFFF9C00  }
.LBB2_13:
0x180: {  	[tilespmem:s19], [sflag:$0x3] =	stream.indirect.gather [hbm4b:s5+s18], $0x40, s3, s18, $0xb8;
	[tilespmem:$0xFD40] =	vst v63  }
0x181: {  	s21 =	simm.s32 $0x68;
	s22 =	simm.s32 $0x1C40  }
0x182: {  	[tilespmem:s22], [sflag:$0x3] =	stream.indirect.gather [hbm4b:s5+s18], $0x40, s21, s18, $0xb8;
	[tilespmem:$0xFD40] =	vst v63  }
0x183: {  	s24 =	simm.s32 $0xD0;
	s25 =	simm.s32 $0x3540  }
0x184: {  	[tilespmem:s25], [sflag:$0x3] =	stream.indirect.gather [hbm4b:s5+s18], $0x40, s24, s18, $0xb8;
	[tilespmem:$0xFD40] =	vst v63  }
0x185: {  	s23 =	simm.s32 $0x138;
	s24 =	simm.s32 $0x4E40  }
0x186: {  	[tilespmem:s24], [sflag:$0x3] =	stream.indirect.gather [hbm4b:s5+s18], $0x40, s23, s18, $0xb8;
	[tilespmem:$0xFD40] =	vst v63  }
0x187: {  	s25 =	rddreg [dreg:$0x5]  }
0x188: {  	[tilespmem:s26], [sflag:$0x2] =	stream.linear.gather [hbm4b:s25+s3], $0x1A0, $0x38;
	[tilespmem:$0xFD40] =	vst v63  }
0x189: {  	_ =	swait.ge [sflag:s28], $0x1A0  }
0x18a: {  	[sflag:s28] =	ssyncset.done $0x0  }
0x18b: {  	[sflag:s28] =	ssyncadd.s32 $0xFFFFFE60  }
.LBB2_6:
0x18c: {  	[tilespmem:s29], [sflag:$0x4] =	stream.indirect.gather [hbm4b:s5+s18], $0x40, s26, s18, $0xb8;
	[tilespmem:$0xFD40] =	vst v63  }
0x18d: {  	_ = 	snop  }
0x18e: {  	[tilespmem:s31], [sflag:$0x4] =	stream.indirect.gather [hbm4b:s5+s18], $0x40, s30, s18, $0xb8;
	[tilespmem:$0xFD40] =	vst v63  }
0x18f: {  	_ = 	snop  }
0x190: {  	[tilespmem:s0], [sflag:$0x4] =	stream.indirect.gather [hbm4b:s5+s18], $0x40, s1, s18, $0xb8;
	[tilespmem:$0xFD40] =	vst v63  }
0x191: {  	_ = 	snop  }
0x192: {  	[tilespmem:s7], [sflag:$0x4] =	stream.indirect.gather [hbm4b:s5+s18], $0x40, s15, s18, $0xb8;
	[tilespmem:$0xFD40] =	vst v63  }
0x193: {  	_ =	swait.ge [sflag:s13], $0x3200  }
0x194: {  	p0 =	seq.s32 s11, $0x1F;
	[sflag:s13] =	ssyncset.done $0x0  }
0x195: {  	s20 =	sadd.s32 @!p0 s20, s12;
	[sflag:s13] =	ssyncadd.s32 $0xFFFFCE00  }
0x196: {  	s20 =	smul.u32 @!p0 $0xD, s20;
	_ =	swait.ge [sflag:s13], $0x3200  }
0x197: {  	[sflag:s13] =	ssyncset.done $0x0  }
0x198: {  	s21 =	simm.s32 @!p0 $0x0;
	s20 =	sadd.s32 @!p0 s6, s20;
	[sflag:s13] =	ssyncadd.s32 $0xFFFFCE00  }
0x199: {  	[tilespmem:s21], [sflag:$0x1] =	stream.linear.gather @!p0 [hbm4b:s20+s21], $0x1A0, $0x38;
	[tilespmem:$0xFD40] =	vst v63  }
0x19a: {  	s20 =	simm.s32 $0xCC40  }
0x19b: {  	s21 =	simm.s32 $0x3730;
	v0 =	vld [tilespmem:s20+$0xFFFFFF00]  }
0x19c: {  	v1 =	vld [tilespmem:s21+$0xFFFFCC10]  }
0x19d: {  	v2 =	vld [tilespmem:s21+$0xFFFFFE10];
	_ =	sdelay $0x3  }
0x19e: {  	v1 =	vadd.f32 v1, v0  }
0x19f: {  	v0 =	vadd.f32 v2, v0  }
0x1a0: {  	[tilespmem:s21+$0xFFFFCC10] =	vst v1  }
0x1a1: {  	[tilespmem:s21+$0xFFFFFE10] =	vst v0;
	v0 =	vld [tilespmem:s21+$0xFFFFCC20]  }
0x1a2: {  	v1 =	vld [tilespmem:s20+$0xFFFFFF10]  }
0x1a3: {  	v2 =	vld [tilespmem:s21+$0xFFFFFE20];
	_ =	sdelay $0x3  }
0x1a4: {  	v0 =	vadd.f32 v0, v1  }
0x1a5: {  	v1 =	vadd.f32 v2, v1  }
0x1a6: {  	[tilespmem:s21+$0xFFFFCC20] =	vst v0  }
0x1a7: {  	[tilespmem:s21+$0xFFFFFE20] =	vst v1;
	v1 =	vld [tilespmem:s21+$0xFFFFCC30]  }
0x1a8: {  	v2 =	vld [tilespmem:s20+$0xFFFFFF20]  }
0x1a9: {  	v0 =	vld [tilespmem:s21+$0xFFFFFE30];
	_ =	sdelay $0x3  }
0x1aa: {  	v1 =	vadd.f32 v1, v2  }
0x1ab: {  	v0 =	vadd.f32 v0, v2  }
0x1ac: {  	[tilespmem:s21+$0xFFFFCC30] =	vst v1  }
0x1ad: {  	[tilespmem:s21+$0xFFFFFE30] =	vst v0;
	v0 =	vld [tilespmem:s21+$0xFFFFCC40]  }
0x1ae: {  	v2 =	vld [tilespmem:s20+$0xFFFFFF30]  }
0x1af: {  	v1 =	vld [tilespmem:s21+$0xFFFFFE40];
	_ =	sdelay $0x3  }
0x1b0: {  	v0 =	vadd.f32 v0, v2  }
0x1b1: {  	v1 =	vadd.f32 v1, v2  }
0x1b2: {  	[tilespmem:s21+$0xFFFFCC40] =	vst v0  }
0x1b3: {  	[tilespmem:s21+$0xFFFFFE40] =	vst v1;
	v1 =	vld [tilespmem:s21+$0xFFFFCC50]  }
0x1b4: {  	v2 =	vld [tilespmem:s20+$0xFFFFFF40]  }
0x1b5: {  	v0 =	vld [tilespmem:s21+$0xFFFFFE50];
	_ =	sdelay $0x3  }
0x1b6: {  	v1 =	vadd.f32 v1, v2  }
0x1b7: {  	v0 =	vadd.f32 v0, v2  }
0x1b8: {  	[tilespmem:s21+$0xFFFFCC50] =	vst v1  }
0x1b9: {  	[tilespmem:s21+$0xFFFFFE50] =	vst v0;
	v0 =	vld [tilespmem:s21+$0xFFFFCC60]  }
0x1ba: {  	v2 =	vld [tilespmem:s20+$0xFFFFFF50]  }
0x1bb: {  	v1 =	vld [tilespmem:s21+$0xFFFFFE60];
	_ =	sdelay $0x3  }
0x1bc: {  	v0 =	vadd.f32 v0, v2  }
0x1bd: {  	v1 =	vadd.f32 v1, v2  }
0x1be: {  	[tilespmem:s21+$0xFFFFCC60] =	vst v0  }
0x1bf: {  	[tilespmem:s21+$0xFFFFFE60] =	vst v1;
	v1 =	vld [tilespmem:s21+$0xFFFFCC70]  }
0x1c0: {  	v2 =	vld [tilespmem:s20+$0xFFFFFF60]  }
0x1c1: {  	v0 =	vld [tilespmem:s21+$0xFFFFFE70];
	_ =	sdelay $0x3  }
0x1c2: {  	v1 =	vadd.f32 v1, v2  }
0x1c3: {  	v0 =	vadd.f32 v0, v2  }
0x1c4: {  	[tilespmem:s21+$0xFFFFCC70] =	vst v1  }
0x1c5: {  	[tilespmem:s21+$0xFFFFFE70] =	vst v0;
	v0 =	vld [tilespmem:s21+$0xFFFFCC80]  }
0x1c6: {  	v2 =	vld [tilespmem:s20+$0xFFFFFF70]  }
0x1c7: {  	v1 =	vld [tilespmem:s21+$0xFFFFFE80];
	_ =	sdelay $0x3  }
0x1c8: {  	v0 =	vadd.f32 v0, v2  }
0x1c9: {  	v1 =	vadd.f32 v1, v2  }
0x1ca: {  	[tilespmem:s21+$0xFFFFCC80] =	vst v0  }
0x1cb: {  	[tilespmem:s21+$0xFFFFFE80] =	vst v1;
	v1 =	vld [tilespmem:s21+$0xFFFFCC90]  }
0x1cc: {  	v2 =	vld [tilespmem:s20+$0xFFFFFF80]  }
0x1cd: {  	v0 =	vld [tilespmem:s21+$0xFFFFFE90];
	_ =	sdelay $0x3  }
0x1ce: {  	v1 =	vadd.f32 v1, v2  }
0x1cf: {  	v0 =	vadd.f32 v0, v2  }
0x1d0: {  	[tilespmem:s21+$0xFFFFCC90] =	vst v1  }
0x1d1: {  	[tilespmem:s21+$0xFFFFFE90] =	vst v0;
	v0 =	vld [tilespmem:s21+$0xFFFFCCA0]  }
0x1d2: {  	v2 =	vld [tilespmem:s20+$0xFFFFFF90]  }
0x1d3: {  	v1 =	vld [tilespmem:s21+$0xFFFFFEA0];
	_ =	sdelay $0x3  }
0x1d4: {  	v0 =	vadd.f32 v0, v2  }
0x1d5: {  	v1 =	vadd.f32 v1, v2  }
0x1d6: {  	[tilespmem:s21+$0xFFFFCCA0] =	vst v0  }
0x1d7: {  	[tilespmem:s21+$0xFFFFFEA0] =	vst v1;
	v1 =	vld [tilespmem:s21+$0xFFFFCCB0]  }
0x1d8: {  	v2 =	vld [tilespmem:s20+$0xFFFFFFA0]  }
0x1d9: {  	v0 =	vld [tilespmem:s21+$0xFFFFFEB0];
	_ =	sdelay $0x3  }
0x1da: {  	v1 =	vadd.f32 v1, v2  }
0x1db: {  	v0 =	vadd.f32 v0, v2  }
0x1dc: {  	[tilespmem:s21+$0xFFFFCCB0] =	vst v1  }
0x1dd: {  	[tilespmem:s21+$0xFFFFFEB0] =	vst v0;
	v0 =	vld [tilespmem:s21+$0xFFFFCCC0]  }
0x1de: {  	v2 =	vld [tilespmem:s20+$0xFFFFFFB0]  }
0x1df: {  	v1 =	vld [tilespmem:s21+$0xFFFFFEC0];
	_ =	sdelay $0x3  }
0x1e0: {  	v0 =	vadd.f32 v0, v2  }
0x1e1: {  	v1 =	vadd.f32 v1, v2  }
0x1e2: {  	[tilespmem:s21+$0xFFFFCCC0] =	vst v0  }
0x1e3: {  	[tilespmem:s21+$0xFFFFFEC0] =	vst v1;
	v1 =	vld [tilespmem:s21+$0xFFFFCCD0]  }
0x1e4: {  	v2 =	vld [tilespmem:s20+$0xFFFFFFC0]  }
0x1e5: {  	v0 =	vld [tilespmem:s21+$0xFFFFFED0];
	_ =	sdelay $0x3  }
0x1e6: {  	v1 =	vadd.f32 v1, v2  }
0x1e7: {  	v0 =	vadd.f32 v0, v2  }
0x1e8: {  	[tilespmem:s21+$0xFFFFCCD0] =	vst v1  }
0x1e9: {  	[tilespmem:s21+$0xFFFFFED0] =	vst v0;
	v0 =	vld [tilespmem:s21+$0xFFFFCCE0]  }
0x1ea: {  	v2 =	vld [tilespmem:s20+$0xFFFFFFD0]  }
0x1eb: {  	v1 =	vld [tilespmem:s21+$0xFFFFFEE0];
	_ =	sdelay $0x3  }
0x1ec: {  	v0 =	vadd.f32 v0, v2  }
0x1ed: {  	v1 =	vadd.f32 v1, v2  }
0x1ee: {  	[tilespmem:s21+$0xFFFFCCE0] =	vst v0  }
0x1ef: {  	[tilespmem:s21+$0xFFFFFEE0] =	vst v1;
	v1 =	vld [tilespmem:s21+$0xFFFFCCF0]  }
0x1f0: {  	v2 =	vld [tilespmem:s20+$0xFFFFFFE0]  }
0x1f1: {  	v0 =	vld [tilespmem:s21+$0xFFFFFEF0];
	_ =	sdelay $0x3  }
0x1f2: {  	v1 =	vadd.f32 v1, v2  }
0x1f3: {  	v0 =	vadd.f32 v0, v2  }
0x1f4: {  	[tilespmem:s21+$0xFFFFCCF0] =	vst v1  }
0x1f5: {  	[tilespmem:s21+$0xFFFFFEF0] =	vst v0;
	v0 =	vld [tilespmem:s21+$0xFFFFCD00]  }
0x1f6: {  	v2 =	vld [tilespmem:s20+$0xFFFFFFF0]  }
0x1f7: {  	v1 =	vld [tilespmem:s21+$0xFFFFFF00];
	_ =	sdelay $0x3  }
0x1f8: {  	v0 =	vadd.f32 v0, v2  }
0x1f9: {  	v1 =	vadd.f32 v1, v2  }
0x1fa: {  	[tilespmem:s21+$0xFFFFCD00] =	vst v0  }
0x1fb: {  	[tilespmem:s21+$0xFFFFFF00] =	vst v1;
	v1 =	vld [tilespmem:s21+$0xFFFFCD10]  }
0x1fc: {  	v2 =	vld [tilespmem:s20+$0x0]  }
0x1fd: {  	v0 =	vld [tilespmem:s21+$0xFFFFFF10];
	_ =	sdelay $0x3  }
0x1fe: {  	v1 =	vadd.f32 v1, v2  }
0x1ff: {  	v0 =	vadd.f32 v0, v2  }
0x200: {  	[tilespmem:s21+$0xFFFFCD10] =	vst v1  }
0x201: {  	[tilespmem:s21+$0xFFFFFF10] =	vst v0;
	v0 =	vld [tilespmem:s21+$0xFFFFCD20]  }
0x202: {  	v2 =	vld [tilespmem:s20+$0x10]  }
0x203: {  	v1 =	vld [tilespmem:s21+$0xFFFFFF20];
	_ =	sdelay $0x3  }
0x204: {  	v0 =	vadd.f32 v0, v2  }
0x205: {  	v1 =	vadd.f32 v1, v2  }
0x206: {  	[tilespmem:s21+$0xFFFFCD20] =	vst v0  }
0x207: {  	[tilespmem:s21+$0xFFFFFF20] =	vst v1;
	v1 =	vld [tilespmem:s21+$0xFFFFCD30]  }
0x208: {  	v2 =	vld [tilespmem:s20+$0x20]  }
0x209: {  	v0 =	vld [tilespmem:s21+$0xFFFFFF30];
	_ =	sdelay $0x3  }
0x20a: {  	v1 =	vadd.f32 v1, v2  }
0x20b: {  	v0 =	vadd.f32 v0, v2  }
0x20c: {  	[tilespmem:s21+$0xFFFFCD30] =	vst v1  }
0x20d: {  	[tilespmem:s21+$0xFFFFFF30] =	vst v0;
	v0 =	vld [tilespmem:s21+$0xFFFFCD40]  }
0x20e: {  	v2 =	vld [tilespmem:s20+$0x30]  }
0x20f: {  	v1 =	vld [tilespmem:s21+$0xFFFFFF40];
	_ =	sdelay $0x3  }
0x210: {  	v0 =	vadd.f32 v0, v2  }
0x211: {  	v1 =	vadd.f32 v1, v2  }
0x212: {  	[tilespmem:s21+$0xFFFFCD40] =	vst v0  }
0x213: {  	[tilespmem:s21+$0xFFFFFF40] =	vst v1;
	v1 =	vld [tilespmem:s21+$0xFFFFCD50]  }
0x214: {  	v2 =	vld [tilespmem:s20+$0x40]  }
0x215: {  	v0 =	vld [tilespmem:s21+$0xFFFFFF50];
	_ =	sdelay $0x3  }
0x216: {  	v1 =	vadd.f32 v1, v2  }
0x217: {  	v0 =	vadd.f32 v0, v2  }
0x218: {  	[tilespmem:s21+$0xFFFFCD50] =	vst v1  }
0x219: {  	[tilespmem:s21+$0xFFFFFF50] =	vst v0;
	v0 =	vld [tilespmem:s21+$0xFFFFCD60]  }
0x21a: {  	v2 =	vld [tilespmem:s20+$0x50]  }
0x21b: {  	v1 =	vld [tilespmem:s21+$0xFFFFFF60];
	_ =	sdelay $0x3  }
0x21c: {  	v0 =	vadd.f32 v0, v2  }
0x21d: {  	v1 =	vadd.f32 v1, v2  }
0x21e: {  	[tilespmem:s21+$0xFFFFCD60] =	vst v0  }
0x21f: {  	[tilespmem:s21+$0xFFFFFF60] =	vst v1;
	v1 =	vld [tilespmem:s21+$0xFFFFCD70]  }
0x220: {  	v2 =	vld [tilespmem:s20+$0x60]  }
0x221: {  	v0 =	vld [tilespmem:s21+$0xFFFFFF70];
	_ =	sdelay $0x3  }
0x222: {  	v1 =	vadd.f32 v1, v2  }
0x223: {  	v0 =	vadd.f32 v0, v2  }
0x224: {  	[tilespmem:s21+$0xFFFFCD70] =	vst v1  }
0x225: {  	[tilespmem:s21+$0xFFFFFF70] =	vst v0;
	v0 =	vld [tilespmem:s21+$0xFFFFCD80]  }
0x226: {  	v2 =	vld [tilespmem:s20+$0x70]  }
0x227: {  	v1 =	vld [tilespmem:s21+$0xFFFFFF80];
	_ =	sdelay $0x3  }
0x228: {  	v0 =	vadd.f32 v0, v2  }
0x229: {  	v1 =	vadd.f32 v1, v2  }
0x22a: {  	[tilespmem:s21+$0xFFFFCD80] =	vst v0  }
0x22b: {  	[tilespmem:s21+$0xFFFFFF80] =	vst v1;
	v1 =	vld [tilespmem:s21+$0xFFFFCD90]  }
0x22c: {  	v2 =	vld [tilespmem:s20+$0x80]  }
0x22d: {  	v0 =	vld [tilespmem:s21+$0xFFFFFF90];
	_ =	sdelay $0x3  }
0x22e: {  	v1 =	vadd.f32 v1, v2  }
0x22f: {  	v0 =	vadd.f32 v0, v2  }
0x230: {  	[tilespmem:s21+$0xFFFFCD90] =	vst v1  }
0x231: {  	[tilespmem:s21+$0xFFFFFF90] =	vst v0;
	v0 =	vld [tilespmem:s21+$0xFFFFCDA0]  }
0x232: {  	v2 =	vld [tilespmem:s20+$0x90]  }
0x233: {  	v1 =	vld [tilespmem:s21+$0xFFFFFFA0];
	_ =	sdelay $0x3  }
0x234: {  	v0 =	vadd.f32 v0, v2  }
0x235: {  	v1 =	vadd.f32 v1, v2  }
0x236: {  	[tilespmem:s21+$0xFFFFCDA0] =	vst v0  }
0x237: {  	[tilespmem:s21+$0xFFFFFFA0] =	vst v1;
	v1 =	vld [tilespmem:s21+$0xFFFFCDB0]  }
0x238: {  	v2 =	vld [tilespmem:s20+$0xA0]  }
0x239: {  	v0 =	vld [tilespmem:s21+$0xFFFFFFB0];
	_ =	sdelay $0x3  }
0x23a: {  	v1 =	vadd.f32 v1, v2  }
0x23b: {  	v0 =	vadd.f32 v0, v2  }
0x23c: {  	[tilespmem:s21+$0xFFFFCDB0] =	vst v1  }
0x23d: {  	[tilespmem:s21+$0xFFFFFFB0] =	vst v0;
	v0 =	vld [tilespmem:s21+$0xFFFFCDC0]  }
0x23e: {  	v1 =	vld [tilespmem:s20+$0xB0]  }
0x23f: {  	v2 =	vld [tilespmem:s21+$0xFFFFFFC0];
	_ =	sdelay $0x3  }
0x240: {  	v3 =	vadd.f32 v0, v1  }
0x241: {  	v2 =	vadd.f32 v2, v1;
	v0 =	vld [tilespmem:s21+$0xFFFFFFF0]  }
0x242: {  	v1 =	vld [tilespmem:s21+$0xFFFFCDD0];
	[tilespmem:s21+$0xFFFFCDC0] =	vst v3  }
0x243: {  	[tilespmem:s21+$0xFFFFFFC0] =	vst v2;
	v2 =	vld [tilespmem:s21+$0xFFFFFFD0]  }
0x244: {  	s24 =	simm.s32 $0x0;
	s22 =	simm.s32 $0x3730;
	s23 =	simm.s32 $0xCC40;
	v3 =	vld [tilespmem:s20+$0xC0]  }
.LBB2_7:
0x245: {  	_ =	sdelay $0x2  }
0x246: {  	s24 =	sadd.s32 $0x2, s24;
	s21 =	sadd.s32 $0x200, s21;
	s20 =	sadd.s32 $0x200, s20  }
0x247: {  	p0 =	slt.u32 s24, $0x30;
	v1 =	vadd.f32 v1, v3;
	v2 =	vadd.f32 v2, v3;
	_ =	sdelay $0x1  }
0x248: {  	[tilespmem:s22+$0xFFFFCDD0] =	vst v1;
	v1 =	vld [tilespmem:s22+$0xFFFFCDE0]  }
0x249: {  	[tilespmem:s22+$0xFFFFFFD0] =	vst v2;
	v2 =	vld [tilespmem:s22+$0xFFFFFFE0]  }
0x24a: {  	v3 =	vld [tilespmem:s23+$0xD0];
	_ =	sdelay $0x4  }
0x24b: {  	v1 =	vadd.f32 v1, v3;
	v2 =	vadd.f32 v2, v3;
	_ =	sdelay $0x1  }
0x24c: {  	[tilespmem:s22+$0xFFFFCDE0] =	vst v1  }
0x24d: {  	[tilespmem:s22+$0xFFFFFFE0] =	vst v2;
	v1 =	vld [tilespmem:s22+$0xFFFFCDF0]  }
0x24e: {  	v2 =	vld [tilespmem:s23+$0xE0];
	_ =	sdelay $0x4  }
0x24f: {  	v1 =	vadd.f32 v1, v2;
	v0 =	vadd.f32 v0, v2;
	_ =	sdelay $0x1  }
0x250: {  	[tilespmem:s22+$0xFFFFCDF0] =	vst v1;
	v1 =	vld [tilespmem:s22+$0xFFFFCE00]  }
0x251: {  	[tilespmem:s22+$0xFFFFFFF0] =	vst v0;
	v0 =	vld [tilespmem:s22+$0x0]  }
0x252: {  	v2 =	vld [tilespmem:s23+$0xF0];
	s23 =	smov.u32 s20;
	_ =	sdelay $0x4  }
0x253: {  	v1 =	vadd.f32 v1, v2;
	v0 =	vadd.f32 v0, v2;
	_ =	sdelay $0x1  }
0x254: {  	[tilespmem:s22+$0xFFFFCE00] =	vst v1  }
0x255: {  	v1 =	vld [tilespmem:s21+$0xFFFFFE10];
	[tilespmem:s22+$0x0] =	vst v0;
	s22 =	smov.u32 s21  }
0x256: {  	v0 =	vld [tilespmem:s20+$0xFFFFFF00]  }
0x257: {  	v2 =	vld [tilespmem:s21+$0xFFFFCC10];
	_ =	sdelay $0x3  }
0x258: {  	v1 =	vadd.f32 v1, v0  }
0x259: {  	v0 =	vadd.f32 v2, v0  }
0x25a: {  	[tilespmem:s21+$0xFFFFFE10] =	vst v1;
	v1 =	vld [tilespmem:s21+$0xFFFFFE20]  }
0x25b: {  	[tilespmem:s21+$0xFFFFCC10] =	vst v0;
	v0 =	vld [tilespmem:s21+$0xFFFFCC20]  }
0x25c: {  	v2 =	vld [tilespmem:s20+$0xFFFFFF10];
	_ =	sdelay $0x4  }
0x25d: {  	v0 =	vadd.f32 v0, v2;
	v1 =	vadd.f32 v1, v2;
	_ =	sdelay $0x1  }
0x25e: {  	[tilespmem:s21+$0xFFFFCC20] =	vst v0;
	v0 =	vld [tilespmem:s21+$0xFFFFFE30]  }
0x25f: {  	[tilespmem:s21+$0xFFFFFE20] =	vst v1;
	v1 =	vld [tilespmem:s21+$0xFFFFCC30]  }
0x260: {  	v2 =	vld [tilespmem:s20+$0xFFFFFF20];
	_ =	sdelay $0x4  }
0x261: {  	v1 =	vadd.f32 v1, v2;
	v0 =	vadd.f32 v0, v2;
	_ =	sdelay $0x1  }
0x262: {  	[tilespmem:s21+$0xFFFFCC30] =	vst v1;
	v1 =	vld [tilespmem:s21+$0xFFFFFE40]  }
0x263: {  	[tilespmem:s21+$0xFFFFFE30] =	vst v0;
	v0 =	vld [tilespmem:s21+$0xFFFFCC40]  }
0x264: {  	v2 =	vld [tilespmem:s20+$0xFFFFFF30];
	_ =	sdelay $0x4  }
0x265: {  	v0 =	vadd.f32 v0, v2;
	v1 =	vadd.f32 v1, v2;
	_ =	sdelay $0x1  }
0x266: {  	[tilespmem:s21+$0xFFFFCC40] =	vst v0;
	v0 =	vld [tilespmem:s21+$0xFFFFFE50]  }
0x267: {  	[tilespmem:s21+$0xFFFFFE40] =	vst v1;
	v1 =	vld [tilespmem:s21+$0xFFFFCC50]  }
0x268: {  	v2 =	vld [tilespmem:s20+$0xFFFFFF40];
	_ =	sdelay $0x4  }
0x269: {  	v1 =	vadd.f32 v1, v2;
	v0 =	vadd.f32 v0, v2;
	_ =	sdelay $0x1  }
0x26a: {  	[tilespmem:s21+$0xFFFFCC50] =	vst v1;
	v1 =	vld [tilespmem:s21+$0xFFFFFE60]  }
0x26b: {  	[tilespmem:s21+$0xFFFFFE50] =	vst v0;
	v0 =	vld [tilespmem:s21+$0xFFFFCC60]  }
0x26c: {  	v2 =	vld [tilespmem:s20+$0xFFFFFF50];
	_ =	sdelay $0x4  }
0x26d: {  	v0 =	vadd.f32 v0, v2;
	v1 =	vadd.f32 v1, v2;
	_ =	sdelay $0x1  }
0x26e: {  	[tilespmem:s21+$0xFFFFCC60] =	vst v0;
	v0 =	vld [tilespmem:s21+$0xFFFFFE70]  }
0x26f: {  	[tilespmem:s21+$0xFFFFFE60] =	vst v1;
	v1 =	vld [tilespmem:s21+$0xFFFFCC70]  }
0x270: {  	v2 =	vld [tilespmem:s20+$0xFFFFFF60];
	_ =	sdelay $0x4  }
0x271: {  	v1 =	vadd.f32 v1, v2;
	v0 =	vadd.f32 v0, v2;
	_ =	sdelay $0x1  }
0x272: {  	[tilespmem:s21+$0xFFFFCC70] =	vst v1;
	v1 =	vld [tilespmem:s21+$0xFFFFFE80]  }
0x273: {  	[tilespmem:s21+$0xFFFFFE70] =	vst v0;
	v0 =	vld [tilespmem:s21+$0xFFFFCC80]  }
0x274: {  	v2 =	vld [tilespmem:s20+$0xFFFFFF70];
	_ =	sdelay $0x4  }
0x275: {  	v0 =	vadd.f32 v0, v2;
	v1 =	vadd.f32 v1, v2;
	_ =	sdelay $0x1  }
0x276: {  	[tilespmem:s21+$0xFFFFCC80] =	vst v0;
	v0 =	vld [tilespmem:s21+$0xFFFFFE90]  }
0x277: {  	[tilespmem:s21+$0xFFFFFE80] =	vst v1;
	v1 =	vld [tilespmem:s21+$0xFFFFCC90]  }
0x278: {  	v2 =	vld [tilespmem:s20+$0xFFFFFF80];
	_ =	sdelay $0x4  }
0x279: {  	v1 =	vadd.f32 v1, v2;
	v0 =	vadd.f32 v0, v2;
	_ =	sdelay $0x1  }
0x27a: {  	[tilespmem:s21+$0xFFFFCC90] =	vst v1;
	v1 =	vld [tilespmem:s21+$0xFFFFFEA0]  }
0x27b: {  	[tilespmem:s21+$0xFFFFFE90] =	vst v0;
	v0 =	vld [tilespmem:s21+$0xFFFFCCA0]  }
0x27c: {  	v2 =	vld [tilespmem:s20+$0xFFFFFF90];
	_ =	sdelay $0x4  }
0x27d: {  	v0 =	vadd.f32 v0, v2;
	v1 =	vadd.f32 v1, v2;
	_ =	sdelay $0x1  }
0x27e: {  	[tilespmem:s21+$0xFFFFCCA0] =	vst v0;
	v0 =	vld [tilespmem:s21+$0xFFFFFEB0]  }
0x27f: {  	[tilespmem:s21+$0xFFFFFEA0] =	vst v1;
	v1 =	vld [tilespmem:s21+$0xFFFFCCB0]  }
0x280: {  	v2 =	vld [tilespmem:s20+$0xFFFFFFA0];
	_ =	sdelay $0x4  }
0x281: {  	v1 =	vadd.f32 v1, v2;
	v0 =	vadd.f32 v0, v2;
	_ =	sdelay $0x1  }
0x282: {  	[tilespmem:s21+$0xFFFFCCB0] =	vst v1;
	v1 =	vld [tilespmem:s21+$0xFFFFFEC0]  }
0x283: {  	[tilespmem:s21+$0xFFFFFEB0] =	vst v0;
	v0 =	vld [tilespmem:s21+$0xFFFFCCC0]  }
0x284: {  	v2 =	vld [tilespmem:s20+$0xFFFFFFB0];
	_ =	sdelay $0x4  }
0x285: {  	v0 =	vadd.f32 v0, v2;
	v1 =	vadd.f32 v1, v2;
	_ =	sdelay $0x1  }
0x286: {  	[tilespmem:s21+$0xFFFFCCC0] =	vst v0;
	v0 =	vld [tilespmem:s21+$0xFFFFFED0]  }
0x287: {  	[tilespmem:s21+$0xFFFFFEC0] =	vst v1;
	v1 =	vld [tilespmem:s21+$0xFFFFCCD0]  }
0x288: {  	v2 =	vld [tilespmem:s20+$0xFFFFFFC0];
	_ =	sdelay $0x4  }
0x289: {  	v1 =	vadd.f32 v1, v2;
	v0 =	vadd.f32 v0, v2;
	_ =	sdelay $0x1  }
0x28a: {  	[tilespmem:s21+$0xFFFFCCD0] =	vst v1;
	v1 =	vld [tilespmem:s21+$0xFFFFFEE0]  }
0x28b: {  	[tilespmem:s21+$0xFFFFFED0] =	vst v0;
	v0 =	vld [tilespmem:s21+$0xFFFFCCE0]  }
0x28c: {  	v2 =	vld [tilespmem:s20+$0xFFFFFFD0];
	_ =	sdelay $0x4  }
0x28d: {  	v0 =	vadd.f32 v0, v2;
	v1 =	vadd.f32 v1, v2;
	_ =	sdelay $0x1  }
0x28e: {  	[tilespmem:s21+$0xFFFFCCE0] =	vst v0;
	v0 =	vld [tilespmem:s21+$0xFFFFFEF0]  }
0x28f: {  	[tilespmem:s21+$0xFFFFFEE0] =	vst v1;
	v1 =	vld [tilespmem:s21+$0xFFFFCCF0]  }
0x290: {  	v2 =	vld [tilespmem:s20+$0xFFFFFFE0];
	_ =	sdelay $0x4  }
0x291: {  	v1 =	vadd.f32 v1, v2;
	v0 =	vadd.f32 v0, v2;
	_ =	sdelay $0x1  }
0x292: {  	[tilespmem:s21+$0xFFFFCCF0] =	vst v1;
	v1 =	vld [tilespmem:s21+$0xFFFFFF00]  }
0x293: {  	[tilespmem:s21+$0xFFFFFEF0] =	vst v0;
	v0 =	vld [tilespmem:s21+$0xFFFFCD00]  }
0x294: {  	v2 =	vld [tilespmem:s20+$0xFFFFFFF0];
	_ =	sdelay $0x4  }
0x295: {  	v0 =	vadd.f32 v0, v2;
	v1 =	vadd.f32 v1, v2;
	_ =	sdelay $0x1  }
0x296: {  	[tilespmem:s21+$0xFFFFCD00] =	vst v0;
	v0 =	vld [tilespmem:s21+$0xFFFFFF10]  }
0x297: {  	[tilespmem:s21+$0xFFFFFF00] =	vst v1;
	v1 =	vld [tilespmem:s21+$0xFFFFCD10]  }
0x298: {  	v2 =	vld [tilespmem:s20+$0x0];
	_ =	sdelay $0x4  }
0x299: {  	v1 =	vadd.f32 v1, v2;
	v0 =	vadd.f32 v0, v2;
	_ =	sdelay $0x1  }
0x29a: {  	[tilespmem:s21+$0xFFFFCD10] =	vst v1;
	v1 =	vld [tilespmem:s21+$0xFFFFFF20]  }
0x29b: {  	[tilespmem:s21+$0xFFFFFF10] =	vst v0;
	v0 =	vld [tilespmem:s21+$0xFFFFCD20]  }
0x29c: {  	v2 =	vld [tilespmem:s20+$0x10];
	_ =	sdelay $0x4  }
0x29d: {  	v0 =	vadd.f32 v0, v2;
	v1 =	vadd.f32 v1, v2;
	_ =	sdelay $0x1  }
0x29e: {  	[tilespmem:s21+$0xFFFFCD20] =	vst v0;
	v0 =	vld [tilespmem:s21+$0xFFFFFF30]  }
0x29f: {  	[tilespmem:s21+$0xFFFFFF20] =	vst v1;
	v1 =	vld [tilespmem:s21+$0xFFFFCD30]  }
0x2a0: {  	v2 =	vld [tilespmem:s20+$0x20];
	_ =	sdelay $0x4  }
0x2a1: {  	v1 =	vadd.f32 v1, v2;
	v0 =	vadd.f32 v0, v2;
	_ =	sdelay $0x1  }
0x2a2: {  	[tilespmem:s21+$0xFFFFCD30] =	vst v1;
	v1 =	vld [tilespmem:s21+$0xFFFFFF40]  }
0x2a3: {  	[tilespmem:s21+$0xFFFFFF30] =	vst v0;
	v0 =	vld [tilespmem:s21+$0xFFFFCD40]  }
0x2a4: {  	v2 =	vld [tilespmem:s20+$0x30];
	_ =	sdelay $0x4  }
0x2a5: {  	v0 =	vadd.f32 v0, v2;
	v1 =	vadd.f32 v1, v2;
	_ =	sdelay $0x1  }
0x2a6: {  	[tilespmem:s21+$0xFFFFCD40] =	vst v0;
	v0 =	vld [tilespmem:s21+$0xFFFFFF50]  }
0x2a7: {  	[tilespmem:s21+$0xFFFFFF40] =	vst v1;
	v1 =	vld [tilespmem:s21+$0xFFFFCD50]  }
0x2a8: {  	v2 =	vld [tilespmem:s20+$0x40];
	_ =	sdelay $0x4  }
0x2a9: {  	v1 =	vadd.f32 v1, v2;
	v0 =	vadd.f32 v0, v2;
	_ =	sdelay $0x1  }
0x2aa: {  	[tilespmem:s21+$0xFFFFCD50] =	vst v1;
	v1 =	vld [tilespmem:s21+$0xFFFFFF60]  }
0x2ab: {  	[tilespmem:s21+$0xFFFFFF50] =	vst v0;
	v0 =	vld [tilespmem:s21+$0xFFFFCD60]  }
0x2ac: {  	v2 =	vld [tilespmem:s20+$0x50];
	_ =	sdelay $0x4  }
0x2ad: {  	v0 =	vadd.f32 v0, v2;
	v1 =	vadd.f32 v1, v2;
	_ =	sdelay $0x1  }
0x2ae: {  	[tilespmem:s21+$0xFFFFCD60] =	vst v0;
	v0 =	vld [tilespmem:s21+$0xFFFFFF70]  }
0x2af: {  	[tilespmem:s21+$0xFFFFFF60] =	vst v1;
	v1 =	vld [tilespmem:s21+$0xFFFFCD70]  }
0x2b0: {  	v2 =	vld [tilespmem:s20+$0x60];
	_ =	sdelay $0x4  }
0x2b1: {  	v1 =	vadd.f32 v1, v2;
	v0 =	vadd.f32 v0, v2;
	_ =	sdelay $0x1  }
0x2b2: {  	[tilespmem:s21+$0xFFFFCD70] =	vst v1;
	v1 =	vld [tilespmem:s21+$0xFFFFFF80]  }
0x2b3: {  	[tilespmem:s21+$0xFFFFFF70] =	vst v0;
	v0 =	vld [tilespmem:s21+$0xFFFFCD80]  }
0x2b4: {  	v2 =	vld [tilespmem:s20+$0x70];
	_ =	sdelay $0x4  }
0x2b5: {  	v0 =	vadd.f32 v0, v2;
	v1 =	vadd.f32 v1, v2;
	_ =	sdelay $0x1  }
0x2b6: {  	[tilespmem:s21+$0xFFFFCD80] =	vst v0;
	v0 =	vld [tilespmem:s21+$0xFFFFFF90]  }
0x2b7: {  	[tilespmem:s21+$0xFFFFFF80] =	vst v1;
	v1 =	vld [tilespmem:s21+$0xFFFFCD90]  }
0x2b8: {  	v2 =	vld [tilespmem:s20+$0x80];
	_ =	sdelay $0x4  }
0x2b9: {  	v1 =	vadd.f32 v1, v2;
	v0 =	vadd.f32 v0, v2;
	_ =	sdelay $0x1  }
0x2ba: {  	[tilespmem:s21+$0xFFFFCD90] =	vst v1;
	v1 =	vld [tilespmem:s21+$0xFFFFFFA0]  }
0x2bb: {  	[tilespmem:s21+$0xFFFFFF90] =	vst v0;
	v0 =	vld [tilespmem:s21+$0xFFFFCDA0]  }
0x2bc: {  	v2 =	vld [tilespmem:s20+$0x90];
	_ =	sdelay $0x4  }
0x2bd: {  	v0 =	vadd.f32 v0, v2;
	v1 =	vadd.f32 v1, v2;
	_ =	sdelay $0x1  }
0x2be: {  	[tilespmem:s21+$0xFFFFCDA0] =	vst v0;
	v0 =	vld [tilespmem:s21+$0xFFFFFFB0]  }
0x2bf: {  	[tilespmem:s21+$0xFFFFFFA0] =	vst v1;
	v1 =	vld [tilespmem:s21+$0xFFFFCDB0]  }
0x2c0: {  	v2 =	vld [tilespmem:s20+$0xA0];
	_ =	sdelay $0x4  }
0x2c1: {  	v1 =	vadd.f32 v1, v2;
	v2 =	vadd.f32 v0, v2  }
0x2c2: {  	v3 =	vld [tilespmem:s21+$0xFFFFFFC0]  }
0x2c3: {  	[tilespmem:s21+$0xFFFFCDB0] =	vst v1;
	v0 =	vld [tilespmem:s21+$0xFFFFFFF0]  }
0x2c4: {  	[tilespmem:s21+$0xFFFFFFB0] =	vst v2;
	v1 =	vld [tilespmem:s21+$0xFFFFCDC0]  }
0x2c5: {  	v2 =	vld [tilespmem:s20+$0xB0];
	_ =	sdelay $0x4  }
.Ltmp3:
0x2c6: {  	v1 =	vadd.f32 v1, v2;
	v2 =	vadd.f32 v3, v2;
	(pc) =	sbr.rel @p0 .LBB2_7-.Ltmp3, $4  }
0x2c7: {  	_ = 	snop  }
0x2c8: {  	[tilespmem:s21+$0xFFFFCDC0] =	vst v1;
	v1 =	vld [tilespmem:s21+$0xFFFFCDD0]  }
0x2c9: {  	[tilespmem:s21+$0xFFFFFFC0] =	vst v2;
	v2 =	vld [tilespmem:s21+$0xFFFFFFD0]  }
0x2ca: {  	v3 =	vld [tilespmem:s20+$0xC0]  }
0x2cb: {  	_ =	sdelay $0x3  }
0x2cc: {  	v1 =	vadd.f32 v1, v3  }
0x2cd: {  	v2 =	vadd.f32 v2, v3  }
0x2ce: {  	[tilespmem:s22+$0xFFFFCDD0] =	vst v1  }
0x2cf: {  	v59 =	vld [tilespmem:s22+$0xFFFFCDE0];
	[tilespmem:s22+$0xFFFFFFD0] =	vst v2  }
0x2d0: {  	v2 =	vld [tilespmem:s23+$0xD0]  }
0x2d1: {  	v60 =	vld [tilespmem:s22+$0xFFFFFFE0];
	_ =	sdelay $0x3  }
0x2d2: {  	v1 =	vadd.f32 v59, v2  }
0x2d3: {  	v2 =	vadd.f32 v60, v2  }
0x2d4: {  	[tilespmem:s22+$0xFFFFCDE0] =	vst v1  }
0x2d5: {  	v61 =	vld [tilespmem:s22+$0xFFFFCDF0];
	[tilespmem:s22+$0xFFFFFFE0] =	vst v2  }
0x2d6: {  	v2 =	vld [tilespmem:s23+$0xE0];
	_ =	sdelay $0x4  }
0x2d7: {  	v1 =	vadd.f32 v61, v2  }
0x2d8: {  	v0 =	vadd.f32 v0, v2  }
0x2d9: {  	[tilespmem:s22+$0xFFFFCDF0] =	vst v1  }
0x2da: {  	v62 =	vld [tilespmem:s22+$0xFFFFCE00];
	[tilespmem:s22+$0xFFFFFFF0] =	vst v0  }
0x2db: {  	s20 =	smul.u32 $0x320, s11;
	v0 =	vld [tilespmem:s23+$0xF0]  }
0x2dc: {  	v63 =	vld [tilespmem:s22+$0x0]  }
0x2dd: {  	s20 =	sadd.s32 s4, s20  }
0x2de: {  	s11 =	sadd.s32 $0x1, s11;
	s20 =	smulhi.u32 $0x51EB851F, s20  }
0x2df: {  	p0 =	sne.s32 s11, $0x20  }
.Ltmp4:
0x2e0: {  	s20 =	sshrl.u32 s20, $0x6;
	v1 =	vadd.f32 v62, v0;
	(pc) =	sbr.rel @p0 .LBB2_2-.Ltmp4, $4  }
0x2e1: {  	s20 =	smul.u32 $0x640, s20;
	v0 =	vadd.f32 v63, v0  }
0x2e2: {  	[tilespmem:s22+$0xFFFFCE00] =	vst v1  }
0x2e3: {  	s20 =	sadd.s32 s2, s20;
	[tilespmem:s22+$0x0] =	vst v0  }
0x2e4: {  	[hbm4b:s20+s3] =	stream.linear.scatter [tilespmem:s19], [sflag:$0x5], $0x6400, $0x38;
	[tilespmem:$0xFD40] =	vst v63  }
0x2e5: {  	_ =	swait.ge [sflag:s14], $0x3200  }
0x2e6: {  	[sflag:s14] =	ssyncset.done $0x0  }
0x2e7: {  	[sflag:s14] =	ssyncadd.s32 $0xFFFFCE00  }
0x2e8: {  	_ =	swait.ge [sflag:s14], $0x3200  }
0x2e9: {  	[sflag:s14] =	ssyncset.done $0x0  }
0x2ea: {  	s11 =	simm.s32 $0xCC40;
	[sflag:s14] =	ssyncadd.s32 $0xFFFFCE00  }
0x2eb: {  	s20 =	simm.s32 $0x9B30;
	v0 =	vld [tilespmem:s11+$0xFFFFFF00]  }
0x2ec: {  	v1 =	vld [tilespmem:s20+$0xFFFFCC10]  }
0x2ed: {  	v2 =	vld [tilespmem:s20+$0xFFFFFE10];
	_ =	sdelay $0x3  }
0x2ee: {  	v1 =	vadd.f32 v1, v0  }
0x2ef: {  	v0 =	vadd.f32 v2, v0  }
0x2f0: {  	[tilespmem:s20+$0xFFFFCC10] =	vst v1  }
0x2f1: {  	[tilespmem:s20+$0xFFFFFE10] =	vst v0;
	v0 =	vld [tilespmem:s20+$0xFFFFCC20]  }
0x2f2: {  	v1 =	vld [tilespmem:s11+$0xFFFFFF10]  }
0x2f3: {  	v2 =	vld [tilespmem:s20+$0xFFFFFE20];
	_ =	sdelay $0x3  }
0x2f4: {  	v0 =	vadd.f32 v0, v1  }
0x2f5: {  	v1 =	vadd.f32 v2, v1  }
0x2f6: {  	[tilespmem:s20+$0xFFFFCC20] =	vst v0  }
0x2f7: {  	[tilespmem:s20+$0xFFFFFE20] =	vst v1;
	v1 =	vld [tilespmem:s20+$0xFFFFCC30]  }
0x2f8: {  	v2 =	vld [tilespmem:s11+$0xFFFFFF20]  }
0x2f9: {  	v0 =	vld [tilespmem:s20+$0xFFFFFE30];
	_ =	sdelay $0x3  }
0x2fa: {  	v1 =	vadd.f32 v1, v2  }
0x2fb: {  	v0 =	vadd.f32 v0, v2  }
0x2fc: {  	[tilespmem:s20+$0xFFFFCC30] =	vst v1  }
0x2fd: {  	[tilespmem:s20+$0xFFFFFE30] =	vst v0;
	v0 =	vld [tilespmem:s20+$0xFFFFCC40]  }
0x2fe: {  	v2 =	vld [tilespmem:s11+$0xFFFFFF30]  }
0x2ff: {  	v1 =	vld [tilespmem:s20+$0xFFFFFE40];
	_ =	sdelay $0x3  }
0x300: {  	v0 =	vadd.f32 v0, v2  }
0x301: {  	v1 =	vadd.f32 v1, v2  }
0x302: {  	[tilespmem:s20+$0xFFFFCC40] =	vst v0  }
0x303: {  	[tilespmem:s20+$0xFFFFFE40] =	vst v1;
	v1 =	vld [tilespmem:s20+$0xFFFFCC50]  }
0x304: {  	v2 =	vld [tilespmem:s11+$0xFFFFFF40]  }
0x305: {  	v0 =	vld [tilespmem:s20+$0xFFFFFE50];
	_ =	sdelay $0x3  }
0x306: {  	v1 =	vadd.f32 v1, v2  }
0x307: {  	v0 =	vadd.f32 v0, v2  }
0x308: {  	[tilespmem:s20+$0xFFFFCC50] =	vst v1  }
0x309: {  	[tilespmem:s20+$0xFFFFFE50] =	vst v0;
	v0 =	vld [tilespmem:s20+$0xFFFFCC60]  }
0x30a: {  	v2 =	vld [tilespmem:s11+$0xFFFFFF50]  }
0x30b: {  	v1 =	vld [tilespmem:s20+$0xFFFFFE60];
	_ =	sdelay $0x3  }
0x30c: {  	v0 =	vadd.f32 v0, v2  }
0x30d: {  	v1 =	vadd.f32 v1, v2  }
0x30e: {  	[tilespmem:s20+$0xFFFFCC60] =	vst v0  }
0x30f: {  	[tilespmem:s20+$0xFFFFFE60] =	vst v1;
	v1 =	vld [tilespmem:s20+$0xFFFFCC70]  }
0x310: {  	v2 =	vld [tilespmem:s11+$0xFFFFFF60]  }
0x311: {  	v0 =	vld [tilespmem:s20+$0xFFFFFE70];
	_ =	sdelay $0x3  }
0x312: {  	v1 =	vadd.f32 v1, v2  }
0x313: {  	v0 =	vadd.f32 v0, v2  }
0x314: {  	[tilespmem:s20+$0xFFFFCC70] =	vst v1  }
0x315: {  	[tilespmem:s20+$0xFFFFFE70] =	vst v0;
	v0 =	vld [tilespmem:s20+$0xFFFFCC80]  }
0x316: {  	v2 =	vld [tilespmem:s11+$0xFFFFFF70]  }
0x317: {  	v1 =	vld [tilespmem:s20+$0xFFFFFE80];
	_ =	sdelay $0x3  }
0x318: {  	v0 =	vadd.f32 v0, v2  }
0x319: {  	v1 =	vadd.f32 v1, v2  }
0x31a: {  	[tilespmem:s20+$0xFFFFCC80] =	vst v0  }
0x31b: {  	[tilespmem:s20+$0xFFFFFE80] =	vst v1;
	v1 =	vld [tilespmem:s20+$0xFFFFCC90]  }
0x31c: {  	v2 =	vld [tilespmem:s11+$0xFFFFFF80]  }
0x31d: {  	v0 =	vld [tilespmem:s20+$0xFFFFFE90];
	_ =	sdelay $0x3  }
0x31e: {  	v1 =	vadd.f32 v1, v2  }
0x31f: {  	v0 =	vadd.f32 v0, v2  }
0x320: {  	[tilespmem:s20+$0xFFFFCC90] =	vst v1  }
0x321: {  	[tilespmem:s20+$0xFFFFFE90] =	vst v0;
	v0 =	vld [tilespmem:s20+$0xFFFFCCA0]  }
0x322: {  	v2 =	vld [tilespmem:s11+$0xFFFFFF90]  }
0x323: {  	v1 =	vld [tilespmem:s20+$0xFFFFFEA0];
	_ =	sdelay $0x3  }
0x324: {  	v0 =	vadd.f32 v0, v2  }
0x325: {  	v1 =	vadd.f32 v1, v2  }
0x326: {  	[tilespmem:s20+$0xFFFFCCA0] =	vst v0  }
0x327: {  	[tilespmem:s20+$0xFFFFFEA0] =	vst v1;
	v1 =	vld [tilespmem:s20+$0xFFFFCCB0]  }
0x328: {  	v2 =	vld [tilespmem:s11+$0xFFFFFFA0]  }
0x329: {  	v0 =	vld [tilespmem:s20+$0xFFFFFEB0];
	_ =	sdelay $0x3  }
0x32a: {  	v1 =	vadd.f32 v1, v2  }
0x32b: {  	v0 =	vadd.f32 v0, v2  }
0x32c: {  	[tilespmem:s20+$0xFFFFCCB0] =	vst v1  }
0x32d: {  	[tilespmem:s20+$0xFFFFFEB0] =	vst v0;
	v0 =	vld [tilespmem:s20+$0xFFFFCCC0]  }
0x32e: {  	v2 =	vld [tilespmem:s11+$0xFFFFFFB0]  }
0x32f: {  	v1 =	vld [tilespmem:s20+$0xFFFFFEC0];
	_ =	sdelay $0x3  }
0x330: {  	v0 =	vadd.f32 v0, v2  }
0x331: {  	v1 =	vadd.f32 v1, v2  }
0x332: {  	[tilespmem:s20+$0xFFFFCCC0] =	vst v0  }
0x333: {  	[tilespmem:s20+$0xFFFFFEC0] =	vst v1;
	v1 =	vld [tilespmem:s20+$0xFFFFCCD0]  }
0x334: {  	v2 =	vld [tilespmem:s11+$0xFFFFFFC0]  }
0x335: {  	v0 =	vld [tilespmem:s20+$0xFFFFFED0];
	_ =	sdelay $0x3  }
0x336: {  	v1 =	vadd.f32 v1, v2  }
0x337: {  	v0 =	vadd.f32 v0, v2  }
0x338: {  	[tilespmem:s20+$0xFFFFCCD0] =	vst v1  }
0x339: {  	[tilespmem:s20+$0xFFFFFED0] =	vst v0;
	v0 =	vld [tilespmem:s20+$0xFFFFCCE0]  }
0x33a: {  	v2 =	vld [tilespmem:s11+$0xFFFFFFD0]  }
0x33b: {  	v1 =	vld [tilespmem:s20+$0xFFFFFEE0];
	_ =	sdelay $0x3  }
0x33c: {  	v0 =	vadd.f32 v0, v2  }
0x33d: {  	v1 =	vadd.f32 v1, v2  }
0x33e: {  	[tilespmem:s20+$0xFFFFCCE0] =	vst v0  }
0x33f: {  	[tilespmem:s20+$0xFFFFFEE0] =	vst v1;
	v1 =	vld [tilespmem:s20+$0xFFFFCCF0]  }
0x340: {  	v2 =	vld [tilespmem:s11+$0xFFFFFFE0]  }
0x341: {  	v0 =	vld [tilespmem:s20+$0xFFFFFEF0];
	_ =	sdelay $0x3  }
0x342: {  	v1 =	vadd.f32 v1, v2  }
0x343: {  	v0 =	vadd.f32 v0, v2  }
0x344: {  	[tilespmem:s20+$0xFFFFCCF0] =	vst v1  }
0x345: {  	[tilespmem:s20+$0xFFFFFEF0] =	vst v0;
	v0 =	vld [tilespmem:s20+$0xFFFFCD00]  }
0x346: {  	v2 =	vld [tilespmem:s11+$0xFFFFFFF0]  }
0x347: {  	v1 =	vld [tilespmem:s20+$0xFFFFFF00];
	_ =	sdelay $0x3  }
0x348: {  	v0 =	vadd.f32 v0, v2  }
0x349: {  	v1 =	vadd.f32 v1, v2  }
0x34a: {  	[tilespmem:s20+$0xFFFFCD00] =	vst v0  }
0x34b: {  	[tilespmem:s20+$0xFFFFFF00] =	vst v1;
	v1 =	vld [tilespmem:s20+$0xFFFFCD10]  }
0x34c: {  	v2 =	vld [tilespmem:s11+$0x0]  }
0x34d: {  	v0 =	vld [tilespmem:s20+$0xFFFFFF10];
	_ =	sdelay $0x3  }
0x34e: {  	v1 =	vadd.f32 v1, v2  }
0x34f: {  	v0 =	vadd.f32 v0, v2  }
0x350: {  	[tilespmem:s20+$0xFFFFCD10] =	vst v1  }
0x351: {  	[tilespmem:s20+$0xFFFFFF10] =	vst v0;
	v0 =	vld [tilespmem:s20+$0xFFFFCD20]  }
0x352: {  	v2 =	vld [tilespmem:s11+$0x10]  }
0x353: {  	v1 =	vld [tilespmem:s20+$0xFFFFFF20];
	_ =	sdelay $0x3  }
0x354: {  	v0 =	vadd.f32 v0, v2  }
0x355: {  	v1 =	vadd.f32 v1, v2  }
0x356: {  	[tilespmem:s20+$0xFFFFCD20] =	vst v0  }
0x357: {  	[tilespmem:s20+$0xFFFFFF20] =	vst v1;
	v1 =	vld [tilespmem:s20+$0xFFFFCD30]  }
0x358: {  	v2 =	vld [tilespmem:s11+$0x20]  }
0x359: {  	v0 =	vld [tilespmem:s20+$0xFFFFFF30];
	_ =	sdelay $0x3  }
0x35a: {  	v1 =	vadd.f32 v1, v2  }
0x35b: {  	v0 =	vadd.f32 v0, v2  }
0x35c: {  	[tilespmem:s20+$0xFFFFCD30] =	vst v1  }
0x35d: {  	[tilespmem:s20+$0xFFFFFF30] =	vst v0;
	v0 =	vld [tilespmem:s20+$0xFFFFCD40]  }
0x35e: {  	v2 =	vld [tilespmem:s11+$0x30]  }
0x35f: {  	v1 =	vld [tilespmem:s20+$0xFFFFFF40];
	_ =	sdelay $0x3  }
0x360: {  	v0 =	vadd.f32 v0, v2  }
0x361: {  	v1 =	vadd.f32 v1, v2  }
0x362: {  	[tilespmem:s20+$0xFFFFCD40] =	vst v0  }
0x363: {  	[tilespmem:s20+$0xFFFFFF40] =	vst v1;
	v1 =	vld [tilespmem:s20+$0xFFFFCD50]  }
0x364: {  	v2 =	vld [tilespmem:s11+$0x40]  }
0x365: {  	v0 =	vld [tilespmem:s20+$0xFFFFFF50];
	_ =	sdelay $0x3  }
0x366: {  	v1 =	vadd.f32 v1, v2  }
0x367: {  	v0 =	vadd.f32 v0, v2  }
0x368: {  	[tilespmem:s20+$0xFFFFCD50] =	vst v1  }
0x369: {  	[tilespmem:s20+$0xFFFFFF50] =	vst v0;
	v0 =	vld [tilespmem:s20+$0xFFFFCD60]  }
0x36a: {  	v2 =	vld [tilespmem:s11+$0x50]  }
0x36b: {  	v1 =	vld [tilespmem:s20+$0xFFFFFF60];
	_ =	sdelay $0x3  }
0x36c: {  	v0 =	vadd.f32 v0, v2  }
0x36d: {  	v1 =	vadd.f32 v1, v2  }
0x36e: {  	[tilespmem:s20+$0xFFFFCD60] =	vst v0  }
0x36f: {  	[tilespmem:s20+$0xFFFFFF60] =	vst v1;
	v1 =	vld [tilespmem:s20+$0xFFFFCD70]  }
0x370: {  	v2 =	vld [tilespmem:s11+$0x60]  }
0x371: {  	v0 =	vld [tilespmem:s20+$0xFFFFFF70];
	_ =	sdelay $0x3  }
0x372: {  	v1 =	vadd.f32 v1, v2  }
0x373: {  	v0 =	vadd.f32 v0, v2  }
0x374: {  	[tilespmem:s20+$0xFFFFCD70] =	vst v1  }
0x375: {  	[tilespmem:s20+$0xFFFFFF70] =	vst v0;
	v0 =	vld [tilespmem:s20+$0xFFFFCD80]  }
0x376: {  	v2 =	vld [tilespmem:s11+$0x70]  }
0x377: {  	v1 =	vld [tilespmem:s20+$0xFFFFFF80];
	_ =	sdelay $0x3  }
0x378: {  	v0 =	vadd.f32 v0, v2  }
0x379: {  	v1 =	vadd.f32 v1, v2  }
0x37a: {  	[tilespmem:s20+$0xFFFFCD80] =	vst v0  }
0x37b: {  	[tilespmem:s20+$0xFFFFFF80] =	vst v1;
	v1 =	vld [tilespmem:s20+$0xFFFFCD90]  }
0x37c: {  	v2 =	vld [tilespmem:s11+$0x80]  }
0x37d: {  	v0 =	vld [tilespmem:s20+$0xFFFFFF90];
	_ =	sdelay $0x3  }
0x37e: {  	v1 =	vadd.f32 v1, v2  }
0x37f: {  	v0 =	vadd.f32 v0, v2  }
0x380: {  	[tilespmem:s20+$0xFFFFCD90] =	vst v1  }
0x381: {  	[tilespmem:s20+$0xFFFFFF90] =	vst v0;
	v0 =	vld [tilespmem:s20+$0xFFFFCDA0]  }
0x382: {  	v2 =	vld [tilespmem:s11+$0x90]  }
0x383: {  	v1 =	vld [tilespmem:s20+$0xFFFFFFA0];
	_ =	sdelay $0x3  }
0x384: {  	v0 =	vadd.f32 v0, v2  }
0x385: {  	v1 =	vadd.f32 v1, v2  }
0x386: {  	[tilespmem:s20+$0xFFFFCDA0] =	vst v0  }
0x387: {  	[tilespmem:s20+$0xFFFFFFA0] =	vst v1;
	v1 =	vld [tilespmem:s20+$0xFFFFCDB0]  }
0x388: {  	v2 =	vld [tilespmem:s11+$0xA0]  }
0x389: {  	v0 =	vld [tilespmem:s20+$0xFFFFFFB0];
	_ =	sdelay $0x3  }
0x38a: {  	v1 =	vadd.f32 v1, v2  }
0x38b: {  	v0 =	vadd.f32 v0, v2  }
0x38c: {  	[tilespmem:s20+$0xFFFFCDB0] =	vst v1  }
0x38d: {  	[tilespmem:s20+$0xFFFFFFB0] =	vst v0;
	v0 =	vld [tilespmem:s20+$0xFFFFCDC0]  }
0x38e: {  	v1 =	vld [tilespmem:s11+$0xB0]  }
0x38f: {  	v2 =	vld [tilespmem:s20+$0xFFFFFFC0];
	_ =	sdelay $0x3  }
0x390: {  	v3 =	vadd.f32 v0, v1  }
0x391: {  	v2 =	vadd.f32 v2, v1;
	v0 =	vld [tilespmem:s20+$0xFFFFFFF0]  }
0x392: {  	v1 =	vld [tilespmem:s20+$0xFFFFCDD0];
	[tilespmem:s20+$0xFFFFCDC0] =	vst v3  }
0x393: {  	[tilespmem:s20+$0xFFFFFFC0] =	vst v2;
	v2 =	vld [tilespmem:s20+$0xFFFFFFD0]  }
0x394: {  	s23 =	simm.s32 $0x0;
	s21 =	simm.s32 $0x9B30;
	s22 =	simm.s32 $0xCC40;
	v3 =	vld [tilespmem:s11+$0xC0]  }
.LBB2_10:
0x395: {  	_ =	sdelay $0x2  }
0x396: {  	s23 =	sadd.s32 $0x2, s23;
	s20 =	sadd.s32 $0x200, s20;
	s11 =	sadd.s32 $0x200, s11  }
0x397: {  	p0 =	slt.u32 s23, $0x30;
	v1 =	vadd.f32 v1, v3;
	v2 =	vadd.f32 v2, v3;
	_ =	sdelay $0x1  }
0x398: {  	[tilespmem:s21+$0xFFFFCDD0] =	vst v1;
	v1 =	vld [tilespmem:s21+$0xFFFFCDE0]  }
0x399: {  	[tilespmem:s21+$0xFFFFFFD0] =	vst v2;
	v2 =	vld [tilespmem:s21+$0xFFFFFFE0]  }
0x39a: {  	v3 =	vld [tilespmem:s22+$0xD0];
	_ =	sdelay $0x4  }
0x39b: {  	v1 =	vadd.f32 v1, v3;
	v2 =	vadd.f32 v2, v3;
	_ =	sdelay $0x1  }
0x39c: {  	[tilespmem:s21+$0xFFFFCDE0] =	vst v1  }
0x39d: {  	[tilespmem:s21+$0xFFFFFFE0] =	vst v2;
	v1 =	vld [tilespmem:s21+$0xFFFFCDF0]  }
0x39e: {  	v2 =	vld [tilespmem:s22+$0xE0];
	_ =	sdelay $0x4  }
0x39f: {  	v1 =	vadd.f32 v1, v2;
	v0 =	vadd.f32 v0, v2;
	_ =	sdelay $0x1  }
0x3a0: {  	[tilespmem:s21+$0xFFFFCDF0] =	vst v1;
	v1 =	vld [tilespmem:s21+$0xFFFFCE00]  }
0x3a1: {  	[tilespmem:s21+$0xFFFFFFF0] =	vst v0;
	v0 =	vld [tilespmem:s21+$0x0]  }
0x3a2: {  	v2 =	vld [tilespmem:s22+$0xF0];
	s22 =	smov.u32 s11;
	_ =	sdelay $0x4  }
0x3a3: {  	v1 =	vadd.f32 v1, v2;
	v0 =	vadd.f32 v0, v2;
	_ =	sdelay $0x1  }
0x3a4: {  	[tilespmem:s21+$0xFFFFCE00] =	vst v1  }
0x3a5: {  	v1 =	vld [tilespmem:s20+$0xFFFFFE10];
	[tilespmem:s21+$0x0] =	vst v0;
	s21 =	smov.u32 s20  }
0x3a6: {  	v0 =	vld [tilespmem:s11+$0xFFFFFF00]  }
0x3a7: {  	v2 =	vld [tilespmem:s20+$0xFFFFCC10];
	_ =	sdelay $0x3  }
0x3a8: {  	v1 =	vadd.f32 v1, v0  }
0x3a9: {  	v0 =	vadd.f32 v2, v0  }
0x3aa: {  	[tilespmem:s20+$0xFFFFFE10] =	vst v1;
	v1 =	vld [tilespmem:s20+$0xFFFFFE20]  }
0x3ab: {  	[tilespmem:s20+$0xFFFFCC10] =	vst v0;
	v0 =	vld [tilespmem:s20+$0xFFFFCC20]  }
0x3ac: {  	v2 =	vld [tilespmem:s11+$0xFFFFFF10];
	_ =	sdelay $0x4  }
0x3ad: {  	v0 =	vadd.f32 v0, v2;
	v1 =	vadd.f32 v1, v2;
	_ =	sdelay $0x1  }
0x3ae: {  	[tilespmem:s20+$0xFFFFCC20] =	vst v0;
	v0 =	vld [tilespmem:s20+$0xFFFFFE30]  }
0x3af: {  	[tilespmem:s20+$0xFFFFFE20] =	vst v1;
	v1 =	vld [tilespmem:s20+$0xFFFFCC30]  }
0x3b0: {  	v2 =	vld [tilespmem:s11+$0xFFFFFF20];
	_ =	sdelay $0x4  }
0x3b1: {  	v1 =	vadd.f32 v1, v2;
	v0 =	vadd.f32 v0, v2;
	_ =	sdelay $0x1  }
0x3b2: {  	[tilespmem:s20+$0xFFFFCC30] =	vst v1;
	v1 =	vld [tilespmem:s20+$0xFFFFFE40]  }
0x3b3: {  	[tilespmem:s20+$0xFFFFFE30] =	vst v0;
	v0 =	vld [tilespmem:s20+$0xFFFFCC40]  }
0x3b4: {  	v2 =	vld [tilespmem:s11+$0xFFFFFF30];
	_ =	sdelay $0x4  }
0x3b5: {  	v0 =	vadd.f32 v0, v2;
	v1 =	vadd.f32 v1, v2;
	_ =	sdelay $0x1  }
0x3b6: {  	[tilespmem:s20+$0xFFFFCC40] =	vst v0;
	v0 =	vld [tilespmem:s20+$0xFFFFFE50]  }
0x3b7: {  	[tilespmem:s20+$0xFFFFFE40] =	vst v1;
	v1 =	vld [tilespmem:s20+$0xFFFFCC50]  }
0x3b8: {  	v2 =	vld [tilespmem:s11+$0xFFFFFF40];
	_ =	sdelay $0x4  }
0x3b9: {  	v1 =	vadd.f32 v1, v2;
	v0 =	vadd.f32 v0, v2;
	_ =	sdelay $0x1  }
0x3ba: {  	[tilespmem:s20+$0xFFFFCC50] =	vst v1;
	v1 =	vld [tilespmem:s20+$0xFFFFFE60]  }
0x3bb: {  	[tilespmem:s20+$0xFFFFFE50] =	vst v0;
	v0 =	vld [tilespmem:s20+$0xFFFFCC60]  }
0x3bc: {  	v2 =	vld [tilespmem:s11+$0xFFFFFF50];
	_ =	sdelay $0x4  }
0x3bd: {  	v0 =	vadd.f32 v0, v2;
	v1 =	vadd.f32 v1, v2;
	_ =	sdelay $0x1  }
0x3be: {  	[tilespmem:s20+$0xFFFFCC60] =	vst v0;
	v0 =	vld [tilespmem:s20+$0xFFFFFE70]  }
0x3bf: {  	[tilespmem:s20+$0xFFFFFE60] =	vst v1;
	v1 =	vld [tilespmem:s20+$0xFFFFCC70]  }
0x3c0: {  	v2 =	vld [tilespmem:s11+$0xFFFFFF60];
	_ =	sdelay $0x4  }
0x3c1: {  	v1 =	vadd.f32 v1, v2;
	v0 =	vadd.f32 v0, v2;
	_ =	sdelay $0x1  }
0x3c2: {  	[tilespmem:s20+$0xFFFFCC70] =	vst v1;
	v1 =	vld [tilespmem:s20+$0xFFFFFE80]  }
0x3c3: {  	[tilespmem:s20+$0xFFFFFE70] =	vst v0;
	v0 =	vld [tilespmem:s20+$0xFFFFCC80]  }
0x3c4: {  	v2 =	vld [tilespmem:s11+$0xFFFFFF70];
	_ =	sdelay $0x4  }
0x3c5: {  	v0 =	vadd.f32 v0, v2;
	v1 =	vadd.f32 v1, v2;
	_ =	sdelay $0x1  }
0x3c6: {  	[tilespmem:s20+$0xFFFFCC80] =	vst v0;
	v0 =	vld [tilespmem:s20+$0xFFFFFE90]  }
0x3c7: {  	[tilespmem:s20+$0xFFFFFE80] =	vst v1;
	v1 =	vld [tilespmem:s20+$0xFFFFCC90]  }
0x3c8: {  	v2 =	vld [tilespmem:s11+$0xFFFFFF80];
	_ =	sdelay $0x4  }
0x3c9: {  	v1 =	vadd.f32 v1, v2;
	v0 =	vadd.f32 v0, v2;
	_ =	sdelay $0x1  }
0x3ca: {  	[tilespmem:s20+$0xFFFFCC90] =	vst v1;
	v1 =	vld [tilespmem:s20+$0xFFFFFEA0]  }
0x3cb: {  	[tilespmem:s20+$0xFFFFFE90] =	vst v0;
	v0 =	vld [tilespmem:s20+$0xFFFFCCA0]  }
0x3cc: {  	v2 =	vld [tilespmem:s11+$0xFFFFFF90];
	_ =	sdelay $0x4  }
0x3cd: {  	v0 =	vadd.f32 v0, v2;
	v1 =	vadd.f32 v1, v2;
	_ =	sdelay $0x1  }
0x3ce: {  	[tilespmem:s20+$0xFFFFCCA0] =	vst v0;
	v0 =	vld [tilespmem:s20+$0xFFFFFEB0]  }
0x3cf: {  	[tilespmem:s20+$0xFFFFFEA0] =	vst v1;
	v1 =	vld [tilespmem:s20+$0xFFFFCCB0]  }
0x3d0: {  	v2 =	vld [tilespmem:s11+$0xFFFFFFA0];
	_ =	sdelay $0x4  }
0x3d1: {  	v1 =	vadd.f32 v1, v2;
	v0 =	vadd.f32 v0, v2;
	_ =	sdelay $0x1  }
0x3d2: {  	[tilespmem:s20+$0xFFFFCCB0] =	vst v1;
	v1 =	vld [tilespmem:s20+$0xFFFFFEC0]  }
0x3d3: {  	[tilespmem:s20+$0xFFFFFEB0] =	vst v0;
	v0 =	vld [tilespmem:s20+$0xFFFFCCC0]  }
0x3d4: {  	v2 =	vld [tilespmem:s11+$0xFFFFFFB0];
	_ =	sdelay $0x4  }
0x3d5: {  	v0 =	vadd.f32 v0, v2;
	v1 =	vadd.f32 v1, v2;
	_ =	sdelay $0x1  }
0x3d6: {  	[tilespmem:s20+$0xFFFFCCC0] =	vst v0;
	v0 =	vld [tilespmem:s20+$0xFFFFFED0]  }
0x3d7: {  	[tilespmem:s20+$0xFFFFFEC0] =	vst v1;
	v1 =	vld [tilespmem:s20+$0xFFFFCCD0]  }
0x3d8: {  	v2 =	vld [tilespmem:s11+$0xFFFFFFC0];
	_ =	sdelay $0x4  }
0x3d9: {  	v1 =	vadd.f32 v1, v2;
	v0 =	vadd.f32 v0, v2;
	_ =	sdelay $0x1  }
0x3da: {  	[tilespmem:s20+$0xFFFFCCD0] =	vst v1;
	v1 =	vld [tilespmem:s20+$0xFFFFFEE0]  }
0x3db: {  	[tilespmem:s20+$0xFFFFFED0] =	vst v0;
	v0 =	vld [tilespmem:s20+$0xFFFFCCE0]  }
0x3dc: {  	v2 =	vld [tilespmem:s11+$0xFFFFFFD0];
	_ =	sdelay $0x4  }
0x3dd: {  	v0 =	vadd.f32 v0, v2;
	v1 =	vadd.f32 v1, v2;
	_ =	sdelay $0x1  }
0x3de: {  	[tilespmem:s20+$0xFFFFCCE0] =	vst v0;
	v0 =	vld [tilespmem:s20+$0xFFFFFEF0]  }
0x3df: {  	[tilespmem:s20+$0xFFFFFEE0] =	vst v1;
	v1 =	vld [tilespmem:s20+$0xFFFFCCF0]  }
0x3e0: {  	v2 =	vld [tilespmem:s11+$0xFFFFFFE0];
	_ =	sdelay $0x4  }
0x3e1: {  	v1 =	vadd.f32 v1, v2;
	v0 =	vadd.f32 v0, v2;
	_ =	sdelay $0x1  }
0x3e2: {  	[tilespmem:s20+$0xFFFFCCF0] =	vst v1;
	v1 =	vld [tilespmem:s20+$0xFFFFFF00]  }
0x3e3: {  	[tilespmem:s20+$0xFFFFFEF0] =	vst v0;
	v0 =	vld [tilespmem:s20+$0xFFFFCD00]  }
0x3e4: {  	v2 =	vld [tilespmem:s11+$0xFFFFFFF0];
	_ =	sdelay $0x4  }
0x3e5: {  	v0 =	vadd.f32 v0, v2;
	v1 =	vadd.f32 v1, v2;
	_ =	sdelay $0x1  }
0x3e6: {  	[tilespmem:s20+$0xFFFFCD00] =	vst v0;
	v0 =	vld [tilespmem:s20+$0xFFFFFF10]  }
0x3e7: {  	[tilespmem:s20+$0xFFFFFF00] =	vst v1;
	v1 =	vld [tilespmem:s20+$0xFFFFCD10]  }
0x3e8: {  	v2 =	vld [tilespmem:s11+$0x0];
	_ =	sdelay $0x4  }
0x3e9: {  	v1 =	vadd.f32 v1, v2;
	v0 =	vadd.f32 v0, v2;
	_ =	sdelay $0x1  }
0x3ea: {  	[tilespmem:s20+$0xFFFFCD10] =	vst v1;
	v1 =	vld [tilespmem:s20+$0xFFFFFF20]  }
0x3eb: {  	[tilespmem:s20+$0xFFFFFF10] =	vst v0;
	v0 =	vld [tilespmem:s20+$0xFFFFCD20]  }
0x3ec: {  	v2 =	vld [tilespmem:s11+$0x10];
	_ =	sdelay $0x4  }
0x3ed: {  	v0 =	vadd.f32 v0, v2;
	v1 =	vadd.f32 v1, v2;
	_ =	sdelay $0x1  }
0x3ee: {  	[tilespmem:s20+$0xFFFFCD20] =	vst v0;
	v0 =	vld [tilespmem:s20+$0xFFFFFF30]  }
0x3ef: {  	[tilespmem:s20+$0xFFFFFF20] =	vst v1;
	v1 =	vld [tilespmem:s20+$0xFFFFCD30]  }
0x3f0: {  	v2 =	vld [tilespmem:s11+$0x20];
	_ =	sdelay $0x4  }
0x3f1: {  	v1 =	vadd.f32 v1, v2;
	v0 =	vadd.f32 v0, v2;
	_ =	sdelay $0x1  }
0x3f2: {  	[tilespmem:s20+$0xFFFFCD30] =	vst v1;
	v1 =	vld [tilespmem:s20+$0xFFFFFF40]  }
0x3f3: {  	[tilespmem:s20+$0xFFFFFF30] =	vst v0;
	v0 =	vld [tilespmem:s20+$0xFFFFCD40]  }
0x3f4: {  	v2 =	vld [tilespmem:s11+$0x30];
	_ =	sdelay $0x4  }
0x3f5: {  	v0 =	vadd.f32 v0, v2;
	v1 =	vadd.f32 v1, v2;
	_ =	sdelay $0x1  }
0x3f6: {  	[tilespmem:s20+$0xFFFFCD40] =	vst v0;
	v0 =	vld [tilespmem:s20+$0xFFFFFF50]  }
0x3f7: {  	[tilespmem:s20+$0xFFFFFF40] =	vst v1;
	v1 =	vld [tilespmem:s20+$0xFFFFCD50]  }
0x3f8: {  	v2 =	vld [tilespmem:s11+$0x40];
	_ =	sdelay $0x4  }
0x3f9: {  	v1 =	vadd.f32 v1, v2;
	v0 =	vadd.f32 v0, v2;
	_ =	sdelay $0x1  }
0x3fa: {  	[tilespmem:s20+$0xFFFFCD50] =	vst v1;
	v1 =	vld [tilespmem:s20+$0xFFFFFF60]  }
0x3fb: {  	[tilespmem:s20+$0xFFFFFF50] =	vst v0;
	v0 =	vld [tilespmem:s20+$0xFFFFCD60]  }
0x3fc: {  	v2 =	vld [tilespmem:s11+$0x50];
	_ =	sdelay $0x4  }
0x3fd: {  	v0 =	vadd.f32 v0, v2;
	v1 =	vadd.f32 v1, v2;
	_ =	sdelay $0x1  }
0x3fe: {  	[tilespmem:s20+$0xFFFFCD60] =	vst v0;
	v0 =	vld [tilespmem:s20+$0xFFFFFF70]  }
0x3ff: {  	[tilespmem:s20+$0xFFFFFF60] =	vst v1;
	v1 =	vld [tilespmem:s20+$0xFFFFCD70]  }
0x400: {  	v2 =	vld [tilespmem:s11+$0x60];
	_ =	sdelay $0x4  }
0x401: {  	v1 =	vadd.f32 v1, v2;
	v0 =	vadd.f32 v0, v2;
	_ =	sdelay $0x1  }
0x402: {  	[tilespmem:s20+$0xFFFFCD70] =	vst v1;
	v1 =	vld [tilespmem:s20+$0xFFFFFF80]  }
0x403: {  	[tilespmem:s20+$0xFFFFFF70] =	vst v0;
	v0 =	vld [tilespmem:s20+$0xFFFFCD80]  }
0x404: {  	v2 =	vld [tilespmem:s11+$0x70];
	_ =	sdelay $0x4  }
0x405: {  	v0 =	vadd.f32 v0, v2;
	v1 =	vadd.f32 v1, v2;
	_ =	sdelay $0x1  }
0x406: {  	[tilespmem:s20+$0xFFFFCD80] =	vst v0;
	v0 =	vld [tilespmem:s20+$0xFFFFFF90]  }
0x407: {  	[tilespmem:s20+$0xFFFFFF80] =	vst v1;
	v1 =	vld [tilespmem:s20+$0xFFFFCD90]  }
0x408: {  	v2 =	vld [tilespmem:s11+$0x80];
	_ =	sdelay $0x4  }
0x409: {  	v1 =	vadd.f32 v1, v2;
	v0 =	vadd.f32 v0, v2;
	_ =	sdelay $0x1  }
0x40a: {  	[tilespmem:s20+$0xFFFFCD90] =	vst v1;
	v1 =	vld [tilespmem:s20+$0xFFFFFFA0]  }
0x40b: {  	[tilespmem:s20+$0xFFFFFF90] =	vst v0;
	v0 =	vld [tilespmem:s20+$0xFFFFCDA0]  }
0x40c: {  	v2 =	vld [tilespmem:s11+$0x90];
	_ =	sdelay $0x4  }
0x40d: {  	v0 =	vadd.f32 v0, v2;
	v1 =	vadd.f32 v1, v2;
	_ =	sdelay $0x1  }
0x40e: {  	[tilespmem:s20+$0xFFFFCDA0] =	vst v0;
	v0 =	vld [tilespmem:s20+$0xFFFFFFB0]  }
0x40f: {  	[tilespmem:s20+$0xFFFFFFA0] =	vst v1;
	v1 =	vld [tilespmem:s20+$0xFFFFCDB0]  }
0x410: {  	v2 =	vld [tilespmem:s11+$0xA0];
	_ =	sdelay $0x4  }
0x411: {  	v1 =	vadd.f32 v1, v2;
	v2 =	vadd.f32 v0, v2  }
0x412: {  	v3 =	vld [tilespmem:s20+$0xFFFFFFC0]  }
0x413: {  	[tilespmem:s20+$0xFFFFCDB0] =	vst v1;
	v0 =	vld [tilespmem:s20+$0xFFFFFFF0]  }
0x414: {  	[tilespmem:s20+$0xFFFFFFB0] =	vst v2;
	v1 =	vld [tilespmem:s20+$0xFFFFCDC0]  }
0x415: {  	v2 =	vld [tilespmem:s11+$0xB0];
	_ =	sdelay $0x4  }
.Ltmp5:
0x416: {  	v1 =	vadd.f32 v1, v2;
	v2 =	vadd.f32 v3, v2;
	(pc) =	sbr.rel @p0 .LBB2_10-.Ltmp5, $4  }
0x417: {  	_ = 	snop  }
0x418: {  	[tilespmem:s20+$0xFFFFCDC0] =	vst v1;
	v1 =	vld [tilespmem:s20+$0xFFFFCDD0]  }
0x419: {  	[tilespmem:s20+$0xFFFFFFC0] =	vst v2;
	v2 =	vld [tilespmem:s20+$0xFFFFFFD0]  }
0x41a: {  	v3 =	vld [tilespmem:s11+$0xC0]  }
0x41b: {  	_ =	sdelay $0x3  }
0x41c: {  	v1 =	vadd.f32 v1, v3  }
0x41d: {  	v2 =	vadd.f32 v2, v3  }
0x41e: {  	[tilespmem:s21+$0xFFFFCDD0] =	vst v1  }
0x41f: {  	v59 =	vld [tilespmem:s21+$0xFFFFCDE0];
	[tilespmem:s21+$0xFFFFFFD0] =	vst v2  }
0x420: {  	v2 =	vld [tilespmem:s22+$0xD0]  }
0x421: {  	v60 =	vld [tilespmem:s21+$0xFFFFFFE0];
	_ =	sdelay $0x3  }
0x422: {  	v1 =	vadd.f32 v59, v2  }
0x423: {  	v2 =	vadd.f32 v60, v2  }
0x424: {  	[tilespmem:s21+$0xFFFFCDE0] =	vst v1  }
0x425: {  	v61 =	vld [tilespmem:s21+$0xFFFFCDF0];
	[tilespmem:s21+$0xFFFFFFE0] =	vst v2  }
0x426: {  	v2 =	vld [tilespmem:s22+$0xE0];
	_ =	sdelay $0x4  }
0x427: {  	v1 =	vadd.f32 v61, v2  }
0x428: {  	v0 =	vadd.f32 v0, v2  }
0x429: {  	[tilespmem:s21+$0xFFFFCDF0] =	vst v1  }
0x42a: {  	v62 =	vld [tilespmem:s21+$0xFFFFCE00];
	[tilespmem:s21+$0xFFFFFFF0] =	vst v0  }
0x42b: {  	v0 =	vld [tilespmem:s22+$0xF0]  }
0x42c: {  	v63 =	vld [tilespmem:s21+$0x0];
	_ =	sdelay $0x3  }
0x42d: {  	v1 =	vadd.f32 v62, v0  }
0x42e: {  	v0 =	vadd.f32 v63, v0  }
0x42f: {  	[tilespmem:s21+$0xFFFFCE00] =	vst v1  }
0x430: {  	s11 =	rddreg [dreg:$0x6];
	[tilespmem:s21+$0x0] =	vst v0  }
0x431: {  	[hbm4b:s11+s3] =	stream.linear.scatter [tilespmem:s29], [sflag:$0x6], $0x6400, $0x38;
	[tilespmem:$0xFD40] =	vst v63  }
0x432: {  	_ =	swait.ge [sflag:s9], $0x6400  }
0x433: {  	[sflag:s9] =	ssyncset.done $0x0  }
0x434: {  	[sflag:s9] =	ssyncadd.s32 $0xFFFF9C00  }
0x435: {  	_ =	swait.ge [sflag:s16], $0x6400  }
0x436: {  	s20 =	rddreg [dreg:$0x8]  }
0x437: {  	s25 =	rddreg [dreg:$0x7];
	s20 =	sadd.s32 $0x1, s20  }
0x438: {  	p0 =	sne.s32 s20, s25  }
.Ltmp6:
0x439: {  	_ = 	snop;
	(pc) =	sbr.rel @p0 .LBB2_1-.Ltmp6, $3  }
0x43a: {  	_ =	sdelay $0x1  }
0x43b: {  	[sflag:s16] =	ssyncset.done $0x0  }
0x43c: {  	[sflag:s16] =	ssyncadd.s32 $0xFFFF9C00  }
0x43d: {  	_ =	sfence.sel $0x180000  }
0x43e: {  	[bflag:$0x0] =	sbarrier.arrive $0xFFFF  }
0x43f: {  	_ =	strace $0x90000047  }
0x440: {  	s0 =	stileid.u32;
	[bflag:$0x2] =	sbarrier.arrive $0xFFFF  }
0x441: {  	p0 =	sne.s32 s0, $0x0;
	s0 =	rddreg [dreg:$0x2]  }
0x442: {  	s0 =	sadd.s32 @!p0 $0x100000, s0  }
0x443: {  	[sflag:s0] =	ssyncadd.tile.s32 @!p0 $0x1;
	_ =	shalt  }
.Lfunc_end2:
_tile_overlayer_lowered:
.L_overlay_start_2:
0x444: {  	(tag) =	ssettag $0x2  }
0x445: {  	s0 =	rddreg [dreg:$0x0];
	s2 =	stileid.u32  }
0x446: {  	s1 =	rddreg [dreg:$0x1];
	p0 =	sne.s32 s2, $0x0  }
0x447: {  	s3 =	rddreg [dreg:$0x2];
	[bflag:$0x3] =	sbarrier.arrive $0xFFFF;
	s2 =	simm.s32 @!p0 $0x1C07  }
0x448: {  	[timem:s3], [sflag:s2] =	dma.local @!p0 [hbm:s0], s1  }
0x449: {  	s0 =	simm.s32 @!p0 $0x7  }
0x44a: {  	_ =	swait.ge @!p0 [sflag:s0], s1  }
0x44b: {  	s1 =	ssub.s32 @!p0 $0x0, s1;
	[sflag:s0] =	ssyncset.done @!p0 $0x0  }
0x44c: {  	[sflag:s0] =	ssyncadd.s32 @!p0 s1  }
0x44d: {  	[bflag:$0x3] =	sbarrier.arrive $0xFFFF  }
0x44e: {  	_ =	shalt  }

// kernel: sparse-core-data-format-call.cloned.1.call-start
scs
called_computation_lowered:
.L_overlay_start_0:
0x0: {  	s2 =	sld [smem:$0x3FD9]  }
0x1: {  	s3 =	sld [smem:$0x3FFE];
	_ =	sdelay $0x1  }
0x2: {  	s1 =	srdreg.scid  }
0x3: {  	s0 =	sand.u32 $0x1, s1  }
0x4: {  	s18 =	sshll.u32 s0, $0xA;
	s2 =	sadd.s32 s3, s2  }
0x5: {  	s2 =	sadd.s32 s2, s18  }
0x6: {  	[smem:$0x3FC5] =	sst s2  }
0x7: {  	_ = 	snop  }
0x8: {  	s2 =	sld [smem:$0x3FD0];
	(tm) =	ssettm $0x1  }
0x9: {  	s19 =	sld [smem:$0x3FFB];
	_ =	sdelay $0x3  }
0xa: {  	_ =	strace s19  }
0xb: {  	s3 =	sld [smem:$0x3FFC];
	_ =	sdelay $0x3  }
0xc: {  	_ =	strace s3  }
0xd: {  	s3 =	sld [smem:$0x3FFD];
	_ =	sdelay $0x3  }
0xe: {  	_ =	strace s3  }
0xf: {  	_ =	strace $0x8FFFFFFF  }
0x10: {  	s20 =	sld [smem:$0x3FDB];
	_ =	sdelay $0x1  }
0x11: {  	s4 =	simm.s32 $_scs_section_size  }
0x12: {  	s5 =	simm.s32 $_size__tile_overlayer_lowered;
	s6 =	simm.s32 $_tile_overlayer_lowered  }
0x13: {  	s23 =	simm.s32 $0x1BFF;
	s22 =	sshll.u32 s6, $0x1;
	s3 =	sadd.s32 s4, s20  }
0x14: {  	s7 =	simm.s32 $0x0;
	s21 =	sshll.u32 s5, $0x1;
	s5 =	sadd.s32 s22, s3  }
0x15: {  	[timem:s7], [sflag:s23] =	dma.local [hbm:s5], s21  }
0x16: {  	_ =	swait.ge [sflag:s23], s21  }
0x17: {  	s4 =	ssub.s32 $0x0, s21;
	[sflag:s23] =	ssyncset.done $0x0  }
0x18: {  	[sflag:s23] =	ssyncadd.s32 s4;
	_ =	sdelay $0x1  }
0x19: {  	s24 =	simm.s32 $0x1B8B  }
0x1a: {  	_ =	swait.ge [sflag:s24], $0x1  }
0x1b: {  	[sflag:s24] =	ssyncset.done $0x0  }
0x1c: {  	s26 =	simm.s32 $0x1B8E;
	s25 =	sld [smem:$0x3FFE];
	[sflag:s24] =	ssyncadd.s32 $0xFFFFFFFF  }
0x1d: {  	s27 =	simm.s32 $execute0_lowered;
	[smem:$0x3FD2] =	sst s26  }
0x1e: {  	s5 =	sshll.u32 s27, $0x1;
	_ =	strace $0x80000049;
	[dreg:$0x1] =	wrdreg $0xFFFFFFFF  }
0x1f: {  	s28 =	simm.s32 $_size_execute0_lowered;
	s3 =	sadd.s32 s3, s5;
	[dreg:$0x0] =	wrdreg $0x0  }
0x20: {  	s5 =	sshll.u32 s28, $0x1;
	[dreg:$0x2] =	wrdreg s3  }
0x21: {  	[dreg:$0x3] =	wrdreg s5  }
0x22: {  	[dreg:$0x4] =	wrdreg $0xC0  }
0x23: {  	_ =	task [dreg:s7], $0x5FFFF  }
0x24: {  	[dreg:$0x1] =	wrdreg $0xFFFFFFFF  }
0x25: {  	[dreg:$0x0] =	wrdreg $0x60  }
0x26: {  	[dreg:$0x2] =	wrdreg s25  }
0x27: {  	[dreg:$0x3] =	wrdreg s2  }
0x28: {  	[dreg:$0x4] =	wrdreg $0x9  }
0x29: {  	_ =	task.clear_ibuf [dreg:s7], $0x5FFFF;
	_ =	strace $0x90000049  }
0x2a: {  	s29 =	simm.s32 $0x9;
	_ =	strace $0x8000004B  }
0x2b: {  	_ =	swait.ge [sflag:s29], $0x1  }
0x2c: {  	[sflag:s29] =	ssyncadd.s32 $0xFFFFFFFF  }
0x2d: {  	_ =	strace $0x9000004B  }
0x2e: {  	_ =	sfence  }
0x2f: {  	s30 =	sld [smem:$0x0];
	_ =	sdelay $0x2  }
0x30: {  	s31 =	sshll.u32 s1, $0xD;
	s1 =	sshrl.u32 s1, $0x2  }
0x31: {  	s3 =	sand.u32 $0x4000, s31;
	s1 =	sadd.s32 s1, s30  }
0x32: {  	s0 =	sor.u32 s3, s0;
	s1 =	sshll.u32 s1, $0x11  }
0x33: {  	s0 =	sor.u32 s1, s0  }
0x34: {  	s0 =	sadd.s32 $0x8F2B, s0  }
0x35: {  	[sflag:s0] =	ssyncadd.remote.s32 $0x1  }
0x36: {  	_ =	sfence.sel $0xFFFF  }
0x37: {  	[dreg:$0x0] =	wrdreg $0xFFFFFFFF;
	(pc) =	sbr.abs _section_cstart, $3  }
0x38: {  	[dreg:$0x1] =	wrdreg $0xFFFFFFFF  }
0x39: {  	_ =	task.clear_ibuf [dreg:s7], $0x2FFFF;
	_ =	strace $0x9FFFFFFF  }
0x3a: {  	(tm) =	ssettm $0x7FFFFFFF  }
0x3b: {  	_ =	shalt  }
tec
execute0_lowered:
.L_overlay_start_1:
0x0: {  	(tag) =	ssettag $0x1  }
0x1: {  	s0 =	srdreg.scid  }
0x2: {  	s1 =	sshll.u32 s0, $0x4  }
0x3: {  	s0 =	stileid.u32;
	s1 =	sand.u32 $0x10, s1  }
0x4: {  	s1 =	sor.u32 s0, s1  }
0x5: {  	s6 =	rddreg [dreg:$0x0];
	s4 =	simm.s32 $0x1;
	s2 =	sshll.u32 s1, $0x7  }
0x6: {  	s7 =	simm.s32 $0x2;
	s12 =	simm.s32 $0x0;
	s1 =	ssub.s32 $0x1000, s2  }
0x7: {  	s8 =	simm.s32 $0x8000;
	s13 =	simm.s32 $0x0;
	s3 =	sand.u32 $0xF80, s1  }
0x8: {  	s9 =	simm.s32 $0x0;
	s5 =	sshrl.u32 s1, $0xC;
	p0 =	sne.s32 s3, $0x0  }
.Ltmp0:
0x9: {  	s1 =	rddreg [dreg:$0x2];
	s4 =	simm.s32 @!p0 $0x0;
	(pc) =	sbr.rel .LBB1_1-.Ltmp0, $4  }
0xa: {  	s11 =	simm.s32 $0x0;
	s3 =	rddreg [dreg:$0x1];
	s5 =	sadd.s32 s4, s5  }
0xb: {  	_ =	strace $0x8000004A;
	s4 =	simm.s32 $0x1;
	s5 =	smul.u32 $0xC8, s5  }
0xc: {  	s6 =	sadd.s32 $0xC00, s6;
	s10 =	smov.u32 s2;
	[sflag:s4] =	ssyncpa.u1 $0x0  }
0xd: {  	p0 =	por $0x0, $0x0;
	[sflag:s7] =	ssyncpa.u1 $0x0;
	s7 =	sor.u32 $0x1, s5  }
.LBB1_4:
0xe: {  	s16 =	sshll.u32 s13, $0x3;
	s17 =	sand.u32 $0x78, s13  }
0xf: {  	s30 =	sand.u32 $0x7E00, s13;
	s12 =	sshll.u32 s12, $0xF;
	s16 =	sand.u32 $0xC00, s16  }
0x10: {  	[tilespmem:s15+$0x810 ss:$0x81] =	vst.msk $0xffff, v2;
	s31 =	sand.u32 $0x7, s13;
	s16 =	sor.u32 s17, s16;
	s17 =	sadd.s32 s3, s30  }
0x11: {  	[tilespmem:s15+$0x1020 ss:$0x81] =	vst.msk $0xffff, v0;
	s13 =	sshll.u32 s31, $0x12;
	s12 =	sadd.s32 s12, s17;
	s16 =	sshrl.u32 s16, $0x3  }
0x12: {  	[tilespmem:s15+$0x0 ss:$0x81] =	vst.msk $0xffff, v1;
	s13 =	sor.u32 $0x400, s13;
	s12 =	sadd.s32 s16, s12  }
0x13: {  	[hbm4b:s12+s13] =	stream.strided.scatter [tilespmem:s14], [sflag:$0x2], $0x2000, s8, s13, $0x20;
	[tilespmem:$0x8080] =	vst v63  }
.LBB1_5:
0x14: {  	s14 =	sadd.s32 $0x1, s9  }
0x15: {  	s12 =	sadd.s32 $0x1000, s10;
	s16 =	smov.u32 s10;
	p2 =	sgt.s32 s14, $0xC7  }
0x16: {  	s16 =	smov.u32 @p2 s12  }
0x17: {  	s14 =	simm.s32 @p2 $0x0;
	p2 =	sgt.s32 s16, $0xFFF  }
0x18: {  	s16 =	smov.u32 @p2 s2;
	p2 =	sne.s32 s11, s7  }
.Ltmp1:
0x19: {  	p1 =	slt.u32 s11, $0x2;
	(pc) =	sbr.rel @!p2 .LBB1_6-.Ltmp1, $4  }
0x1a: {  	s15 =	simm.s32 @!p1 $0x2  }
0x1b: {  	s13 =	smov.u32 s10;
	p0 =	por !p0, !p0;
	_ =	swait.ge @!p1 [sflag:s15], $0x2000  }
0x1c: {  	s12 =	smov.u32 s9;
	[sflag:s15] =	ssyncset.done @!p1 $0x0;
	s9 =	smov.u32 s14  }
0x1d: {  	s11 =	sadd.s32 $0x1, s11;
	[sflag:s15] =	ssyncadd.s32 @!p1 $0xFFFFE000;
	s10 =	smov.u32 s16  }
.LBB1_1:
0x1e: {  	p1 =	sge.u32 s11, s5  }
0x1f: {  	s14 =	sand.u32 @!p1 $0x1FFFFFF, s9  }
0x20: {  	s15 =	smulhi.u32 @!p1 $0x147AE15, s14;
	_ =	sdelay $0x1  }
0x21: {  	s15 =	smul.u32 @!p1 $0xC8, s15  }
0x22: {  	s16 =	sxor.u32 @!p1 $0xFFFFFFFF, s11;
	s17 =	smul.u32 @!p1 $0xC80, s10  }
0x23: {  	s31 =	sadd.s32 $0xFFFFFFFF, s11;
	s16 =	sshll.u32 @!p1 s16, $0xD;
	s14 =	ssub.s32 @!p1 s14, s15  }
0x24: {  	s15 =	sand.u32 @!p1 $0x2000, s16;
	s16 =	sadd.s32 @!p1 s6, s17;
	s14 =	sshll.u32 @!p1 s14, $0x4  }
0x25: {  	s17 =	simm.s32 @!p1 $0x6400;
	s14 =	sadd.s32 @!p1 s14, s16;
	s16 =	simm.s32 @!p1 $0x40  }
0x26: {  	[tilespmem:s15], [sflag:$0x1] =	stream.strided.gather @!p1 [hbm4b:s14+s16], $0x2000, s17, s16, $0x38;
	[tilespmem:$0x8080] =	vst v63  }
0x27: {  	p1 =	sge.u32 s31, s5  }
.Ltmp2:
0x28: {  	_ = 	snop;
	(pc) =	sbr.rel @p1 .LBB1_5-.Ltmp2, $1  }
0x29: {  	_ =	sdelay $0x3  }
0x2a: {  	s14 =	simm.s32 $0x1  }
0x2b: {  	_ =	swait.ge [sflag:s4], $0x2000;
	s14 =	simm.s32 @!p0 $0x0  }
0x2c: {  	[sflag:s4] =	ssyncset.done $0x0;
	s15 =	sshll.u32 s14, $0xD  }
0x2d: {  	[sflag:s4] =	ssyncadd.s32 $0xFFFFE000;
	s18 =	sor.u32 $0x20, s15  }
0x2e: {  	s14 =	smul.u32 $0x8100, s14;
	v3 =	vld [tilespmem:s18+$0x10]  }
0x2f: {  	s30 =	sand.u32 $0x1, s11;
	v2 =	vld [tilespmem:s18+$0xFFFFFFF0]  }
0x30: {  	s15 =	smul.u32 $0x8100, s30;
	s14 =	sshrl.u32 s14, $0x2;
	v0 =	vld [tilespmem:s18+$0x0]  }
0x31: {  	v1 =	vld [tilespmem:s18+$0xFFFFFFE0];
	s16 =	sor.u32 $0x4000, s14  }
0x32: {  	s31 =	sshrl.u32 s15, $0x2;
	s15 =	sadd.s32 $0x0, s16  }
0x33: {  	s17 =	simm.s32 $0x4;
	s18 =	sadd.s32 $0x40, s18;
	s14 =	sor.u32 $0x4000, s31;
	[tilespmem:s15+$0x1830 ss:$0x81] =	vst.msk $0xffff, v3  }
.LBB1_3:
0x34: {  	v3 =	vld [tilespmem:s18+$0x10];
	p1 =	sne.s32 s17, $0x1FC;
	[tilespmem:s15+$0x810 ss:$0x81] =	vst.msk $0xffff, v2;
	s19 =	smov.u32 s17;
	s17 =	sadd.s32 $0x4, s17  }
.Ltmp3:
0x35: {  	v2 =	vld [tilespmem:s18+$0xFFFFFFF0];
	[tilespmem:s15+$0x1020 ss:$0x81] =	vst.msk $0xffff, v0;
	(pc) =	sbr.rel @p1 .LBB1_3-.Ltmp3, $4  }
0x36: {  	v0 =	vld [tilespmem:s18+$0x0];
	[tilespmem:s15+$0x0 ss:$0x81] =	vst.msk $0xffff, v1  }
0x37: {  	s15 =	sshra.s32 s19, $0x2;
	v1 =	vld [tilespmem:s18+$0xFFFFFFE0]  }
0x38: {  	s15 =	sadd.s32 s15, s16  }
0x39: {  	s18 =	sadd.s32 $0x40, s18;
	[tilespmem:s15+$0x1830 ss:$0x81] =	vst.msk $0xffff, v3  }
.Ltmp4:
0x3a: {  	_ = 	snop;
	(pc) =	sbr.rel .LBB1_4-.Ltmp4, $1  }
0x3b: {  	_ =	sdelay $0x3  }
.LBB1_6:
0x3c: {  	_ =	sfence.sel $0x180000  }
0x3d: {  	s2 =	simm.s32 $0x1;
	[bflag:$0x0] =	sbarrier.arrive $0xFFFF  }
0x3e: {  	s31 =	simm.s32 $0x2;
	[sflag:s2] =	ssyncpa.u1 $0x1  }
0x3f: {  	[sflag:s31] =	ssyncpa.u1 $0x1  }
0x40: {  	p0 =	sne.s32 s0, $0x0;
	_ =	strace $0x9000004A  }
0x41: {  	s0 =	sadd.s32 @!p0 $0x100000, s1;
	[bflag:$0x2] =	sbarrier.arrive $0xFFFF  }
0x42: {  	[sflag:s0] =	ssyncadd.tile.s32 @!p0 $0x1;
	_ =	shalt  }
.Lfunc_end1:
_tile_overlayer_lowered:
.L_overlay_start_2:
0x43: {  	(tag) =	ssettag $0x2  }
0x44: {  	s0 =	rddreg [dreg:$0x0];
	s2 =	stileid.u32  }
0x45: {  	s1 =	rddreg [dreg:$0x1];
	p0 =	sne.s32 s2, $0x0  }
0x46: {  	s3 =	rddreg [dreg:$0x2];
	[bflag:$0x3] =	sbarrier.arrive $0xFFFF;
	s2 =	simm.s32 @!p0 $0x1C01  }
0x47: {  	[timem:s3], [sflag:s2] =	dma.local @!p0 [hbm:s0], s1  }
0x48: {  	s0 =	simm.s32 @!p0 $0x1  }
0x49: {  	_ =	swait.ge @!p0 [sflag:s0], s1  }
0x4a: {  	s1 =	ssub.s32 @!p0 $0x0, s1;
	[sflag:s0] =	ssyncset.done @!p0 $0x0  }
0x4b: {  	[sflag:s0] =	ssyncadd.s32 @!p0 s1  }
0x4c: {  	[bflag:$0x3] =	sbarrier.arrive $0xFFFF  }
0x4d: {  	_ =	shalt  }

</sc_bundles>
